<compile_context>
chip_gen: v7x
topology: tpu7x:2x2x1
jax: 0.10.2.dev20260603
libtpu: 0.0.44.dev20260713+nightly
codegen_flags: <defaults>
</compile_context>

<pallas_src>
import functools

import jax
import jax.numpy as jnp
from jax import lax
from jax.experimental import pallas as pl
from jax.experimental.pallas import tpu as pltpu, tpu_sc as plsc

N = 10000
E = 320000
D = 128
H = 128
C = 2

NC = 2
NS = 16
LANES = 128
CPW = 80
EPW = CPW * LANES
E_PAD = NC * NS * EPW
ROWS_PER_TILE = 640
N_PAD = NS * ROWS_PER_TILE
CHUNKS = E_PAD // LANES

K0 = 1952
K1 = CHUNKS - K0
P0 = K0 // NS
P1 = K1 // NS

_mesh = plsc.VectorSubcoreMesh(core_axis_name="c", subcore_axis_name="s")


def _fill2d(ref, nrows, ncols, val):
    def row(i, _):
        for j in range(ncols // 16):
            ref[i, pl.ds(j * 16, 16)] = jnp.full((16,), val, jnp.float32)
        return 0
    lax.fori_loop(0, nrows, row, 0)


@functools.partial(
    pl.kernel,
    out_type=jax.ShapeDtypeStruct((NC, N_PAD, 16), jnp.float32),
    mesh=_mesh,
    scratch_types=[
        pltpu.VMEM((CPW, LANES), jnp.int32),
        pltpu.VMEM((LANES, 16), jnp.float32),
        pltpu.VMEM((LANES, 16), jnp.float32),
        pltpu.VMEM_SHARED((N_PAD, 16), jnp.float32),
    ],
)
def _deg_kernel(dst_hbm, out_hbm, dst_v, ones_v, z_v, acc):
    c = lax.axis_index("c")
    s = lax.axis_index("s")
    pltpu.sync_copy(dst_hbm.at[c, s], dst_v)
    _fill2d(ones_v, LANES, 16, 1.0)
    _fill2d(z_v, LANES, 16, 0.0)
    for k in range(ROWS_PER_TILE // LANES):
        pltpu.sync_copy(z_v, acc.at[pl.ds(s * ROWS_PER_TILE + k * LANES, LANES)])
    plsc.subcore_barrier()

    def chunk(j, _):
        pltpu.sync_copy(ones_v, acc.at[dst_v.at[j]], add=True)
        return 0
    lax.fori_loop(0, CPW, chunk, 0)
    plsc.subcore_barrier()
    pltpu.sync_copy(acc.at[pl.ds(s * ROWS_PER_TILE, ROWS_PER_TILE)],
                    out_hbm.at[c, pl.ds(s * ROWS_PER_TILE, ROWS_PER_TILE)])


@functools.partial(
    pl.kernel,
    out_type=jax.ShapeDtypeStruct((NC, N_PAD, D), jnp.float32),
    mesh=_mesh,
    scratch_types=[
        pltpu.VMEM((2, 2, LANES), jnp.int32),
        pltpu.VMEM((2, LANES, D), jnp.float32),
        pltpu.SemaphoreType.DMA,
        pltpu.SemaphoreType.DMA,
        pltpu.SemaphoreType.DMA,
        pltpu.SemaphoreType.DMA,
        pltpu.VMEM_SHARED((N_PAD, D), jnp.float32),
    ],
)
def _agg_kernel(u_hbm, e_hbm, out_hbm, eb, rows, si0, si1, sg0, sg1, acc):
    c = lax.axis_index("c")
    s = lax.axis_index("s")
    sem_i = (si0, si1)
    sem_g = (sg0, sg1)
    nch = jnp.where(c == 0, P0, P1)
    base = c * K0 + s * nch
    pltpu.async_copy(e_hbm.at[base], eb.at[0], sem_i[0])
    pltpu.async_copy(e_hbm.at[base + 1], eb.at[1], sem_i[1])
    _fill2d(rows.at[0], LANES, D, 0.0)
    for k in range(ROWS_PER_TILE // LANES):
        pltpu.sync_copy(rows.at[0],
                        acc.at[pl.ds(s * ROWS_PER_TILE + k * LANES, LANES)])
    plsc.subcore_barrier()
    pltpu.make_async_copy(e_hbm.at[base], eb.at[0], sem_i[0]).wait()
    pltpu.async_copy(u_hbm.at[eb.at[0, 0]], rows.at[0], sem_g[0])

    def chunk_pair(i, _):
        for b in (0, 1):
            jj = 2 * i + b
            po = 1 - b
            pltpu.make_async_copy(u_hbm.at[eb.at[b, 0]], rows.at[b],
                                  sem_g[b]).wait()

            @pl.when(jj + 1 < nch)
            def _():
                pltpu.make_async_copy(e_hbm.at[base + jj + 1], eb.at[po],
                                      sem_i[po]).wait()
                pltpu.async_copy(u_hbm.at[eb.at[po, 0]], rows.at[po], sem_g[po])

            pltpu.sync_copy(rows.at[b], acc.at[eb.at[b, 1]], add=True)

            @pl.when(jj + 2 < nch)
            def _():
                pltpu.async_copy(e_hbm.at[base + jj + 2], eb.at[b], sem_i[b])
        return 0
    lax.fori_loop(0, nch // 2, chunk_pair, 0)
    plsc.subcore_barrier()
    pltpu.sync_copy(acc.at[pl.ds(s * ROWS_PER_TILE, ROWS_PER_TILE)],
                    out_hbm.at[c, pl.ds(s * ROWS_PER_TILE, ROWS_PER_TILE)])



BN = 1000
_GRID = N // BN


def _row_spec():
    return pl.BlockSpec((BN, 128), lambda i: (i, 0))


def _acc_spec():
    return pl.BlockSpec((2, BN, 128), lambda i: (0, i, 0))


def _cat(ref):
    return ref[0] + ref[1]


def _tc1_body(x_ref, w_ref, d0_ref, d1_ref, u_ref, dinv_ref):
    deg = 1.0 + d0_ref[:, 0:1] + d1_ref[:, 0:1]
    dinv = lax.rsqrt(deg)
    dinv_b = jnp.broadcast_to(dinv, (BN, 128))
    p = jnp.dot(x_ref[...], w_ref[...], preferred_element_type=jnp.float32)
    u_ref[...] = dinv_b * p
    dinv_ref[...] = dinv_b


def _tc1(x, w1, d0, d1):
    return pl.pallas_call(
        _tc1_body,
        grid=(_GRID,),
        in_specs=[
            _row_spec(),
            pl.BlockSpec((128, 128), lambda i: (0, 0)),
            pl.BlockSpec((BN, 16), lambda i: (i, 0)),
            pl.BlockSpec((BN, 16), lambda i: (i, 0)),
        ],
        out_specs=[_row_spec(), _row_spec()],
        out_shape=[
            jax.ShapeDtypeStruct((N, 128), jnp.float32),
            jax.ShapeDtypeStruct((N, 128), jnp.float32),
        ],
    )(x, w1, d0, d1)


def _tc_mid_body(a_ref, u_ref, dinv_ref, b_ref, w_ref, out_ref):
    h = dinv_ref[...] * (_cat(a_ref) + u_ref[...]) + b_ref[...]
    h = jnp.maximum(h, 0.0)
    out_ref[...] = dinv_ref[...] * jnp.dot(
        h, w_ref[...], preferred_element_type=jnp.float32)


def _tc_mid(a, u, dinv_b, b, w):
    return pl.pallas_call(
        _tc_mid_body,
        grid=(_GRID,),
        in_specs=[
            _acc_spec(), _row_spec(), _row_spec(),
            pl.BlockSpec((1, 128), lambda i: (0, 0)),
            pl.BlockSpec((128, 128), lambda i: (0, 0)),
        ],
        out_specs=_row_spec(),
        out_shape=jax.ShapeDtypeStruct((N, 128), jnp.float32),
    )(a, u, dinv_b, b, w)


def _tc3_body(a_ref, u_ref, dinv_ref, b_ref, out_ref):
    h = dinv_ref[...] * (_cat(a_ref) + u_ref[...]) + b_ref[...]
    out_ref[...] = dinv_ref[...] * jnp.maximum(h, 0.0)


def _tc3(a, u, dinv_b, b):
    return pl.pallas_call(
        _tc3_body,
        grid=(_GRID,),
        in_specs=[
            _acc_spec(), _row_spec(), _row_spec(),
            pl.BlockSpec((1, 128), lambda i: (0, 0)),
        ],
        out_specs=_row_spec(),
        out_shape=jax.ShapeDtypeStruct((N, 128), jnp.float32),
    )(a, u, dinv_b, b)


def _tc4_body(a_ref, v_ref, dinv_ref, w_ref, b_ref, out_ref):
    z = dinv_ref[...] * (_cat(a_ref) + v_ref[...])
    out_ref[...] = jnp.dot(z, w_ref[...],
                           preferred_element_type=jnp.float32) + b_ref[...]


def _tc4(a, v, dinv_b, w3p, b3p):
    return pl.pallas_call(
        _tc4_body,
        grid=(_GRID,),
        in_specs=[
            _acc_spec(), _row_spec(), _row_spec(),
            pl.BlockSpec((128, 128), lambda i: (0, 0)),
            pl.BlockSpec((1, 128), lambda i: (0, 0)),
        ],
        out_specs=_row_spec(),
        out_shape=jax.ShapeDtypeStruct((N, 128), jnp.float32),
    )(a, v, dinv_b, w3p, b3p)


def kernel(x, edge_index, W1, b1, W2, b2, W3, b3):
    src = edge_index[0]
    dst = edge_index[1]
    pad = E_PAD - E
    src_p = jnp.concatenate([src, jnp.zeros((pad,), jnp.int32)])
    dst_p = jnp.concatenate([dst, jnp.full((pad,), N, jnp.int32)])
    dst3 = dst_p.reshape(NC, NS, CPW, LANES)
    e3 = jnp.stack([src_p.reshape(CHUNKS, LANES),
                    dst_p.reshape(CHUNKS, LANES)], axis=1)

    degp = _deg_kernel(dst3)
    d0 = degp[0, :N]
    d1 = degp[1, :N]

    u1, dinv_b = _tc1(x, W1, d0, d1)
    a1 = _agg_kernel(u1, e3)
    u2 = _tc_mid(a1, u1, dinv_b, b1.reshape(1, 128), W2)
    a2 = _agg_kernel(u2, e3)
    v3 = _tc3(a2, u2, dinv_b, b2.reshape(1, 128))
    a3 = _agg_kernel(v3, e3)
    w3p = jnp.pad(W3, ((0, 0), (0, 128 - C)))
    b3p = jnp.pad(b3, (0, 128 - C)).reshape(1, 128)
    outp = _tc4(a3, v3, dinv_b, w3p, b3p)
    return outp[:, :C]

# --- scband reference (transcript-rebuilt; emitter-appended) ---
"""Pipeline reference for scband-gnnfraud-detector-15547781612037 (READ-ONLY COPY).

The authoritative reference and input builder live on the scoring server;
editing this copy changes nothing except your own understanding.
"""

import jax, jax.numpy as jnp
import numpy as np

N = 10000
E = 320000
D = 128
H = 128
C = 2


def setup_inputs(seed: int = 0) -> dict:
    key = jax.random.key(seed)
    ks = jax.random.split(key, 8)
    x = jax.random.normal(ks[0], (N, D), dtype=jnp.float32)
    edge_index = jax.random.randint(ks[1], (2, E), 0, N, dtype=jnp.int32)
    W1 = jax.random.normal(ks[2], (D, H), dtype=jnp.float32) * (1.0 / np.sqrt(D))
    b1 = jnp.zeros((H,), dtype=jnp.float32)
    W2 = jax.random.normal(ks[3], (H, H), dtype=jnp.float32) * (1.0 / np.sqrt(H))
    b2 = jnp.zeros((H,), dtype=jnp.float32)
    W3 = jax.random.normal(ks[4], (H, C), dtype=jnp.float32) * (1.0 / np.sqrt(H))
    b3 = jnp.zeros((C,), dtype=jnp.float32)
    return {"x": x, "edge_index": edge_index, "W1": W1, "b1": b1, "W2": W2, "b2": b2, "W3": W3, "b3": b3}


def reference(x, edge_index, W1, b1, W2, b2, W3, b3):
    # GCNConv (Kipf & Welling): add self-loops, symmetric normalization,
    # linear transform, scatter-add aggregation, bias.
    loop = jnp.arange(N, dtype=edge_index.dtype)
    src = jnp.concatenate([edge_index[0], loop])
    dst = jnp.concatenate([edge_index[1], loop])
    deg = jnp.zeros((N,), jnp.float32).at[dst].add(1.0)
    dinv = jnp.where(deg > 0, deg ** -0.5, 0.0)
    norm = dinv[src] * dinv[dst]

    def gcn_conv(h, W, b):
        h = h @ W
        msg = h[src] * norm[:, None]
        out = jnp.zeros((N, W.shape[1]), h.dtype).at[dst].add(msg)
        return out + b

    h = gcn_conv(x, W1, b1)
    h = jax.nn.relu(h)  # dropout is identity in eval mode
    h = gcn_conv(h, W2, b2)
    h = jax.nn.relu(h)
    h = gcn_conv(h, W3, b3)
    return h

if __name__ == "__main__":
    import jax
    _d = setup_inputs()
    print(jax.jit(kernel)(*tuple(_d.values())))

</pallas_src>

<mosaic_0001>
#map = affine_map<(d0, d1) -> (0, 0)>
#map1 = affine_map<(d0, d1) -> (0, 0, 0)>
module attributes {stable_mosaic.version = 14 : i64} {
  func.func @_agg_kernel(%arg0: i32, %arg1: i32, %arg2: memref<10000x128xf32, #tpu.memory_space<hbm>>, %arg3: memref<2560x2x128xi32, #tpu.memory_space<hbm>>, %arg4: memref<2x10240x128xf32, #tpu.memory_space<hbm>>, %arg5: memref<2x2x128xi32, #tpu.memory_space<vmem>>, %arg6: memref<2x128x128xf32, #tpu.memory_space<vmem>>, %arg7: memref<!tpu.dma_semaphore, #tpu.memory_space<semaphore_mem>>, %arg8: memref<!tpu.dma_semaphore, #tpu.memory_space<semaphore_mem>>, %arg9: memref<!tpu.dma_semaphore, #tpu.memory_space<semaphore_mem>>, %arg10: memref<!tpu.dma_semaphore, #tpu.memory_space<semaphore_mem>>, %arg11: memref<10240x128xf32, #tpu.memory_space<vmem_shared>>) attributes {dimension_semantics = [#tpu.dimension_semantics<core_parallel>, #tpu.dimension_semantics<subcore_parallel>], iteration_bounds = array<i64: 2, 16>, scalar_prefetch = 0 : i64, scratch_operands = 7 : i64, tpu.core_type = #tpu.core_type<sc_vector_subcore>, window_params = [{transform_indices = #map}, {transform_indices = #map1}, {transform_indices = #map1}]} {
    %eq3A = arith.constant 0 : i32
    %eq3A_0 = arith.cmpi eq, %arg0, %eq3A : i32
    %jit3A = arith.constant 122 : i32
    %jit3A_1 = arith.constant 38 : i32
    %select_n3A = arith.select %eq3A_0, %jit3A, %jit3A_1 : i32
    %mul3A = arith.constant 1952 : i32
    %mul3A_2 = arith.muli %arg0, %mul3A : i32
    %mul3A_3 = arith.muli %arg1, %select_n3A : i32
    %add3A = arith.addi %mul3A_2, %mul3A_3 : i32
    %dma_start3A = arith.constant 0 : i32
    %dma_start3A_4 = arith.constant 0 : i32
    %dma_start3A_5 = arith.constant 0 : i32
    %dma_start3A_6 = tpu.memref_slice %arg5[%dma_start3A, %dma_start3A_4, %dma_start3A_5] : memref<2x2x128xi32, #tpu.memory_space<vmem>> -> memref<1x2x128xi32, #tpu.memory_space<vmem>>
    %dma_start3A_7 = tpu.memref_squeeze %dma_start3A_6 : memref<1x2x128xi32, #tpu.memory_space<vmem>> -> memref<2x128xi32, #tpu.memory_space<vmem>>
    %dma_start3A_8 = arith.constant 0 : i32
    %dma_start3A_9 = arith.constant 0 : i32
    %dma_start3A_10 = tpu.memref_slice %arg3[%add3A, %dma_start3A_8, %dma_start3A_9] : memref<2560x2x128xi32, #tpu.memory_space<hbm>> -> memref<1x2x128xi32, #tpu.memory_space<hbm>>
    %dma_start3A_11 = tpu.memref_squeeze %dma_start3A_10 : memref<1x2x128xi32, #tpu.memory_space<hbm>> -> memref<2x128xi32, #tpu.memory_space<hbm>>
    %dma_start3A_12 = arith.constant 0 : i32
    %dma_start3A_13 = arith.constant 0 : i32
    %dma_start3A_14 = tpu.memref_slice %arg5[%dma_start3A, %dma_start3A_12, %dma_start3A_13] : memref<2x2x128xi32, #tpu.memory_space<vmem>> -> memref<1x2x128xi32, #tpu.memory_space<vmem>>
    %dma_start3A_15 = tpu.memref_squeeze %dma_start3A_14 : memref<1x2x128xi32, #tpu.memory_space<vmem>> -> memref<2x128xi32, #tpu.memory_space<vmem>>
    %dma_start3A_16 = arith.constant 0 : i32
    %dma_start3A_17 = arith.constant 0 : i32
    %dma_start3A_18 = tpu.memref_slice %arg3[%add3A, %dma_start3A_16, %dma_start3A_17] : memref<2560x2x128xi32, #tpu.memory_space<hbm>> -> memref<1x2x128xi32, #tpu.memory_space<hbm>>
    %dma_start3A_19 = tpu.memref_squeeze %dma_start3A_18 : memref<1x2x128xi32, #tpu.memory_space<hbm>> -> memref<2x128xi32, #tpu.memory_space<hbm>>
    tpu.enqueue_dma source(%dma_start3A_19 : memref<2x128xi32, #tpu.memory_space<hbm>>) target(%dma_start3A_15 : memref<2x128xi32, #tpu.memory_space<vmem>>) target_semaphore(%arg7 : memref<!tpu.dma_semaphore, #tpu.memory_space<semaphore_mem>>)
    %add3A_20 = arith.constant 1 : i32
    %add3A_21 = arith.addi %add3A, %add3A_20 : i32
    %dma_start3A_22 = arith.constant 1 : i32
    %dma_start3A_23 = arith.constant 0 : i32
    %dma_start3A_24 = arith.constant 0 : i32
    %dma_start3A_25 = tpu.memref_slice %arg5[%dma_start3A_22, %dma_start3A_23, %dma_start3A_24] : memref<2x2x128xi32, #tpu.memory_space<vmem>> -> memref<1x2x128xi32, #tpu.memory_space<vmem>>
    %dma_start3A_26 = tpu.memref_squeeze %dma_start3A_25 : memref<1x2x128xi32, #tpu.memory_space<vmem>> -> memref<2x128xi32, #tpu.memory_space<vmem>>
    %dma_start3A_27 = arith.constant 0 : i32
    %dma_start3A_28 = arith.constant 0 : i32
    %dma_start3A_29 = tpu.memref_slice %arg3[%add3A_21, %dma_start3A_27, %dma_start3A_28] : memref<2560x2x128xi32, #tpu.memory_space<hbm>> -> memref<1x2x128xi32, #tpu.memory_space<hbm>>
    %dma_start3A_30 = tpu.memref_squeeze %dma_start3A_29 : memref<1x2x128xi32, #tpu.memory_space<hbm>> -> memref<2x128xi32, #tpu.memory_space<hbm>>
    %dma_start3A_31 = arith.constant 0 : i32
    %dma_start3A_32 = arith.constant 0 : i32
    %dma_start3A_33 = tpu.memref_slice %arg5[%dma_start3A_22, %dma_start3A_31, %dma_start3A_32] : memref<2x2x128xi32, #tpu.memory_space<vmem>> -> memref<1x2x128xi32, #tpu.memory_space<vmem>>
    %dma_start3A_34 = tpu.memref_squeeze %dma_start3A_33 : memref<1x2x128xi32, #tpu.memory_space<vmem>> -> memref<2x128xi32, #tpu.memory_space<vmem>>
    %dma_start3A_35 = arith.constant 0 : i32
    %dma_start3A_36 = arith.constant 0 : i32
    %dma_start3A_37 = tpu.memref_slice %arg3[%add3A_21, %dma_start3A_35, %dma_start3A_36] : memref<2560x2x128xi32, #tpu.memory_space<hbm>> -> memref<1x2x128xi32, #tpu.memory_space<hbm>>
    %dma_start3A_38 = tpu.memref_squeeze %dma_start3A_37 : memref<1x2x128xi32, #tpu.memory_space<hbm>> -> memref<2x128xi32, #tpu.memory_space<hbm>>
    tpu.enqueue_dma source(%dma_start3A_38 : memref<2x128xi32, #tpu.memory_space<hbm>>) target(%dma_start3A_34 : memref<2x128xi32, #tpu.memory_space<vmem>>) target_semaphore(%arg8 : memref<!tpu.dma_semaphore, #tpu.memory_space<semaphore_mem>>)
    %scan3A = arith.constant 0 : i32
    %scan3A_39 = arith.constant 0 : i32
    %scan3A_40 = arith.constant 0 : i32
    %scan3A_41 = arith.constant 128 : i32
    %scan3A_42 = arith.addi %scan3A_40, %scan3A_41 : i32
    %scan3A_43 = arith.constant 1 : i32
    %scan3A_44 = scf.for %scan3A_133 = %scan3A_40 to %scan3A_42 step %scan3A_43 iter_args(%scan3A_134 = %scan3A_39) -> (i32)  : i32 {
      %broadcast_in_dim3A = arith.constant 0.000000e+00 : f32
      %broadcast_in_dim3A_135 = vector.broadcast %broadcast_in_dim3A : f32 to vector<16xf32>
      %swap3A = arith.constant 0 : i32
      %swap3A_136 = arith.constant 0 : i32
      %swap3A_137 = tpu.memref_slice %arg6[%scan3A, %swap3A, %swap3A_136] : memref<2x128x128xf32, #tpu.memory_space<vmem>> -> memref<1x128x128xf32, #tpu.memory_space<vmem>>
      %swap3A_138 = tpu.memref_squeeze %swap3A_137 : memref<1x128x128xf32, #tpu.memory_space<vmem>> -> memref<128x128xf32, #tpu.memory_space<vmem>>
      %swap3A_139 = arith.index_cast %scan3A_133 : i32 to index
      %swap3A_140 = arith.constant 0 : index
      %swap3A_141 = tpu.vector_load %swap3A_138[%swap3A_139, %swap3A_140] {strides = array<i32>} : memref<128x128xf32, #tpu.memory_space<vmem>>, vector<1x16xf32>,
      %swap3A_142 = vector.shape_cast %swap3A_141 : vector<1x16xf32> to vector<16xf32>
      %swap3A_143 = vector.shape_cast %broadcast_in_dim3A_135 : vector<16xf32> to vector<1x16xf32>
      tpu.vector_store %swap3A_138[%swap3A_139, %swap3A_140], %swap3A_143 {strides = array<i32>} : memref<128x128xf32, #tpu.memory_space<vmem>>, vector<1x16xf32>,
      %broadcast_in_dim3A_144 = arith.constant 0.000000e+00 : f32
      %broadcast_in_dim3A_145 = vector.broadcast %broadcast_in_dim3A_144 : f32 to vector<16xf32>
      %swap3A_146 = arith.constant 0 : i32
      %swap3A_147 = arith.constant 0 : i32
      %swap3A_148 = tpu.memref_slice %arg6[%scan3A, %swap3A_146, %swap3A_147] : memref<2x128x128xf32, #tpu.memory_space<vmem>> -> memref<1x128x128xf32, #tpu.memory_space<vmem>>
      %swap3A_149 = tpu.memref_squeeze %swap3A_148 : memref<1x128x128xf32, #tpu.memory_space<vmem>> -> memref<128x128xf32, #tpu.memory_space<vmem>>
      %swap3A_150 = arith.index_cast %scan3A_133 : i32 to index
      %swap3A_151 = arith.constant 16 : index
      %swap3A_152 = tpu.vector_load %swap3A_149[%swap3A_150, %swap3A_151] {strides = array<i32>} : memref<128x128xf32, #tpu.memory_space<vmem>>, vector<1x16xf32>,
      %swap3A_153 = vector.shape_cast %swap3A_152 : vector<1x16xf32> to vector<16xf32>
      %swap3A_154 = vector.shape_cast %broadcast_in_dim3A_145 : vector<16xf32> to vector<1x16xf32>
      tpu.vector_store %swap3A_149[%swap3A_150, %swap3A_151], %swap3A_154 {strides = array<i32>} : memref<128x128xf32, #tpu.memory_space<vmem>>, vector<1x16xf32>,
      %broadcast_in_dim3A_155 = arith.constant 0.000000e+00 : f32
      %broadcast_in_dim3A_156 = vector.broadcast %broadcast_in_dim3A_155 : f32 to vector<16xf32>
      %swap3A_157 = arith.constant 0 : i32
      %swap3A_158 = arith.constant 0 : i32
      %swap3A_159 = tpu.memref_slice %arg6[%scan3A, %swap3A_157, %swap3A_158] : memref<2x128x128xf32, #tpu.memory_space<vmem>> -> memref<1x128x128xf32, #tpu.memory_space<vmem>>
      %swap3A_160 = tpu.memref_squeeze %swap3A_159 : memref<1x128x128xf32, #tpu.memory_space<vmem>> -> memref<128x128xf32, #tpu.memory_space<vmem>>
      %swap3A_161 = arith.index_cast %scan3A_133 : i32 to index
      %swap3A_162 = arith.constant 32 : index
      %swap3A_163 = tpu.vector_load %swap3A_160[%swap3A_161, %swap3A_162] {strides = array<i32>} : memref<128x128xf32, #tpu.memory_space<vmem>>, vector<1x16xf32>,
      %swap3A_164 = vector.shape_cast %swap3A_163 : vector<1x16xf32> to vector<16xf32>
      %swap3A_165 = vector.shape_cast %broadcast_in_dim3A_156 : vector<16xf32> to vector<1x16xf32>
      tpu.vector_store %swap3A_160[%swap3A_161, %swap3A_162], %swap3A_165 {strides = array<i32>} : memref<128x128xf32, #tpu.memory_space<vmem>>, vector<1x16xf32>,
      %broadcast_in_dim3A_166 = arith.constant 0.000000e+00 : f32
      %broadcast_in_dim3A_167 = vector.broadcast %broadcast_in_dim3A_166 : f32 to vector<16xf32>
      %swap3A_168 = arith.constant 0 : i32
      %swap3A_169 = arith.constant 0 : i32
      %swap3A_170 = tpu.memref_slice %arg6[%scan3A, %swap3A_168, %swap3A_169] : memref<2x128x128xf32, #tpu.memory_space<vmem>> -> memref<1x128x128xf32, #tpu.memory_space<vmem>>
      %swap3A_171 = tpu.memref_squeeze %swap3A_170 : memref<1x128x128xf32, #tpu.memory_space<vmem>> -> memref<128x128xf32, #tpu.memory_space<vmem>>
      %swap3A_172 = arith.index_cast %scan3A_133 : i32 to index
      %swap3A_173 = arith.constant 48 : index
      %swap3A_174 = tpu.vector_load %swap3A_171[%swap3A_172, %swap3A_173] {strides = array<i32>} : memref<128x128xf32, #tpu.memory_space<vmem>>, vector<1x16xf32>,
      %swap3A_175 = vector.shape_cast %swap3A_174 : vector<1x16xf32> to vector<16xf32>
      %swap3A_176 = vector.shape_cast %broadcast_in_dim3A_167 : vector<16xf32> to vector<1x16xf32>
      tpu.vector_store %swap3A_171[%swap3A_172, %swap3A_173], %swap3A_176 {strides = array<i32>} : memref<128x128xf32, #tpu.memory_space<vmem>>, vector<1x16xf32>,
      %broadcast_in_dim3A_177 = arith.constant 0.000000e+00 : f32
      %broadcast_in_dim3A_178 = vector.broadcast %broadcast_in_dim3A_177 : f32 to vector<16xf32>
      %swap3A_179 = arith.constant 0 : i32
      %swap3A_180 = arith.constant 0 : i32
      %swap3A_181 = tpu.memref_slice %arg6[%scan3A, %swap3A_179, %swap3A_180] : memref<2x128x128xf32, #tpu.memory_space<vmem>> -> memref<1x128x128xf32, #tpu.memory_space<vmem>>
      %swap3A_182 = tpu.memref_squeeze %swap3A_181 : memref<1x128x128xf32, #tpu.memory_space<vmem>> -> memref<128x128xf32, #tpu.memory_space<vmem>>
      %swap3A_183 = arith.index_cast %scan3A_133 : i32 to index
      %swap3A_184 = arith.constant 64 : index
      %swap3A_185 = tpu.vector_load %swap3A_182[%swap3A_183, %swap3A_184] {strides = array<i32>} : memref<128x128xf32, #tpu.memory_space<vmem>>, vector<1x16xf32>,
      %swap3A_186 = vector.shape_cast %swap3A_185 : vector<1x16xf32> to vector<16xf32>
      %swap3A_187 = vector.shape_cast %broadcast_in_dim3A_178 : vector<16xf32> to vector<1x16xf32>
      tpu.vector_store %swap3A_182[%swap3A_183, %swap3A_184], %swap3A_187 {strides = array<i32>} : memref<128x128xf32, #tpu.memory_space<vmem>>, vector<1x16xf32>,
      %broadcast_in_dim3A_188 = arith.constant 0.000000e+00 : f32
      %broadcast_in_dim3A_189 = vector.broadcast %broadcast_in_dim3A_188 : f32 to vector<16xf32>
      %swap3A_190 = arith.constant 0 : i32
      %swap3A_191 = arith.constant 0 : i32
      %swap3A_192 = tpu.memref_slice %arg6[%scan3A, %swap3A_190, %swap3A_191] : memref<2x128x128xf32, #tpu.memory_space<vmem>> -> memref<1x128x128xf32, #tpu.memory_space<vmem>>
      %swap3A_193 = tpu.memref_squeeze %swap3A_192 : memref<1x128x128xf32, #tpu.memory_space<vmem>> -> memref<128x128xf32, #tpu.memory_space<vmem>>
      %swap3A_194 = arith.index_cast %scan3A_133 : i32 to index
      %swap3A_195 = arith.constant 80 : index
      %swap3A_196 = tpu.vector_load %swap3A_193[%swap3A_194, %swap3A_195] {strides = array<i32>} : memref<128x128xf32, #tpu.memory_space<vmem>>, vector<1x16xf32>,
      %swap3A_197 = vector.shape_cast %swap3A_196 : vector<1x16xf32> to vector<16xf32>
      %swap3A_198 = vector.shape_cast %broadcast_in_dim3A_189 : vector<16xf32> to vector<1x16xf32>
      tpu.vector_store %swap3A_193[%swap3A_194, %swap3A_195], %swap3A_198 {strides = array<i32>} : memref<128x128xf32, #tpu.memory_space<vmem>>, vector<1x16xf32>,
      %broadcast_in_dim3A_199 = arith.constant 0.000000e+00 : f32
      %broadcast_in_dim3A_200 = vector.broadcast %broadcast_in_dim3A_199 : f32 to vector<16xf32>
      %swap3A_201 = arith.constant 0 : i32
      %swap3A_202 = arith.constant 0 : i32
      %swap3A_203 = tpu.memref_slice %arg6[%scan3A, %swap3A_201, %swap3A_202] : memref<2x128x128xf32, #tpu.memory_space<vmem>> -> memref<1x128x128xf32, #tpu.memory_space<vmem>>
      %swap3A_204 = tpu.memref_squeeze %swap3A_203 : memref<1x128x128xf32, #tpu.memory_space<vmem>> -> memref<128x128xf32, #tpu.memory_space<vmem>>
      %swap3A_205 = arith.index_cast %scan3A_133 : i32 to index
      %swap3A_206 = arith.constant 96 : index
      %swap3A_207 = tpu.vector_load %swap3A_204[%swap3A_205, %swap3A_206] {strides = array<i32>} : memref<128x128xf32, #tpu.memory_space<vmem>>, vector<1x16xf32>,
      %swap3A_208 = vector.shape_cast %swap3A_207 : vector<1x16xf32> to vector<16xf32>
      %swap3A_209 = vector.shape_cast %broadcast_in_dim3A_200 : vector<16xf32> to vector<1x16xf32>
      tpu.vector_store %swap3A_204[%swap3A_205, %swap3A_206], %swap3A_209 {strides = array<i32>} : memref<128x128xf32, #tpu.memory_space<vmem>>, vector<1x16xf32>,
      %broadcast_in_dim3A_210 = arith.constant 0.000000e+00 : f32
      %broadcast_in_dim3A_211 = vector.broadcast %broadcast_in_dim3A_210 : f32 to vector<16xf32>
      %swap3A_212 = arith.constant 0 : i32
      %swap3A_213 = arith.constant 0 : i32
      %swap3A_214 = tpu.memref_slice %arg6[%scan3A, %swap3A_212, %swap3A_213] : memref<2x128x128xf32, #tpu.memory_space<vmem>> -> memref<1x128x128xf32, #tpu.memory_space<vmem>>
      %swap3A_215 = tpu.memref_squeeze %swap3A_214 : memref<1x128x128xf32, #tpu.memory_space<vmem>> -> memref<128x128xf32, #tpu.memory_space<vmem>>
      %swap3A_216 = arith.index_cast %scan3A_133 : i32 to index
      %swap3A_217 = arith.constant 112 : index
      %swap3A_218 = tpu.vector_load %swap3A_215[%swap3A_216, %swap3A_217] {strides = array<i32>} : memref<128x128xf32, #tpu.memory_space<vmem>>, vector<1x16xf32>,
      %swap3A_219 = vector.shape_cast %swap3A_218 : vector<1x16xf32> to vector<16xf32>
      %swap3A_220 = vector.shape_cast %broadcast_in_dim3A_211 : vector<16xf32> to vector<1x16xf32>
      tpu.vector_store %swap3A_215[%swap3A_216, %swap3A_217], %swap3A_220 {strides = array<i32>} : memref<128x128xf32, #tpu.memory_space<vmem>>, vector<1x16xf32>,
      %scan3A_221 = arith.constant 0 : i32
      scf.yield %scan3A_221 : i32
    }
    %scan3A_45 = arith.constant 128 : i32
    %mul3A_46 = arith.constant 640 : i32
    %mul3A_47 = arith.muli %arg1, %mul3A_46 : i32
    %add3A_48 = arith.constant 0 : i32
    %add3A_49 = arith.addi %mul3A_47, %add3A_48 : i32
    %run_scoped3A = arith.constant 0 : i32
    "tpu.region"() ({
      %run_scoped3A_133 = tpu.sem_alloc : memref<!tpu.dma_semaphore, #tpu.memory_space<semaphore_mem>>
      %dma_start3A_134 = arith.constant 0 : i32
      %dma_start3A_135 = arith.constant 0 : i32
      %dma_start3A_136 = tpu.memref_slice %arg6[%run_scoped3A, %dma_start3A_134, %dma_start3A_135] : memref<2x128x128xf32, #tpu.memory_space<vmem>> -> memref<1x128x128xf32, #tpu.memory_space<vmem>>
      %dma_start3A_137 = tpu.memref_squeeze %dma_start3A_136 : memref<1x128x128xf32, #tpu.memory_space<vmem>> -> memref<128x128xf32, #tpu.memory_space<vmem>>
      %dma_start3A_138 = arith.constant 0 : i32
      %dma_start3A_139 = tpu.memref_slice %arg11[%add3A_49, %dma_start3A_138] : memref<10240x128xf32, #tpu.memory_space<vmem_shared>> -> memref<128x128xf32, #tpu.memory_space<vmem_shared>>
      %dma_start3A_140 = arith.constant 0 : i32
      %dma_start3A_141 = tpu.memref_slice %arg11[%add3A_49, %dma_start3A_140] : memref<10240x128xf32, #tpu.memory_space<vmem_shared>> -> memref<128x128xf32, #tpu.memory_space<vmem_shared>>
      %dma_start3A_142 = arith.constant 0 : i32
      %dma_start3A_143 = arith.constant 0 : i32
      %dma_start3A_144 = tpu.memref_slice %arg6[%run_scoped3A, %dma_start3A_142, %dma_start3A_143] : memref<2x128x128xf32, #tpu.memory_space<vmem>> -> memref<1x128x128xf32, #tpu.memory_space<vmem>>
      %dma_start3A_145 = tpu.memref_squeeze %dma_start3A_144 : memref<1x128x128xf32, #tpu.memory_space<vmem>> -> memref<128x128xf32, #tpu.memory_space<vmem>>
      tpu.enqueue_dma source(%dma_start3A_145 : memref<128x128xf32, #tpu.memory_space<vmem>>) target(%dma_start3A_141 : memref<128x128xf32, #tpu.memory_space<vmem_shared>>) target_semaphore(%run_scoped3A_133 : memref<!tpu.dma_semaphore, #tpu.memory_space<semaphore_mem>>)
      %dma_wait3A_146 = arith.constant 0 : i32
      %dma_wait3A_147 = arith.constant 0 : i32
      %dma_wait3A_148 = tpu.memref_slice %arg6[%run_scoped3A, %dma_wait3A_146, %dma_wait3A_147] : memref<2x128x128xf32, #tpu.memory_space<vmem>> -> memref<1x128x128xf32, #tpu.memory_space<vmem>>
      %dma_wait3A_149 = tpu.memref_squeeze %dma_wait3A_148 : memref<1x128x128xf32, #tpu.memory_space<vmem>> -> memref<128x128xf32, #tpu.memory_space<vmem>>
      %dma_wait3A_150 = arith.constant 0 : i32
      %dma_wait3A_151 = tpu.memref_slice %arg11[%add3A_49, %dma_wait3A_150] : memref<10240x128xf32, #tpu.memory_space<vmem_shared>> -> memref<128x128xf32, #tpu.memory_space<vmem_shared>>
      %dma_wait3A_152 = arith.constant 0 : i32
      %dma_wait3A_153 = tpu.memref_slice %arg11[%add3A_49, %dma_wait3A_152] : memref<10240x128xf32, #tpu.memory_space<vmem_shared>> -> memref<128x128xf32, #tpu.memory_space<vmem_shared>>
      %dma_wait3A_154 = arith.constant 0 : i32
      %dma_wait3A_155 = arith.constant 0 : i32
      %dma_wait3A_156 = tpu.memref_slice %arg6[%run_scoped3A, %dma_wait3A_154, %dma_wait3A_155] : memref<2x128x128xf32, #tpu.memory_space<vmem>> -> memref<1x128x128xf32, #tpu.memory_space<vmem>>
      %dma_wait3A_157 = tpu.memref_squeeze %dma_wait3A_156 : memref<1x128x128xf32, #tpu.memory_space<vmem>> -> memref<128x128xf32, #tpu.memory_space<vmem>>
      tpu.wait_dma2 semaphore(%run_scoped3A_133 : memref<!tpu.dma_semaphore, #tpu.memory_space<semaphore_mem>>) src(%dma_wait3A_157 : memref<128x128xf32, #tpu.memory_space<vmem>>) dst(%dma_wait3A_153 : memref<128x128xf32, #tpu.memory_space<vmem_shared>>)
      tpu.yield
    }) : () -> ()
    %mul3A_50 = arith.constant 640 : i32
    %mul3A_51 = arith.muli %arg1, %mul3A_50 : i32
    %add3A_52 = arith.constant 128 : i32
    %add3A_53 = arith.addi %mul3A_51, %add3A_52 : i32
    %run_scoped3A_54 = arith.constant 0 : i32
    "tpu.region"() ({
      %run_scoped3A_133 = tpu.sem_alloc : memref<!tpu.dma_semaphore, #tpu.memory_space<semaphore_mem>>
      %dma_start3A_134 = arith.constant 0 : i32
      %dma_start3A_135 = arith.constant 0 : i32
      %dma_start3A_136 = tpu.memref_slice %arg6[%run_scoped3A_54, %dma_start3A_134, %dma_start3A_135] : memref<2x128x128xf32, #tpu.memory_space<vmem>> -> memref<1x128x128xf32, #tpu.memory_space<vmem>>
      %dma_start3A_137 = tpu.memref_squeeze %dma_start3A_136 : memref<1x128x128xf32, #tpu.memory_space<vmem>> -> memref<128x128xf32, #tpu.memory_space<vmem>>
      %dma_start3A_138 = arith.constant 0 : i32
      %dma_start3A_139 = tpu.memref_slice %arg11[%add3A_53, %dma_start3A_138] : memref<10240x128xf32, #tpu.memory_space<vmem_shared>> -> memref<128x128xf32, #tpu.memory_space<vmem_shared>>
      %dma_start3A_140 = arith.constant 0 : i32
      %dma_start3A_141 = tpu.memref_slice %arg11[%add3A_53, %dma_start3A_140] : memref<10240x128xf32, #tpu.memory_space<vmem_shared>> -> memref<128x128xf32, #tpu.memory_space<vmem_shared>>
      %dma_start3A_142 = arith.constant 0 : i32
      %dma_start3A_143 = arith.constant 0 : i32
      %dma_start3A_144 = tpu.memref_slice %arg6[%run_scoped3A_54, %dma_start3A_142, %dma_start3A_143] : memref<2x128x128xf32, #tpu.memory_space<vmem>> -> memref<1x128x128xf32, #tpu.memory_space<vmem>>
      %dma_start3A_145 = tpu.memref_squeeze %dma_start3A_144 : memref<1x128x128xf32, #tpu.memory_space<vmem>> -> memref<128x128xf32, #tpu.memory_space<vmem>>
      tpu.enqueue_dma source(%dma_start3A_145 : memref<128x128xf32, #tpu.memory_space<vmem>>) target(%dma_start3A_141 : memref<128x128xf32, #tpu.memory_space<vmem_shared>>) target_semaphore(%run_scoped3A_133 : memref<!tpu.dma_semaphore, #tpu.memory_space<semaphore_mem>>)
      %dma_wait3A_146 = arith.constant 0 : i32
      %dma_wait3A_147 = arith.constant 0 : i32
      %dma_wait3A_148 = tpu.memref_slice %arg6[%run_scoped3A_54, %dma_wait3A_146, %dma_wait3A_147] : memref<2x128x128xf32, #tpu.memory_space<vmem>> -> memref<1x128x128xf32, #tpu.memory_space<vmem>>
      %dma_wait3A_149 = tpu.memref_squeeze %dma_wait3A_148 : memref<1x128x128xf32, #tpu.memory_space<vmem>> -> memref<128x128xf32, #tpu.memory_space<vmem>>
      %dma_wait3A_150 = arith.constant 0 : i32
      %dma_wait3A_151 = tpu.memref_slice %arg11[%add3A_53, %dma_wait3A_150] : memref<10240x128xf32, #tpu.memory_space<vmem_shared>> -> memref<128x128xf32, #tpu.memory_space<vmem_shared>>
      %dma_wait3A_152 = arith.constant 0 : i32
      %dma_wait3A_153 = tpu.memref_slice %arg11[%add3A_53, %dma_wait3A_152] : memref<10240x128xf32, #tpu.memory_space<vmem_shared>> -> memref<128x128xf32, #tpu.memory_space<vmem_shared>>
      %dma_wait3A_154 = arith.constant 0 : i32
      %dma_wait3A_155 = arith.constant 0 : i32
      %dma_wait3A_156 = tpu.memref_slice %arg6[%run_scoped3A_54, %dma_wait3A_154, %dma_wait3A_155] : memref<2x128x128xf32, #tpu.memory_space<vmem>> -> memref<1x128x128xf32, #tpu.memory_space<vmem>>
      %dma_wait3A_157 = tpu.memref_squeeze %dma_wait3A_156 : memref<1x128x128xf32, #tpu.memory_space<vmem>> -> memref<128x128xf32, #tpu.memory_space<vmem>>
      tpu.wait_dma2 semaphore(%run_scoped3A_133 : memref<!tpu.dma_semaphore, #tpu.memory_space<semaphore_mem>>) src(%dma_wait3A_157 : memref<128x128xf32, #tpu.memory_space<vmem>>) dst(%dma_wait3A_153 : memref<128x128xf32, #tpu.memory_space<vmem_shared>>)
      tpu.yield
    }) : () -> ()
    %mul3A_55 = arith.constant 640 : i32
    %mul3A_56 = arith.muli %arg1, %mul3A_55 : i32
    %add3A_57 = arith.constant 256 : i32
    %add3A_58 = arith.addi %mul3A_56, %add3A_57 : i32
    %run_scoped3A_59 = arith.constant 0 : i32
    "tpu.region"() ({
      %run_scoped3A_133 = tpu.sem_alloc : memref<!tpu.dma_semaphore, #tpu.memory_space<semaphore_mem>>
      %dma_start3A_134 = arith.constant 0 : i32
      %dma_start3A_135 = arith.constant 0 : i32
      %dma_start3A_136 = tpu.memref_slice %arg6[%run_scoped3A_59, %dma_start3A_134, %dma_start3A_135] : memref<2x128x128xf32, #tpu.memory_space<vmem>> -> memref<1x128x128xf32, #tpu.memory_space<vmem>>
      %dma_start3A_137 = tpu.memref_squeeze %dma_start3A_136 : memref<1x128x128xf32, #tpu.memory_space<vmem>> -> memref<128x128xf32, #tpu.memory_space<vmem>>
      %dma_start3A_138 = arith.constant 0 : i32
      %dma_start3A_139 = tpu.memref_slice %arg11[%add3A_58, %dma_start3A_138] : memref<10240x128xf32, #tpu.memory_space<vmem_shared>> -> memref<128x128xf32, #tpu.memory_space<vmem_shared>>
      %dma_start3A_140 = arith.constant 0 : i32
      %dma_start3A_141 = tpu.memref_slice %arg11[%add3A_58, %dma_start3A_140] : memref<10240x128xf32, #tpu.memory_space<vmem_shared>> -> memref<128x128xf32, #tpu.memory_space<vmem_shared>>
      %dma_start3A_142 = arith.constant 0 : i32
      %dma_start3A_143 = arith.constant 0 : i32
      %dma_start3A_144 = tpu.memref_slice %arg6[%run_scoped3A_59, %dma_start3A_142, %dma_start3A_143] : memref<2x128x128xf32, #tpu.memory_space<vmem>> -> memref<1x128x128xf32, #tpu.memory_space<vmem>>
      %dma_start3A_145 = tpu.memref_squeeze %dma_start3A_144 : memref<1x128x128xf32, #tpu.memory_space<vmem>> -> memref<128x128xf32, #tpu.memory_space<vmem>>
      tpu.enqueue_dma source(%dma_start3A_145 : memref<128x128xf32, #tpu.memory_space<vmem>>) target(%dma_start3A_141 : memref<128x128xf32, #tpu.memory_space<vmem_shared>>) target_semaphore(%run_scoped3A_133 : memref<!tpu.dma_semaphore, #tpu.memory_space<semaphore_mem>>)
      %dma_wait3A_146 = arith.constant 0 : i32
      %dma_wait3A_147 = arith.constant 0 : i32
      %dma_wait3A_148 = tpu.memref_slice %arg6[%run_scoped3A_59, %dma_wait3A_146, %dma_wait3A_147] : memref<2x128x128xf32, #tpu.memory_space<vmem>> -> memref<1x128x128xf32, #tpu.memory_space<vmem>>
      %dma_wait3A_149 = tpu.memref_squeeze %dma_wait3A_148 : memref<1x128x128xf32, #tpu.memory_space<vmem>> -> memref<128x128xf32, #tpu.memory_space<vmem>>
      %dma_wait3A_150 = arith.constant 0 : i32
      %dma_wait3A_151 = tpu.memref_slice %arg11[%add3A_58, %dma_wait3A_150] : memref<10240x128xf32, #tpu.memory_space<vmem_shared>> -> memref<128x128xf32, #tpu.memory_space<vmem_shared>>
      %dma_wait3A_152 = arith.constant 0 : i32
      %dma_wait3A_153 = tpu.memref_slice %arg11[%add3A_58, %dma_wait3A_152] : memref<10240x128xf32, #tpu.memory_space<vmem_shared>> -> memref<128x128xf32, #tpu.memory_space<vmem_shared>>
      %dma_wait3A_154 = arith.constant 0 : i32
      %dma_wait3A_155 = arith.constant 0 : i32
      %dma_wait3A_156 = tpu.memref_slice %arg6[%run_scoped3A_59, %dma_wait3A_154, %dma_wait3A_155] : memref<2x128x128xf32, #tpu.memory_space<vmem>> -> memref<1x128x128xf32, #tpu.memory_space<vmem>>
      %dma_wait3A_157 = tpu.memref_squeeze %dma_wait3A_156 : memref<1x128x128xf32, #tpu.memory_space<vmem>> -> memref<128x128xf32, #tpu.memory_space<vmem>>
      tpu.wait_dma2 semaphore(%run_scoped3A_133 : memref<!tpu.dma_semaphore, #tpu.memory_space<semaphore_mem>>) src(%dma_wait3A_157 : memref<128x128xf32, #tpu.memory_space<vmem>>) dst(%dma_wait3A_153 : memref<128x128xf32, #tpu.memory_space<vmem_shared>>)
      tpu.yield
    }) : () -> ()
    %mul3A_60 = arith.constant 640 : i32
    %mul3A_61 = arith.muli %arg1, %mul3A_60 : i32
    %add3A_62 = arith.constant 384 : i32
    %add3A_63 = arith.addi %mul3A_61, %add3A_62 : i32
    %run_scoped3A_64 = arith.constant 0 : i32
    "tpu.region"() ({
      %run_scoped3A_133 = tpu.sem_alloc : memref<!tpu.dma_semaphore, #tpu.memory_space<semaphore_mem>>
      %dma_start3A_134 = arith.constant 0 : i32
      %dma_start3A_135 = arith.constant 0 : i32
      %dma_start3A_136 = tpu.memref_slice %arg6[%run_scoped3A_64, %dma_start3A_134, %dma_start3A_135] : memref<2x128x128xf32, #tpu.memory_space<vmem>> -> memref<1x128x128xf32, #tpu.memory_space<vmem>>
      %dma_start3A_137 = tpu.memref_squeeze %dma_start3A_136 : memref<1x128x128xf32, #tpu.memory_space<vmem>> -> memref<128x128xf32, #tpu.memory_space<vmem>>
      %dma_start3A_138 = arith.constant 0 : i32
      %dma_start3A_139 = tpu.memref_slice %arg11[%add3A_63, %dma_start3A_138] : memref<10240x128xf32, #tpu.memory_space<vmem_shared>> -> memref<128x128xf32, #tpu.memory_space<vmem_shared>>
      %dma_start3A_140 = arith.constant 0 : i32
      %dma_start3A_141 = tpu.memref_slice %arg11[%add3A_63, %dma_start3A_140] : memref<10240x128xf32, #tpu.memory_space<vmem_shared>> -> memref<128x128xf32, #tpu.memory_space<vmem_shared>>
      %dma_start3A_142 = arith.constant 0 : i32
      %dma_start3A_143 = arith.constant 0 : i32
      %dma_start3A_144 = tpu.memref_slice %arg6[%run_scoped3A_64, %dma_start3A_142, %dma_start3A_143] : memref<2x128x128xf32, #tpu.memory_space<vmem>> -> memref<1x128x128xf32, #tpu.memory_space<vmem>>
      %dma_start3A_145 = tpu.memref_squeeze %dma_start3A_144 : memref<1x128x128xf32, #tpu.memory_space<vmem>> -> memref<128x128xf32, #tpu.memory_space<vmem>>
      tpu.enqueue_dma source(%dma_start3A_145 : memref<128x128xf32, #tpu.memory_space<vmem>>) target(%dma_start3A_141 : memref<128x128xf32, #tpu.memory_space<vmem_shared>>) target_semaphore(%run_scoped3A_133 : memref<!tpu.dma_semaphore, #tpu.memory_space<semaphore_mem>>)
      %dma_wait3A_146 = arith.constant 0 : i32
      %dma_wait3A_147 = arith.constant 0 : i32
      %dma_wait3A_148 = tpu.memref_slice %arg6[%run_scoped3A_64, %dma_wait3A_146, %dma_wait3A_147] : memref<2x128x128xf32, #tpu.memory_space<vmem>> -> memref<1x128x128xf32, #tpu.memory_space<vmem>>
      %dma_wait3A_149 = tpu.memref_squeeze %dma_wait3A_148 : memref<1x128x128xf32, #tpu.memory_space<vmem>> -> memref<128x128xf32, #tpu.memory_space<vmem>>
      %dma_wait3A_150 = arith.constant 0 : i32
      %dma_wait3A_151 = tpu.memref_slice %arg11[%add3A_63, %dma_wait3A_150] : memref<10240x128xf32, #tpu.memory_space<vmem_shared>> -> memref<128x128xf32, #tpu.memory_space<vmem_shared>>
      %dma_wait3A_152 = arith.constant 0 : i32
      %dma_wait3A_153 = tpu.memref_slice %arg11[%add3A_63, %dma_wait3A_152] : memref<10240x128xf32, #tpu.memory_space<vmem_shared>> -> memref<128x128xf32, #tpu.memory_space<vmem_shared>>
      %dma_wait3A_154 = arith.constant 0 : i32
      %dma_wait3A_155 = arith.constant 0 : i32
      %dma_wait3A_156 = tpu.memref_slice %arg6[%run_scoped3A_64, %dma_wait3A_154, %dma_wait3A_155] : memref<2x128x128xf32, #tpu.memory_space<vmem>> -> memref<1x128x128xf32, #tpu.memory_space<vmem>>
      %dma_wait3A_157 = tpu.memref_squeeze %dma_wait3A_156 : memref<1x128x128xf32, #tpu.memory_space<vmem>> -> memref<128x128xf32, #tpu.memory_space<vmem>>
      tpu.wait_dma2 semaphore(%run_scoped3A_133 : memref<!tpu.dma_semaphore, #tpu.memory_space<semaphore_mem>>) src(%dma_wait3A_157 : memref<128x128xf32, #tpu.memory_space<vmem>>) dst(%dma_wait3A_153 : memref<128x128xf32, #tpu.memory_space<vmem_shared>>)
      tpu.yield
    }) : () -> ()
    %mul3A_65 = arith.constant 640 : i32
    %mul3A_66 = arith.muli %arg1, %mul3A_65 : i32
    %add3A_67 = arith.constant 512 : i32
    %add3A_68 = arith.addi %mul3A_66, %add3A_67 : i32
    %run_scoped3A_69 = arith.constant 0 : i32
    "tpu.region"() ({
      %run_scoped3A_133 = tpu.sem_alloc : memref<!tpu.dma_semaphore, #tpu.memory_space<semaphore_mem>>
      %dma_start3A_134 = arith.constant 0 : i32
      %dma_start3A_135 = arith.constant 0 : i32
      %dma_start3A_136 = tpu.memref_slice %arg6[%run_scoped3A_69, %dma_start3A_134, %dma_start3A_135] : memref<2x128x128xf32, #tpu.memory_space<vmem>> -> memref<1x128x128xf32, #tpu.memory_space<vmem>>
      %dma_start3A_137 = tpu.memref_squeeze %dma_start3A_136 : memref<1x128x128xf32, #tpu.memory_space<vmem>> -> memref<128x128xf32, #tpu.memory_space<vmem>>
      %dma_start3A_138 = arith.constant 0 : i32
      %dma_start3A_139 = tpu.memref_slice %arg11[%add3A_68, %dma_start3A_138] : memref<10240x128xf32, #tpu.memory_space<vmem_shared>> -> memref<128x128xf32, #tpu.memory_space<vmem_shared>>
      %dma_start3A_140 = arith.constant 0 : i32
      %dma_start3A_141 = tpu.memref_slice %arg11[%add3A_68, %dma_start3A_140] : memref<10240x128xf32, #tpu.memory_space<vmem_shared>> -> memref<128x128xf32, #tpu.memory_space<vmem_shared>>
      %dma_start3A_142 = arith.constant 0 : i32
      %dma_start3A_143 = arith.constant 0 : i32
      %dma_start3A_144 = tpu.memref_slice %arg6[%run_scoped3A_69, %dma_start3A_142, %dma_start3A_143] : memref<2x128x128xf32, #tpu.memory_space<vmem>> -> memref<1x128x128xf32, #tpu.memory_space<vmem>>
      %dma_start3A_145 = tpu.memref_squeeze %dma_start3A_144 : memref<1x128x128xf32, #tpu.memory_space<vmem>> -> memref<128x128xf32, #tpu.memory_space<vmem>>
      tpu.enqueue_dma source(%dma_start3A_145 : memref<128x128xf32, #tpu.memory_space<vmem>>) target(%dma_start3A_141 : memref<128x128xf32, #tpu.memory_space<vmem_shared>>) target_semaphore(%run_scoped3A_133 : memref<!tpu.dma_semaphore, #tpu.memory_space<semaphore_mem>>)
      %dma_wait3A_146 = arith.constant 0 : i32
      %dma_wait3A_147 = arith.constant 0 : i32
      %dma_wait3A_148 = tpu.memref_slice %arg6[%run_scoped3A_69, %dma_wait3A_146, %dma_wait3A_147] : memref<2x128x128xf32, #tpu.memory_space<vmem>> -> memref<1x128x128xf32, #tpu.memory_space<vmem>>
      %dma_wait3A_149 = tpu.memref_squeeze %dma_wait3A_148 : memref<1x128x128xf32, #tpu.memory_space<vmem>> -> memref<128x128xf32, #tpu.memory_space<vmem>>
      %dma_wait3A_150 = arith.constant 0 : i32
      %dma_wait3A_151 = tpu.memref_slice %arg11[%add3A_68, %dma_wait3A_150] : memref<10240x128xf32, #tpu.memory_space<vmem_shared>> -> memref<128x128xf32, #tpu.memory_space<vmem_shared>>
      %dma_wait3A_152 = arith.constant 0 : i32
      %dma_wait3A_153 = tpu.memref_slice %arg11[%add3A_68, %dma_wait3A_152] : memref<10240x128xf32, #tpu.memory_space<vmem_shared>> -> memref<128x128xf32, #tpu.memory_space<vmem_shared>>
      %dma_wait3A_154 = arith.constant 0 : i32
      %dma_wait3A_155 = arith.constant 0 : i32
      %dma_wait3A_156 = tpu.memref_slice %arg6[%run_scoped3A_69, %dma_wait3A_154, %dma_wait3A_155] : memref<2x128x128xf32, #tpu.memory_space<vmem>> -> memref<1x128x128xf32, #tpu.memory_space<vmem>>
      %dma_wait3A_157 = tpu.memref_squeeze %dma_wait3A_156 : memref<1x128x128xf32, #tpu.memory_space<vmem>> -> memref<128x128xf32, #tpu.memory_space<vmem>>
      tpu.wait_dma2 semaphore(%run_scoped3A_133 : memref<!tpu.dma_semaphore, #tpu.memory_space<semaphore_mem>>) src(%dma_wait3A_157 : memref<128x128xf32, #tpu.memory_space<vmem>>) dst(%dma_wait3A_153 : memref<128x128xf32, #tpu.memory_space<vmem_shared>>)
      tpu.yield
    }) : () -> ()
    %barrier3A = arith.constant 0 : index
    tpu.barrier barrier_id(%barrier3A)
    %dma_wait3A = arith.constant 0 : i32
    %dma_wait3A_70 = arith.constant 0 : i32
    %dma_wait3A_71 = arith.constant 0 : i32
    %dma_wait3A_72 = tpu.memref_slice %arg5[%dma_wait3A, %dma_wait3A_70, %dma_wait3A_71] : memref<2x2x128xi32, #tpu.memory_space<vmem>> -> memref<1x2x128xi32, #tpu.memory_space<vmem>>
    %dma_wait3A_73 = tpu.memref_squeeze %dma_wait3A_72 : memref<1x2x128xi32, #tpu.memory_space<vmem>> -> memref<2x128xi32, #tpu.memory_space<vmem>>
    %dma_wait3A_74 = arith.constant 0 : i32
    %dma_wait3A_75 = arith.constant 0 : i32
    %dma_wait3A_76 = tpu.memref_slice %arg3[%add3A, %dma_wait3A_74, %dma_wait3A_75] : memref<2560x2x128xi32, #tpu.memory_space<hbm>> -> memref<1x2x128xi32, #tpu.memory_space<hbm>>
    %dma_wait3A_77 = tpu.memref_squeeze %dma_wait3A_76 : memref<1x2x128xi32, #tpu.memory_space<hbm>> -> memref<2x128xi32, #tpu.memory_space<hbm>>
    %dma_wait3A_78 = arith.constant 0 : i32
    %dma_wait3A_79 = arith.constant 0 : i32
    %dma_wait3A_80 = tpu.memref_slice %arg5[%dma_wait3A, %dma_wait3A_78, %dma_wait3A_79] : memref<2x2x128xi32, #tpu.memory_space<vmem>> -> memref<1x2x128xi32, #tpu.memory_space<vmem>>
    %dma_wait3A_81 = tpu.memref_squeeze %dma_wait3A_80 : memref<1x2x128xi32, #tpu.memory_space<vmem>> -> memref<2x128xi32, #tpu.memory_space<vmem>>
    %dma_wait3A_82 = arith.constant 0 : i32
    %dma_wait3A_83 = arith.constant 0 : i32
    %dma_wait3A_84 = tpu.memref_slice %arg3[%add3A, %dma_wait3A_82, %dma_wait3A_83] : memref<2560x2x128xi32, #tpu.memory_space<hbm>> -> memref<1x2x128xi32, #tpu.memory_space<hbm>>
    %dma_wait3A_85 = tpu.memref_squeeze %dma_wait3A_84 : memref<1x2x128xi32, #tpu.memory_space<hbm>> -> memref<2x128xi32, #tpu.memory_space<hbm>>
    tpu.wait_dma2 semaphore(%arg7 : memref<!tpu.dma_semaphore, #tpu.memory_space<semaphore_mem>>) src(%dma_wait3A_85 : memref<2x128xi32, #tpu.memory_space<hbm>>) dst(%dma_wait3A_81 : memref<2x128xi32, #tpu.memory_space<vmem>>)
    %dma_start3A_86 = arith.constant 0 : i32
    %dma_start3A_87 = arith.constant 0 : i32
    %dma_start3A_88 = arith.constant 0 : i32
    %dma_start3A_89 = arith.constant 0 : i32
    %dma_start3A_90 = arith.constant 0 : i32
    %dma_start3A_91 = tpu.memref_slice %arg6[%dma_start3A_88, %dma_start3A_89, %dma_start3A_90] : memref<2x128x128xf32, #tpu.memory_space<vmem>> -> memref<1x128x128xf32, #tpu.memory_space<vmem>>
    %dma_start3A_92 = tpu.memref_squeeze %dma_start3A_91 : memref<1x128x128xf32, #tpu.memory_space<vmem>> -> memref<128x128xf32, #tpu.memory_space<vmem>>
    %dma_start3A_93 = arith.constant 0 : i32
    %dma_start3A_94 = tpu.memref_slice %arg5[%dma_start3A_86, %dma_start3A_87, %dma_start3A_93] : memref<2x2x128xi32, #tpu.memory_space<vmem>> -> memref<1x1x128xi32, #tpu.memory_space<vmem>>
    %dma_start3A_95 = tpu.memref_squeeze %dma_start3A_94 : memref<1x1x128xi32, #tpu.memory_space<vmem>> -> memref<128xi32, #tpu.memory_space<vmem>>
    %dma_start3A_96 = arith.constant 0 : i32
    %dma_start3A_97 = arith.constant 0 : i32
    %dma_start3A_98 = tpu.memref_slice %arg2[%dma_start3A_96, %dma_start3A_97] : memref<10000x128xf32, #tpu.memory_space<hbm>> -> memref<10000x128xf32, #tpu.memory_space<hbm>>
    tpu.enqueue_indirect_dma source(%dma_start3A_98 : memref<10000x128xf32, #tpu.memory_space<hbm>>) target(%dma_start3A_92 : memref<128x128xf32, #tpu.memory_space<vmem>>) offsets(%dma_start3A_95 : memref<128xi32, #tpu.memory_space<vmem>>) semaphore(%arg9 : memref<!tpu.dma_semaphore, #tpu.memory_space<semaphore_mem>>)
    %jit3A_99 = arith.constant 2 : i32
    %div3A = arith.divsi %select_n3A, %jit3A_99 : i32
    %sign3A = arith.constant 0 : i32
    %sign3A_100 = arith.cmpi sgt, %select_n3A, %sign3A : i32
    %sign3A_101 = arith.extui %sign3A_100 : i1 to i32
    %sign3A_102 = arith.constant 0 : i32
    %sign3A_103 = arith.cmpi slt, %select_n3A, %sign3A_102 : i32
    %sign3A_104 = arith.extui %sign3A_103 : i1 to i32
    %sign3A_105 = arith.subi %sign3A_101, %sign3A_104 : i32
    %sign3A_106 = arith.constant 0 : i32
    %sign3A_107 = arith.cmpi sgt, %jit3A_99, %sign3A_106 : i32
    %sign3A_108 = arith.extui %sign3A_107 : i1 to i32
    %sign3A_109 = arith.constant 0 : i32
    %sign3A_110 = arith.cmpi slt, %jit3A_99, %sign3A_109 : i32
    %sign3A_111 = arith.extui %sign3A_110 : i1 to i32
    %sign3A_112 = arith.subi %sign3A_108, %sign3A_111 : i32
    %ne3A = arith.cmpi ne, %sign3A_105, %sign3A_112 : i32
    %rem3A = arith.remsi %select_n3A, %jit3A_99 : i32
    %ne3A_113 = arith.constant 0 : i32
    %ne3A_114 = arith.cmpi ne, %rem3A, %ne3A_113 : i32
    %and3A = arith.andi %ne3A, %ne3A_114 : i1
    %sub3A = arith.constant 1 : i32
    %sub3A_115 = arith.subi %div3A, %sub3A : i32
    %select_n3A_116 = arith.select %and3A, %sub3A_115, %div3A : i32
    %while3A = arith.constant 0 : i32
    %while3A_117 = arith.constant 0 : i32
    %while3A_118 = arith.subi %select_n3A_116, %while3A : i32
    %while3A_119 = arith.addi %while3A, %while3A_118 : i32
    %while3A_120 = arith.constant 1 : i32
    %while3A_121 = arith.divsi %while3A_118, %while3A_120 : i32
    %while3A_122 = arith.muli %while3A_121, %while3A_120 : i32
    %while3A_123 = arith.addi %while3A, %while3A_122 : i32
    %while3A_124 = arith.constant 1 : i32
    %while3A_125 = scf.for %while3A_133 = %while3A to %while3A_123 step %while3A_124 iter_args(%while3A_134 = %while3A_117) -> (i32)  : i32 {
      %mul3A_135 = arith.constant 2 : i32
      %mul3A_136 = arith.muli %mul3A_135, %while3A_133 : i32
      %add3A_137 = arith.constant 0 : i32
      %add3A_138 = arith.addi %mul3A_136, %add3A_137 : i32
      %dma_wait3A_139 = arith.constant 0 : i32
      %dma_wait3A_140 = arith.constant 0 : i32
      %dma_wait3A_141 = arith.constant 0 : i32
      %dma_wait3A_142 = arith.constant 0 : i32
      %dma_wait3A_143 = arith.constant 0 : i32
      %dma_wait3A_144 = tpu.memref_slice %arg6[%dma_wait3A_141, %dma_wait3A_142, %dma_wait3A_143] : memref<2x128x128xf32, #tpu.memory_space<vmem>> -> memref<1x128x128xf32, #tpu.memory_space<vmem>>
      %dma_wait3A_145 = tpu.memref_squeeze %dma_wait3A_144 : memref<1x128x128xf32, #tpu.memory_space<vmem>> -> memref<128x128xf32, #tpu.memory_space<vmem>>
      %dma_wait3A_146 = arith.constant 0 : i32
      %dma_wait3A_147 = tpu.memref_slice %arg5[%dma_wait3A_139, %dma_wait3A_140, %dma_wait3A_146] : memref<2x2x128xi32, #tpu.memory_space<vmem>> -> memref<1x1x128xi32, #tpu.memory_space<vmem>>
      %dma_wait3A_148 = tpu.memref_squeeze %dma_wait3A_147 : memref<1x1x128xi32, #tpu.memory_space<vmem>> -> memref<128xi32, #tpu.memory_space<vmem>>
      %dma_wait3A_149 = arith.constant 0 : i32
      %dma_wait3A_150 = arith.constant 0 : i32
      %dma_wait3A_151 = tpu.memref_slice %arg2[%dma_wait3A_149, %dma_wait3A_150] : memref<10000x128xf32, #tpu.memory_space<hbm>> -> memref<10000x128xf32, #tpu.memory_space<hbm>>
      tpu.wait_indirect_dma semaphore(%arg9 : memref<!tpu.dma_semaphore, #tpu.memory_space<semaphore_mem>>) src(%dma_wait3A_151 : memref<10000x128xf32, #tpu.memory_space<hbm>>) dst(%dma_wait3A_145 : memref<128x128xf32, #tpu.memory_space<vmem>>)
      %add3A_152 = arith.constant 1 : i32
      %add3A_153 = arith.addi %add3A_138, %add3A_152 : i32
      %lt3A = arith.cmpi slt, %add3A_153, %select_n3A : i32
      %convert_element_type3A = arith.extui %lt3A : i1 to i32
      %cond3A = arith.constant 0 : i32
      %cond3A_154 = arith.cmpi ne, %convert_element_type3A, %cond3A : i32
      scf.if %cond3A_154 {
        %add3A_197 = arith.addi %add3A, %add3A_138 : i32
        %add3A_198 = arith.constant 1 : i32
        %add3A_199 = arith.addi %add3A_197, %add3A_198 : i32
        %dma_wait3A_200 = arith.constant 1 : i32
        %dma_wait3A_201 = arith.constant 0 : i32
        %dma_wait3A_202 = arith.constant 0 : i32
        %dma_wait3A_203 = tpu.memref_slice %arg5[%dma_wait3A_200, %dma_wait3A_201, %dma_wait3A_202] : memref<2x2x128xi32, #tpu.memory_space<vmem>> -> memref<1x2x128xi32, #tpu.memory_space<vmem>>
        %dma_wait3A_204 = tpu.memref_squeeze %dma_wait3A_203 : memref<1x2x128xi32, #tpu.memory_space<vmem>> -> memref<2x128xi32, #tpu.memory_space<vmem>>
        %dma_wait3A_205 = arith.constant 0 : i32
        %dma_wait3A_206 = arith.constant 0 : i32
        %dma_wait3A_207 = tpu.memref_slice %arg3[%add3A_199, %dma_wait3A_205, %dma_wait3A_206] : memref<2560x2x128xi32, #tpu.memory_space<hbm>> -> memref<1x2x128xi32, #tpu.memory_space<hbm>>
        %dma_wait3A_208 = tpu.memref_squeeze %dma_wait3A_207 : memref<1x2x128xi32, #tpu.memory_space<hbm>> -> memref<2x128xi32, #tpu.memory_space<hbm>>
        %dma_wait3A_209 = arith.constant 0 : i32
        %dma_wait3A_210 = arith.constant 0 : i32
        %dma_wait3A_211 = tpu.memref_slice %arg5[%dma_wait3A_200, %dma_wait3A_209, %dma_wait3A_210] : memref<2x2x128xi32, #tpu.memory_space<vmem>> -> memref<1x2x128xi32, #tpu.memory_space<vmem>>
        %dma_wait3A_212 = tpu.memref_squeeze %dma_wait3A_211 : memref<1x2x128xi32, #tpu.memory_space<vmem>> -> memref<2x128xi32, #tpu.memory_space<vmem>>
        %dma_wait3A_213 = arith.constant 0 : i32
        %dma_wait3A_214 = arith.constant 0 : i32
        %dma_wait3A_215 = tpu.memref_slice %arg3[%add3A_199, %dma_wait3A_213, %dma_wait3A_214] : memref<2560x2x128xi32, #tpu.memory_space<hbm>> -> memref<1x2x128xi32, #tpu.memory_space<hbm>>
        %dma_wait3A_216 = tpu.memref_squeeze %dma_wait3A_215 : memref<1x2x128xi32, #tpu.memory_space<hbm>> -> memref<2x128xi32, #tpu.memory_space<hbm>>
        tpu.wait_dma2 semaphore(%arg8 : memref<!tpu.dma_semaphore, #tpu.memory_space<semaphore_mem>>) src(%dma_wait3A_216 : memref<2x128xi32, #tpu.memory_space<hbm>>) dst(%dma_wait3A_212 : memref<2x128xi32, #tpu.memory_space<vmem>>)
        %dma_start3A_217 = arith.constant 1 : i32
        %dma_start3A_218 = arith.constant 0 : i32
        %dma_start3A_219 = arith.constant 1 : i32
        %dma_start3A_220 = arith.constant 0 : i32
        %dma_start3A_221 = arith.constant 0 : i32
        %dma_start3A_222 = tpu.memref_slice %arg6[%dma_start3A_219, %dma_start3A_220, %dma_start3A_221] : memref<2x128x128xf32, #tpu.memory_space<vmem>> -> memref<1x128x128xf32, #tpu.memory_space<vmem>>
        %dma_start3A_223 = tpu.memref_squeeze %dma_start3A_222 : memref<1x128x128xf32, #tpu.memory_space<vmem>> -> memref<128x128xf32, #tpu.memory_space<vmem>>
        %dma_start3A_224 = arith.constant 0 : i32
        %dma_start3A_225 = tpu.memref_slice %arg5[%dma_start3A_217, %dma_start3A_218, %dma_start3A_224] : memref<2x2x128xi32, #tpu.memory_space<vmem>> -> memref<1x1x128xi32, #tpu.memory_space<vmem>>
        %dma_start3A_226 = tpu.memref_squeeze %dma_start3A_225 : memref<1x1x128xi32, #tpu.memory_space<vmem>> -> memref<128xi32, #tpu.memory_space<vmem>>
        %dma_start3A_227 = arith.constant 0 : i32
        %dma_start3A_228 = arith.constant 0 : i32
        %dma_start3A_229 = tpu.memref_slice %arg2[%dma_start3A_227, %dma_start3A_228] : memref<10000x128xf32, #tpu.memory_space<hbm>> -> memref<10000x128xf32, #tpu.memory_space<hbm>>
        tpu.enqueue_indirect_dma source(%dma_start3A_229 : memref<10000x128xf32, #tpu.memory_space<hbm>>) target(%dma_start3A_223 : memref<128x128xf32, #tpu.memory_space<vmem>>) offsets(%dma_start3A_226 : memref<128xi32, #tpu.memory_space<vmem>>) semaphore(%arg10 : memref<!tpu.dma_semaphore, #tpu.memory_space<semaphore_mem>>)
      } else {
      }
      %run_scoped3A_155 = arith.constant 0 : i32
      %run_scoped3A_156 = arith.constant 0 : i32
      %run_scoped3A_157 = arith.constant 1 : i32
      "tpu.region"() ({
        %run_scoped3A_197 = tpu.sem_alloc : memref<!tpu.dma_semaphore, #tpu.memory_space<semaphore_mem>>
        %dma_start3A_198 = arith.constant 0 : i32
        %dma_start3A_199 = arith.constant 0 : i32
        %dma_start3A_200 = tpu.memref_slice %arg6[%run_scoped3A_155, %dma_start3A_198, %dma_start3A_199] : memref<2x128x128xf32, #tpu.memory_space<vmem>> -> memref<1x128x128xf32, #tpu.memory_space<vmem>>
        %dma_start3A_201 = tpu.memref_squeeze %dma_start3A_200 : memref<1x128x128xf32, #tpu.memory_space<vmem>> -> memref<128x128xf32, #tpu.memory_space<vmem>>
        %dma_start3A_202 = arith.constant 0 : i32
        %dma_start3A_203 = tpu.memref_slice %arg5[%run_scoped3A_156, %run_scoped3A_157, %dma_start3A_202] : memref<2x2x128xi32, #tpu.memory_space<vmem>> -> memref<1x1x128xi32, #tpu.memory_space<vmem>>
        %dma_start3A_204 = tpu.memref_squeeze %dma_start3A_203 : memref<1x1x128xi32, #tpu.memory_space<vmem>> -> memref<128xi32, #tpu.memory_space<vmem>>
        %dma_start3A_205 = arith.constant 0 : i32
        %dma_start3A_206 = arith.constant 0 : i32
        %dma_start3A_207 = tpu.memref_slice %arg11[%dma_start3A_205, %dma_start3A_206] : memref<10240x128xf32, #tpu.memory_space<vmem_shared>> -> memref<10240x128xf32, #tpu.memory_space<vmem_shared>>
        tpu.enqueue_indirect_dma source(%dma_start3A_201 : memref<128x128xf32, #tpu.memory_space<vmem>>) target(%dma_start3A_207 : memref<10240x128xf32, #tpu.memory_space<vmem_shared>>) offsets(%dma_start3A_204 : memref<128xi32, #tpu.memory_space<vmem>>) semaphore(%run_scoped3A_197 : memref<!tpu.dma_semaphore, #tpu.memory_space<semaphore_mem>>) {add = true}
        %dma_wait3A_208 = arith.constant 0 : i32
        %dma_wait3A_209 = arith.constant 0 : i32
        %dma_wait3A_210 = tpu.memref_slice %arg6[%run_scoped3A_155, %dma_wait3A_208, %dma_wait3A_209] : memref<2x128x128xf32, #tpu.memory_space<vmem>> -> memref<1x128x128xf32, #tpu.memory_space<vmem>>
        %dma_wait3A_211 = tpu.memref_squeeze %dma_wait3A_210 : memref<1x128x128xf32, #tpu.memory_space<vmem>> -> memref<128x128xf32, #tpu.memory_space<vmem>>
        %dma_wait3A_212 = arith.constant 0 : i32
        %dma_wait3A_213 = tpu.memref_slice %arg5[%run_scoped3A_156, %run_scoped3A_157, %dma_wait3A_212] : memref<2x2x128xi32, #tpu.memory_space<vmem>> -> memref<1x1x128xi32, #tpu.memory_space<vmem>>
        %dma_wait3A_214 = tpu.memref_squeeze %dma_wait3A_213 : memref<1x1x128xi32, #tpu.memory_space<vmem>> -> memref<128xi32, #tpu.memory_space<vmem>>
        %dma_wait3A_215 = arith.constant 0 : i32
        %dma_wait3A_216 = arith.constant 0 : i32
        %dma_wait3A_217 = tpu.memref_slice %arg11[%dma_wait3A_215, %dma_wait3A_216] : memref<10240x128xf32, #tpu.memory_space<vmem_shared>> -> memref<10240x128xf32, #tpu.memory_space<vmem_shared>>
        tpu.wait_indirect_dma semaphore(%run_scoped3A_197 : memref<!tpu.dma_semaphore, #tpu.memory_space<semaphore_mem>>) src(%dma_wait3A_211 : memref<128x128xf32, #tpu.memory_space<vmem>>) dst(%dma_wait3A_217 : memref<10240x128xf32, #tpu.memory_space<vmem_shared>>)
        tpu.yield
      }) : () -> ()
      %add3A_158 = arith.constant 2 : i32
      %add3A_159 = arith.addi %add3A_138, %add3A_158 : i32
      %lt3A_160 = arith.cmpi slt, %add3A_159, %select_n3A : i32
      %convert_element_type3A_161 = arith.extui %lt3A_160 : i1 to i32
      %cond3A_162 = arith.constant 0 : i32
      %cond3A_163 = arith.cmpi ne, %convert_element_type3A_161, %cond3A_162 : i32
      scf.if %cond3A_163 {
        %add3A_197 = arith.addi %add3A, %add3A_138 : i32
        %add3A_198 = arith.constant 2 : i32
        %add3A_199 = arith.addi %add3A_197, %add3A_198 : i32
        %dma_start3A_200 = arith.constant 0 : i32
        %dma_start3A_201 = arith.constant 0 : i32
        %dma_start3A_202 = arith.constant 0 : i32
        %dma_start3A_203 = tpu.memref_slice %arg5[%dma_start3A_200, %dma_start3A_201, %dma_start3A_202] : memref<2x2x128xi32, #tpu.memory_space<vmem>> -> memref<1x2x128xi32, #tpu.memory_space<vmem>>
        %dma_start3A_204 = tpu.memref_squeeze %dma_start3A_203 : memref<1x2x128xi32, #tpu.memory_space<vmem>> -> memref<2x128xi32, #tpu.memory_space<vmem>>
        %dma_start3A_205 = arith.constant 0 : i32
        %dma_start3A_206 = arith.constant 0 : i32
        %dma_start3A_207 = tpu.memref_slice %arg3[%add3A_199, %dma_start3A_205, %dma_start3A_206] : memref<2560x2x128xi32, #tpu.memory_space<hbm>> -> memref<1x2x128xi32, #tpu.memory_space<hbm>>
        %dma_start3A_208 = tpu.memref_squeeze %dma_start3A_207 : memref<1x2x128xi32, #tpu.memory_space<hbm>> -> memref<2x128xi32, #tpu.memory_space<hbm>>
        %dma_start3A_209 = arith.constant 0 : i32
        %dma_start3A_210 = arith.constant 0 : i32
        %dma_start3A_211 = tpu.memref_slice %arg5[%dma_start3A_200, %dma_start3A_209, %dma_start3A_210] : memref<2x2x128xi32, #tpu.memory_space<vmem>> -> memref<1x2x128xi32, #tpu.memory_space<vmem>>
        %dma_start3A_212 = tpu.memref_squeeze %dma_start3A_211 : memref<1x2x128xi32, #tpu.memory_space<vmem>> -> memref<2x128xi32, #tpu.memory_space<vmem>>
        %dma_start3A_213 = arith.constant 0 : i32
        %dma_start3A_214 = arith.constant 0 : i32
        %dma_start3A_215 = tpu.memref_slice %arg3[%add3A_199, %dma_start3A_213, %dma_start3A_214] : memref<2560x2x128xi32, #tpu.memory_space<hbm>> -> memref<1x2x128xi32, #tpu.memory_space<hbm>>
        %dma_start3A_216 = tpu.memref_squeeze %dma_start3A_215 : memref<1x2x128xi32, #tpu.memory_space<hbm>> -> memref<2x128xi32, #tpu.memory_space<hbm>>
        tpu.enqueue_dma source(%dma_start3A_216 : memref<2x128xi32, #tpu.memory_space<hbm>>) target(%dma_start3A_212 : memref<2x128xi32, #tpu.memory_space<vmem>>) target_semaphore(%arg7 : memref<!tpu.dma_semaphore, #tpu.memory_space<semaphore_mem>>)
      } else {
      }
      %mul3A_164 = arith.constant 2 : i32
      %mul3A_165 = arith.muli %mul3A_164, %while3A_133 : i32
      %add3A_166 = arith.constant 1 : i32
      %add3A_167 = arith.addi %mul3A_165, %add3A_166 : i32
      %dma_wait3A_168 = arith.constant 1 : i32
      %dma_wait3A_169 = arith.constant 0 : i32
      %dma_wait3A_170 = arith.constant 1 : i32
      %dma_wait3A_171 = arith.constant 0 : i32
      %dma_wait3A_172 = arith.constant 0 : i32
      %dma_wait3A_173 = tpu.memref_slice %arg6[%dma_wait3A_170, %dma_wait3A_171, %dma_wait3A_172] : memref<2x128x128xf32, #tpu.memory_space<vmem>> -> memref<1x128x128xf32, #tpu.memory_space<vmem>>
      %dma_wait3A_174 = tpu.memref_squeeze %dma_wait3A_173 : memref<1x128x128xf32, #tpu.memory_space<vmem>> -> memref<128x128xf32, #tpu.memory_space<vmem>>
      %dma_wait3A_175 = arith.constant 0 : i32
      %dma_wait3A_176 = tpu.memref_slice %arg5[%dma_wait3A_168, %dma_wait3A_169, %dma_wait3A_175] : memref<2x2x128xi32, #tpu.memory_space<vmem>> -> memref<1x1x128xi32, #tpu.memory_space<vmem>>
      %dma_wait3A_177 = tpu.memref_squeeze %dma_wait3A_176 : memref<1x1x128xi32, #tpu.memory_space<vmem>> -> memref<128xi32, #tpu.memory_space<vmem>>
      %dma_wait3A_178 = arith.constant 0 : i32
      %dma_wait3A_179 = arith.constant 0 : i32
      %dma_wait3A_180 = tpu.memref_slice %arg2[%dma_wait3A_178, %dma_wait3A_179] : memref<10000x128xf32, #tpu.memory_space<hbm>> -> memref<10000x128xf32, #tpu.memory_space<hbm>>
      tpu.wait_indirect_dma semaphore(%arg10 : memref<!tpu.dma_semaphore, #tpu.memory_space<semaphore_mem>>) src(%dma_wait3A_180 : memref<10000x128xf32, #tpu.memory_space<hbm>>) dst(%dma_wait3A_174 : memref<128x128xf32, #tpu.memory_space<vmem>>)
      %add3A_181 = arith.constant 1 : i32
      %add3A_182 = arith.addi %add3A_167, %add3A_181 : i32
      %lt3A_183 = arith.cmpi slt, %add3A_182, %select_n3A : i32
      %convert_element_type3A_184 = arith.extui %lt3A_183 : i1 to i32
      %cond3A_185 = arith.constant 0 : i32
      %cond3A_186 = arith.cmpi ne, %convert_element_type3A_184, %cond3A_185 : i32
      scf.if %cond3A_186 {
        %add3A_197 = arith.addi %add3A, %add3A_167 : i32
        %add3A_198 = arith.constant 1 : i32
        %add3A_199 = arith.addi %add3A_197, %add3A_198 : i32
        %dma_wait3A_200 = arith.constant 0 : i32
        %dma_wait3A_201 = arith.constant 0 : i32
        %dma_wait3A_202 = arith.constant 0 : i32
        %dma_wait3A_203 = tpu.memref_slice %arg5[%dma_wait3A_200, %dma_wait3A_201, %dma_wait3A_202] : memref<2x2x128xi32, #tpu.memory_space<vmem>> -> memref<1x2x128xi32, #tpu.memory_space<vmem>>
        %dma_wait3A_204 = tpu.memref_squeeze %dma_wait3A_203 : memref<1x2x128xi32, #tpu.memory_space<vmem>> -> memref<2x128xi32, #tpu.memory_space<vmem>>
        %dma_wait3A_205 = arith.constant 0 : i32
        %dma_wait3A_206 = arith.constant 0 : i32
        %dma_wait3A_207 = tpu.memref_slice %arg3[%add3A_199, %dma_wait3A_205, %dma_wait3A_206] : memref<2560x2x128xi32, #tpu.memory_space<hbm>> -> memref<1x2x128xi32, #tpu.memory_space<hbm>>
        %dma_wait3A_208 = tpu.memref_squeeze %dma_wait3A_207 : memref<1x2x128xi32, #tpu.memory_space<hbm>> -> memref<2x128xi32, #tpu.memory_space<hbm>>
        %dma_wait3A_209 = arith.constant 0 : i32
        %dma_wait3A_210 = arith.constant 0 : i32
        %dma_wait3A_211 = tpu.memref_slice %arg5[%dma_wait3A_200, %dma_wait3A_209, %dma_wait3A_210] : memref<2x2x128xi32, #tpu.memory_space<vmem>> -> memref<1x2x128xi32, #tpu.memory_space<vmem>>
        %dma_wait3A_212 = tpu.memref_squeeze %dma_wait3A_211 : memref<1x2x128xi32, #tpu.memory_space<vmem>> -> memref<2x128xi32, #tpu.memory_space<vmem>>
        %dma_wait3A_213 = arith.constant 0 : i32
        %dma_wait3A_214 = arith.constant 0 : i32
        %dma_wait3A_215 = tpu.memref_slice %arg3[%add3A_199, %dma_wait3A_213, %dma_wait3A_214] : memref<2560x2x128xi32, #tpu.memory_space<hbm>> -> memref<1x2x128xi32, #tpu.memory_space<hbm>>
        %dma_wait3A_216 = tpu.memref_squeeze %dma_wait3A_215 : memref<1x2x128xi32, #tpu.memory_space<hbm>> -> memref<2x128xi32, #tpu.memory_space<hbm>>
        tpu.wait_dma2 semaphore(%arg7 : memref<!tpu.dma_semaphore, #tpu.memory_space<semaphore_mem>>) src(%dma_wait3A_216 : memref<2x128xi32, #tpu.memory_space<hbm>>) dst(%dma_wait3A_212 : memref<2x128xi32, #tpu.memory_space<vmem>>)
        %dma_start3A_217 = arith.constant 0 : i32
        %dma_start3A_218 = arith.constant 0 : i32
        %dma_start3A_219 = arith.constant 0 : i32
        %dma_start3A_220 = arith.constant 0 : i32
        %dma_start3A_221 = arith.constant 0 : i32
        %dma_start3A_222 = tpu.memref_slice %arg6[%dma_start3A_219, %dma_start3A_220, %dma_start3A_221] : memref<2x128x128xf32, #tpu.memory_space<vmem>> -> memref<1x128x128xf32, #tpu.memory_space<vmem>>
        %dma_start3A_223 = tpu.memref_squeeze %dma_start3A_222 : memref<1x128x128xf32, #tpu.memory_space<vmem>> -> memref<128x128xf32, #tpu.memory_space<vmem>>
        %dma_start3A_224 = arith.constant 0 : i32
        %dma_start3A_225 = tpu.memref_slice %arg5[%dma_start3A_217, %dma_start3A_218, %dma_start3A_224] : memref<2x2x128xi32, #tpu.memory_space<vmem>> -> memref<1x1x128xi32, #tpu.memory_space<vmem>>
        %dma_start3A_226 = tpu.memref_squeeze %dma_start3A_225 : memref<1x1x128xi32, #tpu.memory_space<vmem>> -> memref<128xi32, #tpu.memory_space<vmem>>
        %dma_start3A_227 = arith.constant 0 : i32
        %dma_start3A_228 = arith.constant 0 : i32
        %dma_start3A_229 = tpu.memref_slice %arg2[%dma_start3A_227, %dma_start3A_228] : memref<10000x128xf32, #tpu.memory_space<hbm>> -> memref<10000x128xf32, #tpu.memory_space<hbm>>
        tpu.enqueue_indirect_dma source(%dma_start3A_229 : memref<10000x128xf32, #tpu.memory_space<hbm>>) target(%dma_start3A_223 : memref<128x128xf32, #tpu.memory_space<vmem>>) offsets(%dma_start3A_226 : memref<128xi32, #tpu.memory_space<vmem>>) semaphore(%arg9 : memref<!tpu.dma_semaphore, #tpu.memory_space<semaphore_mem>>)
      } else {
      }
      %run_scoped3A_187 = arith.constant 1 : i32
      %run_scoped3A_188 = arith.constant 1 : i32
      %run_scoped3A_189 = arith.constant 1 : i32
      "tpu.region"() ({
        %run_scoped3A_197 = tpu.sem_alloc : memref<!tpu.dma_semaphore, #tpu.memory_space<semaphore_mem>>
        %dma_start3A_198 = arith.constant 0 : i32
        %dma_start3A_199 = arith.constant 0 : i32
        %dma_start3A_200 = tpu.memref_slice %arg6[%run_scoped3A_187, %dma_start3A_198, %dma_start3A_199] : memref<2x128x128xf32, #tpu.memory_space<vmem>> -> memref<1x128x128xf32, #tpu.memory_space<vmem>>
        %dma_start3A_201 = tpu.memref_squeeze %dma_start3A_200 : memref<1x128x128xf32, #tpu.memory_space<vmem>> -> memref<128x128xf32, #tpu.memory_space<vmem>>
        %dma_start3A_202 = arith.constant 0 : i32
        %dma_start3A_203 = tpu.memref_slice %arg5[%run_scoped3A_188, %run_scoped3A_189, %dma_start3A_202] : memref<2x2x128xi32, #tpu.memory_space<vmem>> -> memref<1x1x128xi32, #tpu.memory_space<vmem>>
        %dma_start3A_204 = tpu.memref_squeeze %dma_start3A_203 : memref<1x1x128xi32, #tpu.memory_space<vmem>> -> memref<128xi32, #tpu.memory_space<vmem>>
        %dma_start3A_205 = arith.constant 0 : i32
        %dma_start3A_206 = arith.constant 0 : i32
        %dma_start3A_207 = tpu.memref_slice %arg11[%dma_start3A_205, %dma_start3A_206] : memref<10240x128xf32, #tpu.memory_space<vmem_shared>> -> memref<10240x128xf32, #tpu.memory_space<vmem_shared>>
        tpu.enqueue_indirect_dma source(%dma_start3A_201 : memref<128x128xf32, #tpu.memory_space<vmem>>) target(%dma_start3A_207 : memref<10240x128xf32, #tpu.memory_space<vmem_shared>>) offsets(%dma_start3A_204 : memref<128xi32, #tpu.memory_space<vmem>>) semaphore(%run_scoped3A_197 : memref<!tpu.dma_semaphore, #tpu.memory_space<semaphore_mem>>) {add = true}
        %dma_wait3A_208 = arith.constant 0 : i32
        %dma_wait3A_209 = arith.constant 0 : i32
        %dma_wait3A_210 = tpu.memref_slice %arg6[%run_scoped3A_187, %dma_wait3A_208, %dma_wait3A_209] : memref<2x128x128xf32, #tpu.memory_space<vmem>> -> memref<1x128x128xf32, #tpu.memory_space<vmem>>
        %dma_wait3A_211 = tpu.memref_squeeze %dma_wait3A_210 : memref<1x128x128xf32, #tpu.memory_space<vmem>> -> memref<128x128xf32, #tpu.memory_space<vmem>>
        %dma_wait3A_212 = arith.constant 0 : i32
        %dma_wait3A_213 = tpu.memref_slice %arg5[%run_scoped3A_188, %run_scoped3A_189, %dma_wait3A_212] : memref<2x2x128xi32, #tpu.memory_space<vmem>> -> memref<1x1x128xi32, #tpu.memory_space<vmem>>
        %dma_wait3A_214 = tpu.memref_squeeze %dma_wait3A_213 : memref<1x1x128xi32, #tpu.memory_space<vmem>> -> memref<128xi32, #tpu.memory_space<vmem>>
        %dma_wait3A_215 = arith.constant 0 : i32
        %dma_wait3A_216 = arith.constant 0 : i32
        %dma_wait3A_217 = tpu.memref_slice %arg11[%dma_wait3A_215, %dma_wait3A_216] : memref<10240x128xf32, #tpu.memory_space<vmem_shared>> -> memref<10240x128xf32, #tpu.memory_space<vmem_shared>>
        tpu.wait_indirect_dma semaphore(%run_scoped3A_197 : memref<!tpu.dma_semaphore, #tpu.memory_space<semaphore_mem>>) src(%dma_wait3A_211 : memref<128x128xf32, #tpu.memory_space<vmem>>) dst(%dma_wait3A_217 : memref<10240x128xf32, #tpu.memory_space<vmem_shared>>)
        tpu.yield
      }) : () -> ()
      %add3A_190 = arith.constant 2 : i32
      %add3A_191 = arith.addi %add3A_167, %add3A_190 : i32
      %lt3A_192 = arith.cmpi slt, %add3A_191, %select_n3A : i32
      %convert_element_type3A_193 = arith.extui %lt3A_192 : i1 to i32
      %cond3A_194 = arith.constant 0 : i32
      %cond3A_195 = arith.cmpi ne, %convert_element_type3A_193, %cond3A_194 : i32
      scf.if %cond3A_195 {
        %add3A_197 = arith.addi %add3A, %add3A_167 : i32
        %add3A_198 = arith.constant 2 : i32
        %add3A_199 = arith.addi %add3A_197, %add3A_198 : i32
        %dma_start3A_200 = arith.constant 1 : i32
        %dma_start3A_201 = arith.constant 0 : i32
        %dma_start3A_202 = arith.constant 0 : i32
        %dma_start3A_203 = tpu.memref_slice %arg5[%dma_start3A_200, %dma_start3A_201, %dma_start3A_202] : memref<2x2x128xi32, #tpu.memory_space<vmem>> -> memref<1x2x128xi32, #tpu.memory_space<vmem>>
        %dma_start3A_204 = tpu.memref_squeeze %dma_start3A_203 : memref<1x2x128xi32, #tpu.memory_space<vmem>> -> memref<2x128xi32, #tpu.memory_space<vmem>>
        %dma_start3A_205 = arith.constant 0 : i32
        %dma_start3A_206 = arith.constant 0 : i32
        %dma_start3A_207 = tpu.memref_slice %arg3[%add3A_199, %dma_start3A_205, %dma_start3A_206] : memref<2560x2x128xi32, #tpu.memory_space<hbm>> -> memref<1x2x128xi32, #tpu.memory_space<hbm>>
        %dma_start3A_208 = tpu.memref_squeeze %dma_start3A_207 : memref<1x2x128xi32, #tpu.memory_space<hbm>> -> memref<2x128xi32, #tpu.memory_space<hbm>>
        %dma_start3A_209 = arith.constant 0 : i32
        %dma_start3A_210 = arith.constant 0 : i32
        %dma_start3A_211 = tpu.memref_slice %arg5[%dma_start3A_200, %dma_start3A_209, %dma_start3A_210] : memref<2x2x128xi32, #tpu.memory_space<vmem>> -> memref<1x2x128xi32, #tpu.memory_space<vmem>>
        %dma_start3A_212 = tpu.memref_squeeze %dma_start3A_211 : memref<1x2x128xi32, #tpu.memory_space<vmem>> -> memref<2x128xi32, #tpu.memory_space<vmem>>
        %dma_start3A_213 = arith.constant 0 : i32
        %dma_start3A_214 = arith.constant 0 : i32
        %dma_start3A_215 = tpu.memref_slice %arg3[%add3A_199, %dma_start3A_213, %dma_start3A_214] : memref<2560x2x128xi32, #tpu.memory_space<hbm>> -> memref<1x2x128xi32, #tpu.memory_space<hbm>>
        %dma_start3A_216 = tpu.memref_squeeze %dma_start3A_215 : memref<1x2x128xi32, #tpu.memory_space<hbm>> -> memref<2x128xi32, #tpu.memory_space<hbm>>
        tpu.enqueue_dma source(%dma_start3A_216 : memref<2x128xi32, #tpu.memory_space<hbm>>) target(%dma_start3A_212 : memref<2x128xi32, #tpu.memory_space<vmem>>) target_semaphore(%arg8 : memref<!tpu.dma_semaphore, #tpu.memory_space<semaphore_mem>>)
      } else {
      }
      %while3A_196 = arith.constant 0 : i32
      scf.yield %while3A_196 : i32
    }
    %while3A_126 = arith.constant 1 : i32
    %while3A_127 = scf.for %while3A_133 = %while3A_123 to %while3A_119 step %while3A_126 iter_args(%while3A_134 = %while3A_125) -> (i32)  : i32 {
      %mul3A_135 = arith.constant 2 : i32
      %mul3A_136 = arith.muli %mul3A_135, %while3A_133 : i32
      %add3A_137 = arith.constant 0 : i32
      %add3A_138 = arith.addi %mul3A_136, %add3A_137 : i32
      %dma_wait3A_139 = arith.constant 0 : i32
      %dma_wait3A_140 = arith.constant 0 : i32
      %dma_wait3A_141 = arith.constant 0 : i32
      %dma_wait3A_142 = arith.constant 0 : i32
      %dma_wait3A_143 = arith.constant 0 : i32
      %dma_wait3A_144 = tpu.memref_slice %arg6[%dma_wait3A_141, %dma_wait3A_142, %dma_wait3A_143] : memref<2x128x128xf32, #tpu.memory_space<vmem>> -> memref<1x128x128xf32, #tpu.memory_space<vmem>>
      %dma_wait3A_145 = tpu.memref_squeeze %dma_wait3A_144 : memref<1x128x128xf32, #tpu.memory_space<vmem>> -> memref<128x128xf32, #tpu.memory_space<vmem>>
      %dma_wait3A_146 = arith.constant 0 : i32
      %dma_wait3A_147 = tpu.memref_slice %arg5[%dma_wait3A_139, %dma_wait3A_140, %dma_wait3A_146] : memref<2x2x128xi32, #tpu.memory_space<vmem>> -> memref<1x1x128xi32, #tpu.memory_space<vmem>>
      %dma_wait3A_148 = tpu.memref_squeeze %dma_wait3A_147 : memref<1x1x128xi32, #tpu.memory_space<vmem>> -> memref<128xi32, #tpu.memory_space<vmem>>
      %dma_wait3A_149 = arith.constant 0 : i32
      %dma_wait3A_150 = arith.constant 0 : i32
      %dma_wait3A_151 = tpu.memref_slice %arg2[%dma_wait3A_149, %dma_wait3A_150] : memref<10000x128xf32, #tpu.memory_space<hbm>> -> memref<10000x128xf32, #tpu.memory_space<hbm>>
      tpu.wait_indirect_dma semaphore(%arg9 : memref<!tpu.dma_semaphore, #tpu.memory_space<semaphore_mem>>) src(%dma_wait3A_151 : memref<10000x128xf32, #tpu.memory_space<hbm>>) dst(%dma_wait3A_145 : memref<128x128xf32, #tpu.memory_space<vmem>>)
      %add3A_152 = arith.constant 1 : i32
      %add3A_153 = arith.addi %add3A_138, %add3A_152 : i32
      %lt3A = arith.cmpi slt, %add3A_153, %select_n3A : i32
      %convert_element_type3A = arith.extui %lt3A : i1 to i32
      %cond3A = arith.constant 0 : i32
      %cond3A_154 = arith.cmpi ne, %convert_element_type3A, %cond3A : i32
      scf.if %cond3A_154 {
        %add3A_197 = arith.addi %add3A, %add3A_138 : i32
        %add3A_198 = arith.constant 1 : i32
        %add3A_199 = arith.addi %add3A_197, %add3A_198 : i32
        %dma_wait3A_200 = arith.constant 1 : i32
        %dma_wait3A_201 = arith.constant 0 : i32
        %dma_wait3A_202 = arith.constant 0 : i32
        %dma_wait3A_203 = tpu.memref_slice %arg5[%dma_wait3A_200, %dma_wait3A_201, %dma_wait3A_202] : memref<2x2x128xi32, #tpu.memory_space<vmem>> -> memref<1x2x128xi32, #tpu.memory_space<vmem>>
        %dma_wait3A_204 = tpu.memref_squeeze %dma_wait3A_203 : memref<1x2x128xi32, #tpu.memory_space<vmem>> -> memref<2x128xi32, #tpu.memory_space<vmem>>
        %dma_wait3A_205 = arith.constant 0 : i32
        %dma_wait3A_206 = arith.constant 0 : i32
        %dma_wait3A_207 = tpu.memref_slice %arg3[%add3A_199, %dma_wait3A_205, %dma_wait3A_206] : memref<2560x2x128xi32, #tpu.memory_space<hbm>> -> memref<1x2x128xi32, #tpu.memory_space<hbm>>
        %dma_wait3A_208 = tpu.memref_squeeze %dma_wait3A_207 : memref<1x2x128xi32, #tpu.memory_space<hbm>> -> memref<2x128xi32, #tpu.memory_space<hbm>>
        %dma_wait3A_209 = arith.constant 0 : i32
        %dma_wait3A_210 = arith.constant 0 : i32
        %dma_wait3A_211 = tpu.memref_slice %arg5[%dma_wait3A_200, %dma_wait3A_209, %dma_wait3A_210] : memref<2x2x128xi32, #tpu.memory_space<vmem>> -> memref<1x2x128xi32, #tpu.memory_space<vmem>>
        %dma_wait3A_212 = tpu.memref_squeeze %dma_wait3A_211 : memref<1x2x128xi32, #tpu.memory_space<vmem>> -> memref<2x128xi32, #tpu.memory_space<vmem>>
        %dma_wait3A_213 = arith.constant 0 : i32
        %dma_wait3A_214 = arith.constant 0 : i32
        %dma_wait3A_215 = tpu.memref_slice %arg3[%add3A_199, %dma_wait3A_213, %dma_wait3A_214] : memref<2560x2x128xi32, #tpu.memory_space<hbm>> -> memref<1x2x128xi32, #tpu.memory_space<hbm>>
        %dma_wait3A_216 = tpu.memref_squeeze %dma_wait3A_215 : memref<1x2x128xi32, #tpu.memory_space<hbm>> -> memref<2x128xi32, #tpu.memory_space<hbm>>
        tpu.wait_dma2 semaphore(%arg8 : memref<!tpu.dma_semaphore, #tpu.memory_space<semaphore_mem>>) src(%dma_wait3A_216 : memref<2x128xi32, #tpu.memory_space<hbm>>) dst(%dma_wait3A_212 : memref<2x128xi32, #tpu.memory_space<vmem>>)
        %dma_start3A_217 = arith.constant 1 : i32
        %dma_start3A_218 = arith.constant 0 : i32
        %dma_start3A_219 = arith.constant 1 : i32
        %dma_start3A_220 = arith.constant 0 : i32
        %dma_start3A_221 = arith.constant 0 : i32
        %dma_start3A_222 = tpu.memref_slice %arg6[%dma_start3A_219, %dma_start3A_220, %dma_start3A_221] : memref<2x128x128xf32, #tpu.memory_space<vmem>> -> memref<1x128x128xf32, #tpu.memory_space<vmem>>
        %dma_start3A_223 = tpu.memref_squeeze %dma_start3A_222 : memref<1x128x128xf32, #tpu.memory_space<vmem>> -> memref<128x128xf32, #tpu.memory_space<vmem>>
        %dma_start3A_224 = arith.constant 0 : i32
        %dma_start3A_225 = tpu.memref_slice %arg5[%dma_start3A_217, %dma_start3A_218, %dma_start3A_224] : memref<2x2x128xi32, #tpu.memory_space<vmem>> -> memref<1x1x128xi32, #tpu.memory_space<vmem>>
        %dma_start3A_226 = tpu.memref_squeeze %dma_start3A_225 : memref<1x1x128xi32, #tpu.memory_space<vmem>> -> memref<128xi32, #tpu.memory_space<vmem>>
        %dma_start3A_227 = arith.constant 0 : i32
        %dma_start3A_228 = arith.constant 0 : i32
        %dma_start3A_229 = tpu.memref_slice %arg2[%dma_start3A_227, %dma_start3A_228] : memref<10000x128xf32, #tpu.memory_space<hbm>> -> memref<10000x128xf32, #tpu.memory_space<hbm>>
        tpu.enqueue_indirect_dma source(%dma_start3A_229 : memref<10000x128xf32, #tpu.memory_space<hbm>>) target(%dma_start3A_223 : memref<128x128xf32, #tpu.memory_space<vmem>>) offsets(%dma_start3A_226 : memref<128xi32, #tpu.memory_space<vmem>>) semaphore(%arg10 : memref<!tpu.dma_semaphore, #tpu.memory_space<semaphore_mem>>)
      } else {
      }
      %run_scoped3A_155 = arith.constant 0 : i32
      %run_scoped3A_156 = arith.constant 0 : i32
      %run_scoped3A_157 = arith.constant 1 : i32
      "tpu.region"() ({
        %run_scoped3A_197 = tpu.sem_alloc : memref<!tpu.dma_semaphore, #tpu.memory_space<semaphore_mem>>
        %dma_start3A_198 = arith.constant 0 : i32
        %dma_start3A_199 = arith.constant 0 : i32
        %dma_start3A_200 = tpu.memref_slice %arg6[%run_scoped3A_155, %dma_start3A_198, %dma_start3A_199] : memref<2x128x128xf32, #tpu.memory_space<vmem>> -> memref<1x128x128xf32, #tpu.memory_space<vmem>>
        %dma_start3A_201 = tpu.memref_squeeze %dma_start3A_200 : memref<1x128x128xf32, #tpu.memory_space<vmem>> -> memref<128x128xf32, #tpu.memory_space<vmem>>
        %dma_start3A_202 = arith.constant 0 : i32
        %dma_start3A_203 = tpu.memref_slice %arg5[%run_scoped3A_156, %run_scoped3A_157, %dma_start3A_202] : memref<2x2x128xi32, #tpu.memory_space<vmem>> -> memref<1x1x128xi32, #tpu.memory_space<vmem>>
        %dma_start3A_204 = tpu.memref_squeeze %dma_start3A_203 : memref<1x1x128xi32, #tpu.memory_space<vmem>> -> memref<128xi32, #tpu.memory_space<vmem>>
        %dma_start3A_205 = arith.constant 0 : i32
        %dma_start3A_206 = arith.constant 0 : i32
        %dma_start3A_207 = tpu.memref_slice %arg11[%dma_start3A_205, %dma_start3A_206] : memref<10240x128xf32, #tpu.memory_space<vmem_shared>> -> memref<10240x128xf32, #tpu.memory_space<vmem_shared>>
        tpu.enqueue_indirect_dma source(%dma_start3A_201 : memref<128x128xf32, #tpu.memory_space<vmem>>) target(%dma_start3A_207 : memref<10240x128xf32, #tpu.memory_space<vmem_shared>>) offsets(%dma_start3A_204 : memref<128xi32, #tpu.memory_space<vmem>>) semaphore(%run_scoped3A_197 : memref<!tpu.dma_semaphore, #tpu.memory_space<semaphore_mem>>) {add = true}
        %dma_wait3A_208 = arith.constant 0 : i32
        %dma_wait3A_209 = arith.constant 0 : i32
        %dma_wait3A_210 = tpu.memref_slice %arg6[%run_scoped3A_155, %dma_wait3A_208, %dma_wait3A_209] : memref<2x128x128xf32, #tpu.memory_space<vmem>> -> memref<1x128x128xf32, #tpu.memory_space<vmem>>
        %dma_wait3A_211 = tpu.memref_squeeze %dma_wait3A_210 : memref<1x128x128xf32, #tpu.memory_space<vmem>> -> memref<128x128xf32, #tpu.memory_space<vmem>>
        %dma_wait3A_212 = arith.constant 0 : i32
        %dma_wait3A_213 = tpu.memref_slice %arg5[%run_scoped3A_156, %run_scoped3A_157, %dma_wait3A_212] : memref<2x2x128xi32, #tpu.memory_space<vmem>> -> memref<1x1x128xi32, #tpu.memory_space<vmem>>
        %dma_wait3A_214 = tpu.memref_squeeze %dma_wait3A_213 : memref<1x1x128xi32, #tpu.memory_space<vmem>> -> memref<128xi32, #tpu.memory_space<vmem>>
        %dma_wait3A_215 = arith.constant 0 : i32
        %dma_wait3A_216 = arith.constant 0 : i32
        %dma_wait3A_217 = tpu.memref_slice %arg11[%dma_wait3A_215, %dma_wait3A_216] : memref<10240x128xf32, #tpu.memory_space<vmem_shared>> -> memref<10240x128xf32, #tpu.memory_space<vmem_shared>>
        tpu.wait_indirect_dma semaphore(%run_scoped3A_197 : memref<!tpu.dma_semaphore, #tpu.memory_space<semaphore_mem>>) src(%dma_wait3A_211 : memref<128x128xf32, #tpu.memory_space<vmem>>) dst(%dma_wait3A_217 : memref<10240x128xf32, #tpu.memory_space<vmem_shared>>)
        tpu.yield
      }) : () -> ()
      %add3A_158 = arith.constant 2 : i32
      %add3A_159 = arith.addi %add3A_138, %add3A_158 : i32
      %lt3A_160 = arith.cmpi slt, %add3A_159, %select_n3A : i32
      %convert_element_type3A_161 = arith.extui %lt3A_160 : i1 to i32
      %cond3A_162 = arith.constant 0 : i32
      %cond3A_163 = arith.cmpi ne, %convert_element_type3A_161, %cond3A_162 : i32
      scf.if %cond3A_163 {
        %add3A_197 = arith.addi %add3A, %add3A_138 : i32
        %add3A_198 = arith.constant 2 : i32
        %add3A_199 = arith.addi %add3A_197, %add3A_198 : i32
        %dma_start3A_200 = arith.constant 0 : i32
        %dma_start3A_201 = arith.constant 0 : i32
        %dma_start3A_202 = arith.constant 0 : i32
        %dma_start3A_203 = tpu.memref_slice %arg5[%dma_start3A_200, %dma_start3A_201, %dma_start3A_202] : memref<2x2x128xi32, #tpu.memory_space<vmem>> -> memref<1x2x128xi32, #tpu.memory_space<vmem>>
        %dma_start3A_204 = tpu.memref_squeeze %dma_start3A_203 : memref<1x2x128xi32, #tpu.memory_space<vmem>> -> memref<2x128xi32, #tpu.memory_space<vmem>>
        %dma_start3A_205 = arith.constant 0 : i32
        %dma_start3A_206 = arith.constant 0 : i32
        %dma_start3A_207 = tpu.memref_slice %arg3[%add3A_199, %dma_start3A_205, %dma_start3A_206] : memref<2560x2x128xi32, #tpu.memory_space<hbm>> -> memref<1x2x128xi32, #tpu.memory_space<hbm>>
        %dma_start3A_208 = tpu.memref_squeeze %dma_start3A_207 : memref<1x2x128xi32, #tpu.memory_space<hbm>> -> memref<2x128xi32, #tpu.memory_space<hbm>>
        %dma_start3A_209 = arith.constant 0 : i32
        %dma_start3A_210 = arith.constant 0 : i32
        %dma_start3A_211 = tpu.memref_slice %arg5[%dma_start3A_200, %dma_start3A_209, %dma_start3A_210] : memref<2x2x128xi32, #tpu.memory_space<vmem>> -> memref<1x2x128xi32, #tpu.memory_space<vmem>>
        %dma_start3A_212 = tpu.memref_squeeze %dma_start3A_211 : memref<1x2x128xi32, #tpu.memory_space<vmem>> -> memref<2x128xi32, #tpu.memory_space<vmem>>
        %dma_start3A_213 = arith.constant 0 : i32
        %dma_start3A_214 = arith.constant 0 : i32
        %dma_start3A_215 = tpu.memref_slice %arg3[%add3A_199, %dma_start3A_213, %dma_start3A_214] : memref<2560x2x128xi32, #tpu.memory_space<hbm>> -> memref<1x2x128xi32, #tpu.memory_space<hbm>>
        %dma_start3A_216 = tpu.memref_squeeze %dma_start3A_215 : memref<1x2x128xi32, #tpu.memory_space<hbm>> -> memref<2x128xi32, #tpu.memory_space<hbm>>
        tpu.enqueue_dma source(%dma_start3A_216 : memref<2x128xi32, #tpu.memory_space<hbm>>) target(%dma_start3A_212 : memref<2x128xi32, #tpu.memory_space<vmem>>) target_semaphore(%arg7 : memref<!tpu.dma_semaphore, #tpu.memory_space<semaphore_mem>>)
      } else {
      }
      %mul3A_164 = arith.constant 2 : i32
      %mul3A_165 = arith.muli %mul3A_164, %while3A_133 : i32
      %add3A_166 = arith.constant 1 : i32
      %add3A_167 = arith.addi %mul3A_165, %add3A_166 : i32
      %dma_wait3A_168 = arith.constant 1 : i32
      %dma_wait3A_169 = arith.constant 0 : i32
      %dma_wait3A_170 = arith.constant 1 : i32
      %dma_wait3A_171 = arith.constant 0 : i32
      %dma_wait3A_172 = arith.constant 0 : i32
      %dma_wait3A_173 = tpu.memref_slice %arg6[%dma_wait3A_170, %dma_wait3A_171, %dma_wait3A_172] : memref<2x128x128xf32, #tpu.memory_space<vmem>> -> memref<1x128x128xf32, #tpu.memory_space<vmem>>
      %dma_wait3A_174 = tpu.memref_squeeze %dma_wait3A_173 : memref<1x128x128xf32, #tpu.memory_space<vmem>> -> memref<128x128xf32, #tpu.memory_space<vmem>>
      %dma_wait3A_175 = arith.constant 0 : i32
      %dma_wait3A_176 = tpu.memref_slice %arg5[%dma_wait3A_168, %dma_wait3A_169, %dma_wait3A_175] : memref<2x2x128xi32, #tpu.memory_space<vmem>> -> memref<1x1x128xi32, #tpu.memory_space<vmem>>
      %dma_wait3A_177 = tpu.memref_squeeze %dma_wait3A_176 : memref<1x1x128xi32, #tpu.memory_space<vmem>> -> memref<128xi32, #tpu.memory_space<vmem>>
      %dma_wait3A_178 = arith.constant 0 : i32
      %dma_wait3A_179 = arith.constant 0 : i32
      %dma_wait3A_180 = tpu.memref_slice %arg2[%dma_wait3A_178, %dma_wait3A_179] : memref<10000x128xf32, #tpu.memory_space<hbm>> -> memref<10000x128xf32, #tpu.memory_space<hbm>>
      tpu.wait_indirect_dma semaphore(%arg10 : memref<!tpu.dma_semaphore, #tpu.memory_space<semaphore_mem>>) src(%dma_wait3A_180 : memref<10000x128xf32, #tpu.memory_space<hbm>>) dst(%dma_wait3A_174 : memref<128x128xf32, #tpu.memory_space<vmem>>)
      %add3A_181 = arith.constant 1 : i32
      %add3A_182 = arith.addi %add3A_167, %add3A_181 : i32
      %lt3A_183 = arith.cmpi slt, %add3A_182, %select_n3A : i32
      %convert_element_type3A_184 = arith.extui %lt3A_183 : i1 to i32
      %cond3A_185 = arith.constant 0 : i32
      %cond3A_186 = arith.cmpi ne, %convert_element_type3A_184, %cond3A_185 : i32
      scf.if %cond3A_186 {
        %add3A_197 = arith.addi %add3A, %add3A_167 : i32
        %add3A_198 = arith.constant 1 : i32
        %add3A_199 = arith.addi %add3A_197, %add3A_198 : i32
        %dma_wait3A_200 = arith.constant 0 : i32
        %dma_wait3A_201 = arith.constant 0 : i32
        %dma_wait3A_202 = arith.constant 0 : i32
        %dma_wait3A_203 = tpu.memref_slice %arg5[%dma_wait3A_200, %dma_wait3A_201, %dma_wait3A_202] : memref<2x2x128xi32, #tpu.memory_space<vmem>> -> memref<1x2x128xi32, #tpu.memory_space<vmem>>
        %dma_wait3A_204 = tpu.memref_squeeze %dma_wait3A_203 : memref<1x2x128xi32, #tpu.memory_space<vmem>> -> memref<2x128xi32, #tpu.memory_space<vmem>>
        %dma_wait3A_205 = arith.constant 0 : i32
        %dma_wait3A_206 = arith.constant 0 : i32
        %dma_wait3A_207 = tpu.memref_slice %arg3[%add3A_199, %dma_wait3A_205, %dma_wait3A_206] : memref<2560x2x128xi32, #tpu.memory_space<hbm>> -> memref<1x2x128xi32, #tpu.memory_space<hbm>>
        %dma_wait3A_208 = tpu.memref_squeeze %dma_wait3A_207 : memref<1x2x128xi32, #tpu.memory_space<hbm>> -> memref<2x128xi32, #tpu.memory_space<hbm>>
        %dma_wait3A_209 = arith.constant 0 : i32
        %dma_wait3A_210 = arith.constant 0 : i32
        %dma_wait3A_211 = tpu.memref_slice %arg5[%dma_wait3A_200, %dma_wait3A_209, %dma_wait3A_210] : memref<2x2x128xi32, #tpu.memory_space<vmem>> -> memref<1x2x128xi32, #tpu.memory_space<vmem>>
        %dma_wait3A_212 = tpu.memref_squeeze %dma_wait3A_211 : memref<1x2x128xi32, #tpu.memory_space<vmem>> -> memref<2x128xi32, #tpu.memory_space<vmem>>
        %dma_wait3A_213 = arith.constant 0 : i32
        %dma_wait3A_214 = arith.constant 0 : i32
        %dma_wait3A_215 = tpu.memref_slice %arg3[%add3A_199, %dma_wait3A_213, %dma_wait3A_214] : memref<2560x2x128xi32, #tpu.memory_space<hbm>> -> memref<1x2x128xi32, #tpu.memory_space<hbm>>
        %dma_wait3A_216 = tpu.memref_squeeze %dma_wait3A_215 : memref<1x2x128xi32, #tpu.memory_space<hbm>> -> memref<2x128xi32, #tpu.memory_space<hbm>>
        tpu.wait_dma2 semaphore(%arg7 : memref<!tpu.dma_semaphore, #tpu.memory_space<semaphore_mem>>) src(%dma_wait3A_216 : memref<2x128xi32, #tpu.memory_space<hbm>>) dst(%dma_wait3A_212 : memref<2x128xi32, #tpu.memory_space<vmem>>)
        %dma_start3A_217 = arith.constant 0 : i32
        %dma_start3A_218 = arith.constant 0 : i32
        %dma_start3A_219 = arith.constant 0 : i32
        %dma_start3A_220 = arith.constant 0 : i32
        %dma_start3A_221 = arith.constant 0 : i32
        %dma_start3A_222 = tpu.memref_slice %arg6[%dma_start3A_219, %dma_start3A_220, %dma_start3A_221] : memref<2x128x128xf32, #tpu.memory_space<vmem>> -> memref<1x128x128xf32, #tpu.memory_space<vmem>>
        %dma_start3A_223 = tpu.memref_squeeze %dma_start3A_222 : memref<1x128x128xf32, #tpu.memory_space<vmem>> -> memref<128x128xf32, #tpu.memory_space<vmem>>
        %dma_start3A_224 = arith.constant 0 : i32
        %dma_start3A_225 = tpu.memref_slice %arg5[%dma_start3A_217, %dma_start3A_218, %dma_start3A_224] : memref<2x2x128xi32, #tpu.memory_space<vmem>> -> memref<1x1x128xi32, #tpu.memory_space<vmem>>
        %dma_start3A_226 = tpu.memref_squeeze %dma_start3A_225 : memref<1x1x128xi32, #tpu.memory_space<vmem>> -> memref<128xi32, #tpu.memory_space<vmem>>
        %dma_start3A_227 = arith.constant 0 : i32
        %dma_start3A_228 = arith.constant 0 : i32
        %dma_start3A_229 = tpu.memref_slice %arg2[%dma_start3A_227, %dma_start3A_228] : memref<10000x128xf32, #tpu.memory_space<hbm>> -> memref<10000x128xf32, #tpu.memory_space<hbm>>
        tpu.enqueue_indirect_dma source(%dma_start3A_229 : memref<10000x128xf32, #tpu.memory_space<hbm>>) target(%dma_start3A_223 : memref<128x128xf32, #tpu.memory_space<vmem>>) offsets(%dma_start3A_226 : memref<128xi32, #tpu.memory_space<vmem>>) semaphore(%arg9 : memref<!tpu.dma_semaphore, #tpu.memory_space<semaphore_mem>>)
      } else {
      }
      %run_scoped3A_187 = arith.constant 1 : i32
      %run_scoped3A_188 = arith.constant 1 : i32
      %run_scoped3A_189 = arith.constant 1 : i32
      "tpu.region"() ({
        %run_scoped3A_197 = tpu.sem_alloc : memref<!tpu.dma_semaphore, #tpu.memory_space<semaphore_mem>>
        %dma_start3A_198 = arith.constant 0 : i32
        %dma_start3A_199 = arith.constant 0 : i32
        %dma_start3A_200 = tpu.memref_slice %arg6[%run_scoped3A_187, %dma_start3A_198, %dma_start3A_199] : memref<2x128x128xf32, #tpu.memory_space<vmem>> -> memref<1x128x128xf32, #tpu.memory_space<vmem>>
        %dma_start3A_201 = tpu.memref_squeeze %dma_start3A_200 : memref<1x128x128xf32, #tpu.memory_space<vmem>> -> memref<128x128xf32, #tpu.memory_space<vmem>>
        %dma_start3A_202 = arith.constant 0 : i32
        %dma_start3A_203 = tpu.memref_slice %arg5[%run_scoped3A_188, %run_scoped3A_189, %dma_start3A_202] : memref<2x2x128xi32, #tpu.memory_space<vmem>> -> memref<1x1x128xi32, #tpu.memory_space<vmem>>
        %dma_start3A_204 = tpu.memref_squeeze %dma_start3A_203 : memref<1x1x128xi32, #tpu.memory_space<vmem>> -> memref<128xi32, #tpu.memory_space<vmem>>
        %dma_start3A_205 = arith.constant 0 : i32
        %dma_start3A_206 = arith.constant 0 : i32
        %dma_start3A_207 = tpu.memref_slice %arg11[%dma_start3A_205, %dma_start3A_206] : memref<10240x128xf32, #tpu.memory_space<vmem_shared>> -> memref<10240x128xf32, #tpu.memory_space<vmem_shared>>
        tpu.enqueue_indirect_dma source(%dma_start3A_201 : memref<128x128xf32, #tpu.memory_space<vmem>>) target(%dma_start3A_207 : memref<10240x128xf32, #tpu.memory_space<vmem_shared>>) offsets(%dma_start3A_204 : memref<128xi32, #tpu.memory_space<vmem>>) semaphore(%run_scoped3A_197 : memref<!tpu.dma_semaphore, #tpu.memory_space<semaphore_mem>>) {add = true}
        %dma_wait3A_208 = arith.constant 0 : i32
        %dma_wait3A_209 = arith.constant 0 : i32
        %dma_wait3A_210 = tpu.memref_slice %arg6[%run_scoped3A_187, %dma_wait3A_208, %dma_wait3A_209] : memref<2x128x128xf32, #tpu.memory_space<vmem>> -> memref<1x128x128xf32, #tpu.memory_space<vmem>>
        %dma_wait3A_211 = tpu.memref_squeeze %dma_wait3A_210 : memref<1x128x128xf32, #tpu.memory_space<vmem>> -> memref<128x128xf32, #tpu.memory_space<vmem>>
        %dma_wait3A_212 = arith.constant 0 : i32
        %dma_wait3A_213 = tpu.memref_slice %arg5[%run_scoped3A_188, %run_scoped3A_189, %dma_wait3A_212] : memref<2x2x128xi32, #tpu.memory_space<vmem>> -> memref<1x1x128xi32, #tpu.memory_space<vmem>>
        %dma_wait3A_214 = tpu.memref_squeeze %dma_wait3A_213 : memref<1x1x128xi32, #tpu.memory_space<vmem>> -> memref<128xi32, #tpu.memory_space<vmem>>
        %dma_wait3A_215 = arith.constant 0 : i32
        %dma_wait3A_216 = arith.constant 0 : i32
        %dma_wait3A_217 = tpu.memref_slice %arg11[%dma_wait3A_215, %dma_wait3A_216] : memref<10240x128xf32, #tpu.memory_space<vmem_shared>> -> memref<10240x128xf32, #tpu.memory_space<vmem_shared>>
        tpu.wait_indirect_dma semaphore(%run_scoped3A_197 : memref<!tpu.dma_semaphore, #tpu.memory_space<semaphore_mem>>) src(%dma_wait3A_211 : memref<128x128xf32, #tpu.memory_space<vmem>>) dst(%dma_wait3A_217 : memref<10240x128xf32, #tpu.memory_space<vmem_shared>>)
        tpu.yield
      }) : () -> ()
      %add3A_190 = arith.constant 2 : i32
      %add3A_191 = arith.addi %add3A_167, %add3A_190 : i32
      %lt3A_192 = arith.cmpi slt, %add3A_191, %select_n3A : i32
      %convert_element_type3A_193 = arith.extui %lt3A_192 : i1 to i32
      %cond3A_194 = arith.constant 0 : i32
      %cond3A_195 = arith.cmpi ne, %convert_element_type3A_193, %cond3A_194 : i32
      scf.if %cond3A_195 {
        %add3A_197 = arith.addi %add3A, %add3A_167 : i32
        %add3A_198 = arith.constant 2 : i32
        %add3A_199 = arith.addi %add3A_197, %add3A_198 : i32
        %dma_start3A_200 = arith.constant 1 : i32
        %dma_start3A_201 = arith.constant 0 : i32
        %dma_start3A_202 = arith.constant 0 : i32
        %dma_start3A_203 = tpu.memref_slice %arg5[%dma_start3A_200, %dma_start3A_201, %dma_start3A_202] : memref<2x2x128xi32, #tpu.memory_space<vmem>> -> memref<1x2x128xi32, #tpu.memory_space<vmem>>
        %dma_start3A_204 = tpu.memref_squeeze %dma_start3A_203 : memref<1x2x128xi32, #tpu.memory_space<vmem>> -> memref<2x128xi32, #tpu.memory_space<vmem>>
        %dma_start3A_205 = arith.constant 0 : i32
        %dma_start3A_206 = arith.constant 0 : i32
        %dma_start3A_207 = tpu.memref_slice %arg3[%add3A_199, %dma_start3A_205, %dma_start3A_206] : memref<2560x2x128xi32, #tpu.memory_space<hbm>> -> memref<1x2x128xi32, #tpu.memory_space<hbm>>
        %dma_start3A_208 = tpu.memref_squeeze %dma_start3A_207 : memref<1x2x128xi32, #tpu.memory_space<hbm>> -> memref<2x128xi32, #tpu.memory_space<hbm>>
        %dma_start3A_209 = arith.constant 0 : i32
        %dma_start3A_210 = arith.constant 0 : i32
        %dma_start3A_211 = tpu.memref_slice %arg5[%dma_start3A_200, %dma_start3A_209, %dma_start3A_210] : memref<2x2x128xi32, #tpu.memory_space<vmem>> -> memref<1x2x128xi32, #tpu.memory_space<vmem>>
        %dma_start3A_212 = tpu.memref_squeeze %dma_start3A_211 : memref<1x2x128xi32, #tpu.memory_space<vmem>> -> memref<2x128xi32, #tpu.memory_space<vmem>>
        %dma_start3A_213 = arith.constant 0 : i32
        %dma_start3A_214 = arith.constant 0 : i32
        %dma_start3A_215 = tpu.memref_slice %arg3[%add3A_199, %dma_start3A_213, %dma_start3A_214] : memref<2560x2x128xi32, #tpu.memory_space<hbm>> -> memref<1x2x128xi32, #tpu.memory_space<hbm>>
        %dma_start3A_216 = tpu.memref_squeeze %dma_start3A_215 : memref<1x2x128xi32, #tpu.memory_space<hbm>> -> memref<2x128xi32, #tpu.memory_space<hbm>>
        tpu.enqueue_dma source(%dma_start3A_216 : memref<2x128xi32, #tpu.memory_space<hbm>>) target(%dma_start3A_212 : memref<2x128xi32, #tpu.memory_space<vmem>>) target_semaphore(%arg8 : memref<!tpu.dma_semaphore, #tpu.memory_space<semaphore_mem>>)
      } else {
      }
      %while3A_196 = arith.constant 0 : i32
      scf.yield %while3A_196 : i32
    }
    %barrier3A_128 = arith.constant 0 : index
    tpu.barrier barrier_id(%barrier3A_128)
    %mul3A_129 = arith.constant 640 : i32
    %mul3A_130 = arith.muli %arg1, %mul3A_129 : i32
    %mul3A_131 = arith.constant 640 : i32
    %mul3A_132 = arith.muli %arg1, %mul3A_131 : i32
    "tpu.region"() ({
      %run_scoped3A_133 = tpu.sem_alloc : memref<!tpu.dma_semaphore, #tpu.memory_space<semaphore_mem>>
      %dma_start3A_134 = arith.constant 0 : i32
      %dma_start3A_135 = tpu.memref_slice %arg4[%arg0, %mul3A_132, %dma_start3A_134] : memref<2x10240x128xf32, #tpu.memory_space<hbm>> -> memref<1x640x128xf32, #tpu.memory_space<hbm>>
      %dma_start3A_136 = tpu.memref_squeeze %dma_start3A_135 : memref<1x640x128xf32, #tpu.memory_space<hbm>> -> memref<640x128xf32, #tpu.memory_space<hbm>>
      %dma_start3A_137 = arith.constant 0 : i32
      %dma_start3A_138 = tpu.memref_slice %arg11[%mul3A_130, %dma_start3A_137] : memref<10240x128xf32, #tpu.memory_space<vmem_shared>> -> memref<640x128xf32, #tpu.memory_space<vmem_shared>>
      tpu.enqueue_dma source(%dma_start3A_138 : memref<640x128xf32, #tpu.memory_space<vmem_shared>>) target(%dma_start3A_136 : memref<640x128xf32, #tpu.memory_space<hbm>>) target_semaphore(%run_scoped3A_133 : memref<!tpu.dma_semaphore, #tpu.memory_space<semaphore_mem>>)
      %dma_wait3A_139 = arith.constant 0 : i32
      %dma_wait3A_140 = tpu.memref_slice %arg4[%arg0, %mul3A_132, %dma_wait3A_139] : memref<2x10240x128xf32, #tpu.memory_space<hbm>> -> memref<1x640x128xf32, #tpu.memory_space<hbm>>
      %dma_wait3A_141 = tpu.memref_squeeze %dma_wait3A_140 : memref<1x640x128xf32, #tpu.memory_space<hbm>> -> memref<640x128xf32, #tpu.memory_space<hbm>>
      %dma_wait3A_142 = arith.constant 0 : i32
      %dma_wait3A_143 = tpu.memref_slice %arg11[%mul3A_130, %dma_wait3A_142] : memref<10240x128xf32, #tpu.memory_space<vmem_shared>> -> memref<640x128xf32, #tpu.memory_space<vmem_shared>>
      tpu.wait_dma2 semaphore(%run_scoped3A_133 : memref<!tpu.dma_semaphore, #tpu.memory_space<semaphore_mem>>) src(%dma_wait3A_143 : memref<640x128xf32, #tpu.memory_space<vmem_shared>>) dst(%dma_wait3A_141 : memref<640x128xf32, #tpu.memory_space<hbm>>)
      tpu.yield
    }) : () -> ()
    return
  }
}

#map = affine_map<(d0, d1) -> (0, 0, 0, 0)>
#map1 = affine_map<(d0, d1) -> (0, 0, 0)>
module attributes {stable_mosaic.version = 14 : i64} {
  func.func @_deg_kernel(%arg0: i32, %arg1: i32, %arg2: memref<2x16x80x128xi32, #tpu.memory_space<hbm>>, %arg3: memref<2x10240x16xf32, #tpu.memory_space<hbm>>, %arg4: memref<80x128xi32, #tpu.memory_space<vmem>>, %arg5: memref<128x16xf32, #tpu.memory_space<vmem>>, %arg6: memref<128x16xf32, #tpu.memory_space<vmem>>, %arg7: memref<10240x16xf32, #tpu.memory_space<vmem_shared>>) attributes {dimension_semantics = [#tpu.dimension_semantics<core_parallel>, #tpu.dimension_semantics<subcore_parallel>], iteration_bounds = array<i64: 2, 16>, scalar_prefetch = 0 : i64, scratch_operands = 4 : i64, tpu.core_type = #tpu.core_type<sc_vector_subcore>, window_params = [{transform_indices = #map}, {transform_indices = #map1}]} {
    "tpu.region"() ({
      %run_scoped3A = tpu.sem_alloc : memref<!tpu.dma_semaphore, #tpu.memory_space<semaphore_mem>>
      %dma_start3A = arith.constant 0 : i32
      %dma_start3A_43 = arith.constant 0 : i32
      %dma_start3A_44 = tpu.memref_slice %arg2[%arg0, %arg1, %dma_start3A, %dma_start3A_43] : memref<2x16x80x128xi32, #tpu.memory_space<hbm>> -> memref<1x1x80x128xi32, #tpu.memory_space<hbm>>
      %dma_start3A_45 = tpu.memref_squeeze %dma_start3A_44 : memref<1x1x80x128xi32, #tpu.memory_space<hbm>> -> memref<80x128xi32, #tpu.memory_space<hbm>>
      %dma_start3A_46 = arith.constant 0 : i32
      %dma_start3A_47 = arith.constant 0 : i32
      %dma_start3A_48 = tpu.memref_slice %arg2[%arg0, %arg1, %dma_start3A_46, %dma_start3A_47] : memref<2x16x80x128xi32, #tpu.memory_space<hbm>> -> memref<1x1x80x128xi32, #tpu.memory_space<hbm>>
      %dma_start3A_49 = tpu.memref_squeeze %dma_start3A_48 : memref<1x1x80x128xi32, #tpu.memory_space<hbm>> -> memref<80x128xi32, #tpu.memory_space<hbm>>
      tpu.enqueue_dma source(%dma_start3A_49 : memref<80x128xi32, #tpu.memory_space<hbm>>) target(%arg4 : memref<80x128xi32, #tpu.memory_space<vmem>>) target_semaphore(%run_scoped3A : memref<!tpu.dma_semaphore, #tpu.memory_space<semaphore_mem>>)
      %dma_wait3A = arith.constant 0 : i32
      %dma_wait3A_50 = arith.constant 0 : i32
      %dma_wait3A_51 = tpu.memref_slice %arg2[%arg0, %arg1, %dma_wait3A, %dma_wait3A_50] : memref<2x16x80x128xi32, #tpu.memory_space<hbm>> -> memref<1x1x80x128xi32, #tpu.memory_space<hbm>>
      %dma_wait3A_52 = tpu.memref_squeeze %dma_wait3A_51 : memref<1x1x80x128xi32, #tpu.memory_space<hbm>> -> memref<80x128xi32, #tpu.memory_space<hbm>>
      %dma_wait3A_53 = arith.constant 0 : i32
      %dma_wait3A_54 = arith.constant 0 : i32
      %dma_wait3A_55 = tpu.memref_slice %arg2[%arg0, %arg1, %dma_wait3A_53, %dma_wait3A_54] : memref<2x16x80x128xi32, #tpu.memory_space<hbm>> -> memref<1x1x80x128xi32, #tpu.memory_space<hbm>>
      %dma_wait3A_56 = tpu.memref_squeeze %dma_wait3A_55 : memref<1x1x80x128xi32, #tpu.memory_space<hbm>> -> memref<80x128xi32, #tpu.memory_space<hbm>>
      tpu.wait_dma2 semaphore(%run_scoped3A : memref<!tpu.dma_semaphore, #tpu.memory_space<semaphore_mem>>) src(%dma_wait3A_56 : memref<80x128xi32, #tpu.memory_space<hbm>>) dst(%arg4 : memref<80x128xi32, #tpu.memory_space<vmem>>)
      tpu.yield
    }) : () -> ()
    %scan3A = arith.constant 0 : i32
    %scan3A_0 = arith.constant 0 : i32
    %scan3A_1 = arith.constant 128 : i32
    %scan3A_2 = arith.addi %scan3A_0, %scan3A_1 : i32
    %scan3A_3 = arith.constant 1 : i32
    %scan3A_4 = scf.for %scan3A_43 = %scan3A_0 to %scan3A_2 step %scan3A_3 iter_args(%scan3A_44 = %scan3A) -> (i32)  : i32 {
      %broadcast_in_dim3A = arith.constant 1.000000e+00 : f32
      %broadcast_in_dim3A_45 = vector.broadcast %broadcast_in_dim3A : f32 to vector<16xf32>
      %swap3A = arith.index_cast %scan3A_43 : i32 to index
      %swap3A_46 = arith.constant 0 : index
      %swap3A_47 = tpu.vector_load %arg5[%swap3A, %swap3A_46] {strides = array<i32>} : memref<128x16xf32, #tpu.memory_space<vmem>>, vector<1x16xf32>,
      %swap3A_48 = vector.shape_cast %swap3A_47 : vector<1x16xf32> to vector<16xf32>
      %swap3A_49 = vector.shape_cast %broadcast_in_dim3A_45 : vector<16xf32> to vector<1x16xf32>
      tpu.vector_store %arg5[%swap3A, %swap3A_46], %swap3A_49 {strides = array<i32>} : memref<128x16xf32, #tpu.memory_space<vmem>>, vector<1x16xf32>,
      %scan3A_50 = arith.constant 0 : i32
      scf.yield %scan3A_50 : i32
    }
    %scan3A_5 = arith.constant 128 : i32
    %scan3A_6 = arith.constant 0 : i32
    %scan3A_7 = arith.constant 0 : i32
    %scan3A_8 = arith.constant 128 : i32
    %scan3A_9 = arith.addi %scan3A_7, %scan3A_8 : i32
    %scan3A_10 = arith.constant 1 : i32
    %scan3A_11 = scf.for %scan3A_43 = %scan3A_7 to %scan3A_9 step %scan3A_10 iter_args(%scan3A_44 = %scan3A_6) -> (i32)  : i32 {
      %broadcast_in_dim3A = arith.constant 0.000000e+00 : f32
      %broadcast_in_dim3A_45 = vector.broadcast %broadcast_in_dim3A : f32 to vector<16xf32>
      %swap3A = arith.index_cast %scan3A_43 : i32 to index
      %swap3A_46 = arith.constant 0 : index
      %swap3A_47 = tpu.vector_load %arg6[%swap3A, %swap3A_46] {strides = array<i32>} : memref<128x16xf32, #tpu.memory_space<vmem>>, vector<1x16xf32>,
      %swap3A_48 = vector.shape_cast %swap3A_47 : vector<1x16xf32> to vector<16xf32>
      %swap3A_49 = vector.shape_cast %broadcast_in_dim3A_45 : vector<16xf32> to vector<1x16xf32>
      tpu.vector_store %arg6[%swap3A, %swap3A_46], %swap3A_49 {strides = array<i32>} : memref<128x16xf32, #tpu.memory_space<vmem>>, vector<1x16xf32>,
      %scan3A_50 = arith.constant 0 : i32
      scf.yield %scan3A_50 : i32
    }
    %scan3A_12 = arith.constant 128 : i32
    %mul3A = arith.constant 640 : i32
    %mul3A_13 = arith.muli %arg1, %mul3A : i32
    %add3A = arith.constant 0 : i32
    %add3A_14 = arith.addi %mul3A_13, %add3A : i32
    "tpu.region"() ({
      %run_scoped3A = tpu.sem_alloc : memref<!tpu.dma_semaphore, #tpu.memory_space<semaphore_mem>>
      %dma_start3A = arith.constant 0 : i32
      %dma_start3A_43 = tpu.memref_slice %arg7[%add3A_14, %dma_start3A] : memref<10240x16xf32, #tpu.memory_space<vmem_shared>> -> memref<128x16xf32, #tpu.memory_space<vmem_shared>>
      %dma_start3A_44 = arith.constant 0 : i32
      %dma_start3A_45 = tpu.memref_slice %arg7[%add3A_14, %dma_start3A_44] : memref<10240x16xf32, #tpu.memory_space<vmem_shared>> -> memref<128x16xf32, #tpu.memory_space<vmem_shared>>
      tpu.enqueue_dma source(%arg6 : memref<128x16xf32, #tpu.memory_space<vmem>>) target(%dma_start3A_45 : memref<128x16xf32, #tpu.memory_space<vmem_shared>>) target_semaphore(%run_scoped3A : memref<!tpu.dma_semaphore, #tpu.memory_space<semaphore_mem>>)
      %dma_wait3A = arith.constant 0 : i32
      %dma_wait3A_46 = tpu.memref_slice %arg7[%add3A_14, %dma_wait3A] : memref<10240x16xf32, #tpu.memory_space<vmem_shared>> -> memref<128x16xf32, #tpu.memory_space<vmem_shared>>
      %dma_wait3A_47 = arith.constant 0 : i32
      %dma_wait3A_48 = tpu.memref_slice %arg7[%add3A_14, %dma_wait3A_47] : memref<10240x16xf32, #tpu.memory_space<vmem_shared>> -> memref<128x16xf32, #tpu.memory_space<vmem_shared>>
      tpu.wait_dma2 semaphore(%run_scoped3A : memref<!tpu.dma_semaphore, #tpu.memory_space<semaphore_mem>>) src(%arg6 : memref<128x16xf32, #tpu.memory_space<vmem>>) dst(%dma_wait3A_48 : memref<128x16xf32, #tpu.memory_space<vmem_shared>>)
      tpu.yield
    }) : () -> ()
    %mul3A_15 = arith.constant 640 : i32
    %mul3A_16 = arith.muli %arg1, %mul3A_15 : i32
    %add3A_17 = arith.constant 128 : i32
    %add3A_18 = arith.addi %mul3A_16, %add3A_17 : i32
    "tpu.region"() ({
      %run_scoped3A = tpu.sem_alloc : memref<!tpu.dma_semaphore, #tpu.memory_space<semaphore_mem>>
      %dma_start3A = arith.constant 0 : i32
      %dma_start3A_43 = tpu.memref_slice %arg7[%add3A_18, %dma_start3A] : memref<10240x16xf32, #tpu.memory_space<vmem_shared>> -> memref<128x16xf32, #tpu.memory_space<vmem_shared>>
      %dma_start3A_44 = arith.constant 0 : i32
      %dma_start3A_45 = tpu.memref_slice %arg7[%add3A_18, %dma_start3A_44] : memref<10240x16xf32, #tpu.memory_space<vmem_shared>> -> memref<128x16xf32, #tpu.memory_space<vmem_shared>>
      tpu.enqueue_dma source(%arg6 : memref<128x16xf32, #tpu.memory_space<vmem>>) target(%dma_start3A_45 : memref<128x16xf32, #tpu.memory_space<vmem_shared>>) target_semaphore(%run_scoped3A : memref<!tpu.dma_semaphore, #tpu.memory_space<semaphore_mem>>)
      %dma_wait3A = arith.constant 0 : i32
      %dma_wait3A_46 = tpu.memref_slice %arg7[%add3A_18, %dma_wait3A] : memref<10240x16xf32, #tpu.memory_space<vmem_shared>> -> memref<128x16xf32, #tpu.memory_space<vmem_shared>>
      %dma_wait3A_47 = arith.constant 0 : i32
      %dma_wait3A_48 = tpu.memref_slice %arg7[%add3A_18, %dma_wait3A_47] : memref<10240x16xf32, #tpu.memory_space<vmem_shared>> -> memref<128x16xf32, #tpu.memory_space<vmem_shared>>
      tpu.wait_dma2 semaphore(%run_scoped3A : memref<!tpu.dma_semaphore, #tpu.memory_space<semaphore_mem>>) src(%arg6 : memref<128x16xf32, #tpu.memory_space<vmem>>) dst(%dma_wait3A_48 : memref<128x16xf32, #tpu.memory_space<vmem_shared>>)
      tpu.yield
    }) : () -> ()
    %mul3A_19 = arith.constant 640 : i32
    %mul3A_20 = arith.muli %arg1, %mul3A_19 : i32
    %add3A_21 = arith.constant 256 : i32
    %add3A_22 = arith.addi %mul3A_20, %add3A_21 : i32
    "tpu.region"() ({
      %run_scoped3A = tpu.sem_alloc : memref<!tpu.dma_semaphore, #tpu.memory_space<semaphore_mem>>
      %dma_start3A = arith.constant 0 : i32
      %dma_start3A_43 = tpu.memref_slice %arg7[%add3A_22, %dma_start3A] : memref<10240x16xf32, #tpu.memory_space<vmem_shared>> -> memref<128x16xf32, #tpu.memory_space<vmem_shared>>
      %dma_start3A_44 = arith.constant 0 : i32
      %dma_start3A_45 = tpu.memref_slice %arg7[%add3A_22, %dma_start3A_44] : memref<10240x16xf32, #tpu.memory_space<vmem_shared>> -> memref<128x16xf32, #tpu.memory_space<vmem_shared>>
      tpu.enqueue_dma source(%arg6 : memref<128x16xf32, #tpu.memory_space<vmem>>) target(%dma_start3A_45 : memref<128x16xf32, #tpu.memory_space<vmem_shared>>) target_semaphore(%run_scoped3A : memref<!tpu.dma_semaphore, #tpu.memory_space<semaphore_mem>>)
      %dma_wait3A = arith.constant 0 : i32
      %dma_wait3A_46 = tpu.memref_slice %arg7[%add3A_22, %dma_wait3A] : memref<10240x16xf32, #tpu.memory_space<vmem_shared>> -> memref<128x16xf32, #tpu.memory_space<vmem_shared>>
      %dma_wait3A_47 = arith.constant 0 : i32
      %dma_wait3A_48 = tpu.memref_slice %arg7[%add3A_22, %dma_wait3A_47] : memref<10240x16xf32, #tpu.memory_space<vmem_shared>> -> memref<128x16xf32, #tpu.memory_space<vmem_shared>>
      tpu.wait_dma2 semaphore(%run_scoped3A : memref<!tpu.dma_semaphore, #tpu.memory_space<semaphore_mem>>) src(%arg6 : memref<128x16xf32, #tpu.memory_space<vmem>>) dst(%dma_wait3A_48 : memref<128x16xf32, #tpu.memory_space<vmem_shared>>)
      tpu.yield
    }) : () -> ()
    %mul3A_23 = arith.constant 640 : i32
    %mul3A_24 = arith.muli %arg1, %mul3A_23 : i32
    %add3A_25 = arith.constant 384 : i32
    %add3A_26 = arith.addi %mul3A_24, %add3A_25 : i32
    "tpu.region"() ({
      %run_scoped3A = tpu.sem_alloc : memref<!tpu.dma_semaphore, #tpu.memory_space<semaphore_mem>>
      %dma_start3A = arith.constant 0 : i32
      %dma_start3A_43 = tpu.memref_slice %arg7[%add3A_26, %dma_start3A] : memref<10240x16xf32, #tpu.memory_space<vmem_shared>> -> memref<128x16xf32, #tpu.memory_space<vmem_shared>>
      %dma_start3A_44 = arith.constant 0 : i32
      %dma_start3A_45 = tpu.memref_slice %arg7[%add3A_26, %dma_start3A_44] : memref<10240x16xf32, #tpu.memory_space<vmem_shared>> -> memref<128x16xf32, #tpu.memory_space<vmem_shared>>
      tpu.enqueue_dma source(%arg6 : memref<128x16xf32, #tpu.memory_space<vmem>>) target(%dma_start3A_45 : memref<128x16xf32, #tpu.memory_space<vmem_shared>>) target_semaphore(%run_scoped3A : memref<!tpu.dma_semaphore, #tpu.memory_space<semaphore_mem>>)
      %dma_wait3A = arith.constant 0 : i32
      %dma_wait3A_46 = tpu.memref_slice %arg7[%add3A_26, %dma_wait3A] : memref<10240x16xf32, #tpu.memory_space<vmem_shared>> -> memref<128x16xf32, #tpu.memory_space<vmem_shared>>
      %dma_wait3A_47 = arith.constant 0 : i32
      %dma_wait3A_48 = tpu.memref_slice %arg7[%add3A_26, %dma_wait3A_47] : memref<10240x16xf32, #tpu.memory_space<vmem_shared>> -> memref<128x16xf32, #tpu.memory_space<vmem_shared>>
      tpu.wait_dma2 semaphore(%run_scoped3A : memref<!tpu.dma_semaphore, #tpu.memory_space<semaphore_mem>>) src(%arg6 : memref<128x16xf32, #tpu.memory_space<vmem>>) dst(%dma_wait3A_48 : memref<128x16xf32, #tpu.memory_space<vmem_shared>>)
      tpu.yield
    }) : () -> ()
    %mul3A_27 = arith.constant 640 : i32
    %mul3A_28 = arith.muli %arg1, %mul3A_27 : i32
    %add3A_29 = arith.constant 512 : i32
    %add3A_30 = arith.addi %mul3A_28, %add3A_29 : i32
    "tpu.region"() ({
      %run_scoped3A = tpu.sem_alloc : memref<!tpu.dma_semaphore, #tpu.memory_space<semaphore_mem>>
      %dma_start3A = arith.constant 0 : i32
      %dma_start3A_43 = tpu.memref_slice %arg7[%add3A_30, %dma_start3A] : memref<10240x16xf32, #tpu.memory_space<vmem_shared>> -> memref<128x16xf32, #tpu.memory_space<vmem_shared>>
      %dma_start3A_44 = arith.constant 0 : i32
      %dma_start3A_45 = tpu.memref_slice %arg7[%add3A_30, %dma_start3A_44] : memref<10240x16xf32, #tpu.memory_space<vmem_shared>> -> memref<128x16xf32, #tpu.memory_space<vmem_shared>>
      tpu.enqueue_dma source(%arg6 : memref<128x16xf32, #tpu.memory_space<vmem>>) target(%dma_start3A_45 : memref<128x16xf32, #tpu.memory_space<vmem_shared>>) target_semaphore(%run_scoped3A : memref<!tpu.dma_semaphore, #tpu.memory_space<semaphore_mem>>)
      %dma_wait3A = arith.constant 0 : i32
      %dma_wait3A_46 = tpu.memref_slice %arg7[%add3A_30, %dma_wait3A] : memref<10240x16xf32, #tpu.memory_space<vmem_shared>> -> memref<128x16xf32, #tpu.memory_space<vmem_shared>>
      %dma_wait3A_47 = arith.constant 0 : i32
      %dma_wait3A_48 = tpu.memref_slice %arg7[%add3A_30, %dma_wait3A_47] : memref<10240x16xf32, #tpu.memory_space<vmem_shared>> -> memref<128x16xf32, #tpu.memory_space<vmem_shared>>
      tpu.wait_dma2 semaphore(%run_scoped3A : memref<!tpu.dma_semaphore, #tpu.memory_space<semaphore_mem>>) src(%arg6 : memref<128x16xf32, #tpu.memory_space<vmem>>) dst(%dma_wait3A_48 : memref<128x16xf32, #tpu.memory_space<vmem_shared>>)
      tpu.yield
    }) : () -> ()
    %barrier3A = arith.constant 0 : index
    tpu.barrier barrier_id(%barrier3A)
    %scan3A_31 = arith.constant 0 : i32
    %scan3A_32 = arith.constant 0 : i32
    %scan3A_33 = arith.constant 80 : i32
    %scan3A_34 = arith.addi %scan3A_32, %scan3A_33 : i32
    %scan3A_35 = arith.constant 1 : i32
    %scan3A_36 = scf.for %scan3A_43 = %scan3A_32 to %scan3A_34 step %scan3A_35 iter_args(%scan3A_44 = %scan3A_31) -> (i32)  : i32 {
      "tpu.region"() ({
        %run_scoped3A = tpu.sem_alloc : memref<!tpu.dma_semaphore, #tpu.memory_space<semaphore_mem>>
        %dma_start3A = arith.constant 0 : i32
        %dma_start3A_46 = tpu.memref_slice %arg4[%scan3A_43, %dma_start3A] : memref<80x128xi32, #tpu.memory_space<vmem>> -> memref<1x128xi32, #tpu.memory_space<vmem>>
        %dma_start3A_47 = tpu.memref_squeeze %dma_start3A_46 : memref<1x128xi32, #tpu.memory_space<vmem>> -> memref<128xi32, #tpu.memory_space<vmem>>
        %dma_start3A_48 = arith.constant 0 : i32
        %dma_start3A_49 = arith.constant 0 : i32
        %dma_start3A_50 = tpu.memref_slice %arg7[%dma_start3A_48, %dma_start3A_49] : memref<10240x16xf32, #tpu.memory_space<vmem_shared>> -> memref<10240x16xf32, #tpu.memory_space<vmem_shared>>
        tpu.enqueue_indirect_dma source(%arg5 : memref<128x16xf32, #tpu.memory_space<vmem>>) target(%dma_start3A_50 : memref<10240x16xf32, #tpu.memory_space<vmem_shared>>) offsets(%dma_start3A_47 : memref<128xi32, #tpu.memory_space<vmem>>) semaphore(%run_scoped3A : memref<!tpu.dma_semaphore, #tpu.memory_space<semaphore_mem>>) {add = true}
        %dma_wait3A = arith.constant 0 : i32
        %dma_wait3A_51 = tpu.memref_slice %arg4[%scan3A_43, %dma_wait3A] : memref<80x128xi32, #tpu.memory_space<vmem>> -> memref<1x128xi32, #tpu.memory_space<vmem>>
        %dma_wait3A_52 = tpu.memref_squeeze %dma_wait3A_51 : memref<1x128xi32, #tpu.memory_space<vmem>> -> memref<128xi32, #tpu.memory_space<vmem>>
        %dma_wait3A_53 = arith.constant 0 : i32
        %dma_wait3A_54 = arith.constant 0 : i32
        %dma_wait3A_55 = tpu.memref_slice %arg7[%dma_wait3A_53, %dma_wait3A_54] : memref<10240x16xf32, #tpu.memory_space<vmem_shared>> -> memref<10240x16xf32, #tpu.memory_space<vmem_shared>>
        tpu.wait_indirect_dma semaphore(%run_scoped3A : memref<!tpu.dma_semaphore, #tpu.memory_space<semaphore_mem>>) src(%arg5 : memref<128x16xf32, #tpu.memory_space<vmem>>) dst(%dma_wait3A_55 : memref<10240x16xf32, #tpu.memory_space<vmem_shared>>)
        tpu.yield
      }) : () -> ()
      %scan3A_45 = arith.constant 0 : i32
      scf.yield %scan3A_45 : i32
    }
    %scan3A_37 = arith.constant 80 : i32
    %barrier3A_38 = arith.constant 0 : index
    tpu.barrier barrier_id(%barrier3A_38)
    %mul3A_39 = arith.constant 640 : i32
    %mul3A_40 = arith.muli %arg1, %mul3A_39 : i32
    %mul3A_41 = arith.constant 640 : i32
    %mul3A_42 = arith.muli %arg1, %mul3A_41 : i32
    "tpu.region"() ({
      %run_scoped3A = tpu.sem_alloc : memref<!tpu.dma_semaphore, #tpu.memory_space<semaphore_mem>>
      %dma_start3A = arith.constant 0 : i32
      %dma_start3A_43 = tpu.memref_slice %arg3[%arg0, %mul3A_42, %dma_start3A] : memref<2x10240x16xf32, #tpu.memory_space<hbm>> -> memref<1x640x16xf32, #tpu.memory_space<hbm>>
      %dma_start3A_44 = tpu.memref_squeeze %dma_start3A_43 : memref<1x640x16xf32, #tpu.memory_space<hbm>> -> memref<640x16xf32, #tpu.memory_space<hbm>>
      %dma_start3A_45 = arith.constant 0 : i32
      %dma_start3A_46 = tpu.memref_slice %arg7[%mul3A_40, %dma_start3A_45] : memref<10240x16xf32, #tpu.memory_space<vmem_shared>> -> memref<640x16xf32, #tpu.memory_space<vmem_shared>>
      tpu.enqueue_dma source(%dma_start3A_46 : memref<640x16xf32, #tpu.memory_space<vmem_shared>>) target(%dma_start3A_44 : memref<640x16xf32, #tpu.memory_space<hbm>>) target_semaphore(%run_scoped3A : memref<!tpu.dma_semaphore, #tpu.memory_space<semaphore_mem>>)
      %dma_wait3A = arith.constant 0 : i32
      %dma_wait3A_47 = tpu.memref_slice %arg3[%arg0, %mul3A_42, %dma_wait3A] : memref<2x10240x16xf32, #tpu.memory_space<hbm>> -> memref<1x640x16xf32, #tpu.memory_space<hbm>>
      %dma_wait3A_48 = tpu.memref_squeeze %dma_wait3A_47 : memref<1x640x16xf32, #tpu.memory_space<hbm>> -> memref<640x16xf32, #tpu.memory_space<hbm>>
      %dma_wait3A_49 = arith.constant 0 : i32
      %dma_wait3A_50 = tpu.memref_slice %arg7[%mul3A_40, %dma_wait3A_49] : memref<10240x16xf32, #tpu.memory_space<vmem_shared>> -> memref<640x16xf32, #tpu.memory_space<vmem_shared>>
      tpu.wait_dma2 semaphore(%run_scoped3A : memref<!tpu.dma_semaphore, #tpu.memory_space<semaphore_mem>>) src(%dma_wait3A_50 : memref<640x16xf32, #tpu.memory_space<vmem_shared>>) dst(%dma_wait3A_48 : memref<640x16xf32, #tpu.memory_space<hbm>>)
      tpu.yield
    }) : () -> ()
    return
  }
}

#map = affine_map<(d0, d1) -> (0, 0)>
#map1 = affine_map<(d0, d1) -> (0, 0, 0)>
module attributes {stable_mosaic.version = 14 : i64} {
  func.func @_agg_kernel(%arg0: i32, %arg1: i32, %arg2: memref<10000x128xf32, #tpu.memory_space<hbm>>, %arg3: memref<2560x2x128xi32, #tpu.memory_space<hbm>>, %arg4: memref<2x10240x128xf32, #tpu.memory_space<hbm>>, %arg5: memref<2x2x128xi32, #tpu.memory_space<vmem>>, %arg6: memref<2x128x128xf32, #tpu.memory_space<vmem>>, %arg7: memref<!tpu.dma_semaphore, #tpu.memory_space<semaphore_mem>>, %arg8: memref<!tpu.dma_semaphore, #tpu.memory_space<semaphore_mem>>, %arg9: memref<!tpu.dma_semaphore, #tpu.memory_space<semaphore_mem>>, %arg10: memref<!tpu.dma_semaphore, #tpu.memory_space<semaphore_mem>>, %arg11: memref<10240x128xf32, #tpu.memory_space<vmem_shared>>) attributes {dimension_semantics = [#tpu.dimension_semantics<core_parallel>, #tpu.dimension_semantics<subcore_parallel>], iteration_bounds = array<i64: 2, 16>, scalar_prefetch = 0 : i64, scratch_operands = 7 : i64, tpu.core_type = #tpu.core_type<sc_vector_subcore>, window_params = [{transform_indices = #map}, {transform_indices = #map1}, {transform_indices = #map1}]} {
    %eq3A = arith.constant 0 : i32
    %eq3A_0 = arith.cmpi eq, %arg0, %eq3A : i32
    %jit3A = arith.constant 122 : i32
    %jit3A_1 = arith.constant 38 : i32
    %select_n3A = arith.select %eq3A_0, %jit3A, %jit3A_1 : i32
    %mul3A = arith.constant 1952 : i32
    %mul3A_2 = arith.muli %arg0, %mul3A : i32
    %mul3A_3 = arith.muli %arg1, %select_n3A : i32
    %add3A = arith.addi %mul3A_2, %mul3A_3 : i32
    %dma_start3A = arith.constant 0 : i32
    %dma_start3A_4 = arith.constant 0 : i32
    %dma_start3A_5 = arith.constant 0 : i32
    %dma_start3A_6 = tpu.memref_slice %arg5[%dma_start3A, %dma_start3A_4, %dma_start3A_5] : memref<2x2x128xi32, #tpu.memory_space<vmem>> -> memref<1x2x128xi32, #tpu.memory_space<vmem>>
    %dma_start3A_7 = tpu.memref_squeeze %dma_start3A_6 : memref<1x2x128xi32, #tpu.memory_space<vmem>> -> memref<2x128xi32, #tpu.memory_space<vmem>>
    %dma_start3A_8 = arith.constant 0 : i32
    %dma_start3A_9 = arith.constant 0 : i32
    %dma_start3A_10 = tpu.memref_slice %arg3[%add3A, %dma_start3A_8, %dma_start3A_9] : memref<2560x2x128xi32, #tpu.memory_space<hbm>> -> memref<1x2x128xi32, #tpu.memory_space<hbm>>
    %dma_start3A_11 = tpu.memref_squeeze %dma_start3A_10 : memref<1x2x128xi32, #tpu.memory_space<hbm>> -> memref<2x128xi32, #tpu.memory_space<hbm>>
    %dma_start3A_12 = arith.constant 0 : i32
    %dma_start3A_13 = arith.constant 0 : i32
    %dma_start3A_14 = tpu.memref_slice %arg5[%dma_start3A, %dma_start3A_12, %dma_start3A_13] : memref<2x2x128xi32, #tpu.memory_space<vmem>> -> memref<1x2x128xi32, #tpu.memory_space<vmem>>
    %dma_start3A_15 = tpu.memref_squeeze %dma_start3A_14 : memref<1x2x128xi32, #tpu.memory_space<vmem>> -> memref<2x128xi32, #tpu.memory_space<vmem>>
    %dma_start3A_16 = arith.constant 0 : i32
    %dma_start3A_17 = arith.constant 0 : i32
    %dma_start3A_18 = tpu.memref_slice %arg3[%add3A, %dma_start3A_16, %dma_start3A_17] : memref<2560x2x128xi32, #tpu.memory_space<hbm>> -> memref<1x2x128xi32, #tpu.memory_space<hbm>>
    %dma_start3A_19 = tpu.memref_squeeze %dma_start3A_18 : memref<1x2x128xi32, #tpu.memory_space<hbm>> -> memref<2x128xi32, #tpu.memory_space<hbm>>
    tpu.enqueue_dma source(%dma_start3A_19 : memref<2x128xi32, #tpu.memory_space<hbm>>) target(%dma_start3A_15 : memref<2x128xi32, #tpu.memory_space<vmem>>) target_semaphore(%arg7 : memref<!tpu.dma_semaphore, #tpu.memory_space<semaphore_mem>>)
    %add3A_20 = arith.constant 1 : i32
    %add3A_21 = arith.addi %add3A, %add3A_20 : i32
    %dma_start3A_22 = arith.constant 1 : i32
    %dma_start3A_23 = arith.constant 0 : i32
    %dma_start3A_24 = arith.constant 0 : i32
    %dma_start3A_25 = tpu.memref_slice %arg5[%dma_start3A_22, %dma_start3A_23, %dma_start3A_24] : memref<2x2x128xi32, #tpu.memory_space<vmem>> -> memref<1x2x128xi32, #tpu.memory_space<vmem>>
    %dma_start3A_26 = tpu.memref_squeeze %dma_start3A_25 : memref<1x2x128xi32, #tpu.memory_space<vmem>> -> memref<2x128xi32, #tpu.memory_space<vmem>>
    %dma_start3A_27 = arith.constant 0 : i32
    %dma_start3A_28 = arith.constant 0 : i32
    %dma_start3A_29 = tpu.memref_slice %arg3[%add3A_21, %dma_start3A_27, %dma_start3A_28] : memref<2560x2x128xi32, #tpu.memory_space<hbm>> -> memref<1x2x128xi32, #tpu.memory_space<hbm>>
    %dma_start3A_30 = tpu.memref_squeeze %dma_start3A_29 : memref<1x2x128xi32, #tpu.memory_space<hbm>> -> memref<2x128xi32, #tpu.memory_space<hbm>>
    %dma_start3A_31 = arith.constant 0 : i32
    %dma_start3A_32 = arith.constant 0 : i32
    %dma_start3A_33 = tpu.memref_slice %arg5[%dma_start3A_22, %dma_start3A_31, %dma_start3A_32] : memref<2x2x128xi32, #tpu.memory_space<vmem>> -> memref<1x2x128xi32, #tpu.memory_space<vmem>>
    %dma_start3A_34 = tpu.memref_squeeze %dma_start3A_33 : memref<1x2x128xi32, #tpu.memory_space<vmem>> -> memref<2x128xi32, #tpu.memory_space<vmem>>
    %dma_start3A_35 = arith.constant 0 : i32
    %dma_start3A_36 = arith.constant 0 : i32
    %dma_start3A_37 = tpu.memref_slice %arg3[%add3A_21, %dma_start3A_35, %dma_start3A_36] : memref<2560x2x128xi32, #tpu.memory_space<hbm>> -> memref<1x2x128xi32, #tpu.memory_space<hbm>>
    %dma_start3A_38 = tpu.memref_squeeze %dma_start3A_37 : memref<1x2x128xi32, #tpu.memory_space<hbm>> -> memref<2x128xi32, #tpu.memory_space<hbm>>
    tpu.enqueue_dma source(%dma_start3A_38 : memref<2x128xi32, #tpu.memory_space<hbm>>) target(%dma_start3A_34 : memref<2x128xi32, #tpu.memory_space<vmem>>) target_semaphore(%arg8 : memref<!tpu.dma_semaphore, #tpu.memory_space<semaphore_mem>>)
    %scan3A = arith.constant 0 : i32
    %scan3A_39 = arith.constant 0 : i32
    %scan3A_40 = arith.constant 0 : i32
    %scan3A_41 = arith.constant 128 : i32
    %scan3A_42 = arith.addi %scan3A_40, %scan3A_41 : i32
    %scan3A_43 = arith.constant 1 : i32
    %scan3A_44 = scf.for %scan3A_133 = %scan3A_40 to %scan3A_42 step %scan3A_43 iter_args(%scan3A_134 = %scan3A_39) -> (i32)  : i32 {
      %broadcast_in_dim3A = arith.constant 0.000000e+00 : f32
      %broadcast_in_dim3A_135 = vector.broadcast %broadcast_in_dim3A : f32 to vector<16xf32>
      %swap3A = arith.constant 0 : i32
      %swap3A_136 = arith.constant 0 : i32
      %swap3A_137 = tpu.memref_slice %arg6[%scan3A, %swap3A, %swap3A_136] : memref<2x128x128xf32, #tpu.memory_space<vmem>> -> memref<1x128x128xf32, #tpu.memory_space<vmem>>
      %swap3A_138 = tpu.memref_squeeze %swap3A_137 : memref<1x128x128xf32, #tpu.memory_space<vmem>> -> memref<128x128xf32, #tpu.memory_space<vmem>>
      %swap3A_139 = arith.index_cast %scan3A_133 : i32 to index
      %swap3A_140 = arith.constant 0 : index
      %swap3A_141 = tpu.vector_load %swap3A_138[%swap3A_139, %swap3A_140] {strides = array<i32>} : memref<128x128xf32, #tpu.memory_space<vmem>>, vector<1x16xf32>,
      %swap3A_142 = vector.shape_cast %swap3A_141 : vector<1x16xf32> to vector<16xf32>
      %swap3A_143 = vector.shape_cast %broadcast_in_dim3A_135 : vector<16xf32> to vector<1x16xf32>
      tpu.vector_store %swap3A_138[%swap3A_139, %swap3A_140], %swap3A_143 {strides = array<i32>} : memref<128x128xf32, #tpu.memory_space<vmem>>, vector<1x16xf32>,
      %broadcast_in_dim3A_144 = arith.constant 0.000000e+00 : f32
      %broadcast_in_dim3A_145 = vector.broadcast %broadcast_in_dim3A_144 : f32 to vector<16xf32>
      %swap3A_146 = arith.constant 0 : i32
      %swap3A_147 = arith.constant 0 : i32
      %swap3A_148 = tpu.memref_slice %arg6[%scan3A, %swap3A_146, %swap3A_147] : memref<2x128x128xf32, #tpu.memory_space<vmem>> -> memref<1x128x128xf32, #tpu.memory_space<vmem>>
      %swap3A_149 = tpu.memref_squeeze %swap3A_148 : memref<1x128x128xf32, #tpu.memory_space<vmem>> -> memref<128x128xf32, #tpu.memory_space<vmem>>
      %swap3A_150 = arith.index_cast %scan3A_133 : i32 to index
      %swap3A_151 = arith.constant 16 : index
      %swap3A_152 = tpu.vector_load %swap3A_149[%swap3A_150, %swap3A_151] {strides = array<i32>} : memref<128x128xf32, #tpu.memory_space<vmem>>, vector<1x16xf32>,
      %swap3A_153 = vector.shape_cast %swap3A_152 : vector<1x16xf32> to vector<16xf32>
      %swap3A_154 = vector.shape_cast %broadcast_in_dim3A_145 : vector<16xf32> to vector<1x16xf32>
      tpu.vector_store %swap3A_149[%swap3A_150, %swap3A_151], %swap3A_154 {strides = array<i32>} : memref<128x128xf32, #tpu.memory_space<vmem>>, vector<1x16xf32>,
      %broadcast_in_dim3A_155 = arith.constant 0.000000e+00 : f32
      %broadcast_in_dim3A_156 = vector.broadcast %broadcast_in_dim3A_155 : f32 to vector<16xf32>
      %swap3A_157 = arith.constant 0 : i32
      %swap3A_158 = arith.constant 0 : i32
      %swap3A_159 = tpu.memref_slice %arg6[%scan3A, %swap3A_157, %swap3A_158] : memref<2x128x128xf32, #tpu.memory_space<vmem>> -> memref<1x128x128xf32, #tpu.memory_space<vmem>>
      %swap3A_160 = tpu.memref_squeeze %swap3A_159 : memref<1x128x128xf32, #tpu.memory_space<vmem>> -> memref<128x128xf32, #tpu.memory_space<vmem>>
      %swap3A_161 = arith.index_cast %scan3A_133 : i32 to index
      %swap3A_162 = arith.constant 32 : index
      %swap3A_163 = tpu.vector_load %swap3A_160[%swap3A_161, %swap3A_162] {strides = array<i32>} : memref<128x128xf32, #tpu.memory_space<vmem>>, vector<1x16xf32>,
      %swap3A_164 = vector.shape_cast %swap3A_163 : vector<1x16xf32> to vector<16xf32>
      %swap3A_165 = vector.shape_cast %broadcast_in_dim3A_156 : vector<16xf32> to vector<1x16xf32>
      tpu.vector_store %swap3A_160[%swap3A_161, %swap3A_162], %swap3A_165 {strides = array<i32>} : memref<128x128xf32, #tpu.memory_space<vmem>>, vector<1x16xf32>,
      %broadcast_in_dim3A_166 = arith.constant 0.000000e+00 : f32
      %broadcast_in_dim3A_167 = vector.broadcast %broadcast_in_dim3A_166 : f32 to vector<16xf32>
      %swap3A_168 = arith.constant 0 : i32
      %swap3A_169 = arith.constant 0 : i32
      %swap3A_170 = tpu.memref_slice %arg6[%scan3A, %swap3A_168, %swap3A_169] : memref<2x128x128xf32, #tpu.memory_space<vmem>> -> memref<1x128x128xf32, #tpu.memory_space<vmem>>
      %swap3A_171 = tpu.memref_squeeze %swap3A_170 : memref<1x128x128xf32, #tpu.memory_space<vmem>> -> memref<128x128xf32, #tpu.memory_space<vmem>>
      %swap3A_172 = arith.index_cast %scan3A_133 : i32 to index
      %swap3A_173 = arith.constant 48 : index
      %swap3A_174 = tpu.vector_load %swap3A_171[%swap3A_172, %swap3A_173] {strides = array<i32>} : memref<128x128xf32, #tpu.memory_space<vmem>>, vector<1x16xf32>,
      %swap3A_175 = vector.shape_cast %swap3A_174 : vector<1x16xf32> to vector<16xf32>
      %swap3A_176 = vector.shape_cast %broadcast_in_dim3A_167 : vector<16xf32> to vector<1x16xf32>
      tpu.vector_store %swap3A_171[%swap3A_172, %swap3A_173], %swap3A_176 {strides = array<i32>} : memref<128x128xf32, #tpu.memory_space<vmem>>, vector<1x16xf32>,
      %broadcast_in_dim3A_177 = arith.constant 0.000000e+00 : f32
      %broadcast_in_dim3A_178 = vector.broadcast %broadcast_in_dim3A_177 : f32 to vector<16xf32>
      %swap3A_179 = arith.constant 0 : i32
      %swap3A_180 = arith.constant 0 : i32
      %swap3A_181 = tpu.memref_slice %arg6[%scan3A, %swap3A_179, %swap3A_180] : memref<2x128x128xf32, #tpu.memory_space<vmem>> -> memref<1x128x128xf32, #tpu.memory_space<vmem>>
      %swap3A_182 = tpu.memref_squeeze %swap3A_181 : memref<1x128x128xf32, #tpu.memory_space<vmem>> -> memref<128x128xf32, #tpu.memory_space<vmem>>
      %swap3A_183 = arith.index_cast %scan3A_133 : i32 to index
      %swap3A_184 = arith.constant 64 : index
      %swap3A_185 = tpu.vector_load %swap3A_182[%swap3A_183, %swap3A_184] {strides = array<i32>} : memref<128x128xf32, #tpu.memory_space<vmem>>, vector<1x16xf32>,
      %swap3A_186 = vector.shape_cast %swap3A_185 : vector<1x16xf32> to vector<16xf32>
      %swap3A_187 = vector.shape_cast %broadcast_in_dim3A_178 : vector<16xf32> to vector<1x16xf32>
      tpu.vector_store %swap3A_182[%swap3A_183, %swap3A_184], %swap3A_187 {strides = array<i32>} : memref<128x128xf32, #tpu.memory_space<vmem>>, vector<1x16xf32>,
      %broadcast_in_dim3A_188 = arith.constant 0.000000e+00 : f32
      %broadcast_in_dim3A_189 = vector.broadcast %broadcast_in_dim3A_188 : f32 to vector<16xf32>
      %swap3A_190 = arith.constant 0 : i32
      %swap3A_191 = arith.constant 0 : i32
      %swap3A_192 = tpu.memref_slice %arg6[%scan3A, %swap3A_190, %swap3A_191] : memref<2x128x128xf32, #tpu.memory_space<vmem>> -> memref<1x128x128xf32, #tpu.memory_space<vmem>>
      %swap3A_193 = tpu.memref_squeeze %swap3A_192 : memref<1x128x128xf32, #tpu.memory_space<vmem>> -> memref<128x128xf32, #tpu.memory_space<vmem>>
      %swap3A_194 = arith.index_cast %scan3A_133 : i32 to index
      %swap3A_195 = arith.constant 80 : index
      %swap3A_196 = tpu.vector_load %swap3A_193[%swap3A_194, %swap3A_195] {strides = array<i32>} : memref<128x128xf32, #tpu.memory_space<vmem>>, vector<1x16xf32>,
      %swap3A_197 = vector.shape_cast %swap3A_196 : vector<1x16xf32> to vector<16xf32>
      %swap3A_198 = vector.shape_cast %broadcast_in_dim3A_189 : vector<16xf32> to vector<1x16xf32>
      tpu.vector_store %swap3A_193[%swap3A_194, %swap3A_195], %swap3A_198 {strides = array<i32>} : memref<128x128xf32, #tpu.memory_space<vmem>>, vector<1x16xf32>,
      %broadcast_in_dim3A_199 = arith.constant 0.000000e+00 : f32
      %broadcast_in_dim3A_200 = vector.broadcast %broadcast_in_dim3A_199 : f32 to vector<16xf32>
      %swap3A_201 = arith.constant 0 : i32
      %swap3A_202 = arith.constant 0 : i32
      %swap3A_203 = tpu.memref_slice %arg6[%scan3A, %swap3A_201, %swap3A_202] : memref<2x128x128xf32, #tpu.memory_space<vmem>> -> memref<1x128x128xf32, #tpu.memory_space<vmem>>
      %swap3A_204 = tpu.memref_squeeze %swap3A_203 : memref<1x128x128xf32, #tpu.memory_space<vmem>> -> memref<128x128xf32, #tpu.memory_space<vmem>>
      %swap3A_205 = arith.index_cast %scan3A_133 : i32 to index
      %swap3A_206 = arith.constant 96 : index
      %swap3A_207 = tpu.vector_load %swap3A_204[%swap3A_205, %swap3A_206] {strides = array<i32>} : memref<128x128xf32, #tpu.memory_space<vmem>>, vector<1x16xf32>,
      %swap3A_208 = vector.shape_cast %swap3A_207 : vector<1x16xf32> to vector<16xf32>
      %swap3A_209 = vector.shape_cast %broadcast_in_dim3A_200 : vector<16xf32> to vector<1x16xf32>
      tpu.vector_store %swap3A_204[%swap3A_205, %swap3A_206], %swap3A_209 {strides = array<i32>} : memref<128x128xf32, #tpu.memory_space<vmem>>, vector<1x16xf32>,
      %broadcast_in_dim3A_210 = arith.constant 0.000000e+00 : f32
      %broadcast_in_dim3A_211 = vector.broadcast %broadcast_in_dim3A_210 : f32 to vector<16xf32>
      %swap3A_212 = arith.constant 0 : i32
      %swap3A_213 = arith.constant 0 : i32
      %swap3A_214 = tpu.memref_slice %arg6[%scan3A, %swap3A_212, %swap3A_213] : memref<2x128x128xf32, #tpu.memory_space<vmem>> -> memref<1x128x128xf32, #tpu.memory_space<vmem>>
      %swap3A_215 = tpu.memref_squeeze %swap3A_214 : memref<1x128x128xf32, #tpu.memory_space<vmem>> -> memref<128x128xf32, #tpu.memory_space<vmem>>
      %swap3A_216 = arith.index_cast %scan3A_133 : i32 to index
      %swap3A_217 = arith.constant 112 : index
      %swap3A_218 = tpu.vector_load %swap3A_215[%swap3A_216, %swap3A_217] {strides = array<i32>} : memref<128x128xf32, #tpu.memory_space<vmem>>, vector<1x16xf32>,
      %swap3A_219 = vector.shape_cast %swap3A_218 : vector<1x16xf32> to vector<16xf32>
      %swap3A_220 = vector.shape_cast %broadcast_in_dim3A_211 : vector<16xf32> to vector<1x16xf32>
      tpu.vector_store %swap3A_215[%swap3A_216, %swap3A_217], %swap3A_220 {strides = array<i32>} : memref<128x128xf32, #tpu.memory_space<vmem>>, vector<1x16xf32>,
      %scan3A_221 = arith.constant 0 : i32
      scf.yield %scan3A_221 : i32
    }
    %scan3A_45 = arith.constant 128 : i32
    %mul3A_46 = arith.constant 640 : i32
    %mul3A_47 = arith.muli %arg1, %mul3A_46 : i32
    %add3A_48 = arith.constant 0 : i32
    %add3A_49 = arith.addi %mul3A_47, %add3A_48 : i32
    %run_scoped3A = arith.constant 0 : i32
    "tpu.region"() ({
      %run_scoped3A_133 = tpu.sem_alloc : memref<!tpu.dma_semaphore, #tpu.memory_space<semaphore_mem>>
      %dma_start3A_134 = arith.constant 0 : i32
      %dma_start3A_135 = arith.constant 0 : i32
      %dma_start3A_136 = tpu.memref_slice %arg6[%run_scoped3A, %dma_start3A_134, %dma_start3A_135] : memref<2x128x128xf32, #tpu.memory_space<vmem>> -> memref<1x128x128xf32, #tpu.memory_space<vmem>>
      %dma_start3A_137 = tpu.memref_squeeze %dma_start3A_136 : memref<1x128x128xf32, #tpu.memory_space<vmem>> -> memref<128x128xf32, #tpu.memory_space<vmem>>
      %dma_start3A_138 = arith.constant 0 : i32
      %dma_start3A_139 = tpu.memref_slice %arg11[%add3A_49, %dma_start3A_138] : memref<10240x128xf32, #tpu.memory_space<vmem_shared>> -> memref<128x128xf32, #tpu.memory_space<vmem_shared>>
      %dma_start3A_140 = arith.constant 0 : i32
      %dma_start3A_141 = tpu.memref_slice %arg11[%add3A_49, %dma_start3A_140] : memref<10240x128xf32, #tpu.memory_space<vmem_shared>> -> memref<128x128xf32, #tpu.memory_space<vmem_shared>>
      %dma_start3A_142 = arith.constant 0 : i32
      %dma_start3A_143 = arith.constant 0 : i32
      %dma_start3A_144 = tpu.memref_slice %arg6[%run_scoped3A, %dma_start3A_142, %dma_start3A_143] : memref<2x128x128xf32, #tpu.memory_space<vmem>> -> memref<1x128x128xf32, #tpu.memory_space<vmem>>
      %dma_start3A_145 = tpu.memref_squeeze %dma_start3A_144 : memref<1x128x128xf32, #tpu.memory_space<vmem>> -> memref<128x128xf32, #tpu.memory_space<vmem>>
      tpu.enqueue_dma source(%dma_start3A_145 : memref<128x128xf32, #tpu.memory_space<vmem>>) target(%dma_start3A_141 : memref<128x128xf32, #tpu.memory_space<vmem_shared>>) target_semaphore(%run_scoped3A_133 : memref<!tpu.dma_semaphore, #tpu.memory_space<semaphore_mem>>)
      %dma_wait3A_146 = arith.constant 0 : i32
      %dma_wait3A_147 = arith.constant 0 : i32
      %dma_wait3A_148 = tpu.memref_slice %arg6[%run_scoped3A, %dma_wait3A_146, %dma_wait3A_147] : memref<2x128x128xf32, #tpu.memory_space<vmem>> -> memref<1x128x128xf32, #tpu.memory_space<vmem>>
      %dma_wait3A_149 = tpu.memref_squeeze %dma_wait3A_148 : memref<1x128x128xf32, #tpu.memory_space<vmem>> -> memref<128x128xf32, #tpu.memory_space<vmem>>
      %dma_wait3A_150 = arith.constant 0 : i32
      %dma_wait3A_151 = tpu.memref_slice %arg11[%add3A_49, %dma_wait3A_150] : memref<10240x128xf32, #tpu.memory_space<vmem_shared>> -> memref<128x128xf32, #tpu.memory_space<vmem_shared>>
      %dma_wait3A_152 = arith.constant 0 : i32
      %dma_wait3A_153 = tpu.memref_slice %arg11[%add3A_49, %dma_wait3A_152] : memref<10240x128xf32, #tpu.memory_space<vmem_shared>> -> memref<128x128xf32, #tpu.memory_space<vmem_shared>>
      %dma_wait3A_154 = arith.constant 0 : i32
      %dma_wait3A_155 = arith.constant 0 : i32
      %dma_wait3A_156 = tpu.memref_slice %arg6[%run_scoped3A, %dma_wait3A_154, %dma_wait3A_155] : memref<2x128x128xf32, #tpu.memory_space<vmem>> -> memref<1x128x128xf32, #tpu.memory_space<vmem>>
      %dma_wait3A_157 = tpu.memref_squeeze %dma_wait3A_156 : memref<1x128x128xf32, #tpu.memory_space<vmem>> -> memref<128x128xf32, #tpu.memory_space<vmem>>
      tpu.wait_dma2 semaphore(%run_scoped3A_133 : memref<!tpu.dma_semaphore, #tpu.memory_space<semaphore_mem>>) src(%dma_wait3A_157 : memref<128x128xf32, #tpu.memory_space<vmem>>) dst(%dma_wait3A_153 : memref<128x128xf32, #tpu.memory_space<vmem_shared>>)
      tpu.yield
    }) : () -> ()
    %mul3A_50 = arith.constant 640 : i32
    %mul3A_51 = arith.muli %arg1, %mul3A_50 : i32
    %add3A_52 = arith.constant 128 : i32
    %add3A_53 = arith.addi %mul3A_51, %add3A_52 : i32
    %run_scoped3A_54 = arith.constant 0 : i32
    "tpu.region"() ({
      %run_scoped3A_133 = tpu.sem_alloc : memref<!tpu.dma_semaphore, #tpu.memory_space<semaphore_mem>>
      %dma_start3A_134 = arith.constant 0 : i32
      %dma_start3A_135 = arith.constant 0 : i32
      %dma_start3A_136 = tpu.memref_slice %arg6[%run_scoped3A_54, %dma_start3A_134, %dma_start3A_135] : memref<2x128x128xf32, #tpu.memory_space<vmem>> -> memref<1x128x128xf32, #tpu.memory_space<vmem>>
      %dma_start3A_137 = tpu.memref_squeeze %dma_start3A_136 : memref<1x128x128xf32, #tpu.memory_space<vmem>> -> memref<128x128xf32, #tpu.memory_space<vmem>>
      %dma_start3A_138 = arith.constant 0 : i32
      %dma_start3A_139 = tpu.memref_slice %arg11[%add3A_53, %dma_start3A_138] : memref<10240x128xf32, #tpu.memory_space<vmem_shared>> -> memref<128x128xf32, #tpu.memory_space<vmem_shared>>
      %dma_start3A_140 = arith.constant 0 : i32
      %dma_start3A_141 = tpu.memref_slice %arg11[%add3A_53, %dma_start3A_140] : memref<10240x128xf32, #tpu.memory_space<vmem_shared>> -> memref<128x128xf32, #tpu.memory_space<vmem_shared>>
      %dma_start3A_142 = arith.constant 0 : i32
      %dma_start3A_143 = arith.constant 0 : i32
      %dma_start3A_144 = tpu.memref_slice %arg6[%run_scoped3A_54, %dma_start3A_142, %dma_start3A_143] : memref<2x128x128xf32, #tpu.memory_space<vmem>> -> memref<1x128x128xf32, #tpu.memory_space<vmem>>
      %dma_start3A_145 = tpu.memref_squeeze %dma_start3A_144 : memref<1x128x128xf32, #tpu.memory_space<vmem>> -> memref<128x128xf32, #tpu.memory_space<vmem>>
      tpu.enqueue_dma source(%dma_start3A_145 : memref<128x128xf32, #tpu.memory_space<vmem>>) target(%dma_start3A_141 : memref<128x128xf32, #tpu.memory_space<vmem_shared>>) target_semaphore(%run_scoped3A_133 : memref<!tpu.dma_semaphore, #tpu.memory_space<semaphore_mem>>)
      %dma_wait3A_146 = arith.constant 0 : i32
      %dma_wait3A_147 = arith.constant 0 : i32
      %dma_wait3A_148 = tpu.memref_slice %arg6[%run_scoped3A_54, %dma_wait3A_146, %dma_wait3A_147] : memref<2x128x128xf32, #tpu.memory_space<vmem>> -> memref<1x128x128xf32, #tpu.memory_space<vmem>>
      %dma_wait3A_149 = tpu.memref_squeeze %dma_wait3A_148 : memref<1x128x128xf32, #tpu.memory_space<vmem>> -> memref<128x128xf32, #tpu.memory_space<vmem>>
      %dma_wait3A_150 = arith.constant 0 : i32
      %dma_wait3A_151 = tpu.memref_slice %arg11[%add3A_53, %dma_wait3A_150] : memref<10240x128xf32, #tpu.memory_space<vmem_shared>> -> memref<128x128xf32, #tpu.memory_space<vmem_shared>>
      %dma_wait3A_152 = arith.constant 0 : i32
      %dma_wait3A_153 = tpu.memref_slice %arg11[%add3A_53, %dma_wait3A_152] : memref<10240x128xf32, #tpu.memory_space<vmem_shared>> -> memref<128x128xf32, #tpu.memory_space<vmem_shared>>
      %dma_wait3A_154 = arith.constant 0 : i32
      %dma_wait3A_155 = arith.constant 0 : i32
      %dma_wait3A_156 = tpu.memref_slice %arg6[%run_scoped3A_54, %dma_wait3A_154, %dma_wait3A_155] : memref<2x128x128xf32, #tpu.memory_space<vmem>> -> memref<1x128x128xf32, #tpu.memory_space<vmem>>
      %dma_wait3A_157 = tpu.memref_squeeze %dma_wait3A_156 : memref<1x128x128xf32, #tpu.memory_space<vmem>> -> memref<128x128xf32, #tpu.memory_space<vmem>>
      tpu.wait_dma2 semaphore(%run_scoped3A_133 : memref<!tpu.dma_semaphore, #tpu.memory_space<semaphore_mem>>) src(%dma_wait3A_157 : memref<128x128xf32, #tpu.memory_space<vmem>>) dst(%dma_wait3A_153 : memref<128x128xf32, #tpu.memory_space<vmem_shared>>)
      tpu.yield
    }) : () -> ()
    %mul3A_55 = arith.constant 640 : i32
    %mul3A_56 = arith.muli %arg1, %mul3A_55 : i32
    %add3A_57 = arith.constant 256 : i32
    %add3A_58 = arith.addi %mul3A_56, %add3A_57 : i32
    %run_scoped3A_59 = arith.constant 0 : i32
    "tpu.region"() ({
      %run_scoped3A_133 = tpu.sem_alloc : memref<!tpu.dma_semaphore, #tpu.memory_space<semaphore_mem>>
      %dma_start3A_134 = arith.constant 0 : i32
      %dma_start3A_135 = arith.constant 0 : i32
      %dma_start3A_136 = tpu.memref_slice %arg6[%run_scoped3A_59, %dma_start3A_134, %dma_start3A_135] : memref<2x128x128xf32, #tpu.memory_space<vmem>> -> memref<1x128x128xf32, #tpu.memory_space<vmem>>
      %dma_start3A_137 = tpu.memref_squeeze %dma_start3A_136 : memref<1x128x128xf32, #tpu.memory_space<vmem>> -> memref<128x128xf32, #tpu.memory_space<vmem>>
      %dma_start3A_138 = arith.constant 0 : i32
      %dma_start3A_139 = tpu.memref_slice %arg11[%add3A_58, %dma_start3A_138] : memref<10240x128xf32, #tpu.memory_space<vmem_shared>> -> memref<128x128xf32, #tpu.memory_space<vmem_shared>>
      %dma_start3A_140 = arith.constant 0 : i32
      %dma_start3A_141 = tpu.memref_slice %arg11[%add3A_58, %dma_start3A_140] : memref<10240x128xf32, #tpu.memory_space<vmem_shared>> -> memref<128x128xf32, #tpu.memory_space<vmem_shared>>
      %dma_start3A_142 = arith.constant 0 : i32
      %dma_start3A_143 = arith.constant 0 : i32
      %dma_start3A_144 = tpu.memref_slice %arg6[%run_scoped3A_59, %dma_start3A_142, %dma_start3A_143] : memref<2x128x128xf32, #tpu.memory_space<vmem>> -> memref<1x128x128xf32, #tpu.memory_space<vmem>>
      %dma_start3A_145 = tpu.memref_squeeze %dma_start3A_144 : memref<1x128x128xf32, #tpu.memory_space<vmem>> -> memref<128x128xf32, #tpu.memory_space<vmem>>
      tpu.enqueue_dma source(%dma_start3A_145 : memref<128x128xf32, #tpu.memory_space<vmem>>) target(%dma_start3A_141 : memref<128x128xf32, #tpu.memory_space<vmem_shared>>) target_semaphore(%run_scoped3A_133 : memref<!tpu.dma_semaphore, #tpu.memory_space<semaphore_mem>>)
      %dma_wait3A_146 = arith.constant 0 : i32
      %dma_wait3A_147 = arith.constant 0 : i32
      %dma_wait3A_148 = tpu.memref_slice %arg6[%run_scoped3A_59, %dma_wait3A_146, %dma_wait3A_147] : memref<2x128x128xf32, #tpu.memory_space<vmem>> -> memref<1x128x128xf32, #tpu.memory_space<vmem>>
      %dma_wait3A_149 = tpu.memref_squeeze %dma_wait3A_148 : memref<1x128x128xf32, #tpu.memory_space<vmem>> -> memref<128x128xf32, #tpu.memory_space<vmem>>
      %dma_wait3A_150 = arith.constant 0 : i32
      %dma_wait3A_151 = tpu.memref_slice %arg11[%add3A_58, %dma_wait3A_150] : memref<10240x128xf32, #tpu.memory_space<vmem_shared>> -> memref<128x128xf32, #tpu.memory_space<vmem_shared>>
      %dma_wait3A_152 = arith.constant 0 : i32
      %dma_wait3A_153 = tpu.memref_slice %arg11[%add3A_58, %dma_wait3A_152] : memref<10240x128xf32, #tpu.memory_space<vmem_shared>> -> memref<128x128xf32, #tpu.memory_space<vmem_shared>>
      %dma_wait3A_154 = arith.constant 0 : i32
      %dma_wait3A_155 = arith.constant 0 : i32
      %dma_wait3A_156 = tpu.memref_slice %arg6[%run_scoped3A_59, %dma_wait3A_154, %dma_wait3A_155] : memref<2x128x128xf32, #tpu.memory_space<vmem>> -> memref<1x128x128xf32, #tpu.memory_space<vmem>>
      %dma_wait3A_157 = tpu.memref_squeeze %dma_wait3A_156 : memref<1x128x128xf32, #tpu.memory_space<vmem>> -> memref<128x128xf32, #tpu.memory_space<vmem>>
      tpu.wait_dma2 semaphore(%run_scoped3A_133 : memref<!tpu.dma_semaphore, #tpu.memory_space<semaphore_mem>>) src(%dma_wait3A_157 : memref<128x128xf32, #tpu.memory_space<vmem>>) dst(%dma_wait3A_153 : memref<128x128xf32, #tpu.memory_space<vmem_shared>>)
      tpu.yield
    }) : () -> ()
    %mul3A_60 = arith.constant 640 : i32
    %mul3A_61 = arith.muli %arg1, %mul3A_60 : i32
    %add3A_62 = arith.constant 384 : i32
    %add3A_63 = arith.addi %mul3A_61, %add3A_62 : i32
    %run_scoped3A_64 = arith.constant 0 : i32
    "tpu.region"() ({
      %run_scoped3A_133 = tpu.sem_alloc : memref<!tpu.dma_semaphore, #tpu.memory_space<semaphore_mem>>
      %dma_start3A_134 = arith.constant 0 : i32
      %dma_start3A_135 = arith.constant 0 : i32
      %dma_start3A_136 = tpu.memref_slice %arg6[%run_scoped3A_64, %dma_start3A_134, %dma_start3A_135] : memref<2x128x128xf32, #tpu.memory_space<vmem>> -> memref<1x128x128xf32, #tpu.memory_space<vmem>>
      %dma_start3A_137 = tpu.memref_squeeze %dma_start3A_136 : memref<1x128x128xf32, #tpu.memory_space<vmem>> -> memref<128x128xf32, #tpu.memory_space<vmem>>
      %dma_start3A_138 = arith.constant 0 : i32
      %dma_start3A_139 = tpu.memref_slice %arg11[%add3A_63, %dma_start3A_138] : memref<10240x128xf32, #tpu.memory_space<vmem_shared>> -> memref<128x128xf32, #tpu.memory_space<vmem_shared>>
      %dma_start3A_140 = arith.constant 0 : i32
      %dma_start3A_141 = tpu.memref_slice %arg11[%add3A_63, %dma_start3A_140] : memref<10240x128xf32, #tpu.memory_space<vmem_shared>> -> memref<128x128xf32, #tpu.memory_space<vmem_shared>>
      %dma_start3A_142 = arith.constant 0 : i32
      %dma_start3A_143 = arith.constant 0 : i32
      %dma_start3A_144 = tpu.memref_slice %arg6[%run_scoped3A_64, %dma_start3A_142, %dma_start3A_143] : memref<2x128x128xf32, #tpu.memory_space<vmem>> -> memref<1x128x128xf32, #tpu.memory_space<vmem>>
      %dma_start3A_145 = tpu.memref_squeeze %dma_start3A_144 : memref<1x128x128xf32, #tpu.memory_space<vmem>> -> memref<128x128xf32, #tpu.memory_space<vmem>>
      tpu.enqueue_dma source(%dma_start3A_145 : memref<128x128xf32, #tpu.memory_space<vmem>>) target(%dma_start3A_141 : memref<128x128xf32, #tpu.memory_space<vmem_shared>>) target_semaphore(%run_scoped3A_133 : memref<!tpu.dma_semaphore, #tpu.memory_space<semaphore_mem>>)
      %dma_wait3A_146 = arith.constant 0 : i32
      %dma_wait3A_147 = arith.constant 0 : i32
      %dma_wait3A_148 = tpu.memref_slice %arg6[%run_scoped3A_64, %dma_wait3A_146, %dma_wait3A_147] : memref<2x128x128xf32, #tpu.memory_space<vmem>> -> memref<1x128x128xf32, #tpu.memory_space<vmem>>
      %dma_wait3A_149 = tpu.memref_squeeze %dma_wait3A_148 : memref<1x128x128xf32, #tpu.memory_space<vmem>> -> memref<128x128xf32, #tpu.memory_space<vmem>>
      %dma_wait3A_150 = arith.constant 0 : i32
      %dma_wait3A_151 = tpu.memref_slice %arg11[%add3A_63, %dma_wait3A_150] : memref<10240x128xf32, #tpu.memory_space<vmem_shared>> -> memref<128x128xf32, #tpu.memory_space<vmem_shared>>
      %dma_wait3A_152 = arith.constant 0 : i32
      %dma_wait3A_153 = tpu.memref_slice %arg11[%add3A_63, %dma_wait3A_152] : memref<10240x128xf32, #tpu.memory_space<vmem_shared>> -> memref<128x128xf32, #tpu.memory_space<vmem_shared>>
      %dma_wait3A_154 = arith.constant 0 : i32
      %dma_wait3A_155 = arith.constant 0 : i32
      %dma_wait3A_156 = tpu.memref_slice %arg6[%run_scoped3A_64, %dma_wait3A_154, %dma_wait3A_155] : memref<2x128x128xf32, #tpu.memory_space<vmem>> -> memref<1x128x128xf32, #tpu.memory_space<vmem>>
      %dma_wait3A_157 = tpu.memref_squeeze %dma_wait3A_156 : memref<1x128x128xf32, #tpu.memory_space<vmem>> -> memref<128x128xf32, #tpu.memory_space<vmem>>
      tpu.wait_dma2 semaphore(%run_scoped3A_133 : memref<!tpu.dma_semaphore, #tpu.memory_space<semaphore_mem>>) src(%dma_wait3A_157 : memref<128x128xf32, #tpu.memory_space<vmem>>) dst(%dma_wait3A_153 : memref<128x128xf32, #tpu.memory_space<vmem_shared>>)
      tpu.yield
    }) : () -> ()
    %mul3A_65 = arith.constant 640 : i32
    %mul3A_66 = arith.muli %arg1, %mul3A_65 : i32
    %add3A_67 = arith.constant 512 : i32
    %add3A_68 = arith.addi %mul3A_66, %add3A_67 : i32
    %run_scoped3A_69 = arith.constant 0 : i32
    "tpu.region"() ({
      %run_scoped3A_133 = tpu.sem_alloc : memref<!tpu.dma_semaphore, #tpu.memory_space<semaphore_mem>>
      %dma_start3A_134 = arith.constant 0 : i32
      %dma_start3A_135 = arith.constant 0 : i32
      %dma_start3A_136 = tpu.memref_slice %arg6[%run_scoped3A_69, %dma_start3A_134, %dma_start3A_135] : memref<2x128x128xf32, #tpu.memory_space<vmem>> -> memref<1x128x128xf32, #tpu.memory_space<vmem>>
      %dma_start3A_137 = tpu.memref_squeeze %dma_start3A_136 : memref<1x128x128xf32, #tpu.memory_space<vmem>> -> memref<128x128xf32, #tpu.memory_space<vmem>>
      %dma_start3A_138 = arith.constant 0 : i32
      %dma_start3A_139 = tpu.memref_slice %arg11[%add3A_68, %dma_start3A_138] : memref<10240x128xf32, #tpu.memory_space<vmem_shared>> -> memref<128x128xf32, #tpu.memory_space<vmem_shared>>
      %dma_start3A_140 = arith.constant 0 : i32
      %dma_start3A_141 = tpu.memref_slice %arg11[%add3A_68, %dma_start3A_140] : memref<10240x128xf32, #tpu.memory_space<vmem_shared>> -> memref<128x128xf32, #tpu.memory_space<vmem_shared>>
      %dma_start3A_142 = arith.constant 0 : i32
      %dma_start3A_143 = arith.constant 0 : i32
      %dma_start3A_144 = tpu.memref_slice %arg6[%run_scoped3A_69, %dma_start3A_142, %dma_start3A_143] : memref<2x128x128xf32, #tpu.memory_space<vmem>> -> memref<1x128x128xf32, #tpu.memory_space<vmem>>
      %dma_start3A_145 = tpu.memref_squeeze %dma_start3A_144 : memref<1x128x128xf32, #tpu.memory_space<vmem>> -> memref<128x128xf32, #tpu.memory_space<vmem>>
      tpu.enqueue_dma source(%dma_start3A_145 : memref<128x128xf32, #tpu.memory_space<vmem>>) target(%dma_start3A_141 : memref<128x128xf32, #tpu.memory_space<vmem_shared>>) target_semaphore(%run_scoped3A_133 : memref<!tpu.dma_semaphore, #tpu.memory_space<semaphore_mem>>)
      %dma_wait3A_146 = arith.constant 0 : i32
      %dma_wait3A_147 = arith.constant 0 : i32
      %dma_wait3A_148 = tpu.memref_slice %arg6[%run_scoped3A_69, %dma_wait3A_146, %dma_wait3A_147] : memref<2x128x128xf32, #tpu.memory_space<vmem>> -> memref<1x128x128xf32, #tpu.memory_space<vmem>>
      %dma_wait3A_149 = tpu.memref_squeeze %dma_wait3A_148 : memref<1x128x128xf32, #tpu.memory_space<vmem>> -> memref<128x128xf32, #tpu.memory_space<vmem>>
      %dma_wait3A_150 = arith.constant 0 : i32
      %dma_wait3A_151 = tpu.memref_slice %arg11[%add3A_68, %dma_wait3A_150] : memref<10240x128xf32, #tpu.memory_space<vmem_shared>> -> memref<128x128xf32, #tpu.memory_space<vmem_shared>>
      %dma_wait3A_152 = arith.constant 0 : i32
      %dma_wait3A_153 = tpu.memref_slice %arg11[%add3A_68, %dma_wait3A_152] : memref<10240x128xf32, #tpu.memory_space<vmem_shared>> -> memref<128x128xf32, #tpu.memory_space<vmem_shared>>
      %dma_wait3A_154 = arith.constant 0 : i32
      %dma_wait3A_155 = arith.constant 0 : i32
      %dma_wait3A_156 = tpu.memref_slice %arg6[%run_scoped3A_69, %dma_wait3A_154, %dma_wait3A_155] : memref<2x128x128xf32, #tpu.memory_space<vmem>> -> memref<1x128x128xf32, #tpu.memory_space<vmem>>
      %dma_wait3A_157 = tpu.memref_squeeze %dma_wait3A_156 : memref<1x128x128xf32, #tpu.memory_space<vmem>> -> memref<128x128xf32, #tpu.memory_space<vmem>>
      tpu.wait_dma2 semaphore(%run_scoped3A_133 : memref<!tpu.dma_semaphore, #tpu.memory_space<semaphore_mem>>) src(%dma_wait3A_157 : memref<128x128xf32, #tpu.memory_space<vmem>>) dst(%dma_wait3A_153 : memref<128x128xf32, #tpu.memory_space<vmem_shared>>)
      tpu.yield
    }) : () -> ()
    %barrier3A = arith.constant 0 : index
    tpu.barrier barrier_id(%barrier3A)
    %dma_wait3A = arith.constant 0 : i32
    %dma_wait3A_70 = arith.constant 0 : i32
    %dma_wait3A_71 = arith.constant 0 : i32
    %dma_wait3A_72 = tpu.memref_slice %arg5[%dma_wait3A, %dma_wait3A_70, %dma_wait3A_71] : memref<2x2x128xi32, #tpu.memory_space<vmem>> -> memref<1x2x128xi32, #tpu.memory_space<vmem>>
    %dma_wait3A_73 = tpu.memref_squeeze %dma_wait3A_72 : memref<1x2x128xi32, #tpu.memory_space<vmem>> -> memref<2x128xi32, #tpu.memory_space<vmem>>
    %dma_wait3A_74 = arith.constant 0 : i32
    %dma_wait3A_75 = arith.constant 0 : i32
    %dma_wait3A_76 = tpu.memref_slice %arg3[%add3A, %dma_wait3A_74, %dma_wait3A_75] : memref<2560x2x128xi32, #tpu.memory_space<hbm>> -> memref<1x2x128xi32, #tpu.memory_space<hbm>>
    %dma_wait3A_77 = tpu.memref_squeeze %dma_wait3A_76 : memref<1x2x128xi32, #tpu.memory_space<hbm>> -> memref<2x128xi32, #tpu.memory_space<hbm>>
    %dma_wait3A_78 = arith.constant 0 : i32
    %dma_wait3A_79 = arith.constant 0 : i32
    %dma_wait3A_80 = tpu.memref_slice %arg5[%dma_wait3A, %dma_wait3A_78, %dma_wait3A_79] : memref<2x2x128xi32, #tpu.memory_space<vmem>> -> memref<1x2x128xi32, #tpu.memory_space<vmem>>
    %dma_wait3A_81 = tpu.memref_squeeze %dma_wait3A_80 : memref<1x2x128xi32, #tpu.memory_space<vmem>> -> memref<2x128xi32, #tpu.memory_space<vmem>>
    %dma_wait3A_82 = arith.constant 0 : i32
    %dma_wait3A_83 = arith.constant 0 : i32
    %dma_wait3A_84 = tpu.memref_slice %arg3[%add3A, %dma_wait3A_82, %dma_wait3A_83] : memref<2560x2x128xi32, #tpu.memory_space<hbm>> -> memref<1x2x128xi32, #tpu.memory_space<hbm>>
    %dma_wait3A_85 = tpu.memref_squeeze %dma_wait3A_84 : memref<1x2x128xi32, #tpu.memory_space<hbm>> -> memref<2x128xi32, #tpu.memory_space<hbm>>
    tpu.wait_dma2 semaphore(%arg7 : memref<!tpu.dma_semaphore, #tpu.memory_space<semaphore_mem>>) src(%dma_wait3A_85 : memref<2x128xi32, #tpu.memory_space<hbm>>) dst(%dma_wait3A_81 : memref<2x128xi32, #tpu.memory_space<vmem>>)
    %dma_start3A_86 = arith.constant 0 : i32
    %dma_start3A_87 = arith.constant 0 : i32
    %dma_start3A_88 = arith.constant 0 : i32
    %dma_start3A_89 = arith.constant 0 : i32
    %dma_start3A_90 = arith.constant 0 : i32
    %dma_start3A_91 = tpu.memref_slice %arg6[%dma_start3A_88, %dma_start3A_89, %dma_start3A_90] : memref<2x128x128xf32, #tpu.memory_space<vmem>> -> memref<1x128x128xf32, #tpu.memory_space<vmem>>
    %dma_start3A_92 = tpu.memref_squeeze %dma_start3A_91 : memref<1x128x128xf32, #tpu.memory_space<vmem>> -> memref<128x128xf32, #tpu.memory_space<vmem>>
    %dma_start3A_93 = arith.constant 0 : i32
    %dma_start3A_94 = tpu.memref_slice %arg5[%dma_start3A_86, %dma_start3A_87, %dma_start3A_93] : memref<2x2x128xi32, #tpu.memory_space<vmem>> -> memref<1x1x128xi32, #tpu.memory_space<vmem>>
    %dma_start3A_95 = tpu.memref_squeeze %dma_start3A_94 : memref<1x1x128xi32, #tpu.memory_space<vmem>> -> memref<128xi32, #tpu.memory_space<vmem>>
    %dma_start3A_96 = arith.constant 0 : i32
    %dma_start3A_97 = arith.constant 0 : i32
    %dma_start3A_98 = tpu.memref_slice %arg2[%dma_start3A_96, %dma_start3A_97] : memref<10000x128xf32, #tpu.memory_space<hbm>> -> memref<10000x128xf32, #tpu.memory_space<hbm>>
    tpu.enqueue_indirect_dma source(%dma_start3A_98 : memref<10000x128xf32, #tpu.memory_space<hbm>>) target(%dma_start3A_92 : memref<128x128xf32, #tpu.memory_space<vmem>>) offsets(%dma_start3A_95 : memref<128xi32, #tpu.memory_space<vmem>>) semaphore(%arg9 : memref<!tpu.dma_semaphore, #tpu.memory_space<semaphore_mem>>)
    %jit3A_99 = arith.constant 2 : i32
    %div3A = arith.divsi %select_n3A, %jit3A_99 : i32
    %sign3A = arith.constant 0 : i32
    %sign3A_100 = arith.cmpi sgt, %select_n3A, %sign3A : i32
    %sign3A_101 = arith.extui %sign3A_100 : i1 to i32
    %sign3A_102 = arith.constant 0 : i32
    %sign3A_103 = arith.cmpi slt, %select_n3A, %sign3A_102 : i32
    %sign3A_104 = arith.extui %sign3A_103 : i1 to i32
    %sign3A_105 = arith.subi %sign3A_101, %sign3A_104 : i32
    %sign3A_106 = arith.constant 0 : i32
    %sign3A_107 = arith.cmpi sgt, %jit3A_99, %sign3A_106 : i32
    %sign3A_108 = arith.extui %sign3A_107 : i1 to i32
    %sign3A_109 = arith.constant 0 : i32
    %sign3A_110 = arith.cmpi slt, %jit3A_99, %sign3A_109 : i32
    %sign3A_111 = arith.extui %sign3A_110 : i1 to i32
    %sign3A_112 = arith.subi %sign3A_108, %sign3A_111 : i32
    %ne3A = arith.cmpi ne, %sign3A_105, %sign3A_112 : i32
    %rem3A = arith.remsi %select_n3A, %jit3A_99 : i32
    %ne3A_113 = arith.constant 0 : i32
    %ne3A_114 = arith.cmpi ne, %rem3A, %ne3A_113 : i32
    %and3A = arith.andi %ne3A, %ne3A_114 : i1
    %sub3A = arith.constant 1 : i32
    %sub3A_115 = arith.subi %div3A, %sub3A : i32
    %select_n3A_116 = arith.select %and3A, %sub3A_115, %div3A : i32
    %while3A = arith.constant 0 : i32
    %while3A_117 = arith.constant 0 : i32
    %while3A_118 = arith.subi %select_n3A_116, %while3A : i32
    %while3A_119 = arith.addi %while3A, %while3A_118 : i32
    %while3A_120 = arith.constant 1 : i32
    %while3A_121 = arith.divsi %while3A_118, %while3A_120 : i32
    %while3A_122 = arith.muli %while3A_121, %while3A_120 : i32
    %while3A_123 = arith.addi %while3A, %while3A_122 : i32
    %while3A_124 = arith.constant 1 : i32
    %while3A_125 = scf.for %while3A_133 = %while3A to %while3A_123 step %while3A_124 iter_args(%while3A_134 = %while3A_117) -> (i32)  : i32 {
      %mul3A_135 = arith.constant 2 : i32
      %mul3A_136 = arith.muli %mul3A_135, %while3A_133 : i32
      %add3A_137 = arith.constant 0 : i32
      %add3A_138 = arith.addi %mul3A_136, %add3A_137 : i32
      %dma_wait3A_139 = arith.constant 0 : i32
      %dma_wait3A_140 = arith.constant 0 : i32
      %dma_wait3A_141 = arith.constant 0 : i32
      %dma_wait3A_142 = arith.constant 0 : i32
      %dma_wait3A_143 = arith.constant 0 : i32
      %dma_wait3A_144 = tpu.memref_slice %arg6[%dma_wait3A_141, %dma_wait3A_142, %dma_wait3A_143] : memref<2x128x128xf32, #tpu.memory_space<vmem>> -> memref<1x128x128xf32, #tpu.memory_space<vmem>>
      %dma_wait3A_145 = tpu.memref_squeeze %dma_wait3A_144 : memref<1x128x128xf32, #tpu.memory_space<vmem>> -> memref<128x128xf32, #tpu.memory_space<vmem>>
      %dma_wait3A_146 = arith.constant 0 : i32
      %dma_wait3A_147 = tpu.memref_slice %arg5[%dma_wait3A_139, %dma_wait3A_140, %dma_wait3A_146] : memref<2x2x128xi32, #tpu.memory_space<vmem>> -> memref<1x1x128xi32, #tpu.memory_space<vmem>>
      %dma_wait3A_148 = tpu.memref_squeeze %dma_wait3A_147 : memref<1x1x128xi32, #tpu.memory_space<vmem>> -> memref<128xi32, #tpu.memory_space<vmem>>
      %dma_wait3A_149 = arith.constant 0 : i32
      %dma_wait3A_150 = arith.constant 0 : i32
      %dma_wait3A_151 = tpu.memref_slice %arg2[%dma_wait3A_149, %dma_wait3A_150] : memref<10000x128xf32, #tpu.memory_space<hbm>> -> memref<10000x128xf32, #tpu.memory_space<hbm>>
      tpu.wait_indirect_dma semaphore(%arg9 : memref<!tpu.dma_semaphore, #tpu.memory_space<semaphore_mem>>) src(%dma_wait3A_151 : memref<10000x128xf32, #tpu.memory_space<hbm>>) dst(%dma_wait3A_145 : memref<128x128xf32, #tpu.memory_space<vmem>>)
      %add3A_152 = arith.constant 1 : i32
      %add3A_153 = arith.addi %add3A_138, %add3A_152 : i32
      %lt3A = arith.cmpi slt, %add3A_153, %select_n3A : i32
      %convert_element_type3A = arith.extui %lt3A : i1 to i32
      %cond3A = arith.constant 0 : i32
      %cond3A_154 = arith.cmpi ne, %convert_element_type3A, %cond3A : i32
      scf.if %cond3A_154 {
        %add3A_197 = arith.addi %add3A, %add3A_138 : i32
        %add3A_198 = arith.constant 1 : i32
        %add3A_199 = arith.addi %add3A_197, %add3A_198 : i32
        %dma_wait3A_200 = arith.constant 1 : i32
        %dma_wait3A_201 = arith.constant 0 : i32
        %dma_wait3A_202 = arith.constant 0 : i32
        %dma_wait3A_203 = tpu.memref_slice %arg5[%dma_wait3A_200, %dma_wait3A_201, %dma_wait3A_202] : memref<2x2x128xi32, #tpu.memory_space<vmem>> -> memref<1x2x128xi32, #tpu.memory_space<vmem>>
        %dma_wait3A_204 = tpu.memref_squeeze %dma_wait3A_203 : memref<1x2x128xi32, #tpu.memory_space<vmem>> -> memref<2x128xi32, #tpu.memory_space<vmem>>
        %dma_wait3A_205 = arith.constant 0 : i32
        %dma_wait3A_206 = arith.constant 0 : i32
        %dma_wait3A_207 = tpu.memref_slice %arg3[%add3A_199, %dma_wait3A_205, %dma_wait3A_206] : memref<2560x2x128xi32, #tpu.memory_space<hbm>> -> memref<1x2x128xi32, #tpu.memory_space<hbm>>
        %dma_wait3A_208 = tpu.memref_squeeze %dma_wait3A_207 : memref<1x2x128xi32, #tpu.memory_space<hbm>> -> memref<2x128xi32, #tpu.memory_space<hbm>>
        %dma_wait3A_209 = arith.constant 0 : i32
        %dma_wait3A_210 = arith.constant 0 : i32
        %dma_wait3A_211 = tpu.memref_slice %arg5[%dma_wait3A_200, %dma_wait3A_209, %dma_wait3A_210] : memref<2x2x128xi32, #tpu.memory_space<vmem>> -> memref<1x2x128xi32, #tpu.memory_space<vmem>>
        %dma_wait3A_212 = tpu.memref_squeeze %dma_wait3A_211 : memref<1x2x128xi32, #tpu.memory_space<vmem>> -> memref<2x128xi32, #tpu.memory_space<vmem>>
        %dma_wait3A_213 = arith.constant 0 : i32
        %dma_wait3A_214 = arith.constant 0 : i32
        %dma_wait3A_215 = tpu.memref_slice %arg3[%add3A_199, %dma_wait3A_213, %dma_wait3A_214] : memref<2560x2x128xi32, #tpu.memory_space<hbm>> -> memref<1x2x128xi32, #tpu.memory_space<hbm>>
        %dma_wait3A_216 = tpu.memref_squeeze %dma_wait3A_215 : memref<1x2x128xi32, #tpu.memory_space<hbm>> -> memref<2x128xi32, #tpu.memory_space<hbm>>
        tpu.wait_dma2 semaphore(%arg8 : memref<!tpu.dma_semaphore, #tpu.memory_space<semaphore_mem>>) src(%dma_wait3A_216 : memref<2x128xi32, #tpu.memory_space<hbm>>) dst(%dma_wait3A_212 : memref<2x128xi32, #tpu.memory_space<vmem>>)
        %dma_start3A_217 = arith.constant 1 : i32
        %dma_start3A_218 = arith.constant 0 : i32
        %dma_start3A_219 = arith.constant 1 : i32
        %dma_start3A_220 = arith.constant 0 : i32
        %dma_start3A_221 = arith.constant 0 : i32
        %dma_start3A_222 = tpu.memref_slice %arg6[%dma_start3A_219, %dma_start3A_220, %dma_start3A_221] : memref<2x128x128xf32, #tpu.memory_space<vmem>> -> memref<1x128x128xf32, #tpu.memory_space<vmem>>
        %dma_start3A_223 = tpu.memref_squeeze %dma_start3A_222 : memref<1x128x128xf32, #tpu.memory_space<vmem>> -> memref<128x128xf32, #tpu.memory_space<vmem>>
        %dma_start3A_224 = arith.constant 0 : i32
        %dma_start3A_225 = tpu.memref_slice %arg5[%dma_start3A_217, %dma_start3A_218, %dma_start3A_224] : memref<2x2x128xi32, #tpu.memory_space<vmem>> -> memref<1x1x128xi32, #tpu.memory_space<vmem>>
        %dma_start3A_226 = tpu.memref_squeeze %dma_start3A_225 : memref<1x1x128xi32, #tpu.memory_space<vmem>> -> memref<128xi32, #tpu.memory_space<vmem>>
        %dma_start3A_227 = arith.constant 0 : i32
        %dma_start3A_228 = arith.constant 0 : i32
        %dma_start3A_229 = tpu.memref_slice %arg2[%dma_start3A_227, %dma_start3A_228] : memref<10000x128xf32, #tpu.memory_space<hbm>> -> memref<10000x128xf32, #tpu.memory_space<hbm>>
        tpu.enqueue_indirect_dma source(%dma_start3A_229 : memref<10000x128xf32, #tpu.memory_space<hbm>>) target(%dma_start3A_223 : memref<128x128xf32, #tpu.memory_space<vmem>>) offsets(%dma_start3A_226 : memref<128xi32, #tpu.memory_space<vmem>>) semaphore(%arg10 : memref<!tpu.dma_semaphore, #tpu.memory_space<semaphore_mem>>)
      } else {
      }
      %run_scoped3A_155 = arith.constant 0 : i32
      %run_scoped3A_156 = arith.constant 0 : i32
      %run_scoped3A_157 = arith.constant 1 : i32
      "tpu.region"() ({
        %run_scoped3A_197 = tpu.sem_alloc : memref<!tpu.dma_semaphore, #tpu.memory_space<semaphore_mem>>
        %dma_start3A_198 = arith.constant 0 : i32
        %dma_start3A_199 = arith.constant 0 : i32
        %dma_start3A_200 = tpu.memref_slice %arg6[%run_scoped3A_155, %dma_start3A_198, %dma_start3A_199] : memref<2x128x128xf32, #tpu.memory_space<vmem>> -> memref<1x128x128xf32, #tpu.memory_space<vmem>>
        %dma_start3A_201 = tpu.memref_squeeze %dma_start3A_200 : memref<1x128x128xf32, #tpu.memory_space<vmem>> -> memref<128x128xf32, #tpu.memory_space<vmem>>
        %dma_start3A_202 = arith.constant 0 : i32
        %dma_start3A_203 = tpu.memref_slice %arg5[%run_scoped3A_156, %run_scoped3A_157, %dma_start3A_202] : memref<2x2x128xi32, #tpu.memory_space<vmem>> -> memref<1x1x128xi32, #tpu.memory_space<vmem>>
        %dma_start3A_204 = tpu.memref_squeeze %dma_start3A_203 : memref<1x1x128xi32, #tpu.memory_space<vmem>> -> memref<128xi32, #tpu.memory_space<vmem>>
        %dma_start3A_205 = arith.constant 0 : i32
        %dma_start3A_206 = arith.constant 0 : i32
        %dma_start3A_207 = tpu.memref_slice %arg11[%dma_start3A_205, %dma_start3A_206] : memref<10240x128xf32, #tpu.memory_space<vmem_shared>> -> memref<10240x128xf32, #tpu.memory_space<vmem_shared>>
        tpu.enqueue_indirect_dma source(%dma_start3A_201 : memref<128x128xf32, #tpu.memory_space<vmem>>) target(%dma_start3A_207 : memref<10240x128xf32, #tpu.memory_space<vmem_shared>>) offsets(%dma_start3A_204 : memref<128xi32, #tpu.memory_space<vmem>>) semaphore(%run_scoped3A_197 : memref<!tpu.dma_semaphore, #tpu.memory_space<semaphore_mem>>) {add = true}
        %dma_wait3A_208 = arith.constant 0 : i32
        %dma_wait3A_209 = arith.constant 0 : i32
        %dma_wait3A_210 = tpu.memref_slice %arg6[%run_scoped3A_155, %dma_wait3A_208, %dma_wait3A_209] : memref<2x128x128xf32, #tpu.memory_space<vmem>> -> memref<1x128x128xf32, #tpu.memory_space<vmem>>
        %dma_wait3A_211 = tpu.memref_squeeze %dma_wait3A_210 : memref<1x128x128xf32, #tpu.memory_space<vmem>> -> memref<128x128xf32, #tpu.memory_space<vmem>>
        %dma_wait3A_212 = arith.constant 0 : i32
        %dma_wait3A_213 = tpu.memref_slice %arg5[%run_scoped3A_156, %run_scoped3A_157, %dma_wait3A_212] : memref<2x2x128xi32, #tpu.memory_space<vmem>> -> memref<1x1x128xi32, #tpu.memory_space<vmem>>
        %dma_wait3A_214 = tpu.memref_squeeze %dma_wait3A_213 : memref<1x1x128xi32, #tpu.memory_space<vmem>> -> memref<128xi32, #tpu.memory_space<vmem>>
        %dma_wait3A_215 = arith.constant 0 : i32
        %dma_wait3A_216 = arith.constant 0 : i32
        %dma_wait3A_217 = tpu.memref_slice %arg11[%dma_wait3A_215, %dma_wait3A_216] : memref<10240x128xf32, #tpu.memory_space<vmem_shared>> -> memref<10240x128xf32, #tpu.memory_space<vmem_shared>>
        tpu.wait_indirect_dma semaphore(%run_scoped3A_197 : memref<!tpu.dma_semaphore, #tpu.memory_space<semaphore_mem>>) src(%dma_wait3A_211 : memref<128x128xf32, #tpu.memory_space<vmem>>) dst(%dma_wait3A_217 : memref<10240x128xf32, #tpu.memory_space<vmem_shared>>)
        tpu.yield
      }) : () -> ()
      %add3A_158 = arith.constant 2 : i32
      %add3A_159 = arith.addi %add3A_138, %add3A_158 : i32
      %lt3A_160 = arith.cmpi slt, %add3A_159, %select_n3A : i32
      %convert_element_type3A_161 = arith.extui %lt3A_160 : i1 to i32
      %cond3A_162 = arith.constant 0 : i32
      %cond3A_163 = arith.cmpi ne, %convert_element_type3A_161, %cond3A_162 : i32
      scf.if %cond3A_163 {
        %add3A_197 = arith.addi %add3A, %add3A_138 : i32
        %add3A_198 = arith.constant 2 : i32
        %add3A_199 = arith.addi %add3A_197, %add3A_198 : i32
        %dma_start3A_200 = arith.constant 0 : i32
        %dma_start3A_201 = arith.constant 0 : i32
        %dma_start3A_202 = arith.constant 0 : i32
        %dma_start3A_203 = tpu.memref_slice %arg5[%dma_start3A_200, %dma_start3A_201, %dma_start3A_202] : memref<2x2x128xi32, #tpu.memory_space<vmem>> -> memref<1x2x128xi32, #tpu.memory_space<vmem>>
        %dma_start3A_204 = tpu.memref_squeeze %dma_start3A_203 : memref<1x2x128xi32, #tpu.memory_space<vmem>> -> memref<2x128xi32, #tpu.memory_space<vmem>>
        %dma_start3A_205 = arith.constant 0 : i32
        %dma_start3A_206 = arith.constant 0 : i32
        %dma_start3A_207 = tpu.memref_slice %arg3[%add3A_199, %dma_start3A_205, %dma_start3A_206] : memref<2560x2x128xi32, #tpu.memory_space<hbm>> -> memref<1x2x128xi32, #tpu.memory_space<hbm>>
        %dma_start3A_208 = tpu.memref_squeeze %dma_start3A_207 : memref<1x2x128xi32, #tpu.memory_space<hbm>> -> memref<2x128xi32, #tpu.memory_space<hbm>>
        %dma_start3A_209 = arith.constant 0 : i32
        %dma_start3A_210 = arith.constant 0 : i32
        %dma_start3A_211 = tpu.memref_slice %arg5[%dma_start3A_200, %dma_start3A_209, %dma_start3A_210] : memref<2x2x128xi32, #tpu.memory_space<vmem>> -> memref<1x2x128xi32, #tpu.memory_space<vmem>>
        %dma_start3A_212 = tpu.memref_squeeze %dma_start3A_211 : memref<1x2x128xi32, #tpu.memory_space<vmem>> -> memref<2x128xi32, #tpu.memory_space<vmem>>
        %dma_start3A_213 = arith.constant 0 : i32
        %dma_start3A_214 = arith.constant 0 : i32
        %dma_start3A_215 = tpu.memref_slice %arg3[%add3A_199, %dma_start3A_213, %dma_start3A_214] : memref<2560x2x128xi32, #tpu.memory_space<hbm>> -> memref<1x2x128xi32, #tpu.memory_space<hbm>>
        %dma_start3A_216 = tpu.memref_squeeze %dma_start3A_215 : memref<1x2x128xi32, #tpu.memory_space<hbm>> -> memref<2x128xi32, #tpu.memory_space<hbm>>
        tpu.enqueue_dma source(%dma_start3A_216 : memref<2x128xi32, #tpu.memory_space<hbm>>) target(%dma_start3A_212 : memref<2x128xi32, #tpu.memory_space<vmem>>) target_semaphore(%arg7 : memref<!tpu.dma_semaphore, #tpu.memory_space<semaphore_mem>>)
      } else {
      }
      %mul3A_164 = arith.constant 2 : i32
      %mul3A_165 = arith.muli %mul3A_164, %while3A_133 : i32
      %add3A_166 = arith.constant 1 : i32
      %add3A_167 = arith.addi %mul3A_165, %add3A_166 : i32
      %dma_wait3A_168 = arith.constant 1 : i32
      %dma_wait3A_169 = arith.constant 0 : i32
      %dma_wait3A_170 = arith.constant 1 : i32
      %dma_wait3A_171 = arith.constant 0 : i32
      %dma_wait3A_172 = arith.constant 0 : i32
      %dma_wait3A_173 = tpu.memref_slice %arg6[%dma_wait3A_170, %dma_wait3A_171, %dma_wait3A_172] : memref<2x128x128xf32, #tpu.memory_space<vmem>> -> memref<1x128x128xf32, #tpu.memory_space<vmem>>
      %dma_wait3A_174 = tpu.memref_squeeze %dma_wait3A_173 : memref<1x128x128xf32, #tpu.memory_space<vmem>> -> memref<128x128xf32, #tpu.memory_space<vmem>>
      %dma_wait3A_175 = arith.constant 0 : i32
      %dma_wait3A_176 = tpu.memref_slice %arg5[%dma_wait3A_168, %dma_wait3A_169, %dma_wait3A_175] : memref<2x2x128xi32, #tpu.memory_space<vmem>> -> memref<1x1x128xi32, #tpu.memory_space<vmem>>
      %dma_wait3A_177 = tpu.memref_squeeze %dma_wait3A_176 : memref<1x1x128xi32, #tpu.memory_space<vmem>> -> memref<128xi32, #tpu.memory_space<vmem>>
      %dma_wait3A_178 = arith.constant 0 : i32
      %dma_wait3A_179 = arith.constant 0 : i32
      %dma_wait3A_180 = tpu.memref_slice %arg2[%dma_wait3A_178, %dma_wait3A_179] : memref<10000x128xf32, #tpu.memory_space<hbm>> -> memref<10000x128xf32, #tpu.memory_space<hbm>>
      tpu.wait_indirect_dma semaphore(%arg10 : memref<!tpu.dma_semaphore, #tpu.memory_space<semaphore_mem>>) src(%dma_wait3A_180 : memref<10000x128xf32, #tpu.memory_space<hbm>>) dst(%dma_wait3A_174 : memref<128x128xf32, #tpu.memory_space<vmem>>)
      %add3A_181 = arith.constant 1 : i32
      %add3A_182 = arith.addi %add3A_167, %add3A_181 : i32
      %lt3A_183 = arith.cmpi slt, %add3A_182, %select_n3A : i32
      %convert_element_type3A_184 = arith.extui %lt3A_183 : i1 to i32
      %cond3A_185 = arith.constant 0 : i32
      %cond3A_186 = arith.cmpi ne, %convert_element_type3A_184, %cond3A_185 : i32
      scf.if %cond3A_186 {
        %add3A_197 = arith.addi %add3A, %add3A_167 : i32
        %add3A_198 = arith.constant 1 : i32
        %add3A_199 = arith.addi %add3A_197, %add3A_198 : i32
        %dma_wait3A_200 = arith.constant 0 : i32
        %dma_wait3A_201 = arith.constant 0 : i32
        %dma_wait3A_202 = arith.constant 0 : i32
        %dma_wait3A_203 = tpu.memref_slice %arg5[%dma_wait3A_200, %dma_wait3A_201, %dma_wait3A_202] : memref<2x2x128xi32, #tpu.memory_space<vmem>> -> memref<1x2x128xi32, #tpu.memory_space<vmem>>
        %dma_wait3A_204 = tpu.memref_squeeze %dma_wait3A_203 : memref<1x2x128xi32, #tpu.memory_space<vmem>> -> memref<2x128xi32, #tpu.memory_space<vmem>>
        %dma_wait3A_205 = arith.constant 0 : i32
        %dma_wait3A_206 = arith.constant 0 : i32
        %dma_wait3A_207 = tpu.memref_slice %arg3[%add3A_199, %dma_wait3A_205, %dma_wait3A_206] : memref<2560x2x128xi32, #tpu.memory_space<hbm>> -> memref<1x2x128xi32, #tpu.memory_space<hbm>>
        %dma_wait3A_208 = tpu.memref_squeeze %dma_wait3A_207 : memref<1x2x128xi32, #tpu.memory_space<hbm>> -> memref<2x128xi32, #tpu.memory_space<hbm>>
        %dma_wait3A_209 = arith.constant 0 : i32
        %dma_wait3A_210 = arith.constant 0 : i32
        %dma_wait3A_211 = tpu.memref_slice %arg5[%dma_wait3A_200, %dma_wait3A_209, %dma_wait3A_210] : memref<2x2x128xi32, #tpu.memory_space<vmem>> -> memref<1x2x128xi32, #tpu.memory_space<vmem>>
        %dma_wait3A_212 = tpu.memref_squeeze %dma_wait3A_211 : memref<1x2x128xi32, #tpu.memory_space<vmem>> -> memref<2x128xi32, #tpu.memory_space<vmem>>
        %dma_wait3A_213 = arith.constant 0 : i32
        %dma_wait3A_214 = arith.constant 0 : i32
        %dma_wait3A_215 = tpu.memref_slice %arg3[%add3A_199, %dma_wait3A_213, %dma_wait3A_214] : memref<2560x2x128xi32, #tpu.memory_space<hbm>> -> memref<1x2x128xi32, #tpu.memory_space<hbm>>
        %dma_wait3A_216 = tpu.memref_squeeze %dma_wait3A_215 : memref<1x2x128xi32, #tpu.memory_space<hbm>> -> memref<2x128xi32, #tpu.memory_space<hbm>>
        tpu.wait_dma2 semaphore(%arg7 : memref<!tpu.dma_semaphore, #tpu.memory_space<semaphore_mem>>) src(%dma_wait3A_216 : memref<2x128xi32, #tpu.memory_space<hbm>>) dst(%dma_wait3A_212 : memref<2x128xi32, #tpu.memory_space<vmem>>)
        %dma_start3A_217 = arith.constant 0 : i32
        %dma_start3A_218 = arith.constant 0 : i32
        %dma_start3A_219 = arith.constant 0 : i32
        %dma_start3A_220 = arith.constant 0 : i32
        %dma_start3A_221 = arith.constant 0 : i32
        %dma_start3A_222 = tpu.memref_slice %arg6[%dma_start3A_219, %dma_start3A_220, %dma_start3A_221] : memref<2x128x128xf32, #tpu.memory_space<vmem>> -> memref<1x128x128xf32, #tpu.memory_space<vmem>>
        %dma_start3A_223 = tpu.memref_squeeze %dma_start3A_222 : memref<1x128x128xf32, #tpu.memory_space<vmem>> -> memref<128x128xf32, #tpu.memory_space<vmem>>
        %dma_start3A_224 = arith.constant 0 : i32
        %dma_start3A_225 = tpu.memref_slice %arg5[%dma_start3A_217, %dma_start3A_218, %dma_start3A_224] : memref<2x2x128xi32, #tpu.memory_space<vmem>> -> memref<1x1x128xi32, #tpu.memory_space<vmem>>
        %dma_start3A_226 = tpu.memref_squeeze %dma_start3A_225 : memref<1x1x128xi32, #tpu.memory_space<vmem>> -> memref<128xi32, #tpu.memory_space<vmem>>
        %dma_start3A_227 = arith.constant 0 : i32
        %dma_start3A_228 = arith.constant 0 : i32
        %dma_start3A_229 = tpu.memref_slice %arg2[%dma_start3A_227, %dma_start3A_228] : memref<10000x128xf32, #tpu.memory_space<hbm>> -> memref<10000x128xf32, #tpu.memory_space<hbm>>
        tpu.enqueue_indirect_dma source(%dma_start3A_229 : memref<10000x128xf32, #tpu.memory_space<hbm>>) target(%dma_start3A_223 : memref<128x128xf32, #tpu.memory_space<vmem>>) offsets(%dma_start3A_226 : memref<128xi32, #tpu.memory_space<vmem>>) semaphore(%arg9 : memref<!tpu.dma_semaphore, #tpu.memory_space<semaphore_mem>>)
      } else {
      }
      %run_scoped3A_187 = arith.constant 1 : i32
      %run_scoped3A_188 = arith.constant 1 : i32
      %run_scoped3A_189 = arith.constant 1 : i32
      "tpu.region"() ({
        %run_scoped3A_197 = tpu.sem_alloc : memref<!tpu.dma_semaphore, #tpu.memory_space<semaphore_mem>>
        %dma_start3A_198 = arith.constant 0 : i32
        %dma_start3A_199 = arith.constant 0 : i32
        %dma_start3A_200 = tpu.memref_slice %arg6[%run_scoped3A_187, %dma_start3A_198, %dma_start3A_199] : memref<2x128x128xf32, #tpu.memory_space<vmem>> -> memref<1x128x128xf32, #tpu.memory_space<vmem>>
        %dma_start3A_201 = tpu.memref_squeeze %dma_start3A_200 : memref<1x128x128xf32, #tpu.memory_space<vmem>> -> memref<128x128xf32, #tpu.memory_space<vmem>>
        %dma_start3A_202 = arith.constant 0 : i32
        %dma_start3A_203 = tpu.memref_slice %arg5[%run_scoped3A_188, %run_scoped3A_189, %dma_start3A_202] : memref<2x2x128xi32, #tpu.memory_space<vmem>> -> memref<1x1x128xi32, #tpu.memory_space<vmem>>
        %dma_start3A_204 = tpu.memref_squeeze %dma_start3A_203 : memref<1x1x128xi32, #tpu.memory_space<vmem>> -> memref<128xi32, #tpu.memory_space<vmem>>
        %dma_start3A_205 = arith.constant 0 : i32
        %dma_start3A_206 = arith.constant 0 : i32
        %dma_start3A_207 = tpu.memref_slice %arg11[%dma_start3A_205, %dma_start3A_206] : memref<10240x128xf32, #tpu.memory_space<vmem_shared>> -> memref<10240x128xf32, #tpu.memory_space<vmem_shared>>
        tpu.enqueue_indirect_dma source(%dma_start3A_201 : memref<128x128xf32, #tpu.memory_space<vmem>>) target(%dma_start3A_207 : memref<10240x128xf32, #tpu.memory_space<vmem_shared>>) offsets(%dma_start3A_204 : memref<128xi32, #tpu.memory_space<vmem>>) semaphore(%run_scoped3A_197 : memref<!tpu.dma_semaphore, #tpu.memory_space<semaphore_mem>>) {add = true}
        %dma_wait3A_208 = arith.constant 0 : i32
        %dma_wait3A_209 = arith.constant 0 : i32
        %dma_wait3A_210 = tpu.memref_slice %arg6[%run_scoped3A_187, %dma_wait3A_208, %dma_wait3A_209] : memref<2x128x128xf32, #tpu.memory_space<vmem>> -> memref<1x128x128xf32, #tpu.memory_space<vmem>>
        %dma_wait3A_211 = tpu.memref_squeeze %dma_wait3A_210 : memref<1x128x128xf32, #tpu.memory_space<vmem>> -> memref<128x128xf32, #tpu.memory_space<vmem>>
        %dma_wait3A_212 = arith.constant 0 : i32
        %dma_wait3A_213 = tpu.memref_slice %arg5[%run_scoped3A_188, %run_scoped3A_189, %dma_wait3A_212] : memref<2x2x128xi32, #tpu.memory_space<vmem>> -> memref<1x1x128xi32, #tpu.memory_space<vmem>>
        %dma_wait3A_214 = tpu.memref_squeeze %dma_wait3A_213 : memref<1x1x128xi32, #tpu.memory_space<vmem>> -> memref<128xi32, #tpu.memory_space<vmem>>
        %dma_wait3A_215 = arith.constant 0 : i32
        %dma_wait3A_216 = arith.constant 0 : i32
        %dma_wait3A_217 = tpu.memref_slice %arg11[%dma_wait3A_215, %dma_wait3A_216] : memref<10240x128xf32, #tpu.memory_space<vmem_shared>> -> memref<10240x128xf32, #tpu.memory_space<vmem_shared>>
        tpu.wait_indirect_dma semaphore(%run_scoped3A_197 : memref<!tpu.dma_semaphore, #tpu.memory_space<semaphore_mem>>) src(%dma_wait3A_211 : memref<128x128xf32, #tpu.memory_space<vmem>>) dst(%dma_wait3A_217 : memref<10240x128xf32, #tpu.memory_space<vmem_shared>>)
        tpu.yield
      }) : () -> ()
      %add3A_190 = arith.constant 2 : i32
      %add3A_191 = arith.addi %add3A_167, %add3A_190 : i32
      %lt3A_192 = arith.cmpi slt, %add3A_191, %select_n3A : i32
      %convert_element_type3A_193 = arith.extui %lt3A_192 : i1 to i32
      %cond3A_194 = arith.constant 0 : i32
      %cond3A_195 = arith.cmpi ne, %convert_element_type3A_193, %cond3A_194 : i32
      scf.if %cond3A_195 {
        %add3A_197 = arith.addi %add3A, %add3A_167 : i32
        %add3A_198 = arith.constant 2 : i32
        %add3A_199 = arith.addi %add3A_197, %add3A_198 : i32
        %dma_start3A_200 = arith.constant 1 : i32
        %dma_start3A_201 = arith.constant 0 : i32
        %dma_start3A_202 = arith.constant 0 : i32
        %dma_start3A_203 = tpu.memref_slice %arg5[%dma_start3A_200, %dma_start3A_201, %dma_start3A_202] : memref<2x2x128xi32, #tpu.memory_space<vmem>> -> memref<1x2x128xi32, #tpu.memory_space<vmem>>
        %dma_start3A_204 = tpu.memref_squeeze %dma_start3A_203 : memref<1x2x128xi32, #tpu.memory_space<vmem>> -> memref<2x128xi32, #tpu.memory_space<vmem>>
        %dma_start3A_205 = arith.constant 0 : i32
        %dma_start3A_206 = arith.constant 0 : i32
        %dma_start3A_207 = tpu.memref_slice %arg3[%add3A_199, %dma_start3A_205, %dma_start3A_206] : memref<2560x2x128xi32, #tpu.memory_space<hbm>> -> memref<1x2x128xi32, #tpu.memory_space<hbm>>
        %dma_start3A_208 = tpu.memref_squeeze %dma_start3A_207 : memref<1x2x128xi32, #tpu.memory_space<hbm>> -> memref<2x128xi32, #tpu.memory_space<hbm>>
        %dma_start3A_209 = arith.constant 0 : i32
        %dma_start3A_210 = arith.constant 0 : i32
        %dma_start3A_211 = tpu.memref_slice %arg5[%dma_start3A_200, %dma_start3A_209, %dma_start3A_210] : memref<2x2x128xi32, #tpu.memory_space<vmem>> -> memref<1x2x128xi32, #tpu.memory_space<vmem>>
        %dma_start3A_212 = tpu.memref_squeeze %dma_start3A_211 : memref<1x2x128xi32, #tpu.memory_space<vmem>> -> memref<2x128xi32, #tpu.memory_space<vmem>>
        %dma_start3A_213 = arith.constant 0 : i32
        %dma_start3A_214 = arith.constant 0 : i32
        %dma_start3A_215 = tpu.memref_slice %arg3[%add3A_199, %dma_start3A_213, %dma_start3A_214] : memref<2560x2x128xi32, #tpu.memory_space<hbm>> -> memref<1x2x128xi32, #tpu.memory_space<hbm>>
        %dma_start3A_216 = tpu.memref_squeeze %dma_start3A_215 : memref<1x2x128xi32, #tpu.memory_space<hbm>> -> memref<2x128xi32, #tpu.memory_space<hbm>>
        tpu.enqueue_dma source(%dma_start3A_216 : memref<2x128xi32, #tpu.memory_space<hbm>>) target(%dma_start3A_212 : memref<2x128xi32, #tpu.memory_space<vmem>>) target_semaphore(%arg8 : memref<!tpu.dma_semaphore, #tpu.memory_space<semaphore_mem>>)
      } else {
      }
      %while3A_196 = arith.constant 0 : i32
      scf.yield %while3A_196 : i32
    }
    %while3A_126 = arith.constant 1 : i32
    %while3A_127 = scf.for %while3A_133 = %while3A_123 to %while3A_119 step %while3A_126 iter_args(%while3A_134 = %while3A_125) -> (i32)  : i32 {
      %mul3A_135 = arith.constant 2 : i32
      %mul3A_136 = arith.muli %mul3A_135, %while3A_133 : i32
      %add3A_137 = arith.constant 0 : i32
      %add3A_138 = arith.addi %mul3A_136, %add3A_137 : i32
      %dma_wait3A_139 = arith.constant 0 : i32
      %dma_wait3A_140 = arith.constant 0 : i32
      %dma_wait3A_141 = arith.constant 0 : i32
      %dma_wait3A_142 = arith.constant 0 : i32
      %dma_wait3A_143 = arith.constant 0 : i32
      %dma_wait3A_144 = tpu.memref_slice %arg6[%dma_wait3A_141, %dma_wait3A_142, %dma_wait3A_143] : memref<2x128x128xf32, #tpu.memory_space<vmem>> -> memref<1x128x128xf32, #tpu.memory_space<vmem>>
      %dma_wait3A_145 = tpu.memref_squeeze %dma_wait3A_144 : memref<1x128x128xf32, #tpu.memory_space<vmem>> -> memref<128x128xf32, #tpu.memory_space<vmem>>
      %dma_wait3A_146 = arith.constant 0 : i32
      %dma_wait3A_147 = tpu.memref_slice %arg5[%dma_wait3A_139, %dma_wait3A_140, %dma_wait3A_146] : memref<2x2x128xi32, #tpu.memory_space<vmem>> -> memref<1x1x128xi32, #tpu.memory_space<vmem>>
      %dma_wait3A_148 = tpu.memref_squeeze %dma_wait3A_147 : memref<1x1x128xi32, #tpu.memory_space<vmem>> -> memref<128xi32, #tpu.memory_space<vmem>>
      %dma_wait3A_149 = arith.constant 0 : i32
      %dma_wait3A_150 = arith.constant 0 : i32
      %dma_wait3A_151 = tpu.memref_slice %arg2[%dma_wait3A_149, %dma_wait3A_150] : memref<10000x128xf32, #tpu.memory_space<hbm>> -> memref<10000x128xf32, #tpu.memory_space<hbm>>
      tpu.wait_indirect_dma semaphore(%arg9 : memref<!tpu.dma_semaphore, #tpu.memory_space<semaphore_mem>>) src(%dma_wait3A_151 : memref<10000x128xf32, #tpu.memory_space<hbm>>) dst(%dma_wait3A_145 : memref<128x128xf32, #tpu.memory_space<vmem>>)
      %add3A_152 = arith.constant 1 : i32
      %add3A_153 = arith.addi %add3A_138, %add3A_152 : i32
      %lt3A = arith.cmpi slt, %add3A_153, %select_n3A : i32
      %convert_element_type3A = arith.extui %lt3A : i1 to i32
      %cond3A = arith.constant 0 : i32
      %cond3A_154 = arith.cmpi ne, %convert_element_type3A, %cond3A : i32
      scf.if %cond3A_154 {
        %add3A_197 = arith.addi %add3A, %add3A_138 : i32
        %add3A_198 = arith.constant 1 : i32
        %add3A_199 = arith.addi %add3A_197, %add3A_198 : i32
        %dma_wait3A_200 = arith.constant 1 : i32
        %dma_wait3A_201 = arith.constant 0 : i32
        %dma_wait3A_202 = arith.constant 0 : i32
        %dma_wait3A_203 = tpu.memref_slice %arg5[%dma_wait3A_200, %dma_wait3A_201, %dma_wait3A_202] : memref<2x2x128xi32, #tpu.memory_space<vmem>> -> memref<1x2x128xi32, #tpu.memory_space<vmem>>
        %dma_wait3A_204 = tpu.memref_squeeze %dma_wait3A_203 : memref<1x2x128xi32, #tpu.memory_space<vmem>> -> memref<2x128xi32, #tpu.memory_space<vmem>>
        %dma_wait3A_205 = arith.constant 0 : i32
        %dma_wait3A_206 = arith.constant 0 : i32
        %dma_wait3A_207 = tpu.memref_slice %arg3[%add3A_199, %dma_wait3A_205, %dma_wait3A_206] : memref<2560x2x128xi32, #tpu.memory_space<hbm>> -> memref<1x2x128xi32, #tpu.memory_space<hbm>>
        %dma_wait3A_208 = tpu.memref_squeeze %dma_wait3A_207 : memref<1x2x128xi32, #tpu.memory_space<hbm>> -> memref<2x128xi32, #tpu.memory_space<hbm>>
        %dma_wait3A_209 = arith.constant 0 : i32
        %dma_wait3A_210 = arith.constant 0 : i32
        %dma_wait3A_211 = tpu.memref_slice %arg5[%dma_wait3A_200, %dma_wait3A_209, %dma_wait3A_210] : memref<2x2x128xi32, #tpu.memory_space<vmem>> -> memref<1x2x128xi32, #tpu.memory_space<vmem>>
        %dma_wait3A_212 = tpu.memref_squeeze %dma_wait3A_211 : memref<1x2x128xi32, #tpu.memory_space<vmem>> -> memref<2x128xi32, #tpu.memory_space<vmem>>
        %dma_wait3A_213 = arith.constant 0 : i32
        %dma_wait3A_214 = arith.constant 0 : i32
        %dma_wait3A_215 = tpu.memref_slice %arg3[%add3A_199, %dma_wait3A_213, %dma_wait3A_214] : memref<2560x2x128xi32, #tpu.memory_space<hbm>> -> memref<1x2x128xi32, #tpu.memory_space<hbm>>
        %dma_wait3A_216 = tpu.memref_squeeze %dma_wait3A_215 : memref<1x2x128xi32, #tpu.memory_space<hbm>> -> memref<2x128xi32, #tpu.memory_space<hbm>>
        tpu.wait_dma2 semaphore(%arg8 : memref<!tpu.dma_semaphore, #tpu.memory_space<semaphore_mem>>) src(%dma_wait3A_216 : memref<2x128xi32, #tpu.memory_space<hbm>>) dst(%dma_wait3A_212 : memref<2x128xi32, #tpu.memory_space<vmem>>)
        %dma_start3A_217 = arith.constant 1 : i32
        %dma_start3A_218 = arith.constant 0 : i32
        %dma_start3A_219 = arith.constant 1 : i32
        %dma_start3A_220 = arith.constant 0 : i32
        %dma_start3A_221 = arith.constant 0 : i32
        %dma_start3A_222 = tpu.memref_slice %arg6[%dma_start3A_219, %dma_start3A_220, %dma_start3A_221] : memref<2x128x128xf32, #tpu.memory_space<vmem>> -> memref<1x128x128xf32, #tpu.memory_space<vmem>>
        %dma_start3A_223 = tpu.memref_squeeze %dma_start3A_222 : memref<1x128x128xf32, #tpu.memory_space<vmem>> -> memref<128x128xf32, #tpu.memory_space<vmem>>
        %dma_start3A_224 = arith.constant 0 : i32
        %dma_start3A_225 = tpu.memref_slice %arg5[%dma_start3A_217, %dma_start3A_218, %dma_start3A_224] : memref<2x2x128xi32, #tpu.memory_space<vmem>> -> memref<1x1x128xi32, #tpu.memory_space<vmem>>
        %dma_start3A_226 = tpu.memref_squeeze %dma_start3A_225 : memref<1x1x128xi32, #tpu.memory_space<vmem>> -> memref<128xi32, #tpu.memory_space<vmem>>
        %dma_start3A_227 = arith.constant 0 : i32
        %dma_start3A_228 = arith.constant 0 : i32
        %dma_start3A_229 = tpu.memref_slice %arg2[%dma_start3A_227, %dma_start3A_228] : memref<10000x128xf32, #tpu.memory_space<hbm>> -> memref<10000x128xf32, #tpu.memory_space<hbm>>
        tpu.enqueue_indirect_dma source(%dma_start3A_229 : memref<10000x128xf32, #tpu.memory_space<hbm>>) target(%dma_start3A_223 : memref<128x128xf32, #tpu.memory_space<vmem>>) offsets(%dma_start3A_226 : memref<128xi32, #tpu.memory_space<vmem>>) semaphore(%arg10 : memref<!tpu.dma_semaphore, #tpu.memory_space<semaphore_mem>>)
      } else {
      }
      %run_scoped3A_155 = arith.constant 0 : i32
      %run_scoped3A_156 = arith.constant 0 : i32
      %run_scoped3A_157 = arith.constant 1 : i32
      "tpu.region"() ({
        %run_scoped3A_197 = tpu.sem_alloc : memref<!tpu.dma_semaphore, #tpu.memory_space<semaphore_mem>>
        %dma_start3A_198 = arith.constant 0 : i32
        %dma_start3A_199 = arith.constant 0 : i32
        %dma_start3A_200 = tpu.memref_slice %arg6[%run_scoped3A_155, %dma_start3A_198, %dma_start3A_199] : memref<2x128x128xf32, #tpu.memory_space<vmem>> -> memref<1x128x128xf32, #tpu.memory_space<vmem>>
        %dma_start3A_201 = tpu.memref_squeeze %dma_start3A_200 : memref<1x128x128xf32, #tpu.memory_space<vmem>> -> memref<128x128xf32, #tpu.memory_space<vmem>>
        %dma_start3A_202 = arith.constant 0 : i32
        %dma_start3A_203 = tpu.memref_slice %arg5[%run_scoped3A_156, %run_scoped3A_157, %dma_start3A_202] : memref<2x2x128xi32, #tpu.memory_space<vmem>> -> memref<1x1x128xi32, #tpu.memory_space<vmem>>
        %dma_start3A_204 = tpu.memref_squeeze %dma_start3A_203 : memref<1x1x128xi32, #tpu.memory_space<vmem>> -> memref<128xi32, #tpu.memory_space<vmem>>
        %dma_start3A_205 = arith.constant 0 : i32
        %dma_start3A_206 = arith.constant 0 : i32
        %dma_start3A_207 = tpu.memref_slice %arg11[%dma_start3A_205, %dma_start3A_206] : memref<10240x128xf32, #tpu.memory_space<vmem_shared>> -> memref<10240x128xf32, #tpu.memory_space<vmem_shared>>
        tpu.enqueue_indirect_dma source(%dma_start3A_201 : memref<128x128xf32, #tpu.memory_space<vmem>>) target(%dma_start3A_207 : memref<10240x128xf32, #tpu.memory_space<vmem_shared>>) offsets(%dma_start3A_204 : memref<128xi32, #tpu.memory_space<vmem>>) semaphore(%run_scoped3A_197 : memref<!tpu.dma_semaphore, #tpu.memory_space<semaphore_mem>>) {add = true}
        %dma_wait3A_208 = arith.constant 0 : i32
        %dma_wait3A_209 = arith.constant 0 : i32
        %dma_wait3A_210 = tpu.memref_slice %arg6[%run_scoped3A_155, %dma_wait3A_208, %dma_wait3A_209] : memref<2x128x128xf32, #tpu.memory_space<vmem>> -> memref<1x128x128xf32, #tpu.memory_space<vmem>>
        %dma_wait3A_211 = tpu.memref_squeeze %dma_wait3A_210 : memref<1x128x128xf32, #tpu.memory_space<vmem>> -> memref<128x128xf32, #tpu.memory_space<vmem>>
        %dma_wait3A_212 = arith.constant 0 : i32
        %dma_wait3A_213 = tpu.memref_slice %arg5[%run_scoped3A_156, %run_scoped3A_157, %dma_wait3A_212] : memref<2x2x128xi32, #tpu.memory_space<vmem>> -> memref<1x1x128xi32, #tpu.memory_space<vmem>>
        %dma_wait3A_214 = tpu.memref_squeeze %dma_wait3A_213 : memref<1x1x128xi32, #tpu.memory_space<vmem>> -> memref<128xi32, #tpu.memory_space<vmem>>
        %dma_wait3A_215 = arith.constant 0 : i32
        %dma_wait3A_216 = arith.constant 0 : i32
        %dma_wait3A_217 = tpu.memref_slice %arg11[%dma_wait3A_215, %dma_wait3A_216] : memref<10240x128xf32, #tpu.memory_space<vmem_shared>> -> memref<10240x128xf32, #tpu.memory_space<vmem_shared>>
        tpu.wait_indirect_dma semaphore(%run_scoped3A_197 : memref<!tpu.dma_semaphore, #tpu.memory_space<semaphore_mem>>) src(%dma_wait3A_211 : memref<128x128xf32, #tpu.memory_space<vmem>>) dst(%dma_wait3A_217 : memref<10240x128xf32, #tpu.memory_space<vmem_shared>>)
        tpu.yield
      }) : () -> ()
      %add3A_158 = arith.constant 2 : i32
      %add3A_159 = arith.addi %add3A_138, %add3A_158 : i32
      %lt3A_160 = arith.cmpi slt, %add3A_159, %select_n3A : i32
      %convert_element_type3A_161 = arith.extui %lt3A_160 : i1 to i32
      %cond3A_162 = arith.constant 0 : i32
      %cond3A_163 = arith.cmpi ne, %convert_element_type3A_161, %cond3A_162 : i32
      scf.if %cond3A_163 {
        %add3A_197 = arith.addi %add3A, %add3A_138 : i32
        %add3A_198 = arith.constant 2 : i32
        %add3A_199 = arith.addi %add3A_197, %add3A_198 : i32
        %dma_start3A_200 = arith.constant 0 : i32
        %dma_start3A_201 = arith.constant 0 : i32
        %dma_start3A_202 = arith.constant 0 : i32
        %dma_start3A_203 = tpu.memref_slice %arg5[%dma_start3A_200, %dma_start3A_201, %dma_start3A_202] : memref<2x2x128xi32, #tpu.memory_space<vmem>> -> memref<1x2x128xi32, #tpu.memory_space<vmem>>
        %dma_start3A_204 = tpu.memref_squeeze %dma_start3A_203 : memref<1x2x128xi32, #tpu.memory_space<vmem>> -> memref<2x128xi32, #tpu.memory_space<vmem>>
        %dma_start3A_205 = arith.constant 0 : i32
        %dma_start3A_206 = arith.constant 0 : i32
        %dma_start3A_207 = tpu.memref_slice %arg3[%add3A_199, %dma_start3A_205, %dma_start3A_206] : memref<2560x2x128xi32, #tpu.memory_space<hbm>> -> memref<1x2x128xi32, #tpu.memory_space<hbm>>
        %dma_start3A_208 = tpu.memref_squeeze %dma_start3A_207 : memref<1x2x128xi32, #tpu.memory_space<hbm>> -> memref<2x128xi32, #tpu.memory_space<hbm>>
        %dma_start3A_209 = arith.constant 0 : i32
        %dma_start3A_210 = arith.constant 0 : i32
        %dma_start3A_211 = tpu.memref_slice %arg5[%dma_start3A_200, %dma_start3A_209, %dma_start3A_210] : memref<2x2x128xi32, #tpu.memory_space<vmem>> -> memref<1x2x128xi32, #tpu.memory_space<vmem>>
        %dma_start3A_212 = tpu.memref_squeeze %dma_start3A_211 : memref<1x2x128xi32, #tpu.memory_space<vmem>> -> memref<2x128xi32, #tpu.memory_space<vmem>>
        %dma_start3A_213 = arith.constant 0 : i32
        %dma_start3A_214 = arith.constant 0 : i32
        %dma_start3A_215 = tpu.memref_slice %arg3[%add3A_199, %dma_start3A_213, %dma_start3A_214] : memref<2560x2x128xi32, #tpu.memory_space<hbm>> -> memref<1x2x128xi32, #tpu.memory_space<hbm>>
        %dma_start3A_216 = tpu.memref_squeeze %dma_start3A_215 : memref<1x2x128xi32, #tpu.memory_space<hbm>> -> memref<2x128xi32, #tpu.memory_space<hbm>>
        tpu.enqueue_dma source(%dma_start3A_216 : memref<2x128xi32, #tpu.memory_space<hbm>>) target(%dma_start3A_212 : memref<2x128xi32, #tpu.memory_space<vmem>>) target_semaphore(%arg7 : memref<!tpu.dma_semaphore, #tpu.memory_space<semaphore_mem>>)
      } else {
      }
      %mul3A_164 = arith.constant 2 : i32
      %mul3A_165 = arith.muli %mul3A_164, %while3A_133 : i32
      %add3A_166 = arith.constant 1 : i32
      %add3A_167 = arith.addi %mul3A_165, %add3A_166 : i32
      %dma_wait3A_168 = arith.constant 1 : i32
      %dma_wait3A_169 = arith.constant 0 : i32
      %dma_wait3A_170 = arith.constant 1 : i32
      %dma_wait3A_171 = arith.constant 0 : i32
      %dma_wait3A_172 = arith.constant 0 : i32
      %dma_wait3A_173 = tpu.memref_slice %arg6[%dma_wait3A_170, %dma_wait3A_171, %dma_wait3A_172] : memref<2x128x128xf32, #tpu.memory_space<vmem>> -> memref<1x128x128xf32, #tpu.memory_space<vmem>>
      %dma_wait3A_174 = tpu.memref_squeeze %dma_wait3A_173 : memref<1x128x128xf32, #tpu.memory_space<vmem>> -> memref<128x128xf32, #tpu.memory_space<vmem>>
      %dma_wait3A_175 = arith.constant 0 : i32
      %dma_wait3A_176 = tpu.memref_slice %arg5[%dma_wait3A_168, %dma_wait3A_169, %dma_wait3A_175] : memref<2x2x128xi32, #tpu.memory_space<vmem>> -> memref<1x1x128xi32, #tpu.memory_space<vmem>>
      %dma_wait3A_177 = tpu.memref_squeeze %dma_wait3A_176 : memref<1x1x128xi32, #tpu.memory_space<vmem>> -> memref<128xi32, #tpu.memory_space<vmem>>
      %dma_wait3A_178 = arith.constant 0 : i32
      %dma_wait3A_179 = arith.constant 0 : i32
      %dma_wait3A_180 = tpu.memref_slice %arg2[%dma_wait3A_178, %dma_wait3A_179] : memref<10000x128xf32, #tpu.memory_space<hbm>> -> memref<10000x128xf32, #tpu.memory_space<hbm>>
      tpu.wait_indirect_dma semaphore(%arg10 : memref<!tpu.dma_semaphore, #tpu.memory_space<semaphore_mem>>) src(%dma_wait3A_180 : memref<10000x128xf32, #tpu.memory_space<hbm>>) dst(%dma_wait3A_174 : memref<128x128xf32, #tpu.memory_space<vmem>>)
      %add3A_181 = arith.constant 1 : i32
      %add3A_182 = arith.addi %add3A_167, %add3A_181 : i32
      %lt3A_183 = arith.cmpi slt, %add3A_182, %select_n3A : i32
      %convert_element_type3A_184 = arith.extui %lt3A_183 : i1 to i32
      %cond3A_185 = arith.constant 0 : i32
      %cond3A_186 = arith.cmpi ne, %convert_element_type3A_184, %cond3A_185 : i32
      scf.if %cond3A_186 {
        %add3A_197 = arith.addi %add3A, %add3A_167 : i32
        %add3A_198 = arith.constant 1 : i32
        %add3A_199 = arith.addi %add3A_197, %add3A_198 : i32
        %dma_wait3A_200 = arith.constant 0 : i32
        %dma_wait3A_201 = arith.constant 0 : i32
        %dma_wait3A_202 = arith.constant 0 : i32
        %dma_wait3A_203 = tpu.memref_slice %arg5[%dma_wait3A_200, %dma_wait3A_201, %dma_wait3A_202] : memref<2x2x128xi32, #tpu.memory_space<vmem>> -> memref<1x2x128xi32, #tpu.memory_space<vmem>>
        %dma_wait3A_204 = tpu.memref_squeeze %dma_wait3A_203 : memref<1x2x128xi32, #tpu.memory_space<vmem>> -> memref<2x128xi32, #tpu.memory_space<vmem>>
        %dma_wait3A_205 = arith.constant 0 : i32
        %dma_wait3A_206 = arith.constant 0 : i32
        %dma_wait3A_207 = tpu.memref_slice %arg3[%add3A_199, %dma_wait3A_205, %dma_wait3A_206] : memref<2560x2x128xi32, #tpu.memory_space<hbm>> -> memref<1x2x128xi32, #tpu.memory_space<hbm>>
        %dma_wait3A_208 = tpu.memref_squeeze %dma_wait3A_207 : memref<1x2x128xi32, #tpu.memory_space<hbm>> -> memref<2x128xi32, #tpu.memory_space<hbm>>
        %dma_wait3A_209 = arith.constant 0 : i32
        %dma_wait3A_210 = arith.constant 0 : i32
        %dma_wait3A_211 = tpu.memref_slice %arg5[%dma_wait3A_200, %dma_wait3A_209, %dma_wait3A_210] : memref<2x2x128xi32, #tpu.memory_space<vmem>> -> memref<1x2x128xi32, #tpu.memory_space<vmem>>
        %dma_wait3A_212 = tpu.memref_squeeze %dma_wait3A_211 : memref<1x2x128xi32, #tpu.memory_space<vmem>> -> memref<2x128xi32, #tpu.memory_space<vmem>>
        %dma_wait3A_213 = arith.constant 0 : i32
        %dma_wait3A_214 = arith.constant 0 : i32
        %dma_wait3A_215 = tpu.memref_slice %arg3[%add3A_199, %dma_wait3A_213, %dma_wait3A_214] : memref<2560x2x128xi32, #tpu.memory_space<hbm>> -> memref<1x2x128xi32, #tpu.memory_space<hbm>>
        %dma_wait3A_216 = tpu.memref_squeeze %dma_wait3A_215 : memref<1x2x128xi32, #tpu.memory_space<hbm>> -> memref<2x128xi32, #tpu.memory_space<hbm>>
        tpu.wait_dma2 semaphore(%arg7 : memref<!tpu.dma_semaphore, #tpu.memory_space<semaphore_mem>>) src(%dma_wait3A_216 : memref<2x128xi32, #tpu.memory_space<hbm>>) dst(%dma_wait3A_212 : memref<2x128xi32, #tpu.memory_space<vmem>>)
        %dma_start3A_217 = arith.constant 0 : i32
        %dma_start3A_218 = arith.constant 0 : i32
        %dma_start3A_219 = arith.constant 0 : i32
        %dma_start3A_220 = arith.constant 0 : i32
        %dma_start3A_221 = arith.constant 0 : i32
        %dma_start3A_222 = tpu.memref_slice %arg6[%dma_start3A_219, %dma_start3A_220, %dma_start3A_221] : memref<2x128x128xf32, #tpu.memory_space<vmem>> -> memref<1x128x128xf32, #tpu.memory_space<vmem>>
        %dma_start3A_223 = tpu.memref_squeeze %dma_start3A_222 : memref<1x128x128xf32, #tpu.memory_space<vmem>> -> memref<128x128xf32, #tpu.memory_space<vmem>>
        %dma_start3A_224 = arith.constant 0 : i32
        %dma_start3A_225 = tpu.memref_slice %arg5[%dma_start3A_217, %dma_start3A_218, %dma_start3A_224] : memref<2x2x128xi32, #tpu.memory_space<vmem>> -> memref<1x1x128xi32, #tpu.memory_space<vmem>>
        %dma_start3A_226 = tpu.memref_squeeze %dma_start3A_225 : memref<1x1x128xi32, #tpu.memory_space<vmem>> -> memref<128xi32, #tpu.memory_space<vmem>>
        %dma_start3A_227 = arith.constant 0 : i32
        %dma_start3A_228 = arith.constant 0 : i32
        %dma_start3A_229 = tpu.memref_slice %arg2[%dma_start3A_227, %dma_start3A_228] : memref<10000x128xf32, #tpu.memory_space<hbm>> -> memref<10000x128xf32, #tpu.memory_space<hbm>>
        tpu.enqueue_indirect_dma source(%dma_start3A_229 : memref<10000x128xf32, #tpu.memory_space<hbm>>) target(%dma_start3A_223 : memref<128x128xf32, #tpu.memory_space<vmem>>) offsets(%dma_start3A_226 : memref<128xi32, #tpu.memory_space<vmem>>) semaphore(%arg9 : memref<!tpu.dma_semaphore, #tpu.memory_space<semaphore_mem>>)
      } else {
      }
      %run_scoped3A_187 = arith.constant 1 : i32
      %run_scoped3A_188 = arith.constant 1 : i32
      %run_scoped3A_189 = arith.constant 1 : i32
      "tpu.region"() ({
        %run_scoped3A_197 = tpu.sem_alloc : memref<!tpu.dma_semaphore, #tpu.memory_space<semaphore_mem>>
        %dma_start3A_198 = arith.constant 0 : i32
        %dma_start3A_199 = arith.constant 0 : i32
        %dma_start3A_200 = tpu.memref_slice %arg6[%run_scoped3A_187, %dma_start3A_198, %dma_start3A_199] : memref<2x128x128xf32, #tpu.memory_space<vmem>> -> memref<1x128x128xf32, #tpu.memory_space<vmem>>
        %dma_start3A_201 = tpu.memref_squeeze %dma_start3A_200 : memref<1x128x128xf32, #tpu.memory_space<vmem>> -> memref<128x128xf32, #tpu.memory_space<vmem>>
        %dma_start3A_202 = arith.constant 0 : i32
        %dma_start3A_203 = tpu.memref_slice %arg5[%run_scoped3A_188, %run_scoped3A_189, %dma_start3A_202] : memref<2x2x128xi32, #tpu.memory_space<vmem>> -> memref<1x1x128xi32, #tpu.memory_space<vmem>>
        %dma_start3A_204 = tpu.memref_squeeze %dma_start3A_203 : memref<1x1x128xi32, #tpu.memory_space<vmem>> -> memref<128xi32, #tpu.memory_space<vmem>>
        %dma_start3A_205 = arith.constant 0 : i32
        %dma_start3A_206 = arith.constant 0 : i32
        %dma_start3A_207 = tpu.memref_slice %arg11[%dma_start3A_205, %dma_start3A_206] : memref<10240x128xf32, #tpu.memory_space<vmem_shared>> -> memref<10240x128xf32, #tpu.memory_space<vmem_shared>>
        tpu.enqueue_indirect_dma source(%dma_start3A_201 : memref<128x128xf32, #tpu.memory_space<vmem>>) target(%dma_start3A_207 : memref<10240x128xf32, #tpu.memory_space<vmem_shared>>) offsets(%dma_start3A_204 : memref<128xi32, #tpu.memory_space<vmem>>) semaphore(%run_scoped3A_197 : memref<!tpu.dma_semaphore, #tpu.memory_space<semaphore_mem>>) {add = true}
        %dma_wait3A_208 = arith.constant 0 : i32
        %dma_wait3A_209 = arith.constant 0 : i32
        %dma_wait3A_210 = tpu.memref_slice %arg6[%run_scoped3A_187, %dma_wait3A_208, %dma_wait3A_209] : memref<2x128x128xf32, #tpu.memory_space<vmem>> -> memref<1x128x128xf32, #tpu.memory_space<vmem>>
        %dma_wait3A_211 = tpu.memref_squeeze %dma_wait3A_210 : memref<1x128x128xf32, #tpu.memory_space<vmem>> -> memref<128x128xf32, #tpu.memory_space<vmem>>
        %dma_wait3A_212 = arith.constant 0 : i32
        %dma_wait3A_213 = tpu.memref_slice %arg5[%run_scoped3A_188, %run_scoped3A_189, %dma_wait3A_212] : memref<2x2x128xi32, #tpu.memory_space<vmem>> -> memref<1x1x128xi32, #tpu.memory_space<vmem>>
        %dma_wait3A_214 = tpu.memref_squeeze %dma_wait3A_213 : memref<1x1x128xi32, #tpu.memory_space<vmem>> -> memref<128xi32, #tpu.memory_space<vmem>>
        %dma_wait3A_215 = arith.constant 0 : i32
        %dma_wait3A_216 = arith.constant 0 : i32
        %dma_wait3A_217 = tpu.memref_slice %arg11[%dma_wait3A_215, %dma_wait3A_216] : memref<10240x128xf32, #tpu.memory_space<vmem_shared>> -> memref<10240x128xf32, #tpu.memory_space<vmem_shared>>
        tpu.wait_indirect_dma semaphore(%run_scoped3A_197 : memref<!tpu.dma_semaphore, #tpu.memory_space<semaphore_mem>>) src(%dma_wait3A_211 : memref<128x128xf32, #tpu.memory_space<vmem>>) dst(%dma_wait3A_217 : memref<10240x128xf32, #tpu.memory_space<vmem_shared>>)
        tpu.yield
      }) : () -> ()
      %add3A_190 = arith.constant 2 : i32
      %add3A_191 = arith.addi %add3A_167, %add3A_190 : i32
      %lt3A_192 = arith.cmpi slt, %add3A_191, %select_n3A : i32
      %convert_element_type3A_193 = arith.extui %lt3A_192 : i1 to i32
      %cond3A_194 = arith.constant 0 : i32
      %cond3A_195 = arith.cmpi ne, %convert_element_type3A_193, %cond3A_194 : i32
      scf.if %cond3A_195 {
        %add3A_197 = arith.addi %add3A, %add3A_167 : i32
        %add3A_198 = arith.constant 2 : i32
        %add3A_199 = arith.addi %add3A_197, %add3A_198 : i32
        %dma_start3A_200 = arith.constant 1 : i32
        %dma_start3A_201 = arith.constant 0 : i32
        %dma_start3A_202 = arith.constant 0 : i32
        %dma_start3A_203 = tpu.memref_slice %arg5[%dma_start3A_200, %dma_start3A_201, %dma_start3A_202] : memref<2x2x128xi32, #tpu.memory_space<vmem>> -> memref<1x2x128xi32, #tpu.memory_space<vmem>>
        %dma_start3A_204 = tpu.memref_squeeze %dma_start3A_203 : memref<1x2x128xi32, #tpu.memory_space<vmem>> -> memref<2x128xi32, #tpu.memory_space<vmem>>
        %dma_start3A_205 = arith.constant 0 : i32
        %dma_start3A_206 = arith.constant 0 : i32
        %dma_start3A_207 = tpu.memref_slice %arg3[%add3A_199, %dma_start3A_205, %dma_start3A_206] : memref<2560x2x128xi32, #tpu.memory_space<hbm>> -> memref<1x2x128xi32, #tpu.memory_space<hbm>>
        %dma_start3A_208 = tpu.memref_squeeze %dma_start3A_207 : memref<1x2x128xi32, #tpu.memory_space<hbm>> -> memref<2x128xi32, #tpu.memory_space<hbm>>
        %dma_start3A_209 = arith.constant 0 : i32
        %dma_start3A_210 = arith.constant 0 : i32
        %dma_start3A_211 = tpu.memref_slice %arg5[%dma_start3A_200, %dma_start3A_209, %dma_start3A_210] : memref<2x2x128xi32, #tpu.memory_space<vmem>> -> memref<1x2x128xi32, #tpu.memory_space<vmem>>
        %dma_start3A_212 = tpu.memref_squeeze %dma_start3A_211 : memref<1x2x128xi32, #tpu.memory_space<vmem>> -> memref<2x128xi32, #tpu.memory_space<vmem>>
        %dma_start3A_213 = arith.constant 0 : i32
        %dma_start3A_214 = arith.constant 0 : i32
        %dma_start3A_215 = tpu.memref_slice %arg3[%add3A_199, %dma_start3A_213, %dma_start3A_214] : memref<2560x2x128xi32, #tpu.memory_space<hbm>> -> memref<1x2x128xi32, #tpu.memory_space<hbm>>
        %dma_start3A_216 = tpu.memref_squeeze %dma_start3A_215 : memref<1x2x128xi32, #tpu.memory_space<hbm>> -> memref<2x128xi32, #tpu.memory_space<hbm>>
        tpu.enqueue_dma source(%dma_start3A_216 : memref<2x128xi32, #tpu.memory_space<hbm>>) target(%dma_start3A_212 : memref<2x128xi32, #tpu.memory_space<vmem>>) target_semaphore(%arg8 : memref<!tpu.dma_semaphore, #tpu.memory_space<semaphore_mem>>)
      } else {
      }
      %while3A_196 = arith.constant 0 : i32
      scf.yield %while3A_196 : i32
    }
    %barrier3A_128 = arith.constant 0 : index
    tpu.barrier barrier_id(%barrier3A_128)
    %mul3A_129 = arith.constant 640 : i32
    %mul3A_130 = arith.muli %arg1, %mul3A_129 : i32
    %mul3A_131 = arith.constant 640 : i32
    %mul3A_132 = arith.muli %arg1, %mul3A_131 : i32
    "tpu.region"() ({
      %run_scoped3A_133 = tpu.sem_alloc : memref<!tpu.dma_semaphore, #tpu.memory_space<semaphore_mem>>
      %dma_start3A_134 = arith.constant 0 : i32
      %dma_start3A_135 = tpu.memref_slice %arg4[%arg0, %mul3A_132, %dma_start3A_134] : memref<2x10240x128xf32, #tpu.memory_space<hbm>> -> memref<1x640x128xf32, #tpu.memory_space<hbm>>
      %dma_start3A_136 = tpu.memref_squeeze %dma_start3A_135 : memref<1x640x128xf32, #tpu.memory_space<hbm>> -> memref<640x128xf32, #tpu.memory_space<hbm>>
      %dma_start3A_137 = arith.constant 0 : i32
      %dma_start3A_138 = tpu.memref_slice %arg11[%mul3A_130, %dma_start3A_137] : memref<10240x128xf32, #tpu.memory_space<vmem_shared>> -> memref<640x128xf32, #tpu.memory_space<vmem_shared>>
      tpu.enqueue_dma source(%dma_start3A_138 : memref<640x128xf32, #tpu.memory_space<vmem_shared>>) target(%dma_start3A_136 : memref<640x128xf32, #tpu.memory_space<hbm>>) target_semaphore(%run_scoped3A_133 : memref<!tpu.dma_semaphore, #tpu.memory_space<semaphore_mem>>)
      %dma_wait3A_139 = arith.constant 0 : i32
      %dma_wait3A_140 = tpu.memref_slice %arg4[%arg0, %mul3A_132, %dma_wait3A_139] : memref<2x10240x128xf32, #tpu.memory_space<hbm>> -> memref<1x640x128xf32, #tpu.memory_space<hbm>>
      %dma_wait3A_141 = tpu.memref_squeeze %dma_wait3A_140 : memref<1x640x128xf32, #tpu.memory_space<hbm>> -> memref<640x128xf32, #tpu.memory_space<hbm>>
      %dma_wait3A_142 = arith.constant 0 : i32
      %dma_wait3A_143 = tpu.memref_slice %arg11[%mul3A_130, %dma_wait3A_142] : memref<10240x128xf32, #tpu.memory_space<vmem_shared>> -> memref<640x128xf32, #tpu.memory_space<vmem_shared>>
      tpu.wait_dma2 semaphore(%run_scoped3A_133 : memref<!tpu.dma_semaphore, #tpu.memory_space<semaphore_mem>>) src(%dma_wait3A_143 : memref<640x128xf32, #tpu.memory_space<vmem_shared>>) dst(%dma_wait3A_141 : memref<640x128xf32, #tpu.memory_space<hbm>>)
      tpu.yield
    }) : () -> ()
    return
  }
}

#map = affine_map<(d0, d1) -> (0, 0)>
#map1 = affine_map<(d0, d1) -> (0, 0, 0)>
module attributes {stable_mosaic.version = 14 : i64} {
  func.func @_agg_kernel(%arg0: i32, %arg1: i32, %arg2: memref<10000x128xf32, #tpu.memory_space<hbm>>, %arg3: memref<2560x2x128xi32, #tpu.memory_space<hbm>>, %arg4: memref<2x10240x128xf32, #tpu.memory_space<hbm>>, %arg5: memref<2x2x128xi32, #tpu.memory_space<vmem>>, %arg6: memref<2x128x128xf32, #tpu.memory_space<vmem>>, %arg7: memref<!tpu.dma_semaphore, #tpu.memory_space<semaphore_mem>>, %arg8: memref<!tpu.dma_semaphore, #tpu.memory_space<semaphore_mem>>, %arg9: memref<!tpu.dma_semaphore, #tpu.memory_space<semaphore_mem>>, %arg10: memref<!tpu.dma_semaphore, #tpu.memory_space<semaphore_mem>>, %arg11: memref<10240x128xf32, #tpu.memory_space<vmem_shared>>) attributes {dimension_semantics = [#tpu.dimension_semantics<core_parallel>, #tpu.dimension_semantics<subcore_parallel>], iteration_bounds = array<i64: 2, 16>, scalar_prefetch = 0 : i64, scratch_operands = 7 : i64, tpu.core_type = #tpu.core_type<sc_vector_subcore>, window_params = [{transform_indices = #map}, {transform_indices = #map1}, {transform_indices = #map1}]} {
    %eq3A = arith.constant 0 : i32
    %eq3A_0 = arith.cmpi eq, %arg0, %eq3A : i32
    %jit3A = arith.constant 122 : i32
    %jit3A_1 = arith.constant 38 : i32
    %select_n3A = arith.select %eq3A_0, %jit3A, %jit3A_1 : i32
    %mul3A = arith.constant 1952 : i32
    %mul3A_2 = arith.muli %arg0, %mul3A : i32
    %mul3A_3 = arith.muli %arg1, %select_n3A : i32
    %add3A = arith.addi %mul3A_2, %mul3A_3 : i32
    %dma_start3A = arith.constant 0 : i32
    %dma_start3A_4 = arith.constant 0 : i32
    %dma_start3A_5 = arith.constant 0 : i32
    %dma_start3A_6 = tpu.memref_slice %arg5[%dma_start3A, %dma_start3A_4, %dma_start3A_5] : memref<2x2x128xi32, #tpu.memory_space<vmem>> -> memref<1x2x128xi32, #tpu.memory_space<vmem>>
    %dma_start3A_7 = tpu.memref_squeeze %dma_start3A_6 : memref<1x2x128xi32, #tpu.memory_space<vmem>> -> memref<2x128xi32, #tpu.memory_space<vmem>>
    %dma_start3A_8 = arith.constant 0 : i32
    %dma_start3A_9 = arith.constant 0 : i32
    %dma_start3A_10 = tpu.memref_slice %arg3[%add3A, %dma_start3A_8, %dma_start3A_9] : memref<2560x2x128xi32, #tpu.memory_space<hbm>> -> memref<1x2x128xi32, #tpu.memory_space<hbm>>
    %dma_start3A_11 = tpu.memref_squeeze %dma_start3A_10 : memref<1x2x128xi32, #tpu.memory_space<hbm>> -> memref<2x128xi32, #tpu.memory_space<hbm>>
    %dma_start3A_12 = arith.constant 0 : i32
    %dma_start3A_13 = arith.constant 0 : i32
    %dma_start3A_14 = tpu.memref_slice %arg5[%dma_start3A, %dma_start3A_12, %dma_start3A_13] : memref<2x2x128xi32, #tpu.memory_space<vmem>> -> memref<1x2x128xi32, #tpu.memory_space<vmem>>
    %dma_start3A_15 = tpu.memref_squeeze %dma_start3A_14 : memref<1x2x128xi32, #tpu.memory_space<vmem>> -> memref<2x128xi32, #tpu.memory_space<vmem>>
    %dma_start3A_16 = arith.constant 0 : i32
    %dma_start3A_17 = arith.constant 0 : i32
    %dma_start3A_18 = tpu.memref_slice %arg3[%add3A, %dma_start3A_16, %dma_start3A_17] : memref<2560x2x128xi32, #tpu.memory_space<hbm>> -> memref<1x2x128xi32, #tpu.memory_space<hbm>>
    %dma_start3A_19 = tpu.memref_squeeze %dma_start3A_18 : memref<1x2x128xi32, #tpu.memory_space<hbm>> -> memref<2x128xi32, #tpu.memory_space<hbm>>
    tpu.enqueue_dma source(%dma_start3A_19 : memref<2x128xi32, #tpu.memory_space<hbm>>) target(%dma_start3A_15 : memref<2x128xi32, #tpu.memory_space<vmem>>) target_semaphore(%arg7 : memref<!tpu.dma_semaphore, #tpu.memory_space<semaphore_mem>>)
    %add3A_20 = arith.constant 1 : i32
    %add3A_21 = arith.addi %add3A, %add3A_20 : i32
    %dma_start3A_22 = arith.constant 1 : i32
    %dma_start3A_23 = arith.constant 0 : i32
    %dma_start3A_24 = arith.constant 0 : i32
    %dma_start3A_25 = tpu.memref_slice %arg5[%dma_start3A_22, %dma_start3A_23, %dma_start3A_24] : memref<2x2x128xi32, #tpu.memory_space<vmem>> -> memref<1x2x128xi32, #tpu.memory_space<vmem>>
    %dma_start3A_26 = tpu.memref_squeeze %dma_start3A_25 : memref<1x2x128xi32, #tpu.memory_space<vmem>> -> memref<2x128xi32, #tpu.memory_space<vmem>>
    %dma_start3A_27 = arith.constant 0 : i32
    %dma_start3A_28 = arith.constant 0 : i32
    %dma_start3A_29 = tpu.memref_slice %arg3[%add3A_21, %dma_start3A_27, %dma_start3A_28] : memref<2560x2x128xi32, #tpu.memory_space<hbm>> -> memref<1x2x128xi32, #tpu.memory_space<hbm>>
    %dma_start3A_30 = tpu.memref_squeeze %dma_start3A_29 : memref<1x2x128xi32, #tpu.memory_space<hbm>> -> memref<2x128xi32, #tpu.memory_space<hbm>>
    %dma_start3A_31 = arith.constant 0 : i32
    %dma_start3A_32 = arith.constant 0 : i32
    %dma_start3A_33 = tpu.memref_slice %arg5[%dma_start3A_22, %dma_start3A_31, %dma_start3A_32] : memref<2x2x128xi32, #tpu.memory_space<vmem>> -> memref<1x2x128xi32, #tpu.memory_space<vmem>>
    %dma_start3A_34 = tpu.memref_squeeze %dma_start3A_33 : memref<1x2x128xi32, #tpu.memory_space<vmem>> -> memref<2x128xi32, #tpu.memory_space<vmem>>
    %dma_start3A_35 = arith.constant 0 : i32
    %dma_start3A_36 = arith.constant 0 : i32
    %dma_start3A_37 = tpu.memref_slice %arg3[%add3A_21, %dma_start3A_35, %dma_start3A_36] : memref<2560x2x128xi32, #tpu.memory_space<hbm>> -> memref<1x2x128xi32, #tpu.memory_space<hbm>>
    %dma_start3A_38 = tpu.memref_squeeze %dma_start3A_37 : memref<1x2x128xi32, #tpu.memory_space<hbm>> -> memref<2x128xi32, #tpu.memory_space<hbm>>
    tpu.enqueue_dma source(%dma_start3A_38 : memref<2x128xi32, #tpu.memory_space<hbm>>) target(%dma_start3A_34 : memref<2x128xi32, #tpu.memory_space<vmem>>) target_semaphore(%arg8 : memref<!tpu.dma_semaphore, #tpu.memory_space<semaphore_mem>>)
    %scan3A = arith.constant 0 : i32
    %scan3A_39 = arith.constant 0 : i32
    %scan3A_40 = arith.constant 0 : i32
    %scan3A_41 = arith.constant 128 : i32
    %scan3A_42 = arith.addi %scan3A_40, %scan3A_41 : i32
    %scan3A_43 = arith.constant 1 : i32
    %scan3A_44 = scf.for %scan3A_133 = %scan3A_40 to %scan3A_42 step %scan3A_43 iter_args(%scan3A_134 = %scan3A_39) -> (i32)  : i32 {
      %broadcast_in_dim3A = arith.constant 0.000000e+00 : f32
      %broadcast_in_dim3A_135 = vector.broadcast %broadcast_in_dim3A : f32 to vector<16xf32>
      %swap3A = arith.constant 0 : i32
      %swap3A_136 = arith.constant 0 : i32
      %swap3A_137 = tpu.memref_slice %arg6[%scan3A, %swap3A, %swap3A_136] : memref<2x128x128xf32, #tpu.memory_space<vmem>> -> memref<1x128x128xf32, #tpu.memory_space<vmem>>
      %swap3A_138 = tpu.memref_squeeze %swap3A_137 : memref<1x128x128xf32, #tpu.memory_space<vmem>> -> memref<128x128xf32, #tpu.memory_space<vmem>>
      %swap3A_139 = arith.index_cast %scan3A_133 : i32 to index
      %swap3A_140 = arith.constant 0 : index
      %swap3A_141 = tpu.vector_load %swap3A_138[%swap3A_139, %swap3A_140] {strides = array<i32>} : memref<128x128xf32, #tpu.memory_space<vmem>>, vector<1x16xf32>,
      %swap3A_142 = vector.shape_cast %swap3A_141 : vector<1x16xf32> to vector<16xf32>
      %swap3A_143 = vector.shape_cast %broadcast_in_dim3A_135 : vector<16xf32> to vector<1x16xf32>
      tpu.vector_store %swap3A_138[%swap3A_139, %swap3A_140], %swap3A_143 {strides = array<i32>} : memref<128x128xf32, #tpu.memory_space<vmem>>, vector<1x16xf32>,
      %broadcast_in_dim3A_144 = arith.constant 0.000000e+00 : f32
      %broadcast_in_dim3A_145 = vector.broadcast %broadcast_in_dim3A_144 : f32 to vector<16xf32>
      %swap3A_146 = arith.constant 0 : i32
      %swap3A_147 = arith.constant 0 : i32
      %swap3A_148 = tpu.memref_slice %arg6[%scan3A, %swap3A_146, %swap3A_147] : memref<2x128x128xf32, #tpu.memory_space<vmem>> -> memref<1x128x128xf32, #tpu.memory_space<vmem>>
      %swap3A_149 = tpu.memref_squeeze %swap3A_148 : memref<1x128x128xf32, #tpu.memory_space<vmem>> -> memref<128x128xf32, #tpu.memory_space<vmem>>
      %swap3A_150 = arith.index_cast %scan3A_133 : i32 to index
      %swap3A_151 = arith.constant 16 : index
      %swap3A_152 = tpu.vector_load %swap3A_149[%swap3A_150, %swap3A_151] {strides = array<i32>} : memref<128x128xf32, #tpu.memory_space<vmem>>, vector<1x16xf32>,
      %swap3A_153 = vector.shape_cast %swap3A_152 : vector<1x16xf32> to vector<16xf32>
      %swap3A_154 = vector.shape_cast %broadcast_in_dim3A_145 : vector<16xf32> to vector<1x16xf32>
      tpu.vector_store %swap3A_149[%swap3A_150, %swap3A_151], %swap3A_154 {strides = array<i32>} : memref<128x128xf32, #tpu.memory_space<vmem>>, vector<1x16xf32>,
      %broadcast_in_dim3A_155 = arith.constant 0.000000e+00 : f32
      %broadcast_in_dim3A_156 = vector.broadcast %broadcast_in_dim3A_155 : f32 to vector<16xf32>
      %swap3A_157 = arith.constant 0 : i32
      %swap3A_158 = arith.constant 0 : i32
      %swap3A_159 = tpu.memref_slice %arg6[%scan3A, %swap3A_157, %swap3A_158] : memref<2x128x128xf32, #tpu.memory_space<vmem>> -> memref<1x128x128xf32, #tpu.memory_space<vmem>>
      %swap3A_160 = tpu.memref_squeeze %swap3A_159 : memref<1x128x128xf32, #tpu.memory_space<vmem>> -> memref<128x128xf32, #tpu.memory_space<vmem>>
      %swap3A_161 = arith.index_cast %scan3A_133 : i32 to index
      %swap3A_162 = arith.constant 32 : index
      %swap3A_163 = tpu.vector_load %swap3A_160[%swap3A_161, %swap3A_162] {strides = array<i32>} : memref<128x128xf32, #tpu.memory_space<vmem>>, vector<1x16xf32>,
      %swap3A_164 = vector.shape_cast %swap3A_163 : vector<1x16xf32> to vector<16xf32>
      %swap3A_165 = vector.shape_cast %broadcast_in_dim3A_156 : vector<16xf32> to vector<1x16xf32>
      tpu.vector_store %swap3A_160[%swap3A_161, %swap3A_162], %swap3A_165 {strides = array<i32>} : memref<128x128xf32, #tpu.memory_space<vmem>>, vector<1x16xf32>,
      %broadcast_in_dim3A_166 = arith.constant 0.000000e+00 : f32
      %broadcast_in_dim3A_167 = vector.broadcast %broadcast_in_dim3A_166 : f32 to vector<16xf32>
      %swap3A_168 = arith.constant 0 : i32
      %swap3A_169 = arith.constant 0 : i32
      %swap3A_170 = tpu.memref_slice %arg6[%scan3A, %swap3A_168, %swap3A_169] : memref<2x128x128xf32, #tpu.memory_space<vmem>> -> memref<1x128x128xf32, #tpu.memory_space<vmem>>
      %swap3A_171 = tpu.memref_squeeze %swap3A_170 : memref<1x128x128xf32, #tpu.memory_space<vmem>> -> memref<128x128xf32, #tpu.memory_space<vmem>>
      %swap3A_172 = arith.index_cast %scan3A_133 : i32 to index
      %swap3A_173 = arith.constant 48 : index
      %swap3A_174 = tpu.vector_load %swap3A_171[%swap3A_172, %swap3A_173] {strides = array<i32>} : memref<128x128xf32, #tpu.memory_space<vmem>>, vector<1x16xf32>,
      %swap3A_175 = vector.shape_cast %swap3A_174 : vector<1x16xf32> to vector<16xf32>
      %swap3A_176 = vector.shape_cast %broadcast_in_dim3A_167 : vector<16xf32> to vector<1x16xf32>
      tpu.vector_store %swap3A_171[%swap3A_172, %swap3A_173], %swap3A_176 {strides = array<i32>} : memref<128x128xf32, #tpu.memory_space<vmem>>, vector<1x16xf32>,
      %broadcast_in_dim3A_177 = arith.constant 0.000000e+00 : f32
      %broadcast_in_dim3A_178 = vector.broadcast %broadcast_in_dim3A_177 : f32 to vector<16xf32>
      %swap3A_179 = arith.constant 0 : i32
      %swap3A_180 = arith.constant 0 : i32
      %swap3A_181 = tpu.memref_slice %arg6[%scan3A, %swap3A_179, %swap3A_180] : memref<2x128x128xf32, #tpu.memory_space<vmem>> -> memref<1x128x128xf32, #tpu.memory_space<vmem>>
      %swap3A_182 = tpu.memref_squeeze %swap3A_181 : memref<1x128x128xf32, #tpu.memory_space<vmem>> -> memref<128x128xf32, #tpu.memory_space<vmem>>
      %swap3A_183 = arith.index_cast %scan3A_133 : i32 to index
      %swap3A_184 = arith.constant 64 : index
      %swap3A_185 = tpu.vector_load %swap3A_182[%swap3A_183, %swap3A_184] {strides = array<i32>} : memref<128x128xf32, #tpu.memory_space<vmem>>, vector<1x16xf32>,
      %swap3A_186 = vector.shape_cast %swap3A_185 : vector<1x16xf32> to vector<16xf32>
      %swap3A_187 = vector.shape_cast %broadcast_in_dim3A_178 : vector<16xf32> to vector<1x16xf32>
      tpu.vector_store %swap3A_182[%swap3A_183, %swap3A_184], %swap3A_187 {strides = array<i32>} : memref<128x128xf32, #tpu.memory_space<vmem>>, vector<1x16xf32>,
      %broadcast_in_dim3A_188 = arith.constant 0.000000e+00 : f32
      %broadcast_in_dim3A_189 = vector.broadcast %broadcast_in_dim3A_188 : f32 to vector<16xf32>
      %swap3A_190 = arith.constant 0 : i32
      %swap3A_191 = arith.constant 0 : i32
      %swap3A_192 = tpu.memref_slice %arg6[%scan3A, %swap3A_190, %swap3A_191] : memref<2x128x128xf32, #tpu.memory_space<vmem>> -> memref<1x128x128xf32, #tpu.memory_space<vmem>>
      %swap3A_193 = tpu.memref_squeeze %swap3A_192 : memref<1x128x128xf32, #tpu.memory_space<vmem>> -> memref<128x128xf32, #tpu.memory_space<vmem>>
      %swap3A_194 = arith.index_cast %scan3A_133 : i32 to index
      %swap3A_195 = arith.constant 80 : index
      %swap3A_196 = tpu.vector_load %swap3A_193[%swap3A_194, %swap3A_195] {strides = array<i32>} : memref<128x128xf32, #tpu.memory_space<vmem>>, vector<1x16xf32>,
      %swap3A_197 = vector.shape_cast %swap3A_196 : vector<1x16xf32> to vector<16xf32>
      %swap3A_198 = vector.shape_cast %broadcast_in_dim3A_189 : vector<16xf32> to vector<1x16xf32>
      tpu.vector_store %swap3A_193[%swap3A_194, %swap3A_195], %swap3A_198 {strides = array<i32>} : memref<128x128xf32, #tpu.memory_space<vmem>>, vector<1x16xf32>,
      %broadcast_in_dim3A_199 = arith.constant 0.000000e+00 : f32
      %broadcast_in_dim3A_200 = vector.broadcast %broadcast_in_dim3A_199 : f32 to vector<16xf32>
      %swap3A_201 = arith.constant 0 : i32
      %swap3A_202 = arith.constant 0 : i32
      %swap3A_203 = tpu.memref_slice %arg6[%scan3A, %swap3A_201, %swap3A_202] : memref<2x128x128xf32, #tpu.memory_space<vmem>> -> memref<1x128x128xf32, #tpu.memory_space<vmem>>
      %swap3A_204 = tpu.memref_squeeze %swap3A_203 : memref<1x128x128xf32, #tpu.memory_space<vmem>> -> memref<128x128xf32, #tpu.memory_space<vmem>>
      %swap3A_205 = arith.index_cast %scan3A_133 : i32 to index
      %swap3A_206 = arith.constant 96 : index
      %swap3A_207 = tpu.vector_load %swap3A_204[%swap3A_205, %swap3A_206] {strides = array<i32>} : memref<128x128xf32, #tpu.memory_space<vmem>>, vector<1x16xf32>,
      %swap3A_208 = vector.shape_cast %swap3A_207 : vector<1x16xf32> to vector<16xf32>
      %swap3A_209 = vector.shape_cast %broadcast_in_dim3A_200 : vector<16xf32> to vector<1x16xf32>
      tpu.vector_store %swap3A_204[%swap3A_205, %swap3A_206], %swap3A_209 {strides = array<i32>} : memref<128x128xf32, #tpu.memory_space<vmem>>, vector<1x16xf32>,
      %broadcast_in_dim3A_210 = arith.constant 0.000000e+00 : f32
      %broadcast_in_dim3A_211 = vector.broadcast %broadcast_in_dim3A_210 : f32 to vector<16xf32>
      %swap3A_212 = arith.constant 0 : i32
      %swap3A_213 = arith.constant 0 : i32
      %swap3A_214 = tpu.memref_slice %arg6[%scan3A, %swap3A_212, %swap3A_213] : memref<2x128x128xf32, #tpu.memory_space<vmem>> -> memref<1x128x128xf32, #tpu.memory_space<vmem>>
      %swap3A_215 = tpu.memref_squeeze %swap3A_214 : memref<1x128x128xf32, #tpu.memory_space<vmem>> -> memref<128x128xf32, #tpu.memory_space<vmem>>
      %swap3A_216 = arith.index_cast %scan3A_133 : i32 to index
      %swap3A_217 = arith.constant 112 : index
      %swap3A_218 = tpu.vector_load %swap3A_215[%swap3A_216, %swap3A_217] {strides = array<i32>} : memref<128x128xf32, #tpu.memory_space<vmem>>, vector<1x16xf32>,
      %swap3A_219 = vector.shape_cast %swap3A_218 : vector<1x16xf32> to vector<16xf32>
      %swap3A_220 = vector.shape_cast %broadcast_in_dim3A_211 : vector<16xf32> to vector<1x16xf32>
      tpu.vector_store %swap3A_215[%swap3A_216, %swap3A_217], %swap3A_220 {strides = array<i32>} : memref<128x128xf32, #tpu.memory_space<vmem>>, vector<1x16xf32>,
      %scan3A_221 = arith.constant 0 : i32
      scf.yield %scan3A_221 : i32
    }
    %scan3A_45 = arith.constant 128 : i32
    %mul3A_46 = arith.constant 640 : i32
    %mul3A_47 = arith.muli %arg1, %mul3A_46 : i32
    %add3A_48 = arith.constant 0 : i32
    %add3A_49 = arith.addi %mul3A_47, %add3A_48 : i32
    %run_scoped3A = arith.constant 0 : i32
    "tpu.region"() ({
      %run_scoped3A_133 = tpu.sem_alloc : memref<!tpu.dma_semaphore, #tpu.memory_space<semaphore_mem>>
      %dma_start3A_134 = arith.constant 0 : i32
      %dma_start3A_135 = arith.constant 0 : i32
      %dma_start3A_136 = tpu.memref_slice %arg6[%run_scoped3A, %dma_start3A_134, %dma_start3A_135] : memref<2x128x128xf32, #tpu.memory_space<vmem>> -> memref<1x128x128xf32, #tpu.memory_space<vmem>>
      %dma_start3A_137 = tpu.memref_squeeze %dma_start3A_136 : memref<1x128x128xf32, #tpu.memory_space<vmem>> -> memref<128x128xf32, #tpu.memory_space<vmem>>
      %dma_start3A_138 = arith.constant 0 : i32
      %dma_start3A_139 = tpu.memref_slice %arg11[%add3A_49, %dma_start3A_138] : memref<10240x128xf32, #tpu.memory_space<vmem_shared>> -> memref<128x128xf32, #tpu.memory_space<vmem_shared>>
      %dma_start3A_140 = arith.constant 0 : i32
      %dma_start3A_141 = tpu.memref_slice %arg11[%add3A_49, %dma_start3A_140] : memref<10240x128xf32, #tpu.memory_space<vmem_shared>> -> memref<128x128xf32, #tpu.memory_space<vmem_shared>>
      %dma_start3A_142 = arith.constant 0 : i32
      %dma_start3A_143 = arith.constant 0 : i32
      %dma_start3A_144 = tpu.memref_slice %arg6[%run_scoped3A, %dma_start3A_142, %dma_start3A_143] : memref<2x128x128xf32, #tpu.memory_space<vmem>> -> memref<1x128x128xf32, #tpu.memory_space<vmem>>
      %dma_start3A_145 = tpu.memref_squeeze %dma_start3A_144 : memref<1x128x128xf32, #tpu.memory_space<vmem>> -> memref<128x128xf32, #tpu.memory_space<vmem>>
      tpu.enqueue_dma source(%dma_start3A_145 : memref<128x128xf32, #tpu.memory_space<vmem>>) target(%dma_start3A_141 : memref<128x128xf32, #tpu.memory_space<vmem_shared>>) target_semaphore(%run_scoped3A_133 : memref<!tpu.dma_semaphore, #tpu.memory_space<semaphore_mem>>)
      %dma_wait3A_146 = arith.constant 0 : i32
      %dma_wait3A_147 = arith.constant 0 : i32
      %dma_wait3A_148 = tpu.memref_slice %arg6[%run_scoped3A, %dma_wait3A_146, %dma_wait3A_147] : memref<2x128x128xf32, #tpu.memory_space<vmem>> -> memref<1x128x128xf32, #tpu.memory_space<vmem>>
      %dma_wait3A_149 = tpu.memref_squeeze %dma_wait3A_148 : memref<1x128x128xf32, #tpu.memory_space<vmem>> -> memref<128x128xf32, #tpu.memory_space<vmem>>
      %dma_wait3A_150 = arith.constant 0 : i32
      %dma_wait3A_151 = tpu.memref_slice %arg11[%add3A_49, %dma_wait3A_150] : memref<10240x128xf32, #tpu.memory_space<vmem_shared>> -> memref<128x128xf32, #tpu.memory_space<vmem_shared>>
      %dma_wait3A_152 = arith.constant 0 : i32
      %dma_wait3A_153 = tpu.memref_slice %arg11[%add3A_49, %dma_wait3A_152] : memref<10240x128xf32, #tpu.memory_space<vmem_shared>> -> memref<128x128xf32, #tpu.memory_space<vmem_shared>>
      %dma_wait3A_154 = arith.constant 0 : i32
      %dma_wait3A_155 = arith.constant 0 : i32
      %dma_wait3A_156 = tpu.memref_slice %arg6[%run_scoped3A, %dma_wait3A_154, %dma_wait3A_155] : memref<2x128x128xf32, #tpu.memory_space<vmem>> -> memref<1x128x128xf32, #tpu.memory_space<vmem>>
      %dma_wait3A_157 = tpu.memref_squeeze %dma_wait3A_156 : memref<1x128x128xf32, #tpu.memory_space<vmem>> -> memref<128x128xf32, #tpu.memory_space<vmem>>
      tpu.wait_dma2 semaphore(%run_scoped3A_133 : memref<!tpu.dma_semaphore, #tpu.memory_space<semaphore_mem>>) src(%dma_wait3A_157 : memref<128x128xf32, #tpu.memory_space<vmem>>) dst(%dma_wait3A_153 : memref<128x128xf32, #tpu.memory_space<vmem_shared>>)
      tpu.yield
    }) : () -> ()
    %mul3A_50 = arith.constant 640 : i32
    %mul3A_51 = arith.muli %arg1, %mul3A_50 : i32
    %add3A_52 = arith.constant 128 : i32
    %add3A_53 = arith.addi %mul3A_51, %add3A_52 : i32
    %run_scoped3A_54 = arith.constant 0 : i32
    "tpu.region"() ({
      %run_scoped3A_133 = tpu.sem_alloc : memref<!tpu.dma_semaphore, #tpu.memory_space<semaphore_mem>>
      %dma_start3A_134 = arith.constant 0 : i32
      %dma_start3A_135 = arith.constant 0 : i32
      %dma_start3A_136 = tpu.memref_slice %arg6[%run_scoped3A_54, %dma_start3A_134, %dma_start3A_135] : memref<2x128x128xf32, #tpu.memory_space<vmem>> -> memref<1x128x128xf32, #tpu.memory_space<vmem>>
      %dma_start3A_137 = tpu.memref_squeeze %dma_start3A_136 : memref<1x128x128xf32, #tpu.memory_space<vmem>> -> memref<128x128xf32, #tpu.memory_space<vmem>>
      %dma_start3A_138 = arith.constant 0 : i32
      %dma_start3A_139 = tpu.memref_slice %arg11[%add3A_53, %dma_start3A_138] : memref<10240x128xf32, #tpu.memory_space<vmem_shared>> -> memref<128x128xf32, #tpu.memory_space<vmem_shared>>
      %dma_start3A_140 = arith.constant 0 : i32
      %dma_start3A_141 = tpu.memref_slice %arg11[%add3A_53, %dma_start3A_140] : memref<10240x128xf32, #tpu.memory_space<vmem_shared>> -> memref<128x128xf32, #tpu.memory_space<vmem_shared>>
      %dma_start3A_142 = arith.constant 0 : i32
      %dma_start3A_143 = arith.constant 0 : i32
      %dma_start3A_144 = tpu.memref_slice %arg6[%run_scoped3A_54, %dma_start3A_142, %dma_start3A_143] : memref<2x128x128xf32, #tpu.memory_space<vmem>> -> memref<1x128x128xf32, #tpu.memory_space<vmem>>
      %dma_start3A_145 = tpu.memref_squeeze %dma_start3A_144 : memref<1x128x128xf32, #tpu.memory_space<vmem>> -> memref<128x128xf32, #tpu.memory_space<vmem>>
      tpu.enqueue_dma source(%dma_start3A_145 : memref<128x128xf32, #tpu.memory_space<vmem>>) target(%dma_start3A_141 : memref<128x128xf32, #tpu.memory_space<vmem_shared>>) target_semaphore(%run_scoped3A_133 : memref<!tpu.dma_semaphore, #tpu.memory_space<semaphore_mem>>)
      %dma_wait3A_146 = arith.constant 0 : i32
      %dma_wait3A_147 = arith.constant 0 : i32
      %dma_wait3A_148 = tpu.memref_slice %arg6[%run_scoped3A_54, %dma_wait3A_146, %dma_wait3A_147] : memref<2x128x128xf32, #tpu.memory_space<vmem>> -> memref<1x128x128xf32, #tpu.memory_space<vmem>>
      %dma_wait3A_149 = tpu.memref_squeeze %dma_wait3A_148 : memref<1x128x128xf32, #tpu.memory_space<vmem>> -> memref<128x128xf32, #tpu.memory_space<vmem>>
      %dma_wait3A_150 = arith.constant 0 : i32
      %dma_wait3A_151 = tpu.memref_slice %arg11[%add3A_53, %dma_wait3A_150] : memref<10240x128xf32, #tpu.memory_space<vmem_shared>> -> memref<128x128xf32, #tpu.memory_space<vmem_shared>>
      %dma_wait3A_152 = arith.constant 0 : i32
      %dma_wait3A_153 = tpu.memref_slice %arg11[%add3A_53, %dma_wait3A_152] : memref<10240x128xf32, #tpu.memory_space<vmem_shared>> -> memref<128x128xf32, #tpu.memory_space<vmem_shared>>
      %dma_wait3A_154 = arith.constant 0 : i32
      %dma_wait3A_155 = arith.constant 0 : i32
      %dma_wait3A_156 = tpu.memref_slice %arg6[%run_scoped3A_54, %dma_wait3A_154, %dma_wait3A_155] : memref<2x128x128xf32, #tpu.memory_space<vmem>> -> memref<1x128x128xf32, #tpu.memory_space<vmem>>
      %dma_wait3A_157 = tpu.memref_squeeze %dma_wait3A_156 : memref<1x128x128xf32, #tpu.memory_space<vmem>> -> memref<128x128xf32, #tpu.memory_space<vmem>>
      tpu.wait_dma2 semaphore(%run_scoped3A_133 : memref<!tpu.dma_semaphore, #tpu.memory_space<semaphore_mem>>) src(%dma_wait3A_157 : memref<128x128xf32, #tpu.memory_space<vmem>>) dst(%dma_wait3A_153 : memref<128x128xf32, #tpu.memory_space<vmem_shared>>)
      tpu.yield
    }) : () -> ()
    %mul3A_55 = arith.constant 640 : i32
    %mul3A_56 = arith.muli %arg1, %mul3A_55 : i32
    %add3A_57 = arith.constant 256 : i32
    %add3A_58 = arith.addi %mul3A_56, %add3A_57 : i32
    %run_scoped3A_59 = arith.constant 0 : i32
    "tpu.region"() ({
      %run_scoped3A_133 = tpu.sem_alloc : memref<!tpu.dma_semaphore, #tpu.memory_space<semaphore_mem>>
      %dma_start3A_134 = arith.constant 0 : i32
      %dma_start3A_135 = arith.constant 0 : i32
      %dma_start3A_136 = tpu.memref_slice %arg6[%run_scoped3A_59, %dma_start3A_134, %dma_start3A_135] : memref<2x128x128xf32, #tpu.memory_space<vmem>> -> memref<1x128x128xf32, #tpu.memory_space<vmem>>
      %dma_start3A_137 = tpu.memref_squeeze %dma_start3A_136 : memref<1x128x128xf32, #tpu.memory_space<vmem>> -> memref<128x128xf32, #tpu.memory_space<vmem>>
      %dma_start3A_138 = arith.constant 0 : i32
      %dma_start3A_139 = tpu.memref_slice %arg11[%add3A_58, %dma_start3A_138] : memref<10240x128xf32, #tpu.memory_space<vmem_shared>> -> memref<128x128xf32, #tpu.memory_space<vmem_shared>>
      %dma_start3A_140 = arith.constant 0 : i32
      %dma_start3A_141 = tpu.memref_slice %arg11[%add3A_58, %dma_start3A_140] : memref<10240x128xf32, #tpu.memory_space<vmem_shared>> -> memref<128x128xf32, #tpu.memory_space<vmem_shared>>
      %dma_start3A_142 = arith.constant 0 : i32
      %dma_start3A_143 = arith.constant 0 : i32
      %dma_start3A_144 = tpu.memref_slice %arg6[%run_scoped3A_59, %dma_start3A_142, %dma_start3A_143] : memref<2x128x128xf32, #tpu.memory_space<vmem>> -> memref<1x128x128xf32, #tpu.memory_space<vmem>>
      %dma_start3A_145 = tpu.memref_squeeze %dma_start3A_144 : memref<1x128x128xf32, #tpu.memory_space<vmem>> -> memref<128x128xf32, #tpu.memory_space<vmem>>
      tpu.enqueue_dma source(%dma_start3A_145 : memref<128x128xf32, #tpu.memory_space<vmem>>) target(%dma_start3A_141 : memref<128x128xf32, #tpu.memory_space<vmem_shared>>) target_semaphore(%run_scoped3A_133 : memref<!tpu.dma_semaphore, #tpu.memory_space<semaphore_mem>>)
      %dma_wait3A_146 = arith.constant 0 : i32
      %dma_wait3A_147 = arith.constant 0 : i32
      %dma_wait3A_148 = tpu.memref_slice %arg6[%run_scoped3A_59, %dma_wait3A_146, %dma_wait3A_147] : memref<2x128x128xf32, #tpu.memory_space<vmem>> -> memref<1x128x128xf32, #tpu.memory_space<vmem>>
      %dma_wait3A_149 = tpu.memref_squeeze %dma_wait3A_148 : memref<1x128x128xf32, #tpu.memory_space<vmem>> -> memref<128x128xf32, #tpu.memory_space<vmem>>
      %dma_wait3A_150 = arith.constant 0 : i32
      %dma_wait3A_151 = tpu.memref_slice %arg11[%add3A_58, %dma_wait3A_150] : memref<10240x128xf32, #tpu.memory_space<vmem_shared>> -> memref<128x128xf32, #tpu.memory_space<vmem_shared>>
      %dma_wait3A_152 = arith.constant 0 : i32
      %dma_wait3A_153 = tpu.memref_slice %arg11[%add3A_58, %dma_wait3A_152] : memref<10240x128xf32, #tpu.memory_space<vmem_shared>> -> memref<128x128xf32, #tpu.memory_space<vmem_shared>>
      %dma_wait3A_154 = arith.constant 0 : i32
      %dma_wait3A_155 = arith.constant 0 : i32
      %dma_wait3A_156 = tpu.memref_slice %arg6[%run_scoped3A_59, %dma_wait3A_154, %dma_wait3A_155] : memref<2x128x128xf32, #tpu.memory_space<vmem>> -> memref<1x128x128xf32, #tpu.memory_space<vmem>>
      %dma_wait3A_157 = tpu.memref_squeeze %dma_wait3A_156 : memref<1x128x128xf32, #tpu.memory_space<vmem>> -> memref<128x128xf32, #tpu.memory_space<vmem>>
      tpu.wait_dma2 semaphore(%run_scoped3A_133 : memref<!tpu.dma_semaphore, #tpu.memory_space<semaphore_mem>>) src(%dma_wait3A_157 : memref<128x128xf32, #tpu.memory_space<vmem>>) dst(%dma_wait3A_153 : memref<128x128xf32, #tpu.memory_space<vmem_shared>>)
      tpu.yield
    }) : () -> ()
    %mul3A_60 = arith.constant 640 : i32
    %mul3A_61 = arith.muli %arg1, %mul3A_60 : i32
    %add3A_62 = arith.constant 384 : i32
    %add3A_63 = arith.addi %mul3A_61, %add3A_62 : i32
    %run_scoped3A_64 = arith.constant 0 : i32
    "tpu.region"() ({
      %run_scoped3A_133 = tpu.sem_alloc : memref<!tpu.dma_semaphore, #tpu.memory_space<semaphore_mem>>
      %dma_start3A_134 = arith.constant 0 : i32
      %dma_start3A_135 = arith.constant 0 : i32
      %dma_start3A_136 = tpu.memref_slice %arg6[%run_scoped3A_64, %dma_start3A_134, %dma_start3A_135] : memref<2x128x128xf32, #tpu.memory_space<vmem>> -> memref<1x128x128xf32, #tpu.memory_space<vmem>>
      %dma_start3A_137 = tpu.memref_squeeze %dma_start3A_136 : memref<1x128x128xf32, #tpu.memory_space<vmem>> -> memref<128x128xf32, #tpu.memory_space<vmem>>
      %dma_start3A_138 = arith.constant 0 : i32
      %dma_start3A_139 = tpu.memref_slice %arg11[%add3A_63, %dma_start3A_138] : memref<10240x128xf32, #tpu.memory_space<vmem_shared>> -> memref<128x128xf32, #tpu.memory_space<vmem_shared>>
      %dma_start3A_140 = arith.constant 0 : i32
      %dma_start3A_141 = tpu.memref_slice %arg11[%add3A_63, %dma_start3A_140] : memref<10240x128xf32, #tpu.memory_space<vmem_shared>> -> memref<128x128xf32, #tpu.memory_space<vmem_shared>>
      %dma_start3A_142 = arith.constant 0 : i32
      %dma_start3A_143 = arith.constant 0 : i32
      %dma_start3A_144 = tpu.memref_slice %arg6[%run_scoped3A_64, %dma_start3A_142, %dma_start3A_143] : memref<2x128x128xf32, #tpu.memory_space<vmem>> -> memref<1x128x128xf32, #tpu.memory_space<vmem>>
      %dma_start3A_145 = tpu.memref_squeeze %dma_start3A_144 : memref<1x128x128xf32, #tpu.memory_space<vmem>> -> memref<128x128xf32, #tpu.memory_space<vmem>>
      tpu.enqueue_dma source(%dma_start3A_145 : memref<128x128xf32, #tpu.memory_space<vmem>>) target(%dma_start3A_141 : memref<128x128xf32, #tpu.memory_space<vmem_shared>>) target_semaphore(%run_scoped3A_133 : memref<!tpu.dma_semaphore, #tpu.memory_space<semaphore_mem>>)
      %dma_wait3A_146 = arith.constant 0 : i32
      %dma_wait3A_147 = arith.constant 0 : i32
      %dma_wait3A_148 = tpu.memref_slice %arg6[%run_scoped3A_64, %dma_wait3A_146, %dma_wait3A_147] : memref<2x128x128xf32, #tpu.memory_space<vmem>> -> memref<1x128x128xf32, #tpu.memory_space<vmem>>
      %dma_wait3A_149 = tpu.memref_squeeze %dma_wait3A_148 : memref<1x128x128xf32, #tpu.memory_space<vmem>> -> memref<128x128xf32, #tpu.memory_space<vmem>>
      %dma_wait3A_150 = arith.constant 0 : i32
      %dma_wait3A_151 = tpu.memref_slice %arg11[%add3A_63, %dma_wait3A_150] : memref<10240x128xf32, #tpu.memory_space<vmem_shared>> -> memref<128x128xf32, #tpu.memory_space<vmem_shared>>
      %dma_wait3A_152 = arith.constant 0 : i32
      %dma_wait3A_153 = tpu.memref_slice %arg11[%add3A_63, %dma_wait3A_152] : memref<10240x128xf32, #tpu.memory_space<vmem_shared>> -> memref<128x128xf32, #tpu.memory_space<vmem_shared>>
      %dma_wait3A_154 = arith.constant 0 : i32
      %dma_wait3A_155 = arith.constant 0 : i32
      %dma_wait3A_156 = tpu.memref_slice %arg6[%run_scoped3A_64, %dma_wait3A_154, %dma_wait3A_155] : memref<2x128x128xf32, #tpu.memory_space<vmem>> -> memref<1x128x128xf32, #tpu.memory_space<vmem>>
      %dma_wait3A_157 = tpu.memref_squeeze %dma_wait3A_156 : memref<1x128x128xf32, #tpu.memory_space<vmem>> -> memref<128x128xf32, #tpu.memory_space<vmem>>
      tpu.wait_dma2 semaphore(%run_scoped3A_133 : memref<!tpu.dma_semaphore, #tpu.memory_space<semaphore_mem>>) src(%dma_wait3A_157 : memref<128x128xf32, #tpu.memory_space<vmem>>) dst(%dma_wait3A_153 : memref<128x128xf32, #tpu.memory_space<vmem_shared>>)
      tpu.yield
    }) : () -> ()
    %mul3A_65 = arith.constant 640 : i32
    %mul3A_66 = arith.muli %arg1, %mul3A_65 : i32
    %add3A_67 = arith.constant 512 : i32
    %add3A_68 = arith.addi %mul3A_66, %add3A_67 : i32
    %run_scoped3A_69 = arith.constant 0 : i32
    "tpu.region"() ({
      %run_scoped3A_133 = tpu.sem_alloc : memref<!tpu.dma_semaphore, #tpu.memory_space<semaphore_mem>>
      %dma_start3A_134 = arith.constant 0 : i32
      %dma_start3A_135 = arith.constant 0 : i32
      %dma_start3A_136 = tpu.memref_slice %arg6[%run_scoped3A_69, %dma_start3A_134, %dma_start3A_135] : memref<2x128x128xf32, #tpu.memory_space<vmem>> -> memref<1x128x128xf32, #tpu.memory_space<vmem>>
      %dma_start3A_137 = tpu.memref_squeeze %dma_start3A_136 : memref<1x128x128xf32, #tpu.memory_space<vmem>> -> memref<128x128xf32, #tpu.memory_space<vmem>>
      %dma_start3A_138 = arith.constant 0 : i32
      %dma_start3A_139 = tpu.memref_slice %arg11[%add3A_68, %dma_start3A_138] : memref<10240x128xf32, #tpu.memory_space<vmem_shared>> -> memref<128x128xf32, #tpu.memory_space<vmem_shared>>
      %dma_start3A_140 = arith.constant 0 : i32
      %dma_start3A_141 = tpu.memref_slice %arg11[%add3A_68, %dma_start3A_140] : memref<10240x128xf32, #tpu.memory_space<vmem_shared>> -> memref<128x128xf32, #tpu.memory_space<vmem_shared>>
      %dma_start3A_142 = arith.constant 0 : i32
      %dma_start3A_143 = arith.constant 0 : i32
      %dma_start3A_144 = tpu.memref_slice %arg6[%run_scoped3A_69, %dma_start3A_142, %dma_start3A_143] : memref<2x128x128xf32, #tpu.memory_space<vmem>> -> memref<1x128x128xf32, #tpu.memory_space<vmem>>
      %dma_start3A_145 = tpu.memref_squeeze %dma_start3A_144 : memref<1x128x128xf32, #tpu.memory_space<vmem>> -> memref<128x128xf32, #tpu.memory_space<vmem>>
      tpu.enqueue_dma source(%dma_start3A_145 : memref<128x128xf32, #tpu.memory_space<vmem>>) target(%dma_start3A_141 : memref<128x128xf32, #tpu.memory_space<vmem_shared>>) target_semaphore(%run_scoped3A_133 : memref<!tpu.dma_semaphore, #tpu.memory_space<semaphore_mem>>)
      %dma_wait3A_146 = arith.constant 0 : i32
      %dma_wait3A_147 = arith.constant 0 : i32
      %dma_wait3A_148 = tpu.memref_slice %arg6[%run_scoped3A_69, %dma_wait3A_146, %dma_wait3A_147] : memref<2x128x128xf32, #tpu.memory_space<vmem>> -> memref<1x128x128xf32, #tpu.memory_space<vmem>>
      %dma_wait3A_149 = tpu.memref_squeeze %dma_wait3A_148 : memref<1x128x128xf32, #tpu.memory_space<vmem>> -> memref<128x128xf32, #tpu.memory_space<vmem>>
      %dma_wait3A_150 = arith.constant 0 : i32
      %dma_wait3A_151 = tpu.memref_slice %arg11[%add3A_68, %dma_wait3A_150] : memref<10240x128xf32, #tpu.memory_space<vmem_shared>> -> memref<128x128xf32, #tpu.memory_space<vmem_shared>>
      %dma_wait3A_152 = arith.constant 0 : i32
      %dma_wait3A_153 = tpu.memref_slice %arg11[%add3A_68, %dma_wait3A_152] : memref<10240x128xf32, #tpu.memory_space<vmem_shared>> -> memref<128x128xf32, #tpu.memory_space<vmem_shared>>
      %dma_wait3A_154 = arith.constant 0 : i32
      %dma_wait3A_155 = arith.constant 0 : i32
      %dma_wait3A_156 = tpu.memref_slice %arg6[%run_scoped3A_69, %dma_wait3A_154, %dma_wait3A_155] : memref<2x128x128xf32, #tpu.memory_space<vmem>> -> memref<1x128x128xf32, #tpu.memory_space<vmem>>
      %dma_wait3A_157 = tpu.memref_squeeze %dma_wait3A_156 : memref<1x128x128xf32, #tpu.memory_space<vmem>> -> memref<128x128xf32, #tpu.memory_space<vmem>>
      tpu.wait_dma2 semaphore(%run_scoped3A_133 : memref<!tpu.dma_semaphore, #tpu.memory_space<semaphore_mem>>) src(%dma_wait3A_157 : memref<128x128xf32, #tpu.memory_space<vmem>>) dst(%dma_wait3A_153 : memref<128x128xf32, #tpu.memory_space<vmem_shared>>)
      tpu.yield
    }) : () -> ()
    %barrier3A = arith.constant 0 : index
    tpu.barrier barrier_id(%barrier3A)
    %dma_wait3A = arith.constant 0 : i32
    %dma_wait3A_70 = arith.constant 0 : i32
    %dma_wait3A_71 = arith.constant 0 : i32
    %dma_wait3A_72 = tpu.memref_slice %arg5[%dma_wait3A, %dma_wait3A_70, %dma_wait3A_71] : memref<2x2x128xi32, #tpu.memory_space<vmem>> -> memref<1x2x128xi32, #tpu.memory_space<vmem>>
    %dma_wait3A_73 = tpu.memref_squeeze %dma_wait3A_72 : memref<1x2x128xi32, #tpu.memory_space<vmem>> -> memref<2x128xi32, #tpu.memory_space<vmem>>
    %dma_wait3A_74 = arith.constant 0 : i32
    %dma_wait3A_75 = arith.constant 0 : i32
    %dma_wait3A_76 = tpu.memref_slice %arg3[%add3A, %dma_wait3A_74, %dma_wait3A_75] : memref<2560x2x128xi32, #tpu.memory_space<hbm>> -> memref<1x2x128xi32, #tpu.memory_space<hbm>>
    %dma_wait3A_77 = tpu.memref_squeeze %dma_wait3A_76 : memref<1x2x128xi32, #tpu.memory_space<hbm>> -> memref<2x128xi32, #tpu.memory_space<hbm>>
    %dma_wait3A_78 = arith.constant 0 : i32
    %dma_wait3A_79 = arith.constant 0 : i32
    %dma_wait3A_80 = tpu.memref_slice %arg5[%dma_wait3A, %dma_wait3A_78, %dma_wait3A_79] : memref<2x2x128xi32, #tpu.memory_space<vmem>> -> memref<1x2x128xi32, #tpu.memory_space<vmem>>
    %dma_wait3A_81 = tpu.memref_squeeze %dma_wait3A_80 : memref<1x2x128xi32, #tpu.memory_space<vmem>> -> memref<2x128xi32, #tpu.memory_space<vmem>>
    %dma_wait3A_82 = arith.constant 0 : i32
    %dma_wait3A_83 = arith.constant 0 : i32
    %dma_wait3A_84 = tpu.memref_slice %arg3[%add3A, %dma_wait3A_82, %dma_wait3A_83] : memref<2560x2x128xi32, #tpu.memory_space<hbm>> -> memref<1x2x128xi32, #tpu.memory_space<hbm>>
    %dma_wait3A_85 = tpu.memref_squeeze %dma_wait3A_84 : memref<1x2x128xi32, #tpu.memory_space<hbm>> -> memref<2x128xi32, #tpu.memory_space<hbm>>
    tpu.wait_dma2 semaphore(%arg7 : memref<!tpu.dma_semaphore, #tpu.memory_space<semaphore_mem>>) src(%dma_wait3A_85 : memref<2x128xi32, #tpu.memory_space<hbm>>) dst(%dma_wait3A_81 : memref<2x128xi32, #tpu.memory_space<vmem>>)
    %dma_start3A_86 = arith.constant 0 : i32
    %dma_start3A_87 = arith.constant 0 : i32
    %dma_start3A_88 = arith.constant 0 : i32
    %dma_start3A_89 = arith.constant 0 : i32
    %dma_start3A_90 = arith.constant 0 : i32
    %dma_start3A_91 = tpu.memref_slice %arg6[%dma_start3A_88, %dma_start3A_89, %dma_start3A_90] : memref<2x128x128xf32, #tpu.memory_space<vmem>> -> memref<1x128x128xf32, #tpu.memory_space<vmem>>
    %dma_start3A_92 = tpu.memref_squeeze %dma_start3A_91 : memref<1x128x128xf32, #tpu.memory_space<vmem>> -> memref<128x128xf32, #tpu.memory_space<vmem>>
    %dma_start3A_93 = arith.constant 0 : i32
    %dma_start3A_94 = tpu.memref_slice %arg5[%dma_start3A_86, %dma_start3A_87, %dma_start3A_93] : memref<2x2x128xi32, #tpu.memory_space<vmem>> -> memref<1x1x128xi32, #tpu.memory_space<vmem>>
    %dma_start3A_95 = tpu.memref_squeeze %dma_start3A_94 : memref<1x1x128xi32, #tpu.memory_space<vmem>> -> memref<128xi32, #tpu.memory_space<vmem>>
    %dma_start3A_96 = arith.constant 0 : i32
    %dma_start3A_97 = arith.constant 0 : i32
    %dma_start3A_98 = tpu.memref_slice %arg2[%dma_start3A_96, %dma_start3A_97] : memref<10000x128xf32, #tpu.memory_space<hbm>> -> memref<10000x128xf32, #tpu.memory_space<hbm>>
    tpu.enqueue_indirect_dma source(%dma_start3A_98 : memref<10000x128xf32, #tpu.memory_space<hbm>>) target(%dma_start3A_92 : memref<128x128xf32, #tpu.memory_space<vmem>>) offsets(%dma_start3A_95 : memref<128xi32, #tpu.memory_space<vmem>>) semaphore(%arg9 : memref<!tpu.dma_semaphore, #tpu.memory_space<semaphore_mem>>)
    %jit3A_99 = arith.constant 2 : i32
    %div3A = arith.divsi %select_n3A, %jit3A_99 : i32
    %sign3A = arith.constant 0 : i32
    %sign3A_100 = arith.cmpi sgt, %select_n3A, %sign3A : i32
    %sign3A_101 = arith.extui %sign3A_100 : i1 to i32
    %sign3A_102 = arith.constant 0 : i32
    %sign3A_103 = arith.cmpi slt, %select_n3A, %sign3A_102 : i32
    %sign3A_104 = arith.extui %sign3A_103 : i1 to i32
    %sign3A_105 = arith.subi %sign3A_101, %sign3A_104 : i32
    %sign3A_106 = arith.constant 0 : i32
    %sign3A_107 = arith.cmpi sgt, %jit3A_99, %sign3A_106 : i32
    %sign3A_108 = arith.extui %sign3A_107 : i1 to i32
    %sign3A_109 = arith.constant 0 : i32
    %sign3A_110 = arith.cmpi slt, %jit3A_99, %sign3A_109 : i32
    %sign3A_111 = arith.extui %sign3A_110 : i1 to i32
    %sign3A_112 = arith.subi %sign3A_108, %sign3A_111 : i32
    %ne3A = arith.cmpi ne, %sign3A_105, %sign3A_112 : i32
    %rem3A = arith.remsi %select_n3A, %jit3A_99 : i32
    %ne3A_113 = arith.constant 0 : i32
    %ne3A_114 = arith.cmpi ne, %rem3A, %ne3A_113 : i32
    %and3A = arith.andi %ne3A, %ne3A_114 : i1
    %sub3A = arith.constant 1 : i32
    %sub3A_115 = arith.subi %div3A, %sub3A : i32
    %select_n3A_116 = arith.select %and3A, %sub3A_115, %div3A : i32
    %while3A = arith.constant 0 : i32
    %while3A_117 = arith.constant 0 : i32
    %while3A_118 = arith.subi %select_n3A_116, %while3A : i32
    %while3A_119 = arith.addi %while3A, %while3A_118 : i32
    %while3A_120 = arith.constant 1 : i32
    %while3A_121 = arith.divsi %while3A_118, %while3A_120 : i32
    %while3A_122 = arith.muli %while3A_121, %while3A_120 : i32
    %while3A_123 = arith.addi %while3A, %while3A_122 : i32
    %while3A_124 = arith.constant 1 : i32
    %while3A_125 = scf.for %while3A_133 = %while3A to %while3A_123 step %while3A_124 iter_args(%while3A_134 = %while3A_117) -> (i32)  : i32 {
      %mul3A_135 = arith.constant 2 : i32
      %mul3A_136 = arith.muli %mul3A_135, %while3A_133 : i32
      %add3A_137 = arith.constant 0 : i32
      %add3A_138 = arith.addi %mul3A_136, %add3A_137 : i32
      %dma_wait3A_139 = arith.constant 0 : i32
      %dma_wait3A_140 = arith.constant 0 : i32
      %dma_wait3A_141 = arith.constant 0 : i32
      %dma_wait3A_142 = arith.constant 0 : i32
      %dma_wait3A_143 = arith.constant 0 : i32
      %dma_wait3A_144 = tpu.memref_slice %arg6[%dma_wait3A_141, %dma_wait3A_142, %dma_wait3A_143] : memref<2x128x128xf32, #tpu.memory_space<vmem>> -> memref<1x128x128xf32, #tpu.memory_space<vmem>>
      %dma_wait3A_145 = tpu.memref_squeeze %dma_wait3A_144 : memref<1x128x128xf32, #tpu.memory_space<vmem>> -> memref<128x128xf32, #tpu.memory_space<vmem>>
      %dma_wait3A_146 = arith.constant 0 : i32
      %dma_wait3A_147 = tpu.memref_slice %arg5[%dma_wait3A_139, %dma_wait3A_140, %dma_wait3A_146] : memref<2x2x128xi32, #tpu.memory_space<vmem>> -> memref<1x1x128xi32, #tpu.memory_space<vmem>>
      %dma_wait3A_148 = tpu.memref_squeeze %dma_wait3A_147 : memref<1x1x128xi32, #tpu.memory_space<vmem>> -> memref<128xi32, #tpu.memory_space<vmem>>
      %dma_wait3A_149 = arith.constant 0 : i32
      %dma_wait3A_150 = arith.constant 0 : i32
      %dma_wait3A_151 = tpu.memref_slice %arg2[%dma_wait3A_149, %dma_wait3A_150] : memref<10000x128xf32, #tpu.memory_space<hbm>> -> memref<10000x128xf32, #tpu.memory_space<hbm>>
      tpu.wait_indirect_dma semaphore(%arg9 : memref<!tpu.dma_semaphore, #tpu.memory_space<semaphore_mem>>) src(%dma_wait3A_151 : memref<10000x128xf32, #tpu.memory_space<hbm>>) dst(%dma_wait3A_145 : memref<128x128xf32, #tpu.memory_space<vmem>>)
      %add3A_152 = arith.constant 1 : i32
      %add3A_153 = arith.addi %add3A_138, %add3A_152 : i32
      %lt3A = arith.cmpi slt, %add3A_153, %select_n3A : i32
      %convert_element_type3A = arith.extui %lt3A : i1 to i32
      %cond3A = arith.constant 0 : i32
      %cond3A_154 = arith.cmpi ne, %convert_element_type3A, %cond3A : i32
      scf.if %cond3A_154 {
        %add3A_197 = arith.addi %add3A, %add3A_138 : i32
        %add3A_198 = arith.constant 1 : i32
        %add3A_199 = arith.addi %add3A_197, %add3A_198 : i32
        %dma_wait3A_200 = arith.constant 1 : i32
        %dma_wait3A_201 = arith.constant 0 : i32
        %dma_wait3A_202 = arith.constant 0 : i32
        %dma_wait3A_203 = tpu.memref_slice %arg5[%dma_wait3A_200, %dma_wait3A_201, %dma_wait3A_202] : memref<2x2x128xi32, #tpu.memory_space<vmem>> -> memref<1x2x128xi32, #tpu.memory_space<vmem>>
        %dma_wait3A_204 = tpu.memref_squeeze %dma_wait3A_203 : memref<1x2x128xi32, #tpu.memory_space<vmem>> -> memref<2x128xi32, #tpu.memory_space<vmem>>
        %dma_wait3A_205 = arith.constant 0 : i32
        %dma_wait3A_206 = arith.constant 0 : i32
        %dma_wait3A_207 = tpu.memref_slice %arg3[%add3A_199, %dma_wait3A_205, %dma_wait3A_206] : memref<2560x2x128xi32, #tpu.memory_space<hbm>> -> memref<1x2x128xi32, #tpu.memory_space<hbm>>
        %dma_wait3A_208 = tpu.memref_squeeze %dma_wait3A_207 : memref<1x2x128xi32, #tpu.memory_space<hbm>> -> memref<2x128xi32, #tpu.memory_space<hbm>>
        %dma_wait3A_209 = arith.constant 0 : i32
        %dma_wait3A_210 = arith.constant 0 : i32
        %dma_wait3A_211 = tpu.memref_slice %arg5[%dma_wait3A_200, %dma_wait3A_209, %dma_wait3A_210] : memref<2x2x128xi32, #tpu.memory_space<vmem>> -> memref<1x2x128xi32, #tpu.memory_space<vmem>>
        %dma_wait3A_212 = tpu.memref_squeeze %dma_wait3A_211 : memref<1x2x128xi32, #tpu.memory_space<vmem>> -> memref<2x128xi32, #tpu.memory_space<vmem>>
        %dma_wait3A_213 = arith.constant 0 : i32
        %dma_wait3A_214 = arith.constant 0 : i32
        %dma_wait3A_215 = tpu.memref_slice %arg3[%add3A_199, %dma_wait3A_213, %dma_wait3A_214] : memref<2560x2x128xi32, #tpu.memory_space<hbm>> -> memref<1x2x128xi32, #tpu.memory_space<hbm>>
        %dma_wait3A_216 = tpu.memref_squeeze %dma_wait3A_215 : memref<1x2x128xi32, #tpu.memory_space<hbm>> -> memref<2x128xi32, #tpu.memory_space<hbm>>
        tpu.wait_dma2 semaphore(%arg8 : memref<!tpu.dma_semaphore, #tpu.memory_space<semaphore_mem>>) src(%dma_wait3A_216 : memref<2x128xi32, #tpu.memory_space<hbm>>) dst(%dma_wait3A_212 : memref<2x128xi32, #tpu.memory_space<vmem>>)
        %dma_start3A_217 = arith.constant 1 : i32
        %dma_start3A_218 = arith.constant 0 : i32
        %dma_start3A_219 = arith.constant 1 : i32
        %dma_start3A_220 = arith.constant 0 : i32
        %dma_start3A_221 = arith.constant 0 : i32
        %dma_start3A_222 = tpu.memref_slice %arg6[%dma_start3A_219, %dma_start3A_220, %dma_start3A_221] : memref<2x128x128xf32, #tpu.memory_space<vmem>> -> memref<1x128x128xf32, #tpu.memory_space<vmem>>
        %dma_start3A_223 = tpu.memref_squeeze %dma_start3A_222 : memref<1x128x128xf32, #tpu.memory_space<vmem>> -> memref<128x128xf32, #tpu.memory_space<vmem>>
        %dma_start3A_224 = arith.constant 0 : i32
        %dma_start3A_225 = tpu.memref_slice %arg5[%dma_start3A_217, %dma_start3A_218, %dma_start3A_224] : memref<2x2x128xi32, #tpu.memory_space<vmem>> -> memref<1x1x128xi32, #tpu.memory_space<vmem>>
        %dma_start3A_226 = tpu.memref_squeeze %dma_start3A_225 : memref<1x1x128xi32, #tpu.memory_space<vmem>> -> memref<128xi32, #tpu.memory_space<vmem>>
        %dma_start3A_227 = arith.constant 0 : i32
        %dma_start3A_228 = arith.constant 0 : i32
        %dma_start3A_229 = tpu.memref_slice %arg2[%dma_start3A_227, %dma_start3A_228] : memref<10000x128xf32, #tpu.memory_space<hbm>> -> memref<10000x128xf32, #tpu.memory_space<hbm>>
        tpu.enqueue_indirect_dma source(%dma_start3A_229 : memref<10000x128xf32, #tpu.memory_space<hbm>>) target(%dma_start3A_223 : memref<128x128xf32, #tpu.memory_space<vmem>>) offsets(%dma_start3A_226 : memref<128xi32, #tpu.memory_space<vmem>>) semaphore(%arg10 : memref<!tpu.dma_semaphore, #tpu.memory_space<semaphore_mem>>)
      } else {
      }
      %run_scoped3A_155 = arith.constant 0 : i32
      %run_scoped3A_156 = arith.constant 0 : i32
      %run_scoped3A_157 = arith.constant 1 : i32
      "tpu.region"() ({
        %run_scoped3A_197 = tpu.sem_alloc : memref<!tpu.dma_semaphore, #tpu.memory_space<semaphore_mem>>
        %dma_start3A_198 = arith.constant 0 : i32
        %dma_start3A_199 = arith.constant 0 : i32
        %dma_start3A_200 = tpu.memref_slice %arg6[%run_scoped3A_155, %dma_start3A_198, %dma_start3A_199] : memref<2x128x128xf32, #tpu.memory_space<vmem>> -> memref<1x128x128xf32, #tpu.memory_space<vmem>>
        %dma_start3A_201 = tpu.memref_squeeze %dma_start3A_200 : memref<1x128x128xf32, #tpu.memory_space<vmem>> -> memref<128x128xf32, #tpu.memory_space<vmem>>
        %dma_start3A_202 = arith.constant 0 : i32
        %dma_start3A_203 = tpu.memref_slice %arg5[%run_scoped3A_156, %run_scoped3A_157, %dma_start3A_202] : memref<2x2x128xi32, #tpu.memory_space<vmem>> -> memref<1x1x128xi32, #tpu.memory_space<vmem>>
        %dma_start3A_204 = tpu.memref_squeeze %dma_start3A_203 : memref<1x1x128xi32, #tpu.memory_space<vmem>> -> memref<128xi32, #tpu.memory_space<vmem>>
        %dma_start3A_205 = arith.constant 0 : i32
        %dma_start3A_206 = arith.constant 0 : i32
        %dma_start3A_207 = tpu.memref_slice %arg11[%dma_start3A_205, %dma_start3A_206] : memref<10240x128xf32, #tpu.memory_space<vmem_shared>> -> memref<10240x128xf32, #tpu.memory_space<vmem_shared>>
        tpu.enqueue_indirect_dma source(%dma_start3A_201 : memref<128x128xf32, #tpu.memory_space<vmem>>) target(%dma_start3A_207 : memref<10240x128xf32, #tpu.memory_space<vmem_shared>>) offsets(%dma_start3A_204 : memref<128xi32, #tpu.memory_space<vmem>>) semaphore(%run_scoped3A_197 : memref<!tpu.dma_semaphore, #tpu.memory_space<semaphore_mem>>) {add = true}
        %dma_wait3A_208 = arith.constant 0 : i32
        %dma_wait3A_209 = arith.constant 0 : i32
        %dma_wait3A_210 = tpu.memref_slice %arg6[%run_scoped3A_155, %dma_wait3A_208, %dma_wait3A_209] : memref<2x128x128xf32, #tpu.memory_space<vmem>> -> memref<1x128x128xf32, #tpu.memory_space<vmem>>
        %dma_wait3A_211 = tpu.memref_squeeze %dma_wait3A_210 : memref<1x128x128xf32, #tpu.memory_space<vmem>> -> memref<128x128xf32, #tpu.memory_space<vmem>>
        %dma_wait3A_212 = arith.constant 0 : i32
        %dma_wait3A_213 = tpu.memref_slice %arg5[%run_scoped3A_156, %run_scoped3A_157, %dma_wait3A_212] : memref<2x2x128xi32, #tpu.memory_space<vmem>> -> memref<1x1x128xi32, #tpu.memory_space<vmem>>
        %dma_wait3A_214 = tpu.memref_squeeze %dma_wait3A_213 : memref<1x1x128xi32, #tpu.memory_space<vmem>> -> memref<128xi32, #tpu.memory_space<vmem>>
        %dma_wait3A_215 = arith.constant 0 : i32
        %dma_wait3A_216 = arith.constant 0 : i32
        %dma_wait3A_217 = tpu.memref_slice %arg11[%dma_wait3A_215, %dma_wait3A_216] : memref<10240x128xf32, #tpu.memory_space<vmem_shared>> -> memref<10240x128xf32, #tpu.memory_space<vmem_shared>>
        tpu.wait_indirect_dma semaphore(%run_scoped3A_197 : memref<!tpu.dma_semaphore, #tpu.memory_space<semaphore_mem>>) src(%dma_wait3A_211 : memref<128x128xf32, #tpu.memory_space<vmem>>) dst(%dma_wait3A_217 : memref<10240x128xf32, #tpu.memory_space<vmem_shared>>)
        tpu.yield
      }) : () -> ()
      %add3A_158 = arith.constant 2 : i32
      %add3A_159 = arith.addi %add3A_138, %add3A_158 : i32
      %lt3A_160 = arith.cmpi slt, %add3A_159, %select_n3A : i32
      %convert_element_type3A_161 = arith.extui %lt3A_160 : i1 to i32
      %cond3A_162 = arith.constant 0 : i32
      %cond3A_163 = arith.cmpi ne, %convert_element_type3A_161, %cond3A_162 : i32
      scf.if %cond3A_163 {
        %add3A_197 = arith.addi %add3A, %add3A_138 : i32
        %add3A_198 = arith.constant 2 : i32
        %add3A_199 = arith.addi %add3A_197, %add3A_198 : i32
        %dma_start3A_200 = arith.constant 0 : i32
        %dma_start3A_201 = arith.constant 0 : i32
        %dma_start3A_202 = arith.constant 0 : i32
        %dma_start3A_203 = tpu.memref_slice %arg5[%dma_start3A_200, %dma_start3A_201, %dma_start3A_202] : memref<2x2x128xi32, #tpu.memory_space<vmem>> -> memref<1x2x128xi32, #tpu.memory_space<vmem>>
        %dma_start3A_204 = tpu.memref_squeeze %dma_start3A_203 : memref<1x2x128xi32, #tpu.memory_space<vmem>> -> memref<2x128xi32, #tpu.memory_space<vmem>>
        %dma_start3A_205 = arith.constant 0 : i32
        %dma_start3A_206 = arith.constant 0 : i32
        %dma_start3A_207 = tpu.memref_slice %arg3[%add3A_199, %dma_start3A_205, %dma_start3A_206] : memref<2560x2x128xi32, #tpu.memory_space<hbm>> -> memref<1x2x128xi32, #tpu.memory_space<hbm>>
        %dma_start3A_208 = tpu.memref_squeeze %dma_start3A_207 : memref<1x2x128xi32, #tpu.memory_space<hbm>> -> memref<2x128xi32, #tpu.memory_space<hbm>>
        %dma_start3A_209 = arith.constant 0 : i32
        %dma_start3A_210 = arith.constant 0 : i32
        %dma_start3A_211 = tpu.memref_slice %arg5[%dma_start3A_200, %dma_start3A_209, %dma_start3A_210] : memref<2x2x128xi32, #tpu.memory_space<vmem>> -> memref<1x2x128xi32, #tpu.memory_space<vmem>>
        %dma_start3A_212 = tpu.memref_squeeze %dma_start3A_211 : memref<1x2x128xi32, #tpu.memory_space<vmem>> -> memref<2x128xi32, #tpu.memory_space<vmem>>
        %dma_start3A_213 = arith.constant 0 : i32
        %dma_start3A_214 = arith.constant 0 : i32
        %dma_start3A_215 = tpu.memref_slice %arg3[%add3A_199, %dma_start3A_213, %dma_start3A_214] : memref<2560x2x128xi32, #tpu.memory_space<hbm>> -> memref<1x2x128xi32, #tpu.memory_space<hbm>>
        %dma_start3A_216 = tpu.memref_squeeze %dma_start3A_215 : memref<1x2x128xi32, #tpu.memory_space<hbm>> -> memref<2x128xi32, #tpu.memory_space<hbm>>
        tpu.enqueue_dma source(%dma_start3A_216 : memref<2x128xi32, #tpu.memory_space<hbm>>) target(%dma_start3A_212 : memref<2x128xi32, #tpu.memory_space<vmem>>) target_semaphore(%arg7 : memref<!tpu.dma_semaphore, #tpu.memory_space<semaphore_mem>>)
      } else {
      }
      %mul3A_164 = arith.constant 2 : i32
      %mul3A_165 = arith.muli %mul3A_164, %while3A_133 : i32
      %add3A_166 = arith.constant 1 : i32
      %add3A_167 = arith.addi %mul3A_165, %add3A_166 : i32
      %dma_wait3A_168 = arith.constant 1 : i32
      %dma_wait3A_169 = arith.constant 0 : i32
      %dma_wait3A_170 = arith.constant 1 : i32
      %dma_wait3A_171 = arith.constant 0 : i32
      %dma_wait3A_172 = arith.constant 0 : i32
      %dma_wait3A_173 = tpu.memref_slice %arg6[%dma_wait3A_170, %dma_wait3A_171, %dma_wait3A_172] : memref<2x128x128xf32, #tpu.memory_space<vmem>> -> memref<1x128x128xf32, #tpu.memory_space<vmem>>
      %dma_wait3A_174 = tpu.memref_squeeze %dma_wait3A_173 : memref<1x128x128xf32, #tpu.memory_space<vmem>> -> memref<128x128xf32, #tpu.memory_space<vmem>>
      %dma_wait3A_175 = arith.constant 0 : i32
      %dma_wait3A_176 = tpu.memref_slice %arg5[%dma_wait3A_168, %dma_wait3A_169, %dma_wait3A_175] : memref<2x2x128xi32, #tpu.memory_space<vmem>> -> memref<1x1x128xi32, #tpu.memory_space<vmem>>
      %dma_wait3A_177 = tpu.memref_squeeze %dma_wait3A_176 : memref<1x1x128xi32, #tpu.memory_space<vmem>> -> memref<128xi32, #tpu.memory_space<vmem>>
      %dma_wait3A_178 = arith.constant 0 : i32
      %dma_wait3A_179 = arith.constant 0 : i32
      %dma_wait3A_180 = tpu.memref_slice %arg2[%dma_wait3A_178, %dma_wait3A_179] : memref<10000x128xf32, #tpu.memory_space<hbm>> -> memref<10000x128xf32, #tpu.memory_space<hbm>>
      tpu.wait_indirect_dma semaphore(%arg10 : memref<!tpu.dma_semaphore, #tpu.memory_space<semaphore_mem>>) src(%dma_wait3A_180 : memref<10000x128xf32, #tpu.memory_space<hbm>>) dst(%dma_wait3A_174 : memref<128x128xf32, #tpu.memory_space<vmem>>)
      %add3A_181 = arith.constant 1 : i32
      %add3A_182 = arith.addi %add3A_167, %add3A_181 : i32
      %lt3A_183 = arith.cmpi slt, %add3A_182, %select_n3A : i32
      %convert_element_type3A_184 = arith.extui %lt3A_183 : i1 to i32
      %cond3A_185 = arith.constant 0 : i32
      %cond3A_186 = arith.cmpi ne, %convert_element_type3A_184, %cond3A_185 : i32
      scf.if %cond3A_186 {
        %add3A_197 = arith.addi %add3A, %add3A_167 : i32
        %add3A_198 = arith.constant 1 : i32
        %add3A_199 = arith.addi %add3A_197, %add3A_198 : i32
        %dma_wait3A_200 = arith.constant 0 : i32
        %dma_wait3A_201 = arith.constant 0 : i32
        %dma_wait3A_202 = arith.constant 0 : i32
        %dma_wait3A_203 = tpu.memref_slice %arg5[%dma_wait3A_200, %dma_wait3A_201, %dma_wait3A_202] : memref<2x2x128xi32, #tpu.memory_space<vmem>> -> memref<1x2x128xi32, #tpu.memory_space<vmem>>
        %dma_wait3A_204 = tpu.memref_squeeze %dma_wait3A_203 : memref<1x2x128xi32, #tpu.memory_space<vmem>> -> memref<2x128xi32, #tpu.memory_space<vmem>>
        %dma_wait3A_205 = arith.constant 0 : i32
        %dma_wait3A_206 = arith.constant 0 : i32
        %dma_wait3A_207 = tpu.memref_slice %arg3[%add3A_199, %dma_wait3A_205, %dma_wait3A_206] : memref<2560x2x128xi32, #tpu.memory_space<hbm>> -> memref<1x2x128xi32, #tpu.memory_space<hbm>>
        %dma_wait3A_208 = tpu.memref_squeeze %dma_wait3A_207 : memref<1x2x128xi32, #tpu.memory_space<hbm>> -> memref<2x128xi32, #tpu.memory_space<hbm>>
        %dma_wait3A_209 = arith.constant 0 : i32
        %dma_wait3A_210 = arith.constant 0 : i32
        %dma_wait3A_211 = tpu.memref_slice %arg5[%dma_wait3A_200, %dma_wait3A_209, %dma_wait3A_210] : memref<2x2x128xi32, #tpu.memory_space<vmem>> -> memref<1x2x128xi32, #tpu.memory_space<vmem>>
        %dma_wait3A_212 = tpu.memref_squeeze %dma_wait3A_211 : memref<1x2x128xi32, #tpu.memory_space<vmem>> -> memref<2x128xi32, #tpu.memory_space<vmem>>
        %dma_wait3A_213 = arith.constant 0 : i32
        %dma_wait3A_214 = arith.constant 0 : i32
        %dma_wait3A_215 = tpu.memref_slice %arg3[%add3A_199, %dma_wait3A_213, %dma_wait3A_214] : memref<2560x2x128xi32, #tpu.memory_space<hbm>> -> memref<1x2x128xi32, #tpu.memory_space<hbm>>
        %dma_wait3A_216 = tpu.memref_squeeze %dma_wait3A_215 : memref<1x2x128xi32, #tpu.memory_space<hbm>> -> memref<2x128xi32, #tpu.memory_space<hbm>>
        tpu.wait_dma2 semaphore(%arg7 : memref<!tpu.dma_semaphore, #tpu.memory_space<semaphore_mem>>) src(%dma_wait3A_216 : memref<2x128xi32, #tpu.memory_space<hbm>>) dst(%dma_wait3A_212 : memref<2x128xi32, #tpu.memory_space<vmem>>)
        %dma_start3A_217 = arith.constant 0 : i32
        %dma_start3A_218 = arith.constant 0 : i32
        %dma_start3A_219 = arith.constant 0 : i32
        %dma_start3A_220 = arith.constant 0 : i32
        %dma_start3A_221 = arith.constant 0 : i32
        %dma_start3A_222 = tpu.memref_slice %arg6[%dma_start3A_219, %dma_start3A_220, %dma_start3A_221] : memref<2x128x128xf32, #tpu.memory_space<vmem>> -> memref<1x128x128xf32, #tpu.memory_space<vmem>>
        %dma_start3A_223 = tpu.memref_squeeze %dma_start3A_222 : memref<1x128x128xf32, #tpu.memory_space<vmem>> -> memref<128x128xf32, #tpu.memory_space<vmem>>
        %dma_start3A_224 = arith.constant 0 : i32
        %dma_start3A_225 = tpu.memref_slice %arg5[%dma_start3A_217, %dma_start3A_218, %dma_start3A_224] : memref<2x2x128xi32, #tpu.memory_space<vmem>> -> memref<1x1x128xi32, #tpu.memory_space<vmem>>
        %dma_start3A_226 = tpu.memref_squeeze %dma_start3A_225 : memref<1x1x128xi32, #tpu.memory_space<vmem>> -> memref<128xi32, #tpu.memory_space<vmem>>
        %dma_start3A_227 = arith.constant 0 : i32
        %dma_start3A_228 = arith.constant 0 : i32
        %dma_start3A_229 = tpu.memref_slice %arg2[%dma_start3A_227, %dma_start3A_228] : memref<10000x128xf32, #tpu.memory_space<hbm>> -> memref<10000x128xf32, #tpu.memory_space<hbm>>
        tpu.enqueue_indirect_dma source(%dma_start3A_229 : memref<10000x128xf32, #tpu.memory_space<hbm>>) target(%dma_start3A_223 : memref<128x128xf32, #tpu.memory_space<vmem>>) offsets(%dma_start3A_226 : memref<128xi32, #tpu.memory_space<vmem>>) semaphore(%arg9 : memref<!tpu.dma_semaphore, #tpu.memory_space<semaphore_mem>>)
      } else {
      }
      %run_scoped3A_187 = arith.constant 1 : i32
      %run_scoped3A_188 = arith.constant 1 : i32
      %run_scoped3A_189 = arith.constant 1 : i32
      "tpu.region"() ({
        %run_scoped3A_197 = tpu.sem_alloc : memref<!tpu.dma_semaphore, #tpu.memory_space<semaphore_mem>>
        %dma_start3A_198 = arith.constant 0 : i32
        %dma_start3A_199 = arith.constant 0 : i32
        %dma_start3A_200 = tpu.memref_slice %arg6[%run_scoped3A_187, %dma_start3A_198, %dma_start3A_199] : memref<2x128x128xf32, #tpu.memory_space<vmem>> -> memref<1x128x128xf32, #tpu.memory_space<vmem>>
        %dma_start3A_201 = tpu.memref_squeeze %dma_start3A_200 : memref<1x128x128xf32, #tpu.memory_space<vmem>> -> memref<128x128xf32, #tpu.memory_space<vmem>>
        %dma_start3A_202 = arith.constant 0 : i32
        %dma_start3A_203 = tpu.memref_slice %arg5[%run_scoped3A_188, %run_scoped3A_189, %dma_start3A_202] : memref<2x2x128xi32, #tpu.memory_space<vmem>> -> memref<1x1x128xi32, #tpu.memory_space<vmem>>
        %dma_start3A_204 = tpu.memref_squeeze %dma_start3A_203 : memref<1x1x128xi32, #tpu.memory_space<vmem>> -> memref<128xi32, #tpu.memory_space<vmem>>
        %dma_start3A_205 = arith.constant 0 : i32
        %dma_start3A_206 = arith.constant 0 : i32
        %dma_start3A_207 = tpu.memref_slice %arg11[%dma_start3A_205, %dma_start3A_206] : memref<10240x128xf32, #tpu.memory_space<vmem_shared>> -> memref<10240x128xf32, #tpu.memory_space<vmem_shared>>
        tpu.enqueue_indirect_dma source(%dma_start3A_201 : memref<128x128xf32, #tpu.memory_space<vmem>>) target(%dma_start3A_207 : memref<10240x128xf32, #tpu.memory_space<vmem_shared>>) offsets(%dma_start3A_204 : memref<128xi32, #tpu.memory_space<vmem>>) semaphore(%run_scoped3A_197 : memref<!tpu.dma_semaphore, #tpu.memory_space<semaphore_mem>>) {add = true}
        %dma_wait3A_208 = arith.constant 0 : i32
        %dma_wait3A_209 = arith.constant 0 : i32
        %dma_wait3A_210 = tpu.memref_slice %arg6[%run_scoped3A_187, %dma_wait3A_208, %dma_wait3A_209] : memref<2x128x128xf32, #tpu.memory_space<vmem>> -> memref<1x128x128xf32, #tpu.memory_space<vmem>>
        %dma_wait3A_211 = tpu.memref_squeeze %dma_wait3A_210 : memref<1x128x128xf32, #tpu.memory_space<vmem>> -> memref<128x128xf32, #tpu.memory_space<vmem>>
        %dma_wait3A_212 = arith.constant 0 : i32
        %dma_wait3A_213 = tpu.memref_slice %arg5[%run_scoped3A_188, %run_scoped3A_189, %dma_wait3A_212] : memref<2x2x128xi32, #tpu.memory_space<vmem>> -> memref<1x1x128xi32, #tpu.memory_space<vmem>>
        %dma_wait3A_214 = tpu.memref_squeeze %dma_wait3A_213 : memref<1x1x128xi32, #tpu.memory_space<vmem>> -> memref<128xi32, #tpu.memory_space<vmem>>
        %dma_wait3A_215 = arith.constant 0 : i32
        %dma_wait3A_216 = arith.constant 0 : i32
        %dma_wait3A_217 = tpu.memref_slice %arg11[%dma_wait3A_215, %dma_wait3A_216] : memref<10240x128xf32, #tpu.memory_space<vmem_shared>> -> memref<10240x128xf32, #tpu.memory_space<vmem_shared>>
        tpu.wait_indirect_dma semaphore(%run_scoped3A_197 : memref<!tpu.dma_semaphore, #tpu.memory_space<semaphore_mem>>) src(%dma_wait3A_211 : memref<128x128xf32, #tpu.memory_space<vmem>>) dst(%dma_wait3A_217 : memref<10240x128xf32, #tpu.memory_space<vmem_shared>>)
        tpu.yield
      }) : () -> ()
      %add3A_190 = arith.constant 2 : i32
      %add3A_191 = arith.addi %add3A_167, %add3A_190 : i32
      %lt3A_192 = arith.cmpi slt, %add3A_191, %select_n3A : i32
      %convert_element_type3A_193 = arith.extui %lt3A_192 : i1 to i32
      %cond3A_194 = arith.constant 0 : i32
      %cond3A_195 = arith.cmpi ne, %convert_element_type3A_193, %cond3A_194 : i32
      scf.if %cond3A_195 {
        %add3A_197 = arith.addi %add3A, %add3A_167 : i32
        %add3A_198 = arith.constant 2 : i32
        %add3A_199 = arith.addi %add3A_197, %add3A_198 : i32
        %dma_start3A_200 = arith.constant 1 : i32
        %dma_start3A_201 = arith.constant 0 : i32
        %dma_start3A_202 = arith.constant 0 : i32
        %dma_start3A_203 = tpu.memref_slice %arg5[%dma_start3A_200, %dma_start3A_201, %dma_start3A_202] : memref<2x2x128xi32, #tpu.memory_space<vmem>> -> memref<1x2x128xi32, #tpu.memory_space<vmem>>
        %dma_start3A_204 = tpu.memref_squeeze %dma_start3A_203 : memref<1x2x128xi32, #tpu.memory_space<vmem>> -> memref<2x128xi32, #tpu.memory_space<vmem>>
        %dma_start3A_205 = arith.constant 0 : i32
        %dma_start3A_206 = arith.constant 0 : i32
        %dma_start3A_207 = tpu.memref_slice %arg3[%add3A_199, %dma_start3A_205, %dma_start3A_206] : memref<2560x2x128xi32, #tpu.memory_space<hbm>> -> memref<1x2x128xi32, #tpu.memory_space<hbm>>
        %dma_start3A_208 = tpu.memref_squeeze %dma_start3A_207 : memref<1x2x128xi32, #tpu.memory_space<hbm>> -> memref<2x128xi32, #tpu.memory_space<hbm>>
        %dma_start3A_209 = arith.constant 0 : i32
        %dma_start3A_210 = arith.constant 0 : i32
        %dma_start3A_211 = tpu.memref_slice %arg5[%dma_start3A_200, %dma_start3A_209, %dma_start3A_210] : memref<2x2x128xi32, #tpu.memory_space<vmem>> -> memref<1x2x128xi32, #tpu.memory_space<vmem>>
        %dma_start3A_212 = tpu.memref_squeeze %dma_start3A_211 : memref<1x2x128xi32, #tpu.memory_space<vmem>> -> memref<2x128xi32, #tpu.memory_space<vmem>>
        %dma_start3A_213 = arith.constant 0 : i32
        %dma_start3A_214 = arith.constant 0 : i32
        %dma_start3A_215 = tpu.memref_slice %arg3[%add3A_199, %dma_start3A_213, %dma_start3A_214] : memref<2560x2x128xi32, #tpu.memory_space<hbm>> -> memref<1x2x128xi32, #tpu.memory_space<hbm>>
        %dma_start3A_216 = tpu.memref_squeeze %dma_start3A_215 : memref<1x2x128xi32, #tpu.memory_space<hbm>> -> memref<2x128xi32, #tpu.memory_space<hbm>>
        tpu.enqueue_dma source(%dma_start3A_216 : memref<2x128xi32, #tpu.memory_space<hbm>>) target(%dma_start3A_212 : memref<2x128xi32, #tpu.memory_space<vmem>>) target_semaphore(%arg8 : memref<!tpu.dma_semaphore, #tpu.memory_space<semaphore_mem>>)
      } else {
      }
      %while3A_196 = arith.constant 0 : i32
      scf.yield %while3A_196 : i32
    }
    %while3A_126 = arith.constant 1 : i32
    %while3A_127 = scf.for %while3A_133 = %while3A_123 to %while3A_119 step %while3A_126 iter_args(%while3A_134 = %while3A_125) -> (i32)  : i32 {
      %mul3A_135 = arith.constant 2 : i32
      %mul3A_136 = arith.muli %mul3A_135, %while3A_133 : i32
      %add3A_137 = arith.constant 0 : i32
      %add3A_138 = arith.addi %mul3A_136, %add3A_137 : i32
      %dma_wait3A_139 = arith.constant 0 : i32
      %dma_wait3A_140 = arith.constant 0 : i32
      %dma_wait3A_141 = arith.constant 0 : i32
      %dma_wait3A_142 = arith.constant 0 : i32
      %dma_wait3A_143 = arith.constant 0 : i32
      %dma_wait3A_144 = tpu.memref_slice %arg6[%dma_wait3A_141, %dma_wait3A_142, %dma_wait3A_143] : memref<2x128x128xf32, #tpu.memory_space<vmem>> -> memref<1x128x128xf32, #tpu.memory_space<vmem>>
      %dma_wait3A_145 = tpu.memref_squeeze %dma_wait3A_144 : memref<1x128x128xf32, #tpu.memory_space<vmem>> -> memref<128x128xf32, #tpu.memory_space<vmem>>
      %dma_wait3A_146 = arith.constant 0 : i32
      %dma_wait3A_147 = tpu.memref_slice %arg5[%dma_wait3A_139, %dma_wait3A_140, %dma_wait3A_146] : memref<2x2x128xi32, #tpu.memory_space<vmem>> -> memref<1x1x128xi32, #tpu.memory_space<vmem>>
      %dma_wait3A_148 = tpu.memref_squeeze %dma_wait3A_147 : memref<1x1x128xi32, #tpu.memory_space<vmem>> -> memref<128xi32, #tpu.memory_space<vmem>>
      %dma_wait3A_149 = arith.constant 0 : i32
      %dma_wait3A_150 = arith.constant 0 : i32
      %dma_wait3A_151 = tpu.memref_slice %arg2[%dma_wait3A_149, %dma_wait3A_150] : memref<10000x128xf32, #tpu.memory_space<hbm>> -> memref<10000x128xf32, #tpu.memory_space<hbm>>
      tpu.wait_indirect_dma semaphore(%arg9 : memref<!tpu.dma_semaphore, #tpu.memory_space<semaphore_mem>>) src(%dma_wait3A_151 : memref<10000x128xf32, #tpu.memory_space<hbm>>) dst(%dma_wait3A_145 : memref<128x128xf32, #tpu.memory_space<vmem>>)
      %add3A_152 = arith.constant 1 : i32
      %add3A_153 = arith.addi %add3A_138, %add3A_152 : i32
      %lt3A = arith.cmpi slt, %add3A_153, %select_n3A : i32
      %convert_element_type3A = arith.extui %lt3A : i1 to i32
      %cond3A = arith.constant 0 : i32
      %cond3A_154 = arith.cmpi ne, %convert_element_type3A, %cond3A : i32
      scf.if %cond3A_154 {
        %add3A_197 = arith.addi %add3A, %add3A_138 : i32
        %add3A_198 = arith.constant 1 : i32
        %add3A_199 = arith.addi %add3A_197, %add3A_198 : i32
        %dma_wait3A_200 = arith.constant 1 : i32
        %dma_wait3A_201 = arith.constant 0 : i32
        %dma_wait3A_202 = arith.constant 0 : i32
        %dma_wait3A_203 = tpu.memref_slice %arg5[%dma_wait3A_200, %dma_wait3A_201, %dma_wait3A_202] : memref<2x2x128xi32, #tpu.memory_space<vmem>> -> memref<1x2x128xi32, #tpu.memory_space<vmem>>
        %dma_wait3A_204 = tpu.memref_squeeze %dma_wait3A_203 : memref<1x2x128xi32, #tpu.memory_space<vmem>> -> memref<2x128xi32, #tpu.memory_space<vmem>>
        %dma_wait3A_205 = arith.constant 0 : i32
        %dma_wait3A_206 = arith.constant 0 : i32
        %dma_wait3A_207 = tpu.memref_slice %arg3[%add3A_199, %dma_wait3A_205, %dma_wait3A_206] : memref<2560x2x128xi32, #tpu.memory_space<hbm>> -> memref<1x2x128xi32, #tpu.memory_space<hbm>>
        %dma_wait3A_208 = tpu.memref_squeeze %dma_wait3A_207 : memref<1x2x128xi32, #tpu.memory_space<hbm>> -> memref<2x128xi32, #tpu.memory_space<hbm>>
        %dma_wait3A_209 = arith.constant 0 : i32
        %dma_wait3A_210 = arith.constant 0 : i32
        %dma_wait3A_211 = tpu.memref_slice %arg5[%dma_wait3A_200, %dma_wait3A_209, %dma_wait3A_210] : memref<2x2x128xi32, #tpu.memory_space<vmem>> -> memref<1x2x128xi32, #tpu.memory_space<vmem>>
        %dma_wait3A_212 = tpu.memref_squeeze %dma_wait3A_211 : memref<1x2x128xi32, #tpu.memory_space<vmem>> -> memref<2x128xi32, #tpu.memory_space<vmem>>
        %dma_wait3A_213 = arith.constant 0 : i32
        %dma_wait3A_214 = arith.constant 0 : i32
        %dma_wait3A_215 = tpu.memref_slice %arg3[%add3A_199, %dma_wait3A_213, %dma_wait3A_214] : memref<2560x2x128xi32, #tpu.memory_space<hbm>> -> memref<1x2x128xi32, #tpu.memory_space<hbm>>
        %dma_wait3A_216 = tpu.memref_squeeze %dma_wait3A_215 : memref<1x2x128xi32, #tpu.memory_space<hbm>> -> memref<2x128xi32, #tpu.memory_space<hbm>>
        tpu.wait_dma2 semaphore(%arg8 : memref<!tpu.dma_semaphore, #tpu.memory_space<semaphore_mem>>) src(%dma_wait3A_216 : memref<2x128xi32, #tpu.memory_space<hbm>>) dst(%dma_wait3A_212 : memref<2x128xi32, #tpu.memory_space<vmem>>)
        %dma_start3A_217 = arith.constant 1 : i32
        %dma_start3A_218 = arith.constant 0 : i32
        %dma_start3A_219 = arith.constant 1 : i32
        %dma_start3A_220 = arith.constant 0 : i32
        %dma_start3A_221 = arith.constant 0 : i32
        %dma_start3A_222 = tpu.memref_slice %arg6[%dma_start3A_219, %dma_start3A_220, %dma_start3A_221] : memref<2x128x128xf32, #tpu.memory_space<vmem>> -> memref<1x128x128xf32, #tpu.memory_space<vmem>>
        %dma_start3A_223 = tpu.memref_squeeze %dma_start3A_222 : memref<1x128x128xf32, #tpu.memory_space<vmem>> -> memref<128x128xf32, #tpu.memory_space<vmem>>
        %dma_start3A_224 = arith.constant 0 : i32
        %dma_start3A_225 = tpu.memref_slice %arg5[%dma_start3A_217, %dma_start3A_218, %dma_start3A_224] : memref<2x2x128xi32, #tpu.memory_space<vmem>> -> memref<1x1x128xi32, #tpu.memory_space<vmem>>
        %dma_start3A_226 = tpu.memref_squeeze %dma_start3A_225 : memref<1x1x128xi32, #tpu.memory_space<vmem>> -> memref<128xi32, #tpu.memory_space<vmem>>
        %dma_start3A_227 = arith.constant 0 : i32
        %dma_start3A_228 = arith.constant 0 : i32
        %dma_start3A_229 = tpu.memref_slice %arg2[%dma_start3A_227, %dma_start3A_228] : memref<10000x128xf32, #tpu.memory_space<hbm>> -> memref<10000x128xf32, #tpu.memory_space<hbm>>
        tpu.enqueue_indirect_dma source(%dma_start3A_229 : memref<10000x128xf32, #tpu.memory_space<hbm>>) target(%dma_start3A_223 : memref<128x128xf32, #tpu.memory_space<vmem>>) offsets(%dma_start3A_226 : memref<128xi32, #tpu.memory_space<vmem>>) semaphore(%arg10 : memref<!tpu.dma_semaphore, #tpu.memory_space<semaphore_mem>>)
      } else {
      }
      %run_scoped3A_155 = arith.constant 0 : i32
      %run_scoped3A_156 = arith.constant 0 : i32
      %run_scoped3A_157 = arith.constant 1 : i32
      "tpu.region"() ({
        %run_scoped3A_197 = tpu.sem_alloc : memref<!tpu.dma_semaphore, #tpu.memory_space<semaphore_mem>>
        %dma_start3A_198 = arith.constant 0 : i32
        %dma_start3A_199 = arith.constant 0 : i32
        %dma_start3A_200 = tpu.memref_slice %arg6[%run_scoped3A_155, %dma_start3A_198, %dma_start3A_199] : memref<2x128x128xf32, #tpu.memory_space<vmem>> -> memref<1x128x128xf32, #tpu.memory_space<vmem>>
        %dma_start3A_201 = tpu.memref_squeeze %dma_start3A_200 : memref<1x128x128xf32, #tpu.memory_space<vmem>> -> memref<128x128xf32, #tpu.memory_space<vmem>>
        %dma_start3A_202 = arith.constant 0 : i32
        %dma_start3A_203 = tpu.memref_slice %arg5[%run_scoped3A_156, %run_scoped3A_157, %dma_start3A_202] : memref<2x2x128xi32, #tpu.memory_space<vmem>> -> memref<1x1x128xi32, #tpu.memory_space<vmem>>
        %dma_start3A_204 = tpu.memref_squeeze %dma_start3A_203 : memref<1x1x128xi32, #tpu.memory_space<vmem>> -> memref<128xi32, #tpu.memory_space<vmem>>
        %dma_start3A_205 = arith.constant 0 : i32
        %dma_start3A_206 = arith.constant 0 : i32
        %dma_start3A_207 = tpu.memref_slice %arg11[%dma_start3A_205, %dma_start3A_206] : memref<10240x128xf32, #tpu.memory_space<vmem_shared>> -> memref<10240x128xf32, #tpu.memory_space<vmem_shared>>
        tpu.enqueue_indirect_dma source(%dma_start3A_201 : memref<128x128xf32, #tpu.memory_space<vmem>>) target(%dma_start3A_207 : memref<10240x128xf32, #tpu.memory_space<vmem_shared>>) offsets(%dma_start3A_204 : memref<128xi32, #tpu.memory_space<vmem>>) semaphore(%run_scoped3A_197 : memref<!tpu.dma_semaphore, #tpu.memory_space<semaphore_mem>>) {add = true}
        %dma_wait3A_208 = arith.constant 0 : i32
        %dma_wait3A_209 = arith.constant 0 : i32
        %dma_wait3A_210 = tpu.memref_slice %arg6[%run_scoped3A_155, %dma_wait3A_208, %dma_wait3A_209] : memref<2x128x128xf32, #tpu.memory_space<vmem>> -> memref<1x128x128xf32, #tpu.memory_space<vmem>>
        %dma_wait3A_211 = tpu.memref_squeeze %dma_wait3A_210 : memref<1x128x128xf32, #tpu.memory_space<vmem>> -> memref<128x128xf32, #tpu.memory_space<vmem>>
        %dma_wait3A_212 = arith.constant 0 : i32
        %dma_wait3A_213 = tpu.memref_slice %arg5[%run_scoped3A_156, %run_scoped3A_157, %dma_wait3A_212] : memref<2x2x128xi32, #tpu.memory_space<vmem>> -> memref<1x1x128xi32, #tpu.memory_space<vmem>>
        %dma_wait3A_214 = tpu.memref_squeeze %dma_wait3A_213 : memref<1x1x128xi32, #tpu.memory_space<vmem>> -> memref<128xi32, #tpu.memory_space<vmem>>
        %dma_wait3A_215 = arith.constant 0 : i32
        %dma_wait3A_216 = arith.constant 0 : i32
        %dma_wait3A_217 = tpu.memref_slice %arg11[%dma_wait3A_215, %dma_wait3A_216] : memref<10240x128xf32, #tpu.memory_space<vmem_shared>> -> memref<10240x128xf32, #tpu.memory_space<vmem_shared>>
        tpu.wait_indirect_dma semaphore(%run_scoped3A_197 : memref<!tpu.dma_semaphore, #tpu.memory_space<semaphore_mem>>) src(%dma_wait3A_211 : memref<128x128xf32, #tpu.memory_space<vmem>>) dst(%dma_wait3A_217 : memref<10240x128xf32, #tpu.memory_space<vmem_shared>>)
        tpu.yield
      }) : () -> ()
      %add3A_158 = arith.constant 2 : i32
      %add3A_159 = arith.addi %add3A_138, %add3A_158 : i32
      %lt3A_160 = arith.cmpi slt, %add3A_159, %select_n3A : i32
      %convert_element_type3A_161 = arith.extui %lt3A_160 : i1 to i32
      %cond3A_162 = arith.constant 0 : i32
      %cond3A_163 = arith.cmpi ne, %convert_element_type3A_161, %cond3A_162 : i32
      scf.if %cond3A_163 {
        %add3A_197 = arith.addi %add3A, %add3A_138 : i32
        %add3A_198 = arith.constant 2 : i32
        %add3A_199 = arith.addi %add3A_197, %add3A_198 : i32
        %dma_start3A_200 = arith.constant 0 : i32
        %dma_start3A_201 = arith.constant 0 : i32
        %dma_start3A_202 = arith.constant 0 : i32
        %dma_start3A_203 = tpu.memref_slice %arg5[%dma_start3A_200, %dma_start3A_201, %dma_start3A_202] : memref<2x2x128xi32, #tpu.memory_space<vmem>> -> memref<1x2x128xi32, #tpu.memory_space<vmem>>
        %dma_start3A_204 = tpu.memref_squeeze %dma_start3A_203 : memref<1x2x128xi32, #tpu.memory_space<vmem>> -> memref<2x128xi32, #tpu.memory_space<vmem>>
        %dma_start3A_205 = arith.constant 0 : i32
        %dma_start3A_206 = arith.constant 0 : i32
        %dma_start3A_207 = tpu.memref_slice %arg3[%add3A_199, %dma_start3A_205, %dma_start3A_206] : memref<2560x2x128xi32, #tpu.memory_space<hbm>> -> memref<1x2x128xi32, #tpu.memory_space<hbm>>
        %dma_start3A_208 = tpu.memref_squeeze %dma_start3A_207 : memref<1x2x128xi32, #tpu.memory_space<hbm>> -> memref<2x128xi32, #tpu.memory_space<hbm>>
        %dma_start3A_209 = arith.constant 0 : i32
        %dma_start3A_210 = arith.constant 0 : i32
        %dma_start3A_211 = tpu.memref_slice %arg5[%dma_start3A_200, %dma_start3A_209, %dma_start3A_210] : memref<2x2x128xi32, #tpu.memory_space<vmem>> -> memref<1x2x128xi32, #tpu.memory_space<vmem>>
        %dma_start3A_212 = tpu.memref_squeeze %dma_start3A_211 : memref<1x2x128xi32, #tpu.memory_space<vmem>> -> memref<2x128xi32, #tpu.memory_space<vmem>>
        %dma_start3A_213 = arith.constant 0 : i32
        %dma_start3A_214 = arith.constant 0 : i32
        %dma_start3A_215 = tpu.memref_slice %arg3[%add3A_199, %dma_start3A_213, %dma_start3A_214] : memref<2560x2x128xi32, #tpu.memory_space<hbm>> -> memref<1x2x128xi32, #tpu.memory_space<hbm>>
        %dma_start3A_216 = tpu.memref_squeeze %dma_start3A_215 : memref<1x2x128xi32, #tpu.memory_space<hbm>> -> memref<2x128xi32, #tpu.memory_space<hbm>>
        tpu.enqueue_dma source(%dma_start3A_216 : memref<2x128xi32, #tpu.memory_space<hbm>>) target(%dma_start3A_212 : memref<2x128xi32, #tpu.memory_space<vmem>>) target_semaphore(%arg7 : memref<!tpu.dma_semaphore, #tpu.memory_space<semaphore_mem>>)
      } else {
      }
      %mul3A_164 = arith.constant 2 : i32
      %mul3A_165 = arith.muli %mul3A_164, %while3A_133 : i32
      %add3A_166 = arith.constant 1 : i32
      %add3A_167 = arith.addi %mul3A_165, %add3A_166 : i32
      %dma_wait3A_168 = arith.constant 1 : i32
      %dma_wait3A_169 = arith.constant 0 : i32
      %dma_wait3A_170 = arith.constant 1 : i32
      %dma_wait3A_171 = arith.constant 0 : i32
      %dma_wait3A_172 = arith.constant 0 : i32
      %dma_wait3A_173 = tpu.memref_slice %arg6[%dma_wait3A_170, %dma_wait3A_171, %dma_wait3A_172] : memref<2x128x128xf32, #tpu.memory_space<vmem>> -> memref<1x128x128xf32, #tpu.memory_space<vmem>>
      %dma_wait3A_174 = tpu.memref_squeeze %dma_wait3A_173 : memref<1x128x128xf32, #tpu.memory_space<vmem>> -> memref<128x128xf32, #tpu.memory_space<vmem>>
      %dma_wait3A_175 = arith.constant 0 : i32
      %dma_wait3A_176 = tpu.memref_slice %arg5[%dma_wait3A_168, %dma_wait3A_169, %dma_wait3A_175] : memref<2x2x128xi32, #tpu.memory_space<vmem>> -> memref<1x1x128xi32, #tpu.memory_space<vmem>>
      %dma_wait3A_177 = tpu.memref_squeeze %dma_wait3A_176 : memref<1x1x128xi32, #tpu.memory_space<vmem>> -> memref<128xi32, #tpu.memory_space<vmem>>
      %dma_wait3A_178 = arith.constant 0 : i32
      %dma_wait3A_179 = arith.constant 0 : i32
      %dma_wait3A_180 = tpu.memref_slice %arg2[%dma_wait3A_178, %dma_wait3A_179] : memref<10000x128xf32, #tpu.memory_space<hbm>> -> memref<10000x128xf32, #tpu.memory_space<hbm>>
      tpu.wait_indirect_dma semaphore(%arg10 : memref<!tpu.dma_semaphore, #tpu.memory_space<semaphore_mem>>) src(%dma_wait3A_180 : memref<10000x128xf32, #tpu.memory_space<hbm>>) dst(%dma_wait3A_174 : memref<128x128xf32, #tpu.memory_space<vmem>>)
      %add3A_181 = arith.constant 1 : i32
      %add3A_182 = arith.addi %add3A_167, %add3A_181 : i32
      %lt3A_183 = arith.cmpi slt, %add3A_182, %select_n3A : i32
      %convert_element_type3A_184 = arith.extui %lt3A_183 : i1 to i32
      %cond3A_185 = arith.constant 0 : i32
      %cond3A_186 = arith.cmpi ne, %convert_element_type3A_184, %cond3A_185 : i32
      scf.if %cond3A_186 {
        %add3A_197 = arith.addi %add3A, %add3A_167 : i32
        %add3A_198 = arith.constant 1 : i32
        %add3A_199 = arith.addi %add3A_197, %add3A_198 : i32
        %dma_wait3A_200 = arith.constant 0 : i32
        %dma_wait3A_201 = arith.constant 0 : i32
        %dma_wait3A_202 = arith.constant 0 : i32
        %dma_wait3A_203 = tpu.memref_slice %arg5[%dma_wait3A_200, %dma_wait3A_201, %dma_wait3A_202] : memref<2x2x128xi32, #tpu.memory_space<vmem>> -> memref<1x2x128xi32, #tpu.memory_space<vmem>>
        %dma_wait3A_204 = tpu.memref_squeeze %dma_wait3A_203 : memref<1x2x128xi32, #tpu.memory_space<vmem>> -> memref<2x128xi32, #tpu.memory_space<vmem>>
        %dma_wait3A_205 = arith.constant 0 : i32
        %dma_wait3A_206 = arith.constant 0 : i32
        %dma_wait3A_207 = tpu.memref_slice %arg3[%add3A_199, %dma_wait3A_205, %dma_wait3A_206] : memref<2560x2x128xi32, #tpu.memory_space<hbm>> -> memref<1x2x128xi32, #tpu.memory_space<hbm>>
        %dma_wait3A_208 = tpu.memref_squeeze %dma_wait3A_207 : memref<1x2x128xi32, #tpu.memory_space<hbm>> -> memref<2x128xi32, #tpu.memory_space<hbm>>
        %dma_wait3A_209 = arith.constant 0 : i32
        %dma_wait3A_210 = arith.constant 0 : i32
        %dma_wait3A_211 = tpu.memref_slice %arg5[%dma_wait3A_200, %dma_wait3A_209, %dma_wait3A_210] : memref<2x2x128xi32, #tpu.memory_space<vmem>> -> memref<1x2x128xi32, #tpu.memory_space<vmem>>
        %dma_wait3A_212 = tpu.memref_squeeze %dma_wait3A_211 : memref<1x2x128xi32, #tpu.memory_space<vmem>> -> memref<2x128xi32, #tpu.memory_space<vmem>>
        %dma_wait3A_213 = arith.constant 0 : i32
        %dma_wait3A_214 = arith.constant 0 : i32
        %dma_wait3A_215 = tpu.memref_slice %arg3[%add3A_199, %dma_wait3A_213, %dma_wait3A_214] : memref<2560x2x128xi32, #tpu.memory_space<hbm>> -> memref<1x2x128xi32, #tpu.memory_space<hbm>>
        %dma_wait3A_216 = tpu.memref_squeeze %dma_wait3A_215 : memref<1x2x128xi32, #tpu.memory_space<hbm>> -> memref<2x128xi32, #tpu.memory_space<hbm>>
        tpu.wait_dma2 semaphore(%arg7 : memref<!tpu.dma_semaphore, #tpu.memory_space<semaphore_mem>>) src(%dma_wait3A_216 : memref<2x128xi32, #tpu.memory_space<hbm>>) dst(%dma_wait3A_212 : memref<2x128xi32, #tpu.memory_space<vmem>>)
        %dma_start3A_217 = arith.constant 0 : i32
        %dma_start3A_218 = arith.constant 0 : i32
        %dma_start3A_219 = arith.constant 0 : i32
        %dma_start3A_220 = arith.constant 0 : i32
        %dma_start3A_221 = arith.constant 0 : i32
        %dma_start3A_222 = tpu.memref_slice %arg6[%dma_start3A_219, %dma_start3A_220, %dma_start3A_221] : memref<2x128x128xf32, #tpu.memory_space<vmem>> -> memref<1x128x128xf32, #tpu.memory_space<vmem>>
        %dma_start3A_223 = tpu.memref_squeeze %dma_start3A_222 : memref<1x128x128xf32, #tpu.memory_space<vmem>> -> memref<128x128xf32, #tpu.memory_space<vmem>>
        %dma_start3A_224 = arith.constant 0 : i32
        %dma_start3A_225 = tpu.memref_slice %arg5[%dma_start3A_217, %dma_start3A_218, %dma_start3A_224] : memref<2x2x128xi32, #tpu.memory_space<vmem>> -> memref<1x1x128xi32, #tpu.memory_space<vmem>>
        %dma_start3A_226 = tpu.memref_squeeze %dma_start3A_225 : memref<1x1x128xi32, #tpu.memory_space<vmem>> -> memref<128xi32, #tpu.memory_space<vmem>>
        %dma_start3A_227 = arith.constant 0 : i32
        %dma_start3A_228 = arith.constant 0 : i32
        %dma_start3A_229 = tpu.memref_slice %arg2[%dma_start3A_227, %dma_start3A_228] : memref<10000x128xf32, #tpu.memory_space<hbm>> -> memref<10000x128xf32, #tpu.memory_space<hbm>>
        tpu.enqueue_indirect_dma source(%dma_start3A_229 : memref<10000x128xf32, #tpu.memory_space<hbm>>) target(%dma_start3A_223 : memref<128x128xf32, #tpu.memory_space<vmem>>) offsets(%dma_start3A_226 : memref<128xi32, #tpu.memory_space<vmem>>) semaphore(%arg9 : memref<!tpu.dma_semaphore, #tpu.memory_space<semaphore_mem>>)
      } else {
      }
      %run_scoped3A_187 = arith.constant 1 : i32
      %run_scoped3A_188 = arith.constant 1 : i32
      %run_scoped3A_189 = arith.constant 1 : i32
      "tpu.region"() ({
        %run_scoped3A_197 = tpu.sem_alloc : memref<!tpu.dma_semaphore, #tpu.memory_space<semaphore_mem>>
        %dma_start3A_198 = arith.constant 0 : i32
        %dma_start3A_199 = arith.constant 0 : i32
        %dma_start3A_200 = tpu.memref_slice %arg6[%run_scoped3A_187, %dma_start3A_198, %dma_start3A_199] : memref<2x128x128xf32, #tpu.memory_space<vmem>> -> memref<1x128x128xf32, #tpu.memory_space<vmem>>
        %dma_start3A_201 = tpu.memref_squeeze %dma_start3A_200 : memref<1x128x128xf32, #tpu.memory_space<vmem>> -> memref<128x128xf32, #tpu.memory_space<vmem>>
        %dma_start3A_202 = arith.constant 0 : i32
        %dma_start3A_203 = tpu.memref_slice %arg5[%run_scoped3A_188, %run_scoped3A_189, %dma_start3A_202] : memref<2x2x128xi32, #tpu.memory_space<vmem>> -> memref<1x1x128xi32, #tpu.memory_space<vmem>>
        %dma_start3A_204 = tpu.memref_squeeze %dma_start3A_203 : memref<1x1x128xi32, #tpu.memory_space<vmem>> -> memref<128xi32, #tpu.memory_space<vmem>>
        %dma_start3A_205 = arith.constant 0 : i32
        %dma_start3A_206 = arith.constant 0 : i32
        %dma_start3A_207 = tpu.memref_slice %arg11[%dma_start3A_205, %dma_start3A_206] : memref<10240x128xf32, #tpu.memory_space<vmem_shared>> -> memref<10240x128xf32, #tpu.memory_space<vmem_shared>>
        tpu.enqueue_indirect_dma source(%dma_start3A_201 : memref<128x128xf32, #tpu.memory_space<vmem>>) target(%dma_start3A_207 : memref<10240x128xf32, #tpu.memory_space<vmem_shared>>) offsets(%dma_start3A_204 : memref<128xi32, #tpu.memory_space<vmem>>) semaphore(%run_scoped3A_197 : memref<!tpu.dma_semaphore, #tpu.memory_space<semaphore_mem>>) {add = true}
        %dma_wait3A_208 = arith.constant 0 : i32
        %dma_wait3A_209 = arith.constant 0 : i32
        %dma_wait3A_210 = tpu.memref_slice %arg6[%run_scoped3A_187, %dma_wait3A_208, %dma_wait3A_209] : memref<2x128x128xf32, #tpu.memory_space<vmem>> -> memref<1x128x128xf32, #tpu.memory_space<vmem>>
        %dma_wait3A_211 = tpu.memref_squeeze %dma_wait3A_210 : memref<1x128x128xf32, #tpu.memory_space<vmem>> -> memref<128x128xf32, #tpu.memory_space<vmem>>
        %dma_wait3A_212 = arith.constant 0 : i32
        %dma_wait3A_213 = tpu.memref_slice %arg5[%run_scoped3A_188, %run_scoped3A_189, %dma_wait3A_212] : memref<2x2x128xi32, #tpu.memory_space<vmem>> -> memref<1x1x128xi32, #tpu.memory_space<vmem>>
        %dma_wait3A_214 = tpu.memref_squeeze %dma_wait3A_213 : memref<1x1x128xi32, #tpu.memory_space<vmem>> -> memref<128xi32, #tpu.memory_space<vmem>>
        %dma_wait3A_215 = arith.constant 0 : i32
        %dma_wait3A_216 = arith.constant 0 : i32
        %dma_wait3A_217 = tpu.memref_slice %arg11[%dma_wait3A_215, %dma_wait3A_216] : memref<10240x128xf32, #tpu.memory_space<vmem_shared>> -> memref<10240x128xf32, #tpu.memory_space<vmem_shared>>
        tpu.wait_indirect_dma semaphore(%run_scoped3A_197 : memref<!tpu.dma_semaphore, #tpu.memory_space<semaphore_mem>>) src(%dma_wait3A_211 : memref<128x128xf32, #tpu.memory_space<vmem>>) dst(%dma_wait3A_217 : memref<10240x128xf32, #tpu.memory_space<vmem_shared>>)
        tpu.yield
      }) : () -> ()
      %add3A_190 = arith.constant 2 : i32
      %add3A_191 = arith.addi %add3A_167, %add3A_190 : i32
      %lt3A_192 = arith.cmpi slt, %add3A_191, %select_n3A : i32
      %convert_element_type3A_193 = arith.extui %lt3A_192 : i1 to i32
      %cond3A_194 = arith.constant 0 : i32
      %cond3A_195 = arith.cmpi ne, %convert_element_type3A_193, %cond3A_194 : i32
      scf.if %cond3A_195 {
        %add3A_197 = arith.addi %add3A, %add3A_167 : i32
        %add3A_198 = arith.constant 2 : i32
        %add3A_199 = arith.addi %add3A_197, %add3A_198 : i32
        %dma_start3A_200 = arith.constant 1 : i32
        %dma_start3A_201 = arith.constant 0 : i32
        %dma_start3A_202 = arith.constant 0 : i32
        %dma_start3A_203 = tpu.memref_slice %arg5[%dma_start3A_200, %dma_start3A_201, %dma_start3A_202] : memref<2x2x128xi32, #tpu.memory_space<vmem>> -> memref<1x2x128xi32, #tpu.memory_space<vmem>>
        %dma_start3A_204 = tpu.memref_squeeze %dma_start3A_203 : memref<1x2x128xi32, #tpu.memory_space<vmem>> -> memref<2x128xi32, #tpu.memory_space<vmem>>
        %dma_start3A_205 = arith.constant 0 : i32
        %dma_start3A_206 = arith.constant 0 : i32
        %dma_start3A_207 = tpu.memref_slice %arg3[%add3A_199, %dma_start3A_205, %dma_start3A_206] : memref<2560x2x128xi32, #tpu.memory_space<hbm>> -> memref<1x2x128xi32, #tpu.memory_space<hbm>>
        %dma_start3A_208 = tpu.memref_squeeze %dma_start3A_207 : memref<1x2x128xi32, #tpu.memory_space<hbm>> -> memref<2x128xi32, #tpu.memory_space<hbm>>
        %dma_start3A_209 = arith.constant 0 : i32
        %dma_start3A_210 = arith.constant 0 : i32
        %dma_start3A_211 = tpu.memref_slice %arg5[%dma_start3A_200, %dma_start3A_209, %dma_start3A_210] : memref<2x2x128xi32, #tpu.memory_space<vmem>> -> memref<1x2x128xi32, #tpu.memory_space<vmem>>
        %dma_start3A_212 = tpu.memref_squeeze %dma_start3A_211 : memref<1x2x128xi32, #tpu.memory_space<vmem>> -> memref<2x128xi32, #tpu.memory_space<vmem>>
        %dma_start3A_213 = arith.constant 0 : i32
        %dma_start3A_214 = arith.constant 0 : i32
        %dma_start3A_215 = tpu.memref_slice %arg3[%add3A_199, %dma_start3A_213, %dma_start3A_214] : memref<2560x2x128xi32, #tpu.memory_space<hbm>> -> memref<1x2x128xi32, #tpu.memory_space<hbm>>
        %dma_start3A_216 = tpu.memref_squeeze %dma_start3A_215 : memref<1x2x128xi32, #tpu.memory_space<hbm>> -> memref<2x128xi32, #tpu.memory_space<hbm>>
        tpu.enqueue_dma source(%dma_start3A_216 : memref<2x128xi32, #tpu.memory_space<hbm>>) target(%dma_start3A_212 : memref<2x128xi32, #tpu.memory_space<vmem>>) target_semaphore(%arg8 : memref<!tpu.dma_semaphore, #tpu.memory_space<semaphore_mem>>)
      } else {
      }
      %while3A_196 = arith.constant 0 : i32
      scf.yield %while3A_196 : i32
    }
    %barrier3A_128 = arith.constant 0 : index
    tpu.barrier barrier_id(%barrier3A_128)
    %mul3A_129 = arith.constant 640 : i32
    %mul3A_130 = arith.muli %arg1, %mul3A_129 : i32
    %mul3A_131 = arith.constant 640 : i32
    %mul3A_132 = arith.muli %arg1, %mul3A_131 : i32
    "tpu.region"() ({
      %run_scoped3A_133 = tpu.sem_alloc : memref<!tpu.dma_semaphore, #tpu.memory_space<semaphore_mem>>
      %dma_start3A_134 = arith.constant 0 : i32
      %dma_start3A_135 = tpu.memref_slice %arg4[%arg0, %mul3A_132, %dma_start3A_134] : memref<2x10240x128xf32, #tpu.memory_space<hbm>> -> memref<1x640x128xf32, #tpu.memory_space<hbm>>
      %dma_start3A_136 = tpu.memref_squeeze %dma_start3A_135 : memref<1x640x128xf32, #tpu.memory_space<hbm>> -> memref<640x128xf32, #tpu.memory_space<hbm>>
      %dma_start3A_137 = arith.constant 0 : i32
      %dma_start3A_138 = tpu.memref_slice %arg11[%mul3A_130, %dma_start3A_137] : memref<10240x128xf32, #tpu.memory_space<vmem_shared>> -> memref<640x128xf32, #tpu.memory_space<vmem_shared>>
      tpu.enqueue_dma source(%dma_start3A_138 : memref<640x128xf32, #tpu.memory_space<vmem_shared>>) target(%dma_start3A_136 : memref<640x128xf32, #tpu.memory_space<hbm>>) target_semaphore(%run_scoped3A_133 : memref<!tpu.dma_semaphore, #tpu.memory_space<semaphore_mem>>)
      %dma_wait3A_139 = arith.constant 0 : i32
      %dma_wait3A_140 = tpu.memref_slice %arg4[%arg0, %mul3A_132, %dma_wait3A_139] : memref<2x10240x128xf32, #tpu.memory_space<hbm>> -> memref<1x640x128xf32, #tpu.memory_space<hbm>>
      %dma_wait3A_141 = tpu.memref_squeeze %dma_wait3A_140 : memref<1x640x128xf32, #tpu.memory_space<hbm>> -> memref<640x128xf32, #tpu.memory_space<hbm>>
      %dma_wait3A_142 = arith.constant 0 : i32
      %dma_wait3A_143 = tpu.memref_slice %arg11[%mul3A_130, %dma_wait3A_142] : memref<10240x128xf32, #tpu.memory_space<vmem_shared>> -> memref<640x128xf32, #tpu.memory_space<vmem_shared>>
      tpu.wait_dma2 semaphore(%run_scoped3A_133 : memref<!tpu.dma_semaphore, #tpu.memory_space<semaphore_mem>>) src(%dma_wait3A_143 : memref<640x128xf32, #tpu.memory_space<vmem_shared>>) dst(%dma_wait3A_141 : memref<640x128xf32, #tpu.memory_space<hbm>>)
      tpu.yield
    }) : () -> ()
    return
  }
}

module attributes {stable_mosaic.version = 14 : i64} {
  func.func @_tc1_body(%arg0: i32, %arg1: memref<1000x128xf32, #tpu.memory_space<vmem>>, %arg2: memref<128x128xf32, #tpu.memory_space<vmem>>, %arg3: memref<1000x16xf32, #tpu.memory_space<vmem>>, %arg4: memref<1000x16xf32, #tpu.memory_space<vmem>>, %arg5: memref<1000x128xf32, #tpu.memory_space<vmem>>, %arg6: memref<1000x128xf32, #tpu.memory_space<vmem>>) attributes {dimension_semantics = [#tpu.dimension_semantics<arbitrary>], iteration_bounds = array<i64: 10>, scalar_prefetch = 0 : i64, scratch_operands = 0 : i64, tpu.core_type = #tpu.core_type<tc>, window_params = [{transform_indices = @transform_0, window_bounds = array<i64: 1000, 128>}, {pipeline_mode = #tpu.pipeline_mode<synchronous>, transform_indices = @transform_1, window_bounds = array<i64: 128, 128>}, {transform_indices = @transform_2, window_bounds = array<i64: 1000, 16>}, {transform_indices = @transform_3, window_bounds = array<i64: 1000, 16>}, {transform_indices = @transform_4, window_bounds = array<i64: 1000, 128>}, {transform_indices = @transform_5, window_bounds = array<i64: 1000, 128>}]} {
    %get3A = arith.constant 0 : index
    %get3A_0 = arith.constant 0 : index
    %get3A_1 = vector.load %arg3[%get3A, %get3A_0] : memref<1000x16xf32, #tpu.memory_space<vmem>>, vector<1000x1xf32>
    %add3A = arith.constant 1.000000e+00 : f32
    %add3A_2 = vector.broadcast %add3A : f32 to vector<1000x1xf32>
    %add3A_3 = arith.addf %add3A_2, %get3A_1 : vector<1000x1xf32>
    %get3A_4 = arith.constant 0 : index
    %get3A_5 = arith.constant 0 : index
    %get3A_6 = vector.load %arg4[%get3A_4, %get3A_5] : memref<1000x16xf32, #tpu.memory_space<vmem>>, vector<1000x1xf32>
    %add3A_7 = arith.addf %add3A_3, %get3A_6 : vector<1000x1xf32>
    %rsqrt3A = math.rsqrt %add3A_7 : vector<1000x1xf32>
    %broadcast_in_dim3A = vector.shape_cast %rsqrt3A : vector<1000x1xf32> to vector<1000x1xf32>
    %broadcast_in_dim3A_8 = vector.broadcast %broadcast_in_dim3A : vector<1000x1xf32> to vector<1000x128xf32>
    %get3A_9 = arith.constant 0 : index
    %get3A_10 = arith.constant 0 : index
    %get3A_11 = vector.load %arg1[%get3A_9, %get3A_10] : memref<1000x128xf32, #tpu.memory_space<vmem>>, vector<1000x128xf32>
    %get3A_12 = arith.constant 0 : index
    %get3A_13 = arith.constant 0 : index
    %get3A_14 = vector.load %arg2[%get3A_12, %get3A_13] : memref<128x128xf32, #tpu.memory_space<vmem>>, vector<128x128xf32>
    %dot_general3A = arith.constant dense<0.000000e+00> : vector<1000x128xf32>
    %dot_general3A_15 = tpu.matmul %get3A_11, %get3A_14, %dot_general3A {dimension_numbers = #tpu.dot_dimension_numbers<[1], [0], [0], [1], [0, 0, 1, 1], [], []>, transpose_lhs_hint = false} : vector<1000x128xf32>, vector<128x128xf32>, vector<1000x128xf32> -> vector<1000x128xf32>
    %mul3A = arith.mulf %broadcast_in_dim3A_8, %dot_general3A_15 : vector<1000x128xf32>
    %swap3A = arith.constant 0 : index
    %swap3A_16 = arith.constant 0 : index
    %swap3A_17 = vector.load %arg5[%swap3A, %swap3A_16] : memref<1000x128xf32, #tpu.memory_space<vmem>>, vector<1000x128xf32>
    tpu.vector_store %arg5[%swap3A, %swap3A_16], %mul3A {strides = array<i32>} : memref<1000x128xf32, #tpu.memory_space<vmem>>, vector<1000x128xf32>,
    %swap3A_18 = arith.constant 0 : index
    %swap3A_19 = arith.constant 0 : index
    %swap3A_20 = vector.load %arg6[%swap3A_18, %swap3A_19] : memref<1000x128xf32, #tpu.memory_space<vmem>>, vector<1000x128xf32>
    tpu.vector_store %arg6[%swap3A_18, %swap3A_19], %broadcast_in_dim3A_8 {strides = array<i32>} : memref<1000x128xf32, #tpu.memory_space<vmem>>, vector<1000x128xf32>,
    return
  }
  func.func @transform_0(%arg0: i32) -> (i32, i32) {
    %c0_i32 = arith.constant 0 : i32
    %c0_i32_0 = arith.constant 0 : i32
    return %arg0, %c0_i32 : i32, i32
  }
  func.func @transform_1(%arg0: i32) -> (i32, i32) {
    %c0_i32 = arith.constant 0 : i32
    %c0_i32_0 = arith.constant 0 : i32
    %c0_i32_1 = arith.constant 0 : i32
    return %c0_i32, %c0_i32_0 : i32, i32
  }
  func.func @transform_2(%arg0: i32) -> (i32, i32) {
    %c0_i32 = arith.constant 0 : i32
    %c0_i32_0 = arith.constant 0 : i32
    return %arg0, %c0_i32 : i32, i32
  }
  func.func @transform_3(%arg0: i32) -> (i32, i32) {
    %c0_i32 = arith.constant 0 : i32
    %c0_i32_0 = arith.constant 0 : i32
    return %arg0, %c0_i32 : i32, i32
  }
  func.func @transform_4(%arg0: i32) -> (i32, i32) {
    %c0_i32 = arith.constant 0 : i32
    %c0_i32_0 = arith.constant 0 : i32
    return %arg0, %c0_i32 : i32, i32
  }
  func.func @transform_5(%arg0: i32) -> (i32, i32) {
    %c0_i32 = arith.constant 0 : i32
    %c0_i32_0 = arith.constant 0 : i32
    return %arg0, %c0_i32 : i32, i32
  }
}

module attributes {stable_mosaic.version = 14 : i64} {
  func.func @_tc_mid_body(%arg0: i32, %arg1: memref<2x1000x128xf32, #tpu.memory_space<vmem>>, %arg2: memref<1000x128xf32, #tpu.memory_space<vmem>>, %arg3: memref<1000x128xf32, #tpu.memory_space<vmem>>, %arg4: memref<1x128xf32, #tpu.memory_space<vmem>>, %arg5: memref<128x128xf32, #tpu.memory_space<vmem>>, %arg6: memref<1000x128xf32, #tpu.memory_space<vmem>>) attributes {dimension_semantics = [#tpu.dimension_semantics<arbitrary>], iteration_bounds = array<i64: 10>, scalar_prefetch = 0 : i64, scratch_operands = 0 : i64, tpu.core_type = #tpu.core_type<tc>, window_params = [{transform_indices = @transform_0, window_bounds = array<i64: 2, 1000, 128>}, {transform_indices = @transform_1, window_bounds = array<i64: 1000, 128>}, {transform_indices = @transform_2, window_bounds = array<i64: 1000, 128>}, {pipeline_mode = #tpu.pipeline_mode<synchronous>, transform_indices = @transform_3, window_bounds = array<i64: 1, 128>}, {pipeline_mode = #tpu.pipeline_mode<synchronous>, transform_indices = @transform_4, window_bounds = array<i64: 128, 128>}, {transform_indices = @transform_5, window_bounds = array<i64: 1000, 128>}]} {
    %get3A = arith.constant 0 : index
    %get3A_0 = arith.constant 0 : index
    %get3A_1 = vector.load %arg3[%get3A, %get3A_0] : memref<1000x128xf32, #tpu.memory_space<vmem>>, vector<1000x128xf32>
    %get3A_2 = arith.constant 0 : index
    %get3A_3 = arith.constant 0 : index
    %get3A_4 = arith.constant 0 : index
    %get3A_5 = vector.load %arg1[%get3A_2, %get3A_3, %get3A_4] : memref<2x1000x128xf32, #tpu.memory_space<vmem>>, vector<1x1000x128xf32>
    %get3A_6 = vector.shape_cast %get3A_5 : vector<1x1000x128xf32> to vector<1000x128xf32>
    %get3A_7 = arith.constant 1 : index
    %get3A_8 = arith.constant 0 : index
    %get3A_9 = arith.constant 0 : index
    %get3A_10 = vector.load %arg1[%get3A_7, %get3A_8, %get3A_9] : memref<2x1000x128xf32, #tpu.memory_space<vmem>>, vector<1x1000x128xf32>
    %get3A_11 = vector.shape_cast %get3A_10 : vector<1x1000x128xf32> to vector<1000x128xf32>
    %add3A = arith.addf %get3A_6, %get3A_11 : vector<1000x128xf32>
    %get3A_12 = arith.constant 0 : index
    %get3A_13 = arith.constant 0 : index
    %get3A_14 = vector.load %arg2[%get3A_12, %get3A_13] : memref<1000x128xf32, #tpu.memory_space<vmem>>, vector<1000x128xf32>
    %add3A_15 = arith.addf %add3A, %get3A_14 : vector<1000x128xf32>
    %mul3A = arith.mulf %get3A_1, %add3A_15 : vector<1000x128xf32>
    %get3A_16 = arith.constant 0 : index
    %get3A_17 = arith.constant 0 : index
    %get3A_18 = vector.load %arg4[%get3A_16, %get3A_17] : memref<1x128xf32, #tpu.memory_space<vmem>>, vector<1x128xf32>
    %add3A_19 = vector.broadcast %get3A_18 : vector<1x128xf32> to vector<1000x128xf32>
    %add3A_20 = arith.addf %mul3A, %add3A_19 : vector<1000x128xf32>
    %max3A = arith.constant 0.000000e+00 : f32
    %max3A_21 = vector.broadcast %max3A : f32 to vector<1000x128xf32>
    %max3A_22 = arith.maximumf %add3A_20, %max3A_21 : vector<1000x128xf32>
    %get3A_23 = arith.constant 0 : index
    %get3A_24 = arith.constant 0 : index
    %get3A_25 = vector.load %arg3[%get3A_23, %get3A_24] : memref<1000x128xf32, #tpu.memory_space<vmem>>, vector<1000x128xf32>
    %get3A_26 = arith.constant 0 : index
    %get3A_27 = arith.constant 0 : index
    %get3A_28 = vector.load %arg5[%get3A_26, %get3A_27] : memref<128x128xf32, #tpu.memory_space<vmem>>, vector<128x128xf32>
    %dot_general3A = arith.constant dense<0.000000e+00> : vector<1000x128xf32>
    %dot_general3A_29 = tpu.matmul %max3A_22, %get3A_28, %dot_general3A {dimension_numbers = #tpu.dot_dimension_numbers<[1], [0], [0], [1], [0, 0, 1, 1], [], []>, transpose_lhs_hint = false} : vector<1000x128xf32>, vector<128x128xf32>, vector<1000x128xf32> -> vector<1000x128xf32>
    %mul3A_30 = arith.mulf %get3A_25, %dot_general3A_29 : vector<1000x128xf32>
    %swap3A = arith.constant 0 : index
    %swap3A_31 = arith.constant 0 : index
    %swap3A_32 = vector.load %arg6[%swap3A, %swap3A_31] : memref<1000x128xf32, #tpu.memory_space<vmem>>, vector<1000x128xf32>
    tpu.vector_store %arg6[%swap3A, %swap3A_31], %mul3A_30 {strides = array<i32>} : memref<1000x128xf32, #tpu.memory_space<vmem>>, vector<1000x128xf32>,
    return
  }
  func.func @transform_0(%arg0: i32) -> (i32, i32, i32) {
    %c0_i32 = arith.constant 0 : i32
    %c0_i32_0 = arith.constant 0 : i32
    %c0_i32_1 = arith.constant 0 : i32
    return %c0_i32, %arg0, %c0_i32_0 : i32, i32, i32
  }
  func.func @transform_1(%arg0: i32) -> (i32, i32) {
    %c0_i32 = arith.constant 0 : i32
    %c0_i32_0 = arith.constant 0 : i32
    return %arg0, %c0_i32 : i32, i32
  }
  func.func @transform_2(%arg0: i32) -> (i32, i32) {
    %c0_i32 = arith.constant 0 : i32
    %c0_i32_0 = arith.constant 0 : i32
    return %arg0, %c0_i32 : i32, i32
  }
  func.func @transform_3(%arg0: i32) -> (i32, i32) {
    %c0_i32 = arith.constant 0 : i32
    %c0_i32_0 = arith.constant 0 : i32
    %c0_i32_1 = arith.constant 0 : i32
    return %c0_i32, %c0_i32_0 : i32, i32
  }
  func.func @transform_4(%arg0: i32) -> (i32, i32) {
    %c0_i32 = arith.constant 0 : i32
    %c0_i32_0 = arith.constant 0 : i32
    %c0_i32_1 = arith.constant 0 : i32
    return %c0_i32, %c0_i32_0 : i32, i32
  }
  func.func @transform_5(%arg0: i32) -> (i32, i32) {
    %c0_i32 = arith.constant 0 : i32
    %c0_i32_0 = arith.constant 0 : i32
    return %arg0, %c0_i32 : i32, i32
  }
}

module attributes {stable_mosaic.version = 14 : i64} {
  func.func @_tc3_body(%arg0: i32, %arg1: memref<2x1000x128xf32, #tpu.memory_space<vmem>>, %arg2: memref<1000x128xf32, #tpu.memory_space<vmem>>, %arg3: memref<1000x128xf32, #tpu.memory_space<vmem>>, %arg4: memref<1x128xf32, #tpu.memory_space<vmem>>, %arg5: memref<1000x128xf32, #tpu.memory_space<vmem>>) attributes {dimension_semantics = [#tpu.dimension_semantics<arbitrary>], iteration_bounds = array<i64: 10>, scalar_prefetch = 0 : i64, scratch_operands = 0 : i64, tpu.core_type = #tpu.core_type<tc>, window_params = [{transform_indices = @transform_0, window_bounds = array<i64: 2, 1000, 128>}, {transform_indices = @transform_1, window_bounds = array<i64: 1000, 128>}, {transform_indices = @transform_2, window_bounds = array<i64: 1000, 128>}, {pipeline_mode = #tpu.pipeline_mode<synchronous>, transform_indices = @transform_3, window_bounds = array<i64: 1, 128>}, {transform_indices = @transform_4, window_bounds = array<i64: 1000, 128>}]} {
    %get3A = arith.constant 0 : index
    %get3A_0 = arith.constant 0 : index
    %get3A_1 = vector.load %arg3[%get3A, %get3A_0] : memref<1000x128xf32, #tpu.memory_space<vmem>>, vector<1000x128xf32>
    %get3A_2 = arith.constant 0 : index
    %get3A_3 = arith.constant 0 : index
    %get3A_4 = arith.constant 0 : index
    %get3A_5 = vector.load %arg1[%get3A_2, %get3A_3, %get3A_4] : memref<2x1000x128xf32, #tpu.memory_space<vmem>>, vector<1x1000x128xf32>
    %get3A_6 = vector.shape_cast %get3A_5 : vector<1x1000x128xf32> to vector<1000x128xf32>
    %get3A_7 = arith.constant 1 : index
    %get3A_8 = arith.constant 0 : index
    %get3A_9 = arith.constant 0 : index
    %get3A_10 = vector.load %arg1[%get3A_7, %get3A_8, %get3A_9] : memref<2x1000x128xf32, #tpu.memory_space<vmem>>, vector<1x1000x128xf32>
    %get3A_11 = vector.shape_cast %get3A_10 : vector<1x1000x128xf32> to vector<1000x128xf32>
    %add3A = arith.addf %get3A_6, %get3A_11 : vector<1000x128xf32>
    %get3A_12 = arith.constant 0 : index
    %get3A_13 = arith.constant 0 : index
    %get3A_14 = vector.load %arg2[%get3A_12, %get3A_13] : memref<1000x128xf32, #tpu.memory_space<vmem>>, vector<1000x128xf32>
    %add3A_15 = arith.addf %add3A, %get3A_14 : vector<1000x128xf32>
    %mul3A = arith.mulf %get3A_1, %add3A_15 : vector<1000x128xf32>
    %get3A_16 = arith.constant 0 : index
    %get3A_17 = arith.constant 0 : index
    %get3A_18 = vector.load %arg4[%get3A_16, %get3A_17] : memref<1x128xf32, #tpu.memory_space<vmem>>, vector<1x128xf32>
    %add3A_19 = vector.broadcast %get3A_18 : vector<1x128xf32> to vector<1000x128xf32>
    %add3A_20 = arith.addf %mul3A, %add3A_19 : vector<1000x128xf32>
    %get3A_21 = arith.constant 0 : index
    %get3A_22 = arith.constant 0 : index
    %get3A_23 = vector.load %arg3[%get3A_21, %get3A_22] : memref<1000x128xf32, #tpu.memory_space<vmem>>, vector<1000x128xf32>
    %max3A = arith.constant 0.000000e+00 : f32
    %max3A_24 = vector.broadcast %max3A : f32 to vector<1000x128xf32>
    %max3A_25 = arith.maximumf %add3A_20, %max3A_24 : vector<1000x128xf32>
    %mul3A_26 = arith.mulf %get3A_23, %max3A_25 : vector<1000x128xf32>
    %swap3A = arith.constant 0 : index
    %swap3A_27 = arith.constant 0 : index
    %swap3A_28 = vector.load %arg5[%swap3A, %swap3A_27] : memref<1000x128xf32, #tpu.memory_space<vmem>>, vector<1000x128xf32>
    tpu.vector_store %arg5[%swap3A, %swap3A_27], %mul3A_26 {strides = array<i32>} : memref<1000x128xf32, #tpu.memory_space<vmem>>, vector<1000x128xf32>,
    return
  }
  func.func @transform_0(%arg0: i32) -> (i32, i32, i32) {
    %c0_i32 = arith.constant 0 : i32
    %c0_i32_0 = arith.constant 0 : i32
    %c0_i32_1 = arith.constant 0 : i32
    return %c0_i32, %arg0, %c0_i32_0 : i32, i32, i32
  }
  func.func @transform_1(%arg0: i32) -> (i32, i32) {
    %c0_i32 = arith.constant 0 : i32
    %c0_i32_0 = arith.constant 0 : i32
    return %arg0, %c0_i32 : i32, i32
  }
  func.func @transform_2(%arg0: i32) -> (i32, i32) {
    %c0_i32 = arith.constant 0 : i32
    %c0_i32_0 = arith.constant 0 : i32
    return %arg0, %c0_i32 : i32, i32
  }
  func.func @transform_3(%arg0: i32) -> (i32, i32) {
    %c0_i32 = arith.constant 0 : i32
    %c0_i32_0 = arith.constant 0 : i32
    %c0_i32_1 = arith.constant 0 : i32
    return %c0_i32, %c0_i32_0 : i32, i32
  }
  func.func @transform_4(%arg0: i32) -> (i32, i32) {
    %c0_i32 = arith.constant 0 : i32
    %c0_i32_0 = arith.constant 0 : i32
    return %arg0, %c0_i32 : i32, i32
  }
}

module attributes {stable_mosaic.version = 14 : i64} {
  func.func @_tc4_body(%arg0: i32, %arg1: memref<2x1000x128xf32, #tpu.memory_space<vmem>>, %arg2: memref<1000x128xf32, #tpu.memory_space<vmem>>, %arg3: memref<1000x128xf32, #tpu.memory_space<vmem>>, %arg4: memref<128x128xf32, #tpu.memory_space<vmem>>, %arg5: memref<1x128xf32, #tpu.memory_space<vmem>>, %arg6: memref<1000x128xf32, #tpu.memory_space<vmem>>) attributes {dimension_semantics = [#tpu.dimension_semantics<arbitrary>], iteration_bounds = array<i64: 10>, scalar_prefetch = 0 : i64, scratch_operands = 0 : i64, tpu.core_type = #tpu.core_type<tc>, window_params = [{transform_indices = @transform_0, window_bounds = array<i64: 2, 1000, 128>}, {transform_indices = @transform_1, window_bounds = array<i64: 1000, 128>}, {transform_indices = @transform_2, window_bounds = array<i64: 1000, 128>}, {pipeline_mode = #tpu.pipeline_mode<synchronous>, transform_indices = @transform_3, window_bounds = array<i64: 128, 128>}, {pipeline_mode = #tpu.pipeline_mode<synchronous>, transform_indices = @transform_4, window_bounds = array<i64: 1, 128>}, {transform_indices = @transform_5, window_bounds = array<i64: 1000, 128>}]} {
    %get3A = arith.constant 0 : index
    %get3A_0 = arith.constant 0 : index
    %get3A_1 = vector.load %arg3[%get3A, %get3A_0] : memref<1000x128xf32, #tpu.memory_space<vmem>>, vector<1000x128xf32>
    %get3A_2 = arith.constant 0 : index
    %get3A_3 = arith.constant 0 : index
    %get3A_4 = arith.constant 0 : index
    %get3A_5 = vector.load %arg1[%get3A_2, %get3A_3, %get3A_4] : memref<2x1000x128xf32, #tpu.memory_space<vmem>>, vector<1x1000x128xf32>
    %get3A_6 = vector.shape_cast %get3A_5 : vector<1x1000x128xf32> to vector<1000x128xf32>
    %get3A_7 = arith.constant 1 : index
    %get3A_8 = arith.constant 0 : index
    %get3A_9 = arith.constant 0 : index
    %get3A_10 = vector.load %arg1[%get3A_7, %get3A_8, %get3A_9] : memref<2x1000x128xf32, #tpu.memory_space<vmem>>, vector<1x1000x128xf32>
    %get3A_11 = vector.shape_cast %get3A_10 : vector<1x1000x128xf32> to vector<1000x128xf32>
    %add3A = arith.addf %get3A_6, %get3A_11 : vector<1000x128xf32>
    %get3A_12 = arith.constant 0 : index
    %get3A_13 = arith.constant 0 : index
    %get3A_14 = vector.load %arg2[%get3A_12, %get3A_13] : memref<1000x128xf32, #tpu.memory_space<vmem>>, vector<1000x128xf32>
    %add3A_15 = arith.addf %add3A, %get3A_14 : vector<1000x128xf32>
    %mul3A = arith.mulf %get3A_1, %add3A_15 : vector<1000x128xf32>
    %get3A_16 = arith.constant 0 : index
    %get3A_17 = arith.constant 0 : index
    %get3A_18 = vector.load %arg4[%get3A_16, %get3A_17] : memref<128x128xf32, #tpu.memory_space<vmem>>, vector<128x128xf32>
    %dot_general3A = arith.constant dense<0.000000e+00> : vector<1000x128xf32>
    %dot_general3A_19 = tpu.matmul %mul3A, %get3A_18, %dot_general3A {dimension_numbers = #tpu.dot_dimension_numbers<[1], [0], [0], [1], [0, 0, 1, 1], [], []>, transpose_lhs_hint = false} : vector<1000x128xf32>, vector<128x128xf32>, vector<1000x128xf32> -> vector<1000x128xf32>
    %get3A_20 = arith.constant 0 : index
    %get3A_21 = arith.constant 0 : index
    %get3A_22 = vector.load %arg5[%get3A_20, %get3A_21] : memref<1x128xf32, #tpu.memory_space<vmem>>, vector<1x128xf32>
    %add3A_23 = vector.broadcast %get3A_22 : vector<1x128xf32> to vector<1000x128xf32>
    %add3A_24 = arith.addf %dot_general3A_19, %add3A_23 : vector<1000x128xf32>
    %swap3A = arith.constant 0 : index
    %swap3A_25 = arith.constant 0 : index
    %swap3A_26 = vector.load %arg6[%swap3A, %swap3A_25] : memref<1000x128xf32, #tpu.memory_space<vmem>>, vector<1000x128xf32>
    tpu.vector_store %arg6[%swap3A, %swap3A_25], %add3A_24 {strides = array<i32>} : memref<1000x128xf32, #tpu.memory_space<vmem>>, vector<1000x128xf32>,
    return
  }
  func.func @transform_0(%arg0: i32) -> (i32, i32, i32) {
    %c0_i32 = arith.constant 0 : i32
    %c0_i32_0 = arith.constant 0 : i32
    %c0_i32_1 = arith.constant 0 : i32
    return %c0_i32, %arg0, %c0_i32_0 : i32, i32, i32
  }
  func.func @transform_1(%arg0: i32) -> (i32, i32) {
    %c0_i32 = arith.constant 0 : i32
    %c0_i32_0 = arith.constant 0 : i32
    return %arg0, %c0_i32 : i32, i32
  }
  func.func @transform_2(%arg0: i32) -> (i32, i32) {
    %c0_i32 = arith.constant 0 : i32
    %c0_i32_0 = arith.constant 0 : i32
    return %arg0, %c0_i32 : i32, i32
  }
  func.func @transform_3(%arg0: i32) -> (i32, i32) {
    %c0_i32 = arith.constant 0 : i32
    %c0_i32_0 = arith.constant 0 : i32
    %c0_i32_1 = arith.constant 0 : i32
    return %c0_i32, %c0_i32_0 : i32, i32
  }
  func.func @transform_4(%arg0: i32) -> (i32, i32) {
    %c0_i32 = arith.constant 0 : i32
    %c0_i32_0 = arith.constant 0 : i32
    %c0_i32_1 = arith.constant 0 : i32
    return %c0_i32, %c0_i32_0 : i32, i32
  }
  func.func @transform_5(%arg0: i32) -> (i32, i32) {
    %c0_i32 = arith.constant 0 : i32
    %c0_i32_0 = arith.constant 0 : i32
    return %arg0, %c0_i32 : i32, i32
  }
}

</mosaic_0001>

<sc_bundles>
// kernel: kernel.10.cloned.1.call-start
scs
__scs_entry_jumppad:
0x0: {  	(pc) =	sbr.rel $0x88, $3  }
0x1: {  	(tag) =	ssettag $0x0;
	lr =	simm.s32 $0x1  }
0x2: {  	[smem:$0x3F99] =	sst lr;
	_ =	strace $0xD0000000  }
0x3: {  	_ = 	snop  }
0x4: {  	_ = 	snop  }
0x5: {  	_ = 	snop  }
0x6: {  	_ = 	snop  }
0x7: {  	_ = 	snop  }
__scs_overlays_trampoline_lowered:
0x8: {  	[smem:$0x3FA8] =	sst s0  }
0x9: {  	[smem:$0x3FA9] =	sst s1  }
0xa: {  	[smem:$0x3FAA] =	sst s2  }
0xb: {  	[smem:$0x3FAB] =	sst s3  }
0xc: {  	[smem:$0x3FAC] =	sst s4  }
0xd: {  	[smem:$0x3FAD] =	sst s5  }
0xe: {  	[smem:$0x3FAE] =	sst s6  }
0xf: {  	[smem:$0x3FAF] =	sst s7  }
0x10: {  	[smem:$0x3FB0] =	sst s8  }
0x11: {  	[smem:$0x3FB1] =	sst s9;
	s0 =	simm.s32 @!p0 $0x0  }
0x12: {  	s1 =	sld [smem:$0x3F97];
	s0 =	simm.s32 @p0 $0x1  }
0x13: {  	[smem:$0x3FB2] =	sst s0;
	s0 =	simm.s32 @!p1 $0x0  }
0x14: {  	s2 =	sld [smem:$0x3F96];
	s0 =	simm.s32 @p1 $0x1  }
0x15: {  	[smem:$0x3FB3] =	sst s0;
	s0 =	simm.s32 @!p2 $0x0  }
0x16: {  	s3 =	sld [smem:$0x3FDB];
	s0 =	simm.s32 @p2 $0x1  }
0x17: {  	s4 =	simm.s32 $0x1BF5;
	[smem:$0x3FB5] =	sst s0  }
0x18: {  	s0 =	sld [smem:$0x3F98];
	_ =	swait.ge [sflag:s4], $0x0  }
0x19: {  	s7 =	sld [smem:$0x3F99]  }
0x1a: {  	s8 =	sadd.s32 $0xFFFFE003, lr  }
0x1b: {  	s9 =	sadd.s32 $0xFFFFFEF7, lr;
	s5 =	simm.s32 $0xFFFFFFFF;
	p2 =	slt.u32 s8, $0xFFFFF086  }
0x1c: {  	p1 =	slt.u32 s9, $0xF7A;
	s5 =	simm.s32 @!p2 $0x0  }
0x1d: {  	s5 =	simm.s32 @p1 $0x1;
	p0 =	seq.s32 s7, s2  }
0x1e: {  	s7 =	smul.u32 @!p0 $0xF7A, s2;
	p2 =	seq.s32 @!p0 s5, $0x0  }
0x1f: {  	s9 =	smul.u32 $0xF7A, s1;
	s8 =	simm.s32 @!p0 $0x1BF5;
	p2 =	por !p2, p0  }
0x20: {  	[sflag:s8] =	ssyncset.s32 @!p0 $0xFFFFF086;
	s6 =	sadd.s32 @!p0 s3, s7;
	s7 =	simm.s32 @!p0 $0x108  }
0x21: {  	s3 =	sadd.s32 s3, s9;
	s6 =	sadd.s32 @!p0 $0x88, s6;
	s7 =	simm.s32 @p2 $0x1082  }
0x22: {  	[simem:s7], [sflag:s8] =	dma.local @!p0 [hbm:s6], $0xF7A  }
0x23: {  	s9 =	sor.u32 $0xD0000000, s2;
	s6 =	simm.s32 $0x108;
	_ =	swait.ge @!p0 [sflag:s8], $0x0  }
0x24: {  	s3 =	sadd.s32 $0x88, s3;
	s6 =	simm.s32 @!p1 $0x1082;
	[sflag:s4] =	ssyncset.s32 $0xFFFFF086  }
0x25: {  	[simem:s6], [sflag:s4] =	dma.local [hbm:s3], $0xF7A  }
0x26: {  	[smem:$0x3F99] =	sst s1;
	(tag) =	ssettag s2;
	_ =	strace s9  }
0x27: {  	s1 =	sld [smem:$0x3FA9]  }
0x28: {  	s2 =	sld [smem:$0x3FAA]  }
0x29: {  	s4 =	sld [smem:$0x3FAC]  }
0x2a: {  	p0 =	seq.s32 s5, $0x0;
	s5 =	sld [smem:$0x3FAD]  }
0x2b: {  	s6 =	sld [smem:$0x3FAE]  }
0x2c: {  	s7 =	sld [smem:$0x3FAF]  }
0x2d: {  	s3 =	simm.s32 $0x108;
	s8 =	sld [smem:$0x3FB0]  }
0x2e: {  	s3 =	simm.s32 @!p0 $0x1082;
	s9 =	sld [smem:$0x3FB1]  }
0x2f: {  	lr =	sadd.s32 s0, s3;
	s0 =	sld [smem:$0x3FA8]  }
0x30: {  	s3 =	sld [smem:$0x3FAB]  }
0x31: {  	[smem:$0x3FB4] =	sst s10  }
0x32: {  	s10 =	sld [smem:$0x3FB2];
	_ =	sdelay $0x3  }
0x33: {  	p0 =	seq.s32 s10, $0x1;
	s10 =	sld [smem:$0x3FB4];
	_ =	sdelay $0x3  }
0x34: {  	[smem:$0x3FB4] =	sst s10  }
0x35: {  	s10 =	sld [smem:$0x3FB3];
	_ =	sdelay $0x3  }
0x36: {  	p1 =	seq.s32 s10, $0x1;
	s10 =	sld [smem:$0x3FB4];
	_ =	sdelay $0x3  }
0x37: {  	[smem:$0x3FB4] =	sst s10  }
0x38: {  	s10 =	sld [smem:$0x3FB5]  }
0x39: {  	_ = 	snop;
	(pc) =	sbr.ind lr, $3  }
0x3a: {  	_ = 	snop  }
0x3b: {  	_ = 	snop  }
0x3c: {  	p2 =	seq.s32 s10, $0x1;
	s10 =	sld [smem:$0x3FB4]  }
0x3d: {  	_ =	shalt  }
0x3e: {  	_ =	shalt  }
0x3f: {  	_ =	shalt  }
0x40: {  	_ =	shalt  }
0x41: {  	_ =	shalt  }
0x42: {  	_ =	shalt  }
0x43: {  	_ =	shalt  }
0x44: {  	_ =	shalt  }
0x45: {  	_ =	shalt  }
0x46: {  	_ =	shalt  }
0x47: {  	_ =	shalt  }
0x48: {  	_ =	shalt  }
0x49: {  	_ =	shalt  }
0x4a: {  	_ =	shalt  }
0x4b: {  	_ =	shalt  }
0x4c: {  	_ =	shalt  }
0x4d: {  	_ =	shalt  }
0x4e: {  	_ =	shalt  }
0x4f: {  	_ =	shalt  }
0x50: {  	_ =	shalt  }
0x51: {  	_ =	shalt  }
0x52: {  	_ =	shalt  }
0x53: {  	_ =	shalt  }
0x54: {  	_ =	shalt  }
0x55: {  	_ =	shalt  }
0x56: {  	_ =	shalt  }
0x57: {  	_ =	shalt  }
0x58: {  	_ =	shalt  }
0x59: {  	_ =	shalt  }
0x5a: {  	_ =	shalt  }
0x5b: {  	_ =	shalt  }
0x5c: {  	_ =	shalt  }
0x5d: {  	_ =	shalt  }
0x5e: {  	_ =	shalt  }
0x5f: {  	_ =	shalt  }
0x60: {  	_ =	shalt  }
0x61: {  	_ =	shalt  }
0x62: {  	_ =	shalt  }
0x63: {  	_ =	shalt  }
0x64: {  	_ =	shalt  }
0x65: {  	_ =	shalt  }
0x66: {  	_ =	shalt  }
0x67: {  	_ =	shalt  }
0x68: {  	_ =	shalt  }
0x69: {  	_ =	shalt  }
0x6a: {  	_ =	shalt  }
0x6b: {  	_ =	shalt  }
0x6c: {  	_ =	shalt  }
0x6d: {  	_ =	shalt  }
0x6e: {  	_ =	shalt  }
0x6f: {  	_ =	shalt  }
0x70: {  	_ =	shalt  }
0x71: {  	_ =	shalt  }
0x72: {  	_ =	shalt  }
0x73: {  	_ =	shalt  }
0x74: {  	_ =	shalt  }
0x75: {  	_ =	shalt  }
0x76: {  	_ =	shalt  }
0x77: {  	_ =	shalt  }
0x78: {  	_ =	shalt  }
0x79: {  	_ =	shalt  }
0x7a: {  	_ =	shalt  }
0x7b: {  	_ =	shalt  }
0x7c: {  	_ =	shalt  }
0x7d: {  	_ =	shalt  }
0x7e: {  	_ =	shalt  }
0x7f: {  	_ =	shalt  }
0x80: {  	_ =	shalt  }
0x81: {  	_ =	shalt  }
0x82: {  	_ =	shalt  }
0x83: {  	_ =	shalt  }
0x84: {  	_ =	shalt  }
0x85: {  	_ =	shalt  }
0x86: {  	_ =	shalt  }
0x87: {  	_ =	shalt  }
.Lfunc_end0:
.L_simem_size_0:
called_computation_lowered:
.L_overlay_start_0:
0x88: {  	s2 =	sld [smem:$0x3FD9]  }
0x89: {  	s3 =	sld [smem:$0x3FFE];
	_ =	sdelay $0x1  }
0x8a: {  	s1 =	srdreg.scid  }
0x8b: {  	s0 =	sand.u32 $0x1, s1  }
0x8c: {  	s16 =	sshll.u32 s0, $0xA;
	s2 =	sadd.s32 s3, s2  }
0x8d: {  	s2 =	sadd.s32 s2, s16  }
0x8e: {  	[smem:$0x3FC0] =	sst s2  }
0x8f: {  	_ = 	snop  }
0x90: {  	(tm) =	ssettm $0x1  }
0x91: {  	s17 =	sld [smem:$0x3FFB];
	_ =	sdelay $0x3  }
0x92: {  	_ =	strace s17  }
0x93: {  	s2 =	sld [smem:$0x3FFC];
	_ =	sdelay $0x3  }
0x94: {  	_ =	strace s2  }
0x95: {  	s2 =	sld [smem:$0x3FFD];
	_ =	sdelay $0x3  }
0x96: {  	_ =	strace s2  }
0x97: {  	_ =	strace $0x8FFFFFFF  }
0x98: {  	s18 =	sld [smem:$0x3FDB];
	_ =	sdelay $0x1  }
0x99: {  	s19 =	simm.s32 $_scs_section_size  }
0x9a: {  	s4 =	simm.s32 $_size__tile_overlayer_lowered;
	s5 =	simm.s32 $_tile_overlayer_lowered  }
0x9b: {  	s22 =	simm.s32 $0x1BFF;
	s21 =	sshll.u32 s5, $0x1;
	s2 =	sadd.s32 s19, s18  }
0x9c: {  	s6 =	simm.s32 $0x0;
	s20 =	sshll.u32 s4, $0x1;
	s4 =	sadd.s32 s21, s2  }
0x9d: {  	[timem:s6], [sflag:s22] =	dma.local [hbm:s4], s20  }
0x9e: {  	_ =	swait.ge [sflag:s22], s20  }
0x9f: {  	s3 =	ssub.s32 $0x0, s20;
	[sflag:s22] =	ssyncset.done $0x0  }
0xa0: {  	[sflag:s22] =	ssyncadd.s32 s3;
	_ =	sdelay $0x1  }
0xa1: {  	s23 =	simm.s32 $0x1B8B  }
0xa2: {  	_ =	swait.ge [sflag:s23], $0x1  }
0xa3: {  	[sflag:s23] =	ssyncset.done $0x0  }
0xa4: {  	s25 =	simm.s32 $0x1B8E;
	s24 =	sld [smem:$0x3FFE];
	[sflag:s23] =	ssyncadd.s32 $0xFFFFFFFF  }
0xa5: {  	s26 =	simm.s32 $execute0_lowered;
	[smem:$0x3FD2] =	sst s25  }
0xa6: {  	s4 =	sshll.u32 s26, $0x1;
	_ =	strace $0x80000046;
	[dreg:$0x1] =	wrdreg $0xFFFFFFFF  }
0xa7: {  	s28 =	simm.s32 $_size_execute0_lowered;
	s2 =	sadd.s32 s2, s4;
	[dreg:$0x0] =	wrdreg $0x0  }
0xa8: {  	s4 =	sshll.u32 s28, $0x1;
	[dreg:$0x2] =	wrdreg s2  }
0xa9: {  	[dreg:$0x3] =	wrdreg s4  }
0xaa: {  	[dreg:$0x4] =	wrdreg $0xC0  }
0xab: {  	_ =	task [dreg:s6], $0x5FFFF  }
0xac: {  	[dreg:$0x1] =	wrdreg $0xFFFFFFFF  }
0xad: {  	[dreg:$0x0] =	wrdreg $0x60  }
0xae: {  	[dreg:$0x2] =	wrdreg s24  }
0xaf: {  	[dreg:$0x3] =	wrdreg $0xA8000  }
0xb0: {  	[dreg:$0x4] =	wrdreg $0x9  }
0xb1: {  	_ =	task.clear_ibuf [dreg:s6], $0x5FFFF;
	_ =	strace $0x90000046  }
0xb2: {  	s29 =	simm.s32 $0x9;
	_ =	strace $0x80000048  }
0xb3: {  	_ =	swait.ge [sflag:s29], $0x1  }
0xb4: {  	[sflag:s29] =	ssyncadd.s32 $0xFFFFFFFF  }
0xb5: {  	_ =	strace $0x90000048  }
0xb6: {  	_ =	sfence  }
0xb7: {  	s30 =	sld [smem:$0x0];
	_ =	sdelay $0x2  }
0xb8: {  	s31 =	sshll.u32 s1, $0xD;
	s1 =	sshrl.u32 s1, $0x2  }
0xb9: {  	s3 =	sand.u32 $0x4000, s31;
	s1 =	sadd.s32 s1, s30  }
0xba: {  	s0 =	sor.u32 s3, s0;
	s1 =	sshll.u32 s1, $0x11  }
0xbb: {  	s0 =	sor.u32 s1, s0  }
0xbc: {  	s0 =	sadd.s32 $0x8F2B, s0  }
0xbd: {  	[sflag:s0] =	ssyncadd.remote.s32 $0x1  }
0xbe: {  	_ =	sfence.sel $0xFFFF  }
0xbf: {  	[dreg:$0x0] =	wrdreg $0xFFFFFFFF;
	(pc) =	sbr.abs _section_cstart, $3  }
0xc0: {  	[dreg:$0x1] =	wrdreg $0xFFFFFFFF  }
0xc1: {  	_ =	task.clear_ibuf [dreg:s6], $0x2FFFF;
	_ =	strace $0x9FFFFFFF  }
0xc2: {  	(tm) =	ssettm $0x7FFFFFFF  }
0xc3: {  	_ =	shalt  }
tec
execute0_lowered:
.L_overlay_start_1:
0x0: {  	(tag) =	ssettag $0x1  }
0x1: {  	s4 =	rddreg [dreg:$0x0]  }
0x2: {  	s2 =	rddreg [dreg:$0x1]  }
0x3: {  	s0 =	srdreg.scid;
	s1 =	rddreg [dreg:$0x2]  }
0x4: {  	s3 =	simm.s32 $0x0;
	s12 =	simm.s32 $0x1;
	s5 =	sand.u32 $0x1, s0  }
0x5: {  	s13 =	simm.s32 $0x6800;
	s0 =	stileid.u32;
	s6 =	smul.u32 $0x28000, s5  }
0x6: {  	s14 =	simm.s32 $0x80;
	s15 =	simm.s32 $0x2800;
	s7 =	smul.u32 $0x2800, s0  }
0x7: {  	s18 =	simm.s32 $0x0;
	[smem:$0x7FF] =	sst s3;
	s8 =	smul.u32 $0x140000, s5  }
0x8: {  	s30 =	smul.u32 $0x14000, s0;
	_ =	strace $0x80000047;
	s5 =	ssub.s32 $0x2, s5  }
0x9: {  	s9 =	smul.u32 $0x50000, s0;
	s16 =	sshll.u32 s0, $0x6;
	s31 =	sshrl.u32 s5, $0x1  }
0xa: {  	s16 =	sor.u32 $0x1C01, s16;
	s6 =	sadd.s32 s7, s6;
	s7 =	sadd.s32 s30, s8  }
0xb: {  	s9 =	sshrl.u32 s9, $0x2;
	s11 =	ssub.s32 s5, s31;
	s6 =	sshrl.u32 s6, $0x3  }
0xc: {  	s7 =	sshrl.u32 s7, $0x3;
	s11 =	smax.u32 s11, $0x1;
	s6 =	sadd.s32 s6, s4  }
0xd: {  	s10 =	sadd.s32 s7, s4;
	s4 =	sadd.s32 s9, s2;
	s5 =	sadd.s32 $0x3400, s6  }
0xe: {  	s6 =	sadd.s32 $0x4000, s4;
	s7 =	sadd.s32 $0x8000, s4;
	s8 =	sadd.s32 $0xC000, s4  }
0xf: {  	v0 =	vimm.f32 $1.000000000e+00;
	v1 =	vimm.f32 $0.0e+00;
	s9 =	sadd.s32 $0x10000, s4;
	s10 =	sadd.s32 $0xD400, s10;
	s17 =	sshrl.u32 s4, $0x3  }
.LBB2_1:
0x10: {  	[tilespmem:s3], [sflag:$0x1] =	stream.linear.gather [hbm4b:s5+s3], $0x2800, $0x38;
	[tilespmem:$0xD000] =	vst v63  }
0x11: {  	_ =	swait.ge [sflag:s12], $0x2800  }
0x12: {  	[sflag:s12] =	ssyncset.done $0x0  }
0x13: {  	s19 =	simm.s32 $0x0;
	[sflag:s12] =	ssyncadd.s32 $0xFFFFD800  }
.LBB2_2:
0x14: {  	p0 =	sne.s32 s19, $0xFE00  }
.Ltmp0:
0x15: {  	_ = 	snop;
	(pc) =	sbr.rel @p0 .LBB2_2-.Ltmp0, $3  }
0x16: {  	_ =	sdelay $0x1  }
0x17: {  	s20 =	sshra.s32 s19, $0x2  }
0x18: {  	s19 =	sadd.s32 $0x200, s19;
	[tilespmem:s20+$0x2800] =	vst v0  }
0x19: {  	s19 =	simm.s32 $0x200;
	s20 =	simm.s32 $0x0  }
.LBB2_4:
0x1a: {  	p0 =	sne.s32 s19, $0xFE00;
	[tilespmem:s20+$0x6800] =	vst v1;
	s20 =	smov.u32 s19;
	s19 =	sadd.s32 $0x200, s19  }
.Ltmp1:
0x1b: {  	(pc) =	sbr.rel @p0 .LBB2_4-.Ltmp1, $2  }
0x1c: {  	_ =	sdelay $0x2  }
0x1d: {  	s20 =	sshra.s32 s20, $0x2  }
0x1e: {  	[tilespmem:s20+$0x6800] =	vst v1  }
0x1f: {  	[spmem:s4] =	stream.linear.scatter [tilespmem:s13], [sflag:$0x1], $0x4000, $0x38;
	[tilespmem:$0xD000] =	vst v63  }
0x20: {  	_ =	swait.ge [sflag:s12], $0x4000  }
0x21: {  	[sflag:s12] =	ssyncset.done $0x0  }
0x22: {  	[sflag:s12] =	ssyncadd.s32 $0xFFFFC000  }
0x23: {  	[spmem:s6] =	stream.linear.scatter [tilespmem:s13], [sflag:$0x1], $0x4000, $0x38;
	[tilespmem:$0xD000] =	vst v63  }
0x24: {  	_ =	swait.ge [sflag:s12], $0x4000  }
0x25: {  	[sflag:s12] =	ssyncset.done $0x0  }
0x26: {  	[sflag:s12] =	ssyncadd.s32 $0xFFFFC000  }
0x27: {  	[spmem:s7] =	stream.linear.scatter [tilespmem:s13], [sflag:$0x1], $0x4000, $0x38;
	[tilespmem:$0xD000] =	vst v63  }
0x28: {  	_ =	swait.ge [sflag:s12], $0x4000  }
0x29: {  	[sflag:s12] =	ssyncset.done $0x0  }
0x2a: {  	[sflag:s12] =	ssyncadd.s32 $0xFFFFC000  }
0x2b: {  	[spmem:s8] =	stream.linear.scatter [tilespmem:s13], [sflag:$0x1], $0x4000, $0x38;
	[tilespmem:$0xD000] =	vst v63  }
0x2c: {  	_ =	swait.ge [sflag:s12], $0x4000  }
0x2d: {  	[sflag:s12] =	ssyncset.done $0x0  }
0x2e: {  	[sflag:s12] =	ssyncadd.s32 $0xFFFFC000  }
0x2f: {  	[spmem:s9] =	stream.linear.scatter [tilespmem:s13], [sflag:$0x1], $0x4000, $0x38;
	[tilespmem:$0xD000] =	vst v63  }
0x30: {  	_ =	swait.ge [sflag:s12], $0x4000  }
0x31: {  	[sflag:s12] =	ssyncset.done $0x0  }
0x32: {  	[sflag:s12] =	ssyncadd.s32 $0xFFFFC000  }
0x33: {  	s19 =	simm.s32 $0x0;
	[bflag:$0x0] =	sbarrier.arrive $0xFFFF  }
0x34: {  	[spmem:s2] =	stream.indirect.scatter.add.f32 [tilespmem:s15], [sflag:$0x1], $0x10, s19, s14, $0xb8;
	[tilespmem:$0xD000] =	vst v63  }
0x35: {  	_ =	swait.ge [sflag:s12], $0x800  }
0x36: {  	s19 =	simm.s32 $0x200;
	[sflag:s12] =	ssyncset.done $0x0  }
.LBB2_6:
0x37: {  	s20 =	sshra.s32 s19, $0x2;
	[sflag:s12] =	ssyncadd.s32 $0xFFFFF800;
	p0 =	sne.s32 s19, $0x9E00  }
0x38: {  	[spmem:s2] =	stream.indirect.scatter.add.f32 [tilespmem:s15], [sflag:$0x1], $0x10, s20, s14, $0xb8;
	[tilespmem:$0xD000] =	vst v63  }
.Ltmp2:
0x39: {  	_ = 	snop;
	(pc) =	sbr.rel @p0 .LBB2_6-.Ltmp2, $4  }
0x3a: {  	_ = 	snop  }
0x3b: {  	s19 =	sadd.s32 $0x200, s19  }
0x3c: {  	_ =	swait.ge [sflag:s12], $0x800  }
0x3d: {  	[sflag:s12] =	ssyncset.done $0x0  }
0x3e: {  	s18 =	sadd.s32 $0x1, s18  }
0x3f: {  	[sflag:s12] =	ssyncadd.s32 $0xFFFFF800;
	p0 =	sne.s32 s18, s11  }
.Ltmp3:
0x40: {  	[bflag:$0x0] =	sbarrier.arrive $0xFFFF;
	(pc) =	sbr.rel @p0 .LBB2_1-.Ltmp3, $4  }
0x41: {  	[hbm:s10], [sflag:s16] =	dma.local [spmem:s17], $0x2800  }
0x42: {  	_ =	swait.ge [sflag:s12], $0x2800  }
0x43: {  	[sflag:s12] =	ssyncset.done $0x0  }
0x44: {  	[sflag:s12] =	ssyncadd.s32 $0xFFFFD800  }
0x45: {  	_ =	sfence.sel $0x180000  }
0x46: {  	[bflag:$0x0] =	sbarrier.arrive $0xFFFF  }
0x47: {  	p0 =	sne.s32 s0, $0x0;
	_ =	strace $0x90000047  }
0x48: {  	s0 =	sadd.s32 @!p0 $0x100000, s1;
	[bflag:$0x2] =	sbarrier.arrive $0xFFFF  }
0x49: {  	[sflag:s0] =	ssyncadd.tile.s32 @!p0 $0x1;
	_ =	shalt  }
.Lfunc_end2:
_tile_overlayer_lowered:
.L_overlay_start_2:
0x4a: {  	(tag) =	ssettag $0x2  }
0x4b: {  	s0 =	rddreg [dreg:$0x0];
	s2 =	stileid.u32  }
0x4c: {  	s1 =	rddreg [dreg:$0x1];
	p0 =	sne.s32 s2, $0x0  }
0x4d: {  	s3 =	rddreg [dreg:$0x2];
	[bflag:$0x3] =	sbarrier.arrive $0xFFFF;
	s2 =	simm.s32 @!p0 $0x1C01  }
0x4e: {  	[timem:s3], [sflag:s2] =	dma.local @!p0 [hbm:s0], s1  }
0x4f: {  	s0 =	simm.s32 @!p0 $0x1  }
0x50: {  	_ =	swait.ge @!p0 [sflag:s0], s1  }
0x51: {  	s1 =	ssub.s32 @!p0 $0x0, s1;
	[sflag:s0] =	ssyncset.done @!p0 $0x0  }
0x52: {  	[sflag:s0] =	ssyncadd.s32 @!p0 s1  }
0x53: {  	[bflag:$0x3] =	sbarrier.arrive $0xFFFF  }
0x54: {  	_ =	shalt  }

// kernel: kernel.13.cloned.1.call-start
scs
__scs_entry_jumppad:
0x0: {  	(pc) =	sbr.rel $0x88, $3  }
0x1: {  	(tag) =	ssettag $0x0;
	lr =	simm.s32 $0x1  }
0x2: {  	[smem:$0x3F99] =	sst lr;
	_ =	strace $0xD0000000  }
0x3: {  	_ = 	snop  }
0x4: {  	_ = 	snop  }
0x5: {  	_ = 	snop  }
0x6: {  	_ = 	snop  }
0x7: {  	_ = 	snop  }
__scs_overlays_trampoline_lowered:
0x8: {  	[smem:$0x3FA8] =	sst s0  }
0x9: {  	[smem:$0x3FA9] =	sst s1  }
0xa: {  	[smem:$0x3FAA] =	sst s2  }
0xb: {  	[smem:$0x3FAB] =	sst s3  }
0xc: {  	[smem:$0x3FAC] =	sst s4  }
0xd: {  	[smem:$0x3FAD] =	sst s5  }
0xe: {  	[smem:$0x3FAE] =	sst s6  }
0xf: {  	[smem:$0x3FAF] =	sst s7  }
0x10: {  	[smem:$0x3FB0] =	sst s8  }
0x11: {  	[smem:$0x3FB1] =	sst s9;
	s0 =	simm.s32 @!p0 $0x0  }
0x12: {  	s1 =	sld [smem:$0x3F97];
	s0 =	simm.s32 @p0 $0x1  }
0x13: {  	[smem:$0x3FB2] =	sst s0;
	s0 =	simm.s32 @!p1 $0x0  }
0x14: {  	s2 =	sld [smem:$0x3F96];
	s0 =	simm.s32 @p1 $0x1  }
0x15: {  	[smem:$0x3FB3] =	sst s0;
	s0 =	simm.s32 @!p2 $0x0  }
0x16: {  	s3 =	sld [smem:$0x3FDB];
	s0 =	simm.s32 @p2 $0x1  }
0x17: {  	s4 =	simm.s32 $0x1BF5;
	[smem:$0x3FB5] =	sst s0  }
0x18: {  	s0 =	sld [smem:$0x3F98];
	_ =	swait.ge [sflag:s4], $0x0  }
0x19: {  	s7 =	sld [smem:$0x3F99]  }
0x1a: {  	s8 =	sadd.s32 $0xFFFFE003, lr  }
0x1b: {  	s9 =	sadd.s32 $0xFFFFFEF7, lr;
	s5 =	simm.s32 $0xFFFFFFFF;
	p2 =	slt.u32 s8, $0xFFFFF086  }
0x1c: {  	p1 =	slt.u32 s9, $0xF7A;
	s5 =	simm.s32 @!p2 $0x0  }
0x1d: {  	s5 =	simm.s32 @p1 $0x1;
	p0 =	seq.s32 s7, s2  }
0x1e: {  	s7 =	smul.u32 @!p0 $0xF7A, s2;
	p2 =	seq.s32 @!p0 s5, $0x0  }
0x1f: {  	s9 =	smul.u32 $0xF7A, s1;
	s8 =	simm.s32 @!p0 $0x1BF5;
	p2 =	por !p2, p0  }
0x20: {  	[sflag:s8] =	ssyncset.s32 @!p0 $0xFFFFF086;
	s6 =	sadd.s32 @!p0 s3, s7;
	s7 =	simm.s32 @!p0 $0x108  }
0x21: {  	s3 =	sadd.s32 s3, s9;
	s6 =	sadd.s32 @!p0 $0x88, s6;
	s7 =	simm.s32 @p2 $0x1082  }
0x22: {  	[simem:s7], [sflag:s8] =	dma.local @!p0 [hbm:s6], $0xF7A  }
0x23: {  	s9 =	sor.u32 $0xD0000000, s2;
	s6 =	simm.s32 $0x108;
	_ =	swait.ge @!p0 [sflag:s8], $0x0  }
0x24: {  	s3 =	sadd.s32 $0x88, s3;
	s6 =	simm.s32 @!p1 $0x1082;
	[sflag:s4] =	ssyncset.s32 $0xFFFFF086  }
0x25: {  	[simem:s6], [sflag:s4] =	dma.local [hbm:s3], $0xF7A  }
0x26: {  	[smem:$0x3F99] =	sst s1;
	(tag) =	ssettag s2;
	_ =	strace s9  }
0x27: {  	s1 =	sld [smem:$0x3FA9]  }
0x28: {  	s2 =	sld [smem:$0x3FAA]  }
0x29: {  	s4 =	sld [smem:$0x3FAC]  }
0x2a: {  	p0 =	seq.s32 s5, $0x0;
	s5 =	sld [smem:$0x3FAD]  }
0x2b: {  	s6 =	sld [smem:$0x3FAE]  }
0x2c: {  	s7 =	sld [smem:$0x3FAF]  }
0x2d: {  	s3 =	simm.s32 $0x108;
	s8 =	sld [smem:$0x3FB0]  }
0x2e: {  	s3 =	simm.s32 @!p0 $0x1082;
	s9 =	sld [smem:$0x3FB1]  }
0x2f: {  	lr =	sadd.s32 s0, s3;
	s0 =	sld [smem:$0x3FA8]  }
0x30: {  	s3 =	sld [smem:$0x3FAB]  }
0x31: {  	[smem:$0x3FB4] =	sst s10  }
0x32: {  	s10 =	sld [smem:$0x3FB2];
	_ =	sdelay $0x3  }
0x33: {  	p0 =	seq.s32 s10, $0x1;
	s10 =	sld [smem:$0x3FB4];
	_ =	sdelay $0x3  }
0x34: {  	[smem:$0x3FB4] =	sst s10  }
0x35: {  	s10 =	sld [smem:$0x3FB3];
	_ =	sdelay $0x3  }
0x36: {  	p1 =	seq.s32 s10, $0x1;
	s10 =	sld [smem:$0x3FB4];
	_ =	sdelay $0x3  }
0x37: {  	[smem:$0x3FB4] =	sst s10  }
0x38: {  	s10 =	sld [smem:$0x3FB5]  }
0x39: {  	_ = 	snop;
	(pc) =	sbr.ind lr, $3  }
0x3a: {  	_ = 	snop  }
0x3b: {  	_ = 	snop  }
0x3c: {  	p2 =	seq.s32 s10, $0x1;
	s10 =	sld [smem:$0x3FB4]  }
0x3d: {  	_ =	shalt  }
0x3e: {  	_ =	shalt  }
0x3f: {  	_ =	shalt  }
0x40: {  	_ =	shalt  }
0x41: {  	_ =	shalt  }
0x42: {  	_ =	shalt  }
0x43: {  	_ =	shalt  }
0x44: {  	_ =	shalt  }
0x45: {  	_ =	shalt  }
0x46: {  	_ =	shalt  }
0x47: {  	_ =	shalt  }
0x48: {  	_ =	shalt  }
0x49: {  	_ =	shalt  }
0x4a: {  	_ =	shalt  }
0x4b: {  	_ =	shalt  }
0x4c: {  	_ =	shalt  }
0x4d: {  	_ =	shalt  }
0x4e: {  	_ =	shalt  }
0x4f: {  	_ =	shalt  }
0x50: {  	_ =	shalt  }
0x51: {  	_ =	shalt  }
0x52: {  	_ =	shalt  }
0x53: {  	_ =	shalt  }
0x54: {  	_ =	shalt  }
0x55: {  	_ =	shalt  }
0x56: {  	_ =	shalt  }
0x57: {  	_ =	shalt  }
0x58: {  	_ =	shalt  }
0x59: {  	_ =	shalt  }
0x5a: {  	_ =	shalt  }
0x5b: {  	_ =	shalt  }
0x5c: {  	_ =	shalt  }
0x5d: {  	_ =	shalt  }
0x5e: {  	_ =	shalt  }
0x5f: {  	_ =	shalt  }
0x60: {  	_ =	shalt  }
0x61: {  	_ =	shalt  }
0x62: {  	_ =	shalt  }
0x63: {  	_ =	shalt  }
0x64: {  	_ =	shalt  }
0x65: {  	_ =	shalt  }
0x66: {  	_ =	shalt  }
0x67: {  	_ =	shalt  }
0x68: {  	_ =	shalt  }
0x69: {  	_ =	shalt  }
0x6a: {  	_ =	shalt  }
0x6b: {  	_ =	shalt  }
0x6c: {  	_ =	shalt  }
0x6d: {  	_ =	shalt  }
0x6e: {  	_ =	shalt  }
0x6f: {  	_ =	shalt  }
0x70: {  	_ =	shalt  }
0x71: {  	_ =	shalt  }
0x72: {  	_ =	shalt  }
0x73: {  	_ =	shalt  }
0x74: {  	_ =	shalt  }
0x75: {  	_ =	shalt  }
0x76: {  	_ =	shalt  }
0x77: {  	_ =	shalt  }
0x78: {  	_ =	shalt  }
0x79: {  	_ =	shalt  }
0x7a: {  	_ =	shalt  }
0x7b: {  	_ =	shalt  }
0x7c: {  	_ =	shalt  }
0x7d: {  	_ =	shalt  }
0x7e: {  	_ =	shalt  }
0x7f: {  	_ =	shalt  }
0x80: {  	_ =	shalt  }
0x81: {  	_ =	shalt  }
0x82: {  	_ =	shalt  }
0x83: {  	_ =	shalt  }
0x84: {  	_ =	shalt  }
0x85: {  	_ =	shalt  }
0x86: {  	_ =	shalt  }
0x87: {  	_ =	shalt  }
.Lfunc_end0:
.L_simem_size_0:
called_computation.1_lowered:
.L_overlay_start_0:
0x88: {  	s2 =	sld [smem:$0x3FD9]  }
0x89: {  	s3 =	sld [smem:$0x3FFE];
	_ =	sdelay $0x1  }
0x8a: {  	s1 =	srdreg.scid  }
0x8b: {  	s0 =	sand.u32 $0x1, s1  }
0x8c: {  	s16 =	sshll.u32 s0, $0xA;
	s2 =	sadd.s32 s3, s2  }
0x8d: {  	s2 =	sadd.s32 s2, s16  }
0x8e: {  	[smem:$0x3FC0] =	sst s2  }
0x8f: {  	_ = 	snop  }
0x90: {  	(tm) =	ssettm $0x1  }
0x91: {  	s17 =	sld [smem:$0x3FFB];
	_ =	sdelay $0x3  }
0x92: {  	_ =	strace s17  }
0x93: {  	s2 =	sld [smem:$0x3FFC];
	_ =	sdelay $0x3  }
0x94: {  	_ =	strace s2  }
0x95: {  	s2 =	sld [smem:$0x3FFD];
	_ =	sdelay $0x3  }
0x96: {  	_ =	strace s2  }
0x97: {  	_ =	strace $0x8FFFFFFF  }
0x98: {  	s18 =	sld [smem:$0x3FDB];
	_ =	sdelay $0x1  }
0x99: {  	s19 =	simm.s32 $_scs_section_size  }
0x9a: {  	s4 =	simm.s32 $_size__tile_overlayer_lowered;
	s5 =	simm.s32 $_tile_overlayer_lowered  }
0x9b: {  	s22 =	simm.s32 $0x1BFF;
	s21 =	sshll.u32 s5, $0x1;
	s2 =	sadd.s32 s19, s18  }
0x9c: {  	s6 =	simm.s32 $0x0;
	s20 =	sshll.u32 s4, $0x1;
	s4 =	sadd.s32 s21, s2  }
0x9d: {  	[timem:s6], [sflag:s22] =	dma.local [hbm:s4], s20  }
0x9e: {  	_ =	swait.ge [sflag:s22], s20  }
0x9f: {  	s3 =	ssub.s32 $0x0, s20;
	[sflag:s22] =	ssyncset.done $0x0  }
0xa0: {  	[sflag:s22] =	ssyncadd.s32 s3;
	_ =	sdelay $0x1  }
0xa1: {  	s23 =	simm.s32 $0x1B8B  }
0xa2: {  	_ =	swait.ge [sflag:s23], $0x1  }
0xa3: {  	[sflag:s23] =	ssyncset.done $0x0  }
0xa4: {  	s25 =	simm.s32 $0x1B8E;
	s24 =	sld [smem:$0x3FFE];
	[sflag:s23] =	ssyncadd.s32 $0xFFFFFFFF  }
0xa5: {  	s26 =	simm.s32 $execute0_lowered;
	[smem:$0x3FD2] =	sst s25  }
0xa6: {  	s4 =	sshll.u32 s26, $0x1;
	_ =	strace $0x80000049;
	[dreg:$0x1] =	wrdreg $0xFFFFFFFF  }
0xa7: {  	s28 =	simm.s32 $_size_execute0_lowered;
	s2 =	sadd.s32 s2, s4;
	[dreg:$0x0] =	wrdreg $0x0  }
0xa8: {  	s4 =	sshll.u32 s28, $0x1;
	[dreg:$0x2] =	wrdreg s2  }
0xa9: {  	[dreg:$0x3] =	wrdreg s4  }
0xaa: {  	[dreg:$0x4] =	wrdreg $0xC0  }
0xab: {  	_ =	task [dreg:s6], $0x5FFFF  }
0xac: {  	[dreg:$0x1] =	wrdreg $0xFFFFFFFF  }
0xad: {  	[dreg:$0x0] =	wrdreg $0x60  }
0xae: {  	[dreg:$0x2] =	wrdreg s24  }
0xaf: {  	[dreg:$0x3] =	wrdreg $0x82000  }
0xb0: {  	[dreg:$0x4] =	wrdreg $0x9  }
0xb1: {  	_ =	task.clear_ibuf [dreg:s6], $0x5FFFF;
	_ =	strace $0x90000049  }
0xb2: {  	s29 =	simm.s32 $0x9;
	_ =	strace $0x8000004B  }
0xb3: {  	_ =	swait.ge [sflag:s29], $0x1  }
0xb4: {  	[sflag:s29] =	ssyncadd.s32 $0xFFFFFFFF  }
0xb5: {  	_ =	strace $0x9000004B  }
0xb6: {  	_ =	sfence  }
0xb7: {  	s30 =	sld [smem:$0x0];
	_ =	sdelay $0x2  }
0xb8: {  	s31 =	sshll.u32 s1, $0xD;
	s1 =	sshrl.u32 s1, $0x2  }
0xb9: {  	s3 =	sand.u32 $0x4000, s31;
	s1 =	sadd.s32 s1, s30  }
0xba: {  	s0 =	sor.u32 s3, s0;
	s1 =	sshll.u32 s1, $0x11  }
0xbb: {  	s0 =	sor.u32 s1, s0  }
0xbc: {  	s0 =	sadd.s32 $0x8F2B, s0  }
0xbd: {  	[sflag:s0] =	ssyncadd.remote.s32 $0x1  }
0xbe: {  	_ =	sfence.sel $0xFFFF  }
0xbf: {  	[dreg:$0x0] =	wrdreg $0xFFFFFFFF;
	(pc) =	sbr.abs _section_cstart, $3  }
0xc0: {  	[dreg:$0x1] =	wrdreg $0xFFFFFFFF  }
0xc1: {  	_ =	task.clear_ibuf [dreg:s6], $0x2FFFF;
	_ =	strace $0x9FFFFFFF  }
0xc2: {  	(tm) =	ssettm $0x7FFFFFFF  }
0xc3: {  	_ =	shalt  }
tec
execute0_lowered:
.L_overlay_start_1:
0x0: {  	(tag) =	ssettag $0x1  }
0x1: {  	s0 =	rddreg [dreg:$0x0]  }
0x2: {  	s1 =	rddreg [dreg:$0x1];
	s3 =	simm.s32 $0x0;
	s2 =	srdreg.scid  }
0x3: {  	s15 =	stileid.u32;
	s4 =	simm.s32 $0x7A;
	s28 =	simm.s32 $0x180  }
0x4: {  	s29 =	simm.s32 $0x4200;
	s30 =	simm.s32 $0x0;
	s8 =	smul.u32 $0x14000, s15  }
0x5: {  	[smem:$0x7FF] =	sst s3;
	s2 =	sand.u32 $0x1, s2;
	s18 =	smul.u32 $0x50000, s15  }
0x6: {  	s5 =	sadd.s32 $0x3400, s0;
	s6 =	sadd.s32 $0x5D400, s0;
	s7 =	smul.u32 $0x140000, s2  }
0x7: {  	p0 =	seq.s32 s2, $0x0;
	s9 =	smul.u32 $0x7A0, s2;
	_ =	strace $0x8000004A  }
0x8: {  	s10 =	ssub.s32 $0x2, s2;
	s23 =	smul.u32 $0x7A000, s2;
	s4 =	simm.s32 @!p0 $0x26  }
0x9: {  	s20 =	sshrl.u32 s10, $0x1;
	s16 =	smul.u32 s15, s4;
	s7 =	sadd.s32 s8, s7  }
0xa: {  	s15 =	ssub.s32 s10, s20;
	s24 =	sshll.u32 s4, $0x5;
	s7 =	sshrl.u32 s7, $0x3  }
0xb: {  	s15 =	smax.u32 s15, $0x1;
	s2 =	sadd.s32 $0xFFFFFFC0, s24;
	s24 =	simm.s32 $0x1  }
0xc: {  	s17 =	sadd.s32 s9, s16;
	s0 =	sadd.s32 s7, s0;
	s9 =	sshrl.u32 s18, $0x2  }
0xd: {  	[dreg:$0x4] =	wrdreg s2;
	s19 =	sshll.u32 s17, $0x5;
	s9 =	sadd.s32 s9, s1  }
0xe: {  	s14 =	sadd.s32 $0x71400, s0;
	s17 =	sshll.u32 s16, $0x8;
	s16 =	sadd.s32 $0xFFFFFFFE, s4  }
0xf: {  	s7 =	sadd.s32 s6, s19;
	s22 =	sadd.s32 $0x4000, s9;
	s11 =	sadd.s32 $0x8000, s9  }
0x10: {  	s12 =	sadd.s32 $0xC000, s9;
	s13 =	sadd.s32 $0x10000, s9;
	s0 =	sadd.s32 s23, s17  }
0x11: {  	s17 =	sadd.s32 $0xFFFFFFFD, s4;
	s23 =	simm.s32 $0x5;
	s21 =	sadd.s32 $0x20, s7  }
0x12: {  	[dreg:$0x6] =	wrdreg s22;
	s25 =	sadd.s32 $0x400, s0;
	s18 =	sadd.s32 $0x500, s0  }
0x13: {  	s19 =	sadd.s32 $0x300, s0;
	s22 =	simm.s32 $0x200;
	[dreg:$0x5] =	wrdreg s21  }
0x14: {  	s2 =	sshrl.u32 s25, $0x3;
	s20 =	sshrl.u32 s18, $0x3;
	s19 =	sshrl.u32 s19, $0x3  }
0x15: {  	s25 =	simm.s32 $0x80;
	s2 =	sadd.s32 s2, s6;
	s26 =	sadd.s32 s20, s6  }
0x16: {  	s31 =	sadd.s32 s19, s6;
	s18 =	sadd.s32 $0xFFFFFFC0, s2;
	s19 =	sadd.s32 $0xFFFFFFC0, s26  }
0x17: {  	v0 =	vimm.f32 $0.0e+00;
	[dreg:$0x3] =	wrdreg s31;
	s2 =	sadd.s32 $0x200, s0;
	s26 =	simm.s32 $0x3  }
.LBB2_1:
0x18: {  	s0 =	simm.s32 $0x0  }
0x19: {  	[tilespmem:s0], [sflag:$0x1] =	stream.linear.gather [hbm4b:s7+s0], $0x100, $0x38;
	[tilespmem:$0x1C200] =	vst v63  }
0x1a: {  	s3 =	rddreg [dreg:$0x5];
	s8 =	simm.s32 $0x100  }
0x1b: {  	[tilespmem:s8], [sflag:$0x2] =	stream.linear.gather [hbm4b:s3+s0], $0x100, $0x38;
	[tilespmem:$0x1C200] =	vst v63  }
0x1c: {  	s20 =	simm.s32 $0x200;
	s0 =	simm.s32 $0x0  }
.LBB2_2:
0x1d: {  	p0 =	sne.s32 s20, $0xFE00;
	[tilespmem:s0+$0x270] =	vst v0  }
0x1e: {  	[tilespmem:s0+$0x200] =	vst v0  }
0x1f: {  	[tilespmem:s0+$0x210] =	vst v0  }
.Ltmp0:
0x20: {  	[tilespmem:s0+$0x220] =	vst v0;
	(pc) =	sbr.rel @p0 .LBB2_2-.Ltmp0, $4  }
0x21: {  	[tilespmem:s0+$0x230] =	vst v0  }
0x22: {  	[tilespmem:s0+$0x240] =	vst v0  }
0x23: {  	[tilespmem:s0+$0x250] =	vst v0  }
0x24: {  	[tilespmem:s0+$0x260] =	vst v0;
	s0 =	sshra.s32 s20, $0x2;
	s20 =	sadd.s32 $0x200, s20  }
0x25: {  	[tilespmem:s0+$0x270] =	vst v0  }
0x26: {  	[tilespmem:s0+$0x200] =	vst v0  }
0x27: {  	[tilespmem:s0+$0x210] =	vst v0  }
0x28: {  	[tilespmem:s0+$0x220] =	vst v0  }
0x29: {  	[tilespmem:s0+$0x230] =	vst v0  }
0x2a: {  	[tilespmem:s0+$0x240] =	vst v0  }
0x2b: {  	[tilespmem:s0+$0x250] =	vst v0  }
0x2c: {  	[tilespmem:s0+$0x260] =	vst v0  }
0x2d: {  	[spmem:s9] =	stream.linear.scatter [tilespmem:s22], [sflag:$0x5], $0x4000, $0x38;
	[tilespmem:$0x1C200] =	vst v63  }
0x2e: {  	_ =	swait.ge [sflag:s23], $0x4000  }
0x2f: {  	[sflag:s23] =	ssyncset.done $0x0  }
0x30: {  	s21 =	rddreg [dreg:$0x6];
	[sflag:s23] =	ssyncadd.s32 $0xFFFFC000  }
0x31: {  	[spmem:s21] =	stream.linear.scatter [tilespmem:s22], [sflag:$0x5], $0x4000, $0x38;
	[tilespmem:$0x1C200] =	vst v63  }
0x32: {  	_ =	swait.ge [sflag:s23], $0x4000  }
0x33: {  	[sflag:s23] =	ssyncset.done $0x0  }
0x34: {  	[sflag:s23] =	ssyncadd.s32 $0xFFFFC000  }
0x35: {  	[spmem:s11] =	stream.linear.scatter [tilespmem:s22], [sflag:$0x5], $0x4000, $0x38;
	[tilespmem:$0x1C200] =	vst v63  }
0x36: {  	_ =	swait.ge [sflag:s23], $0x4000  }
0x37: {  	[sflag:s23] =	ssyncset.done $0x0  }
0x38: {  	[sflag:s23] =	ssyncadd.s32 $0xFFFFC000  }
0x39: {  	[spmem:s12] =	stream.linear.scatter [tilespmem:s22], [sflag:$0x5], $0x4000, $0x38;
	[tilespmem:$0x1C200] =	vst v63  }
0x3a: {  	_ =	swait.ge [sflag:s23], $0x4000  }
0x3b: {  	[sflag:s23] =	ssyncset.done $0x0  }
0x3c: {  	[sflag:s23] =	ssyncadd.s32 $0xFFFFC000  }
0x3d: {  	[spmem:s13] =	stream.linear.scatter [tilespmem:s22], [sflag:$0x5], $0x4000, $0x38;
	[tilespmem:$0x1C200] =	vst v63  }
0x3e: {  	_ =	swait.ge [sflag:s23], $0x4000  }
0x3f: {  	[sflag:s23] =	ssyncset.done $0x0  }
0x40: {  	[sflag:s23] =	ssyncadd.s32 $0xFFFFC000  }
0x41: {  	[bflag:$0x0] =	sbarrier.arrive $0xFFFF  }
0x42: {  	_ =	swait.ge [sflag:s24], $0x100  }
0x43: {  	s31 =	simm.s32 $0x0;
	[sflag:s24] =	ssyncset.done $0x0  }
0x44: {  	s20 =	smov.u32 s2;
	s0 =	simm.s32 $0x0;
	[sflag:s24] =	ssyncadd.s32 $0xFFFFFF00  }
0x45: {  	[tilespmem:s22], [sflag:$0x3] =	stream.indirect.gather [hbm4b:s5+s25], $0x80, s31, s25, $0xb8;
	[tilespmem:$0x1C200] =	vst v63  }
.LBB2_4:
0x46: {  	_ =	swait.ge [sflag:s26], $0x4000;
	s21 =	sadd.s32 $0x1, s31  }
0x47: {  	[sflag:s26] =	ssyncset.done $0x0;
	p0 =	sge.u32 s21, s4  }
0x48: {  	[sflag:s26] =	ssyncadd.s32 $0xFFFFC000;
	s21 =	simm.s32 @!p0 $0x2  }
0x49: {  	_ =	swait.ge @!p0 [sflag:s21], $0x100  }
0x4a: {  	s3 =	simm.s32 @!p0 $0x100;
	[sflag:s21] =	ssyncset.done @!p0 $0x0  }
0x4b: {  	s8 =	simm.s32 @!p0 $0x4200;
	[sflag:s21] =	ssyncadd.s32 @!p0 $0xFFFFFF00;
	s21 =	simm.s32 @!p0 $0x80  }
0x4c: {  	[tilespmem:s8], [sflag:$0x4] =	stream.indirect.gather @!p0 [hbm4b:s5+s21], $0x80, s3, s21, $0xb8;
	[tilespmem:$0x1C200] =	vst v63  }
0x4d: {  	_ = 	snop  }
0x4e: {  	[spmem:s1] =	stream.indirect.scatter.add.f32 [tilespmem:s22], [sflag:$0x5], $0x80, s25, s25, $0xb8;
	[tilespmem:$0x1C200] =	vst v63  }
0x4f: {  	_ =	swait.ge [sflag:s23], $0x4000  }
0x50: {  	p0 =	sge.u32 s31, s16;
	[sflag:s23] =	ssyncset.done $0x0  }
0x51: {  	s3 =	simm.s32 @p0 $0x4;
	[sflag:s23] =	ssyncadd.s32 $0xFFFFC000  }
0x52: {  	_ =	swait.ge @p0 [sflag:s3], $0x4000  }
0x53: {  	s8 =	sshrl.u32 @!p0 s20, $0x3;
	[sflag:s3] =	ssyncset.done @p0 $0x0  }
0x54: {  	[sflag:s3] =	ssyncadd.s32 @p0 $0xFFFFC000;
	s3 =	sadd.s32 @!p0 s6, s8;
	s8 =	simm.s32 @!p0 $0x0  }
0x55: {  	[tilespmem:s8], [sflag:$0x1] =	stream.linear.gather @!p0 [hbm4b:s3+s8], $0x100, $0x38;
	[tilespmem:$0x1C200] =	vst v63  }
0x56: {  	s3 =	simm.s32 @!p0 $0x4  }
0x57: {  	_ =	swait.ge @!p0 [sflag:s3], $0x4000  }
0x58: {  	[sflag:s3] =	ssyncset.done @!p0 $0x0  }
0x59: {  	[sflag:s3] =	ssyncadd.s32 @!p0 $0xFFFFC000;
	s3 =	simm.s32 @!p0 $0x1  }
0x5a: {  	_ =	swait.ge @!p0 [sflag:s3], $0x100  }
0x5b: {  	[sflag:s3] =	ssyncset.done @!p0 $0x0  }
0x5c: {  	s21 =	simm.s32 @!p0 $0x200;
	[sflag:s3] =	ssyncadd.s32 @!p0 $0xFFFFFF00;
	s3 =	simm.s32 @!p0 $0x80  }
0x5d: {  	[tilespmem:s21], [sflag:$0x3] =	stream.indirect.gather @!p0 [hbm4b:s5+s3], $0x80, s8, s3, $0xb8;
	[tilespmem:$0x1C200] =	vst v63  }
0x5e: {  	_ = 	snop  }
0x5f: {  	[spmem:s1] =	stream.indirect.scatter.add.f32 [tilespmem:s29], [sflag:$0x5], $0x80, s28, s25, $0xb8;
	[tilespmem:$0x1C200] =	vst v63  }
0x60: {  	p0 =	sge.u32 s31, s17;
	_ =	swait.ge [sflag:s23], $0x4000  }
0x61: {  	s8 =	simm.s32 @!p0 $0x0;
	s3 =	rddreg [dreg:$0x3]  }
0x62: {  	s21 =	simm.s32 @!p0 $0x100;
	[sflag:s23] =	ssyncset.done $0x0;
	s10 =	rddreg [dreg:$0x4]  }
0x63: {  	[sflag:s23] =	ssyncadd.s32 $0xFFFFC000;
	s3 =	sadd.s32 @!p0 s0, s3;
	s0 =	sadd.s32 $0x40, s0  }
0x64: {  	[tilespmem:s21], [sflag:$0x2] =	stream.linear.gather @!p0 [hbm4b:s3+s8], $0x100, $0x38;
	[tilespmem:$0x1C200] =	vst v63  }
0x65: {  	p0 =	sne.s32 s10, s0  }
.Ltmp1:
0x66: {  	_ = 	snop;
	(pc) =	sbr.rel @p0 .LBB2_4-.Ltmp1, $2  }
0x67: {  	_ =	sdelay $0x2  }
0x68: {  	s20 =	sadd.s32 $0x200, s20;
	s31 =	sadd.s32 $0x2, s31  }
0x69: {  	_ =	swait.ge [sflag:s26], $0x4000;
	s3 =	sadd.s32 $0x1, s31  }
0x6a: {  	[sflag:s26] =	ssyncset.done $0x0;
	p0 =	sge.u32 s3, s4  }
0x6b: {  	[sflag:s26] =	ssyncadd.s32 $0xFFFFC000;
	s3 =	simm.s32 @!p0 $0x2  }
0x6c: {  	_ =	swait.ge @!p0 [sflag:s3], $0x100  }
0x6d: {  	s8 =	simm.s32 @!p0 $0x100;
	[sflag:s3] =	ssyncset.done @!p0 $0x0  }
0x6e: {  	s10 =	simm.s32 @!p0 $0x4200;
	[sflag:s3] =	ssyncadd.s32 @!p0 $0xFFFFFF00;
	s3 =	simm.s32 @!p0 $0x80  }
0x6f: {  	[tilespmem:s10], [sflag:$0x4] =	stream.indirect.gather @!p0 [hbm4b:s5+s3], $0x80, s8, s3, $0xb8;
	[tilespmem:$0x1C200] =	vst v63  }
0x70: {  	_ = 	snop  }
0x71: {  	[spmem:s1] =	stream.indirect.scatter.add.f32 [tilespmem:s22], [sflag:$0x5], $0x80, s25, s25, $0xb8;
	[tilespmem:$0x1C200] =	vst v63  }
0x72: {  	_ =	swait.ge [sflag:s23], $0x4000  }
0x73: {  	p0 =	slt.u32 s31, s16;
	[sflag:s23] =	ssyncset.done $0x0  }
0x74: {  	s3 =	sadd.s32 @p0 s0, s18;
	s8 =	simm.s32 @p0 $0x0;
	[sflag:s23] =	ssyncadd.s32 $0xFFFFC000  }
0x75: {  	[tilespmem:s8], [sflag:$0x1] =	stream.linear.gather @p0 [hbm4b:s3+s8], $0x100, $0x38;
	[tilespmem:$0x1C200] =	vst v63  }
0x76: {  	s3 =	simm.s32 @p0 $0x4  }
0x77: {  	_ =	swait.ge @p0 [sflag:s3], $0x4000  }
0x78: {  	[sflag:s3] =	ssyncset.done @p0 $0x0  }
0x79: {  	[sflag:s3] =	ssyncadd.s32 @p0 $0xFFFFC000;
	s3 =	simm.s32 @p0 $0x1  }
0x7a: {  	_ =	swait.ge @p0 [sflag:s3], $0x100  }
0x7b: {  	[sflag:s3] =	ssyncset.done @p0 $0x0  }
0x7c: {  	s10 =	simm.s32 @p0 $0x200;
	[sflag:s3] =	ssyncadd.s32 @p0 $0xFFFFFF00;
	s3 =	simm.s32 @p0 $0x80  }
0x7d: {  	[tilespmem:s10], [sflag:$0x3] =	stream.indirect.gather @p0 [hbm4b:s5+s3], $0x80, s8, s3, $0xb8;
	[tilespmem:$0x1C200] =	vst v63  }
0x7e: {  	s3 =	simm.s32 @!p0 $0x4  }
0x7f: {  	_ =	swait.ge @!p0 [sflag:s3], $0x4000  }
0x80: {  	[sflag:s3] =	ssyncset.done @!p0 $0x0  }
0x81: {  	[sflag:s3] =	ssyncadd.s32 @!p0 $0xFFFFC000  }
0x82: {  	[spmem:s1] =	stream.indirect.scatter.add.f32 [tilespmem:s29], [sflag:$0x5], $0x80, s28, s25, $0xb8;
	[tilespmem:$0x1C200] =	vst v63  }
0x83: {  	s21 =	stileid.u32;
	p0 =	sge.u32 s31, s17;
	_ =	swait.ge [sflag:s23], $0x4000  }
0x84: {  	s30 =	sadd.s32 $0x1, s30;
	s0 =	sadd.s32 @!p0 s0, s19;
	[sflag:s23] =	ssyncset.done $0x0  }
0x85: {  	s3 =	simm.s32 @!p0 $0x0;
	s8 =	simm.s32 @!p0 $0x100;
	[sflag:s23] =	ssyncadd.s32 $0xFFFFC000  }
0x86: {  	[tilespmem:s8], [sflag:$0x2] =	stream.linear.gather @!p0 [hbm4b:s0+s3], $0x100, $0x38;
	[tilespmem:$0x1C200] =	vst v63  }
0x87: {  	s31 =	sshrl.u32 s9, $0x3;
	s0 =	sshll.u32 s21, $0x6;
	p0 =	sne.s32 s30, s15  }
.Ltmp2:
0x88: {  	[bflag:$0x0] =	sbarrier.arrive $0xFFFF;
	s0 =	sor.u32 $0x1C05, s0;
	(pc) =	sbr.rel @p0 .LBB2_1-.Ltmp2, $4  }
0x89: {  	[hbm:s14], [sflag:s0] =	dma.local [spmem:s31], $0x2800  }
0x8a: {  	_ =	swait.ge [sflag:s23], $0x2800  }
0x8b: {  	[sflag:s23] =	ssyncset.done $0x0  }
0x8c: {  	[sflag:s23] =	ssyncadd.s32 $0xFFFFD800  }
0x8d: {  	_ =	sfence.sel $0x180000  }
0x8e: {  	[bflag:$0x0] =	sbarrier.arrive $0xFFFF  }
0x8f: {  	_ =	strace $0x9000004A  }
0x90: {  	s0 =	stileid.u32;
	[bflag:$0x2] =	sbarrier.arrive $0xFFFF  }
0x91: {  	p0 =	sne.s32 s0, $0x0;
	s0 =	rddreg [dreg:$0x2]  }
0x92: {  	s0 =	sadd.s32 @!p0 $0x100000, s0  }
0x93: {  	[sflag:s0] =	ssyncadd.tile.s32 @!p0 $0x1;
	_ =	shalt  }
.Lfunc_end2:
_tile_overlayer_lowered:
.L_overlay_start_2:
0x94: {  	(tag) =	ssettag $0x2  }
0x95: {  	s0 =	rddreg [dreg:$0x0];
	s2 =	stileid.u32  }
0x96: {  	s1 =	rddreg [dreg:$0x1];
	p0 =	sne.s32 s2, $0x0  }
0x97: {  	s3 =	rddreg [dreg:$0x2];
	[bflag:$0x3] =	sbarrier.arrive $0xFFFF;
	s2 =	simm.s32 @!p0 $0x1C05  }
0x98: {  	[timem:s3], [sflag:s2] =	dma.local @!p0 [hbm:s0], s1  }
0x99: {  	s0 =	simm.s32 @!p0 $0x5  }
0x9a: {  	_ =	swait.ge @!p0 [sflag:s0], s1  }
0x9b: {  	s1 =	ssub.s32 @!p0 $0x0, s1;
	[sflag:s0] =	ssyncset.done @!p0 $0x0  }
0x9c: {  	[sflag:s0] =	ssyncadd.s32 @!p0 s1  }
0x9d: {  	[bflag:$0x3] =	sbarrier.arrive $0xFFFF  }
0x9e: {  	_ =	shalt  }

// kernel: kernel.16.cloned.1.call-start
scs
__scs_entry_jumppad:
0x0: {  	(pc) =	sbr.rel $0x88, $3  }
0x1: {  	(tag) =	ssettag $0x0;
	lr =	simm.s32 $0x1  }
0x2: {  	[smem:$0x3F99] =	sst lr;
	_ =	strace $0xD0000000  }
0x3: {  	_ = 	snop  }
0x4: {  	_ = 	snop  }
0x5: {  	_ = 	snop  }
0x6: {  	_ = 	snop  }
0x7: {  	_ = 	snop  }
__scs_overlays_trampoline_lowered:
0x8: {  	[smem:$0x3FA8] =	sst s0  }
0x9: {  	[smem:$0x3FA9] =	sst s1  }
0xa: {  	[smem:$0x3FAA] =	sst s2  }
0xb: {  	[smem:$0x3FAB] =	sst s3  }
0xc: {  	[smem:$0x3FAC] =	sst s4  }
0xd: {  	[smem:$0x3FAD] =	sst s5  }
0xe: {  	[smem:$0x3FAE] =	sst s6  }
0xf: {  	[smem:$0x3FAF] =	sst s7  }
0x10: {  	[smem:$0x3FB0] =	sst s8  }
0x11: {  	[smem:$0x3FB1] =	sst s9;
	s0 =	simm.s32 @!p0 $0x0  }
0x12: {  	s1 =	sld [smem:$0x3F97];
	s0 =	simm.s32 @p0 $0x1  }
0x13: {  	[smem:$0x3FB2] =	sst s0;
	s0 =	simm.s32 @!p1 $0x0  }
0x14: {  	s2 =	sld [smem:$0x3F96];
	s0 =	simm.s32 @p1 $0x1  }
0x15: {  	[smem:$0x3FB3] =	sst s0;
	s0 =	simm.s32 @!p2 $0x0  }
0x16: {  	s3 =	sld [smem:$0x3FDB];
	s0 =	simm.s32 @p2 $0x1  }
0x17: {  	s4 =	simm.s32 $0x1BF5;
	[smem:$0x3FB5] =	sst s0  }
0x18: {  	s0 =	sld [smem:$0x3F98];
	_ =	swait.ge [sflag:s4], $0x0  }
0x19: {  	s7 =	sld [smem:$0x3F99]  }
0x1a: {  	s8 =	sadd.s32 $0xFFFFE003, lr  }
0x1b: {  	s9 =	sadd.s32 $0xFFFFFEF7, lr;
	s5 =	simm.s32 $0xFFFFFFFF;
	p2 =	slt.u32 s8, $0xFFFFF086  }
0x1c: {  	p1 =	slt.u32 s9, $0xF7A;
	s5 =	simm.s32 @!p2 $0x0  }
0x1d: {  	s5 =	simm.s32 @p1 $0x1;
	p0 =	seq.s32 s7, s2  }
0x1e: {  	s7 =	smul.u32 @!p0 $0xF7A, s2;
	p2 =	seq.s32 @!p0 s5, $0x0  }
0x1f: {  	s9 =	smul.u32 $0xF7A, s1;
	s8 =	simm.s32 @!p0 $0x1BF5;
	p2 =	por !p2, p0  }
0x20: {  	[sflag:s8] =	ssyncset.s32 @!p0 $0xFFFFF086;
	s6 =	sadd.s32 @!p0 s3, s7;
	s7 =	simm.s32 @!p0 $0x108  }
0x21: {  	s3 =	sadd.s32 s3, s9;
	s6 =	sadd.s32 @!p0 $0x88, s6;
	s7 =	simm.s32 @p2 $0x1082  }
0x22: {  	[simem:s7], [sflag:s8] =	dma.local @!p0 [hbm:s6], $0xF7A  }
0x23: {  	s9 =	sor.u32 $0xD0000000, s2;
	s6 =	simm.s32 $0x108;
	_ =	swait.ge @!p0 [sflag:s8], $0x0  }
0x24: {  	s3 =	sadd.s32 $0x88, s3;
	s6 =	simm.s32 @!p1 $0x1082;
	[sflag:s4] =	ssyncset.s32 $0xFFFFF086  }
0x25: {  	[simem:s6], [sflag:s4] =	dma.local [hbm:s3], $0xF7A  }
0x26: {  	[smem:$0x3F99] =	sst s1;
	(tag) =	ssettag s2;
	_ =	strace s9  }
0x27: {  	s1 =	sld [smem:$0x3FA9]  }
0x28: {  	s2 =	sld [smem:$0x3FAA]  }
0x29: {  	s4 =	sld [smem:$0x3FAC]  }
0x2a: {  	p0 =	seq.s32 s5, $0x0;
	s5 =	sld [smem:$0x3FAD]  }
0x2b: {  	s6 =	sld [smem:$0x3FAE]  }
0x2c: {  	s7 =	sld [smem:$0x3FAF]  }
0x2d: {  	s3 =	simm.s32 $0x108;
	s8 =	sld [smem:$0x3FB0]  }
0x2e: {  	s3 =	simm.s32 @!p0 $0x1082;
	s9 =	sld [smem:$0x3FB1]  }
0x2f: {  	lr =	sadd.s32 s0, s3;
	s0 =	sld [smem:$0x3FA8]  }
0x30: {  	s3 =	sld [smem:$0x3FAB]  }
0x31: {  	[smem:$0x3FB4] =	sst s10  }
0x32: {  	s10 =	sld [smem:$0x3FB2];
	_ =	sdelay $0x3  }
0x33: {  	p0 =	seq.s32 s10, $0x1;
	s10 =	sld [smem:$0x3FB4];
	_ =	sdelay $0x3  }
0x34: {  	[smem:$0x3FB4] =	sst s10  }
0x35: {  	s10 =	sld [smem:$0x3FB3];
	_ =	sdelay $0x3  }
0x36: {  	p1 =	seq.s32 s10, $0x1;
	s10 =	sld [smem:$0x3FB4];
	_ =	sdelay $0x3  }
0x37: {  	[smem:$0x3FB4] =	sst s10  }
0x38: {  	s10 =	sld [smem:$0x3FB5]  }
0x39: {  	_ = 	snop;
	(pc) =	sbr.ind lr, $3  }
0x3a: {  	_ = 	snop  }
0x3b: {  	_ = 	snop  }
0x3c: {  	p2 =	seq.s32 s10, $0x1;
	s10 =	sld [smem:$0x3FB4]  }
0x3d: {  	_ =	shalt  }
0x3e: {  	_ =	shalt  }
0x3f: {  	_ =	shalt  }
0x40: {  	_ =	shalt  }
0x41: {  	_ =	shalt  }
0x42: {  	_ =	shalt  }
0x43: {  	_ =	shalt  }
0x44: {  	_ =	shalt  }
0x45: {  	_ =	shalt  }
0x46: {  	_ =	shalt  }
0x47: {  	_ =	shalt  }
0x48: {  	_ =	shalt  }
0x49: {  	_ =	shalt  }
0x4a: {  	_ =	shalt  }
0x4b: {  	_ =	shalt  }
0x4c: {  	_ =	shalt  }
0x4d: {  	_ =	shalt  }
0x4e: {  	_ =	shalt  }
0x4f: {  	_ =	shalt  }
0x50: {  	_ =	shalt  }
0x51: {  	_ =	shalt  }
0x52: {  	_ =	shalt  }
0x53: {  	_ =	shalt  }
0x54: {  	_ =	shalt  }
0x55: {  	_ =	shalt  }
0x56: {  	_ =	shalt  }
0x57: {  	_ =	shalt  }
0x58: {  	_ =	shalt  }
0x59: {  	_ =	shalt  }
0x5a: {  	_ =	shalt  }
0x5b: {  	_ =	shalt  }
0x5c: {  	_ =	shalt  }
0x5d: {  	_ =	shalt  }
0x5e: {  	_ =	shalt  }
0x5f: {  	_ =	shalt  }
0x60: {  	_ =	shalt  }
0x61: {  	_ =	shalt  }
0x62: {  	_ =	shalt  }
0x63: {  	_ =	shalt  }
0x64: {  	_ =	shalt  }
0x65: {  	_ =	shalt  }
0x66: {  	_ =	shalt  }
0x67: {  	_ =	shalt  }
0x68: {  	_ =	shalt  }
0x69: {  	_ =	shalt  }
0x6a: {  	_ =	shalt  }
0x6b: {  	_ =	shalt  }
0x6c: {  	_ =	shalt  }
0x6d: {  	_ =	shalt  }
0x6e: {  	_ =	shalt  }
0x6f: {  	_ =	shalt  }
0x70: {  	_ =	shalt  }
0x71: {  	_ =	shalt  }
0x72: {  	_ =	shalt  }
0x73: {  	_ =	shalt  }
0x74: {  	_ =	shalt  }
0x75: {  	_ =	shalt  }
0x76: {  	_ =	shalt  }
0x77: {  	_ =	shalt  }
0x78: {  	_ =	shalt  }
0x79: {  	_ =	shalt  }
0x7a: {  	_ =	shalt  }
0x7b: {  	_ =	shalt  }
0x7c: {  	_ =	shalt  }
0x7d: {  	_ =	shalt  }
0x7e: {  	_ =	shalt  }
0x7f: {  	_ =	shalt  }
0x80: {  	_ =	shalt  }
0x81: {  	_ =	shalt  }
0x82: {  	_ =	shalt  }
0x83: {  	_ =	shalt  }
0x84: {  	_ =	shalt  }
0x85: {  	_ =	shalt  }
0x86: {  	_ =	shalt  }
0x87: {  	_ =	shalt  }
.Lfunc_end0:
.L_simem_size_0:
called_computation.2_lowered:
.L_overlay_start_0:
0x88: {  	s2 =	sld [smem:$0x3FD9]  }
0x89: {  	s3 =	sld [smem:$0x3FFE];
	_ =	sdelay $0x1  }
0x8a: {  	s1 =	srdreg.scid  }
0x8b: {  	s0 =	sand.u32 $0x1, s1  }
0x8c: {  	s16 =	sshll.u32 s0, $0xA;
	s2 =	sadd.s32 s3, s2  }
0x8d: {  	s2 =	sadd.s32 s2, s16  }
0x8e: {  	[smem:$0x3FC0] =	sst s2  }
0x8f: {  	_ = 	snop  }
0x90: {  	(tm) =	ssettm $0x1  }
0x91: {  	s17 =	sld [smem:$0x3FFB];
	_ =	sdelay $0x3  }
0x92: {  	_ =	strace s17  }
0x93: {  	s2 =	sld [smem:$0x3FFC];
	_ =	sdelay $0x3  }
0x94: {  	_ =	strace s2  }
0x95: {  	s2 =	sld [smem:$0x3FFD];
	_ =	sdelay $0x3  }
0x96: {  	_ =	strace s2  }
0x97: {  	_ =	strace $0x8FFFFFFF  }
0x98: {  	s18 =	sld [smem:$0x3FDB];
	_ =	sdelay $0x1  }
0x99: {  	s19 =	simm.s32 $_scs_section_size  }
0x9a: {  	s4 =	simm.s32 $_size__tile_overlayer_lowered;
	s5 =	simm.s32 $_tile_overlayer_lowered  }
0x9b: {  	s22 =	simm.s32 $0x1BFF;
	s21 =	sshll.u32 s5, $0x1;
	s2 =	sadd.s32 s19, s18  }
0x9c: {  	s6 =	simm.s32 $0x0;
	s20 =	sshll.u32 s4, $0x1;
	s4 =	sadd.s32 s21, s2  }
0x9d: {  	[timem:s6], [sflag:s22] =	dma.local [hbm:s4], s20  }
0x9e: {  	_ =	swait.ge [sflag:s22], s20  }
0x9f: {  	s3 =	ssub.s32 $0x0, s20;
	[sflag:s22] =	ssyncset.done $0x0  }
0xa0: {  	[sflag:s22] =	ssyncadd.s32 s3;
	_ =	sdelay $0x1  }
0xa1: {  	s23 =	simm.s32 $0x1B8B  }
0xa2: {  	_ =	swait.ge [sflag:s23], $0x1  }
0xa3: {  	[sflag:s23] =	ssyncset.done $0x0  }
0xa4: {  	s25 =	simm.s32 $0x1B8E;
	s24 =	sld [smem:$0x3FFE];
	[sflag:s23] =	ssyncadd.s32 $0xFFFFFFFF  }
0xa5: {  	s26 =	simm.s32 $execute0_lowered;
	[smem:$0x3FD2] =	sst s25  }
0xa6: {  	s4 =	sshll.u32 s26, $0x1;
	_ =	strace $0x8000004C;
	[dreg:$0x1] =	wrdreg $0xFFFFFFFF  }
0xa7: {  	s28 =	simm.s32 $_size_execute0_lowered;
	s2 =	sadd.s32 s2, s4;
	[dreg:$0x0] =	wrdreg $0x0  }
0xa8: {  	s4 =	sshll.u32 s28, $0x1;
	[dreg:$0x2] =	wrdreg s2  }
0xa9: {  	[dreg:$0x3] =	wrdreg s4  }
0xaa: {  	[dreg:$0x4] =	wrdreg $0xC0  }
0xab: {  	_ =	task [dreg:s6], $0x5FFFF  }
0xac: {  	[dreg:$0x1] =	wrdreg $0xFFFFFFFF  }
0xad: {  	[dreg:$0x0] =	wrdreg $0x60  }
0xae: {  	[dreg:$0x2] =	wrdreg s24  }
0xaf: {  	[dreg:$0x3] =	wrdreg $0x82000  }
0xb0: {  	[dreg:$0x4] =	wrdreg $0x9  }
0xb1: {  	_ =	task.clear_ibuf [dreg:s6], $0x5FFFF;
	_ =	strace $0x9000004C  }
0xb2: {  	s29 =	simm.s32 $0x9;
	_ =	strace $0x8000004E  }
0xb3: {  	_ =	swait.ge [sflag:s29], $0x1  }
0xb4: {  	[sflag:s29] =	ssyncadd.s32 $0xFFFFFFFF  }
0xb5: {  	_ =	strace $0x9000004E  }
0xb6: {  	_ =	sfence  }
0xb7: {  	s30 =	sld [smem:$0x0];
	_ =	sdelay $0x2  }
0xb8: {  	s31 =	sshll.u32 s1, $0xD;
	s1 =	sshrl.u32 s1, $0x2  }
0xb9: {  	s3 =	sand.u32 $0x4000, s31;
	s1 =	sadd.s32 s1, s30  }
0xba: {  	s0 =	sor.u32 s3, s0;
	s1 =	sshll.u32 s1, $0x11  }
0xbb: {  	s0 =	sor.u32 s1, s0  }
0xbc: {  	s0 =	sadd.s32 $0x8F2B, s0  }
0xbd: {  	[sflag:s0] =	ssyncadd.remote.s32 $0x1  }
0xbe: {  	_ =	sfence.sel $0xFFFF  }
0xbf: {  	[dreg:$0x0] =	wrdreg $0xFFFFFFFF;
	(pc) =	sbr.abs _section_cstart, $3  }
0xc0: {  	[dreg:$0x1] =	wrdreg $0xFFFFFFFF  }
0xc1: {  	_ =	task.clear_ibuf [dreg:s6], $0x2FFFF;
	_ =	strace $0x9FFFFFFF  }
0xc2: {  	(tm) =	ssettm $0x7FFFFFFF  }
0xc3: {  	_ =	shalt  }
tec
execute0_lowered:
.L_overlay_start_1:
0x0: {  	(tag) =	ssettag $0x1  }
0x1: {  	s0 =	rddreg [dreg:$0x0]  }
0x2: {  	s1 =	rddreg [dreg:$0x1];
	s3 =	simm.s32 $0x0;
	s2 =	srdreg.scid  }
0x3: {  	s15 =	stileid.u32;
	s4 =	simm.s32 $0x7A;
	s28 =	simm.s32 $0x180  }
0x4: {  	s29 =	simm.s32 $0x4200;
	s30 =	simm.s32 $0x0;
	s8 =	smul.u32 $0x14000, s15  }
0x5: {  	[smem:$0x7FF] =	sst s3;
	s2 =	sand.u32 $0x1, s2;
	s18 =	smul.u32 $0x50000, s15  }
0x6: {  	s5 =	sadd.s32 $0x3400, s0;
	s6 =	sadd.s32 $0x5D400, s0;
	s7 =	smul.u32 $0x140000, s2  }
0x7: {  	p0 =	seq.s32 s2, $0x0;
	s9 =	smul.u32 $0x7A0, s2;
	_ =	strace $0x8000004D  }
0x8: {  	s10 =	ssub.s32 $0x2, s2;
	s23 =	smul.u32 $0x7A000, s2;
	s4 =	simm.s32 @!p0 $0x26  }
0x9: {  	s20 =	sshrl.u32 s10, $0x1;
	s16 =	smul.u32 s15, s4;
	s7 =	sadd.s32 s8, s7  }
0xa: {  	s15 =	ssub.s32 s10, s20;
	s24 =	sshll.u32 s4, $0x5;
	s7 =	sshrl.u32 s7, $0x3  }
0xb: {  	s15 =	smax.u32 s15, $0x1;
	s2 =	sadd.s32 $0xFFFFFFC0, s24;
	s24 =	simm.s32 $0x1  }
0xc: {  	s17 =	sadd.s32 s9, s16;
	s0 =	sadd.s32 s7, s0;
	s9 =	sshrl.u32 s18, $0x2  }
0xd: {  	[dreg:$0x4] =	wrdreg s2;
	s19 =	sshll.u32 s17, $0x5;
	s9 =	sadd.s32 s9, s1  }
0xe: {  	s14 =	sadd.s32 $0x71400, s0;
	s17 =	sshll.u32 s16, $0x8;
	s16 =	sadd.s32 $0xFFFFFFFE, s4  }
0xf: {  	s7 =	sadd.s32 s6, s19;
	s22 =	sadd.s32 $0x4000, s9;
	s11 =	sadd.s32 $0x8000, s9  }
0x10: {  	s12 =	sadd.s32 $0xC000, s9;
	s13 =	sadd.s32 $0x10000, s9;
	s0 =	sadd.s32 s23, s17  }
0x11: {  	s17 =	sadd.s32 $0xFFFFFFFD, s4;
	s23 =	simm.s32 $0x5;
	s21 =	sadd.s32 $0x20, s7  }
0x12: {  	[dreg:$0x6] =	wrdreg s22;
	s25 =	sadd.s32 $0x400, s0;
	s18 =	sadd.s32 $0x500, s0  }
0x13: {  	s19 =	sadd.s32 $0x300, s0;
	s22 =	simm.s32 $0x200;
	[dreg:$0x5] =	wrdreg s21  }
0x14: {  	s2 =	sshrl.u32 s25, $0x3;
	s20 =	sshrl.u32 s18, $0x3;
	s19 =	sshrl.u32 s19, $0x3  }
0x15: {  	s25 =	simm.s32 $0x80;
	s2 =	sadd.s32 s2, s6;
	s26 =	sadd.s32 s20, s6  }
0x16: {  	s31 =	sadd.s32 s19, s6;
	s18 =	sadd.s32 $0xFFFFFFC0, s2;
	s19 =	sadd.s32 $0xFFFFFFC0, s26  }
0x17: {  	v0 =	vimm.f32 $0.0e+00;
	[dreg:$0x3] =	wrdreg s31;
	s2 =	sadd.s32 $0x200, s0;
	s26 =	simm.s32 $0x3  }
.LBB2_1:
0x18: {  	s0 =	simm.s32 $0x0  }
0x19: {  	[tilespmem:s0], [sflag:$0x1] =	stream.linear.gather [hbm4b:s7+s0], $0x100, $0x38;
	[tilespmem:$0x1C200] =	vst v63  }
0x1a: {  	s3 =	rddreg [dreg:$0x5];
	s8 =	simm.s32 $0x100  }
0x1b: {  	[tilespmem:s8], [sflag:$0x2] =	stream.linear.gather [hbm4b:s3+s0], $0x100, $0x38;
	[tilespmem:$0x1C200] =	vst v63  }
0x1c: {  	s20 =	simm.s32 $0x200;
	s0 =	simm.s32 $0x0  }
.LBB2_2:
0x1d: {  	p0 =	sne.s32 s20, $0xFE00;
	[tilespmem:s0+$0x270] =	vst v0  }
0x1e: {  	[tilespmem:s0+$0x200] =	vst v0  }
0x1f: {  	[tilespmem:s0+$0x210] =	vst v0  }
.Ltmp0:
0x20: {  	[tilespmem:s0+$0x220] =	vst v0;
	(pc) =	sbr.rel @p0 .LBB2_2-.Ltmp0, $4  }
0x21: {  	[tilespmem:s0+$0x230] =	vst v0  }
0x22: {  	[tilespmem:s0+$0x240] =	vst v0  }
0x23: {  	[tilespmem:s0+$0x250] =	vst v0  }
0x24: {  	[tilespmem:s0+$0x260] =	vst v0;
	s0 =	sshra.s32 s20, $0x2;
	s20 =	sadd.s32 $0x200, s20  }
0x25: {  	[tilespmem:s0+$0x270] =	vst v0  }
0x26: {  	[tilespmem:s0+$0x200] =	vst v0  }
0x27: {  	[tilespmem:s0+$0x210] =	vst v0  }
0x28: {  	[tilespmem:s0+$0x220] =	vst v0  }
0x29: {  	[tilespmem:s0+$0x230] =	vst v0  }
0x2a: {  	[tilespmem:s0+$0x240] =	vst v0  }
0x2b: {  	[tilespmem:s0+$0x250] =	vst v0  }
0x2c: {  	[tilespmem:s0+$0x260] =	vst v0  }
0x2d: {  	[spmem:s9] =	stream.linear.scatter [tilespmem:s22], [sflag:$0x5], $0x4000, $0x38;
	[tilespmem:$0x1C200] =	vst v63  }
0x2e: {  	_ =	swait.ge [sflag:s23], $0x4000  }
0x2f: {  	[sflag:s23] =	ssyncset.done $0x0  }
0x30: {  	s21 =	rddreg [dreg:$0x6];
	[sflag:s23] =	ssyncadd.s32 $0xFFFFC000  }
0x31: {  	[spmem:s21] =	stream.linear.scatter [tilespmem:s22], [sflag:$0x5], $0x4000, $0x38;
	[tilespmem:$0x1C200] =	vst v63  }
0x32: {  	_ =	swait.ge [sflag:s23], $0x4000  }
0x33: {  	[sflag:s23] =	ssyncset.done $0x0  }
0x34: {  	[sflag:s23] =	ssyncadd.s32 $0xFFFFC000  }
0x35: {  	[spmem:s11] =	stream.linear.scatter [tilespmem:s22], [sflag:$0x5], $0x4000, $0x38;
	[tilespmem:$0x1C200] =	vst v63  }
0x36: {  	_ =	swait.ge [sflag:s23], $0x4000  }
0x37: {  	[sflag:s23] =	ssyncset.done $0x0  }
0x38: {  	[sflag:s23] =	ssyncadd.s32 $0xFFFFC000  }
0x39: {  	[spmem:s12] =	stream.linear.scatter [tilespmem:s22], [sflag:$0x5], $0x4000, $0x38;
	[tilespmem:$0x1C200] =	vst v63  }
0x3a: {  	_ =	swait.ge [sflag:s23], $0x4000  }
0x3b: {  	[sflag:s23] =	ssyncset.done $0x0  }
0x3c: {  	[sflag:s23] =	ssyncadd.s32 $0xFFFFC000  }
0x3d: {  	[spmem:s13] =	stream.linear.scatter [tilespmem:s22], [sflag:$0x5], $0x4000, $0x38;
	[tilespmem:$0x1C200] =	vst v63  }
0x3e: {  	_ =	swait.ge [sflag:s23], $0x4000  }
0x3f: {  	[sflag:s23] =	ssyncset.done $0x0  }
0x40: {  	[sflag:s23] =	ssyncadd.s32 $0xFFFFC000  }
0x41: {  	[bflag:$0x0] =	sbarrier.arrive $0xFFFF  }
0x42: {  	_ =	swait.ge [sflag:s24], $0x100  }
0x43: {  	s31 =	simm.s32 $0x0;
	[sflag:s24] =	ssyncset.done $0x0  }
0x44: {  	s20 =	smov.u32 s2;
	s0 =	simm.s32 $0x0;
	[sflag:s24] =	ssyncadd.s32 $0xFFFFFF00  }
0x45: {  	[tilespmem:s22], [sflag:$0x3] =	stream.indirect.gather [hbm4b:s5+s25], $0x80, s31, s25, $0xb8;
	[tilespmem:$0x1C200] =	vst v63  }
.LBB2_4:
0x46: {  	_ =	swait.ge [sflag:s26], $0x4000;
	s21 =	sadd.s32 $0x1, s31  }
0x47: {  	[sflag:s26] =	ssyncset.done $0x0;
	p0 =	sge.u32 s21, s4  }
0x48: {  	[sflag:s26] =	ssyncadd.s32 $0xFFFFC000;
	s21 =	simm.s32 @!p0 $0x2  }
0x49: {  	_ =	swait.ge @!p0 [sflag:s21], $0x100  }
0x4a: {  	s3 =	simm.s32 @!p0 $0x100;
	[sflag:s21] =	ssyncset.done @!p0 $0x0  }
0x4b: {  	s8 =	simm.s32 @!p0 $0x4200;
	[sflag:s21] =	ssyncadd.s32 @!p0 $0xFFFFFF00;
	s21 =	simm.s32 @!p0 $0x80  }
0x4c: {  	[tilespmem:s8], [sflag:$0x4] =	stream.indirect.gather @!p0 [hbm4b:s5+s21], $0x80, s3, s21, $0xb8;
	[tilespmem:$0x1C200] =	vst v63  }
0x4d: {  	_ = 	snop  }
0x4e: {  	[spmem:s1] =	stream.indirect.scatter.add.f32 [tilespmem:s22], [sflag:$0x5], $0x80, s25, s25, $0xb8;
	[tilespmem:$0x1C200] =	vst v63  }
0x4f: {  	_ =	swait.ge [sflag:s23], $0x4000  }
0x50: {  	p0 =	sge.u32 s31, s16;
	[sflag:s23] =	ssyncset.done $0x0  }
0x51: {  	s3 =	simm.s32 @p0 $0x4;
	[sflag:s23] =	ssyncadd.s32 $0xFFFFC000  }
0x52: {  	_ =	swait.ge @p0 [sflag:s3], $0x4000  }
0x53: {  	s8 =	sshrl.u32 @!p0 s20, $0x3;
	[sflag:s3] =	ssyncset.done @p0 $0x0  }
0x54: {  	[sflag:s3] =	ssyncadd.s32 @p0 $0xFFFFC000;
	s3 =	sadd.s32 @!p0 s6, s8;
	s8 =	simm.s32 @!p0 $0x0  }
0x55: {  	[tilespmem:s8], [sflag:$0x1] =	stream.linear.gather @!p0 [hbm4b:s3+s8], $0x100, $0x38;
	[tilespmem:$0x1C200] =	vst v63  }
0x56: {  	s3 =	simm.s32 @!p0 $0x4  }
0x57: {  	_ =	swait.ge @!p0 [sflag:s3], $0x4000  }
0x58: {  	[sflag:s3] =	ssyncset.done @!p0 $0x0  }
0x59: {  	[sflag:s3] =	ssyncadd.s32 @!p0 $0xFFFFC000;
	s3 =	simm.s32 @!p0 $0x1  }
0x5a: {  	_ =	swait.ge @!p0 [sflag:s3], $0x100  }
0x5b: {  	[sflag:s3] =	ssyncset.done @!p0 $0x0  }
0x5c: {  	s21 =	simm.s32 @!p0 $0x200;
	[sflag:s3] =	ssyncadd.s32 @!p0 $0xFFFFFF00;
	s3 =	simm.s32 @!p0 $0x80  }
0x5d: {  	[tilespmem:s21], [sflag:$0x3] =	stream.indirect.gather @!p0 [hbm4b:s5+s3], $0x80, s8, s3, $0xb8;
	[tilespmem:$0x1C200] =	vst v63  }
0x5e: {  	_ = 	snop  }
0x5f: {  	[spmem:s1] =	stream.indirect.scatter.add.f32 [tilespmem:s29], [sflag:$0x5], $0x80, s28, s25, $0xb8;
	[tilespmem:$0x1C200] =	vst v63  }
0x60: {  	p0 =	sge.u32 s31, s17;
	_ =	swait.ge [sflag:s23], $0x4000  }
0x61: {  	s8 =	simm.s32 @!p0 $0x0;
	s3 =	rddreg [dreg:$0x3]  }
0x62: {  	s21 =	simm.s32 @!p0 $0x100;
	[sflag:s23] =	ssyncset.done $0x0;
	s10 =	rddreg [dreg:$0x4]  }
0x63: {  	[sflag:s23] =	ssyncadd.s32 $0xFFFFC000;
	s3 =	sadd.s32 @!p0 s0, s3;
	s0 =	sadd.s32 $0x40, s0  }
0x64: {  	[tilespmem:s21], [sflag:$0x2] =	stream.linear.gather @!p0 [hbm4b:s3+s8], $0x100, $0x38;
	[tilespmem:$0x1C200] =	vst v63  }
0x65: {  	p0 =	sne.s32 s10, s0  }
.Ltmp1:
0x66: {  	_ = 	snop;
	(pc) =	sbr.rel @p0 .LBB2_4-.Ltmp1, $2  }
0x67: {  	_ =	sdelay $0x2  }
0x68: {  	s20 =	sadd.s32 $0x200, s20;
	s31 =	sadd.s32 $0x2, s31  }
0x69: {  	_ =	swait.ge [sflag:s26], $0x4000;
	s3 =	sadd.s32 $0x1, s31  }
0x6a: {  	[sflag:s26] =	ssyncset.done $0x0;
	p0 =	sge.u32 s3, s4  }
0x6b: {  	[sflag:s26] =	ssyncadd.s32 $0xFFFFC000;
	s3 =	simm.s32 @!p0 $0x2  }
0x6c: {  	_ =	swait.ge @!p0 [sflag:s3], $0x100  }
0x6d: {  	s8 =	simm.s32 @!p0 $0x100;
	[sflag:s3] =	ssyncset.done @!p0 $0x0  }
0x6e: {  	s10 =	simm.s32 @!p0 $0x4200;
	[sflag:s3] =	ssyncadd.s32 @!p0 $0xFFFFFF00;
	s3 =	simm.s32 @!p0 $0x80  }
0x6f: {  	[tilespmem:s10], [sflag:$0x4] =	stream.indirect.gather @!p0 [hbm4b:s5+s3], $0x80, s8, s3, $0xb8;
	[tilespmem:$0x1C200] =	vst v63  }
0x70: {  	_ = 	snop  }
0x71: {  	[spmem:s1] =	stream.indirect.scatter.add.f32 [tilespmem:s22], [sflag:$0x5], $0x80, s25, s25, $0xb8;
	[tilespmem:$0x1C200] =	vst v63  }
0x72: {  	_ =	swait.ge [sflag:s23], $0x4000  }
0x73: {  	p0 =	slt.u32 s31, s16;
	[sflag:s23] =	ssyncset.done $0x0  }
0x74: {  	s3 =	sadd.s32 @p0 s0, s18;
	s8 =	simm.s32 @p0 $0x0;
	[sflag:s23] =	ssyncadd.s32 $0xFFFFC000  }
0x75: {  	[tilespmem:s8], [sflag:$0x1] =	stream.linear.gather @p0 [hbm4b:s3+s8], $0x100, $0x38;
	[tilespmem:$0x1C200] =	vst v63  }
0x76: {  	s3 =	simm.s32 @p0 $0x4  }
0x77: {  	_ =	swait.ge @p0 [sflag:s3], $0x4000  }
0x78: {  	[sflag:s3] =	ssyncset.done @p0 $0x0  }
0x79: {  	[sflag:s3] =	ssyncadd.s32 @p0 $0xFFFFC000;
	s3 =	simm.s32 @p0 $0x1  }
0x7a: {  	_ =	swait.ge @p0 [sflag:s3], $0x100  }
0x7b: {  	[sflag:s3] =	ssyncset.done @p0 $0x0  }
0x7c: {  	s10 =	simm.s32 @p0 $0x200;
	[sflag:s3] =	ssyncadd.s32 @p0 $0xFFFFFF00;
	s3 =	simm.s32 @p0 $0x80  }
0x7d: {  	[tilespmem:s10], [sflag:$0x3] =	stream.indirect.gather @p0 [hbm4b:s5+s3], $0x80, s8, s3, $0xb8;
	[tilespmem:$0x1C200] =	vst v63  }
0x7e: {  	s3 =	simm.s32 @!p0 $0x4  }
0x7f: {  	_ =	swait.ge @!p0 [sflag:s3], $0x4000  }
0x80: {  	[sflag:s3] =	ssyncset.done @!p0 $0x0  }
0x81: {  	[sflag:s3] =	ssyncadd.s32 @!p0 $0xFFFFC000  }
0x82: {  	[spmem:s1] =	stream.indirect.scatter.add.f32 [tilespmem:s29], [sflag:$0x5], $0x80, s28, s25, $0xb8;
	[tilespmem:$0x1C200] =	vst v63  }
0x83: {  	s21 =	stileid.u32;
	p0 =	sge.u32 s31, s17;
	_ =	swait.ge [sflag:s23], $0x4000  }
0x84: {  	s30 =	sadd.s32 $0x1, s30;
	s0 =	sadd.s32 @!p0 s0, s19;
	[sflag:s23] =	ssyncset.done $0x0  }
0x85: {  	s3 =	simm.s32 @!p0 $0x0;
	s8 =	simm.s32 @!p0 $0x100;
	[sflag:s23] =	ssyncadd.s32 $0xFFFFC000  }
0x86: {  	[tilespmem:s8], [sflag:$0x2] =	stream.linear.gather @!p0 [hbm4b:s0+s3], $0x100, $0x38;
	[tilespmem:$0x1C200] =	vst v63  }
0x87: {  	s31 =	sshrl.u32 s9, $0x3;
	s0 =	sshll.u32 s21, $0x6;
	p0 =	sne.s32 s30, s15  }
.Ltmp2:
0x88: {  	[bflag:$0x0] =	sbarrier.arrive $0xFFFF;
	s0 =	sor.u32 $0x1C05, s0;
	(pc) =	sbr.rel @p0 .LBB2_1-.Ltmp2, $4  }
0x89: {  	[hbm:s14], [sflag:s0] =	dma.local [spmem:s31], $0x2800  }
0x8a: {  	_ =	swait.ge [sflag:s23], $0x2800  }
0x8b: {  	[sflag:s23] =	ssyncset.done $0x0  }
0x8c: {  	[sflag:s23] =	ssyncadd.s32 $0xFFFFD800  }
0x8d: {  	_ =	sfence.sel $0x180000  }
0x8e: {  	[bflag:$0x0] =	sbarrier.arrive $0xFFFF  }
0x8f: {  	_ =	strace $0x9000004D  }
0x90: {  	s0 =	stileid.u32;
	[bflag:$0x2] =	sbarrier.arrive $0xFFFF  }
0x91: {  	p0 =	sne.s32 s0, $0x0;
	s0 =	rddreg [dreg:$0x2]  }
0x92: {  	s0 =	sadd.s32 @!p0 $0x100000, s0  }
0x93: {  	[sflag:s0] =	ssyncadd.tile.s32 @!p0 $0x1;
	_ =	shalt  }
.Lfunc_end2:
_tile_overlayer_lowered:
.L_overlay_start_2:
0x94: {  	(tag) =	ssettag $0x2  }
0x95: {  	s0 =	rddreg [dreg:$0x0];
	s2 =	stileid.u32  }
0x96: {  	s1 =	rddreg [dreg:$0x1];
	p0 =	sne.s32 s2, $0x0  }
0x97: {  	s3 =	rddreg [dreg:$0x2];
	[bflag:$0x3] =	sbarrier.arrive $0xFFFF;
	s2 =	simm.s32 @!p0 $0x1C05  }
0x98: {  	[timem:s3], [sflag:s2] =	dma.local @!p0 [hbm:s0], s1  }
0x99: {  	s0 =	simm.s32 @!p0 $0x5  }
0x9a: {  	_ =	swait.ge @!p0 [sflag:s0], s1  }
0x9b: {  	s1 =	ssub.s32 @!p0 $0x0, s1;
	[sflag:s0] =	ssyncset.done @!p0 $0x0  }
0x9c: {  	[sflag:s0] =	ssyncadd.s32 @!p0 s1  }
0x9d: {  	[bflag:$0x3] =	sbarrier.arrive $0xFFFF  }
0x9e: {  	_ =	shalt  }

// kernel: kernel.19.cloned.1.call-start
scs
__scs_entry_jumppad:
0x0: {  	(pc) =	sbr.rel $0x88, $3  }
0x1: {  	(tag) =	ssettag $0x0;
	lr =	simm.s32 $0x1  }
0x2: {  	[smem:$0x3F99] =	sst lr;
	_ =	strace $0xD0000000  }
0x3: {  	_ = 	snop  }
0x4: {  	_ = 	snop  }
0x5: {  	_ = 	snop  }
0x6: {  	_ = 	snop  }
0x7: {  	_ = 	snop  }
__scs_overlays_trampoline_lowered:
0x8: {  	[smem:$0x3FA8] =	sst s0  }
0x9: {  	[smem:$0x3FA9] =	sst s1  }
0xa: {  	[smem:$0x3FAA] =	sst s2  }
0xb: {  	[smem:$0x3FAB] =	sst s3  }
0xc: {  	[smem:$0x3FAC] =	sst s4  }
0xd: {  	[smem:$0x3FAD] =	sst s5  }
0xe: {  	[smem:$0x3FAE] =	sst s6  }
0xf: {  	[smem:$0x3FAF] =	sst s7  }
0x10: {  	[smem:$0x3FB0] =	sst s8  }
0x11: {  	[smem:$0x3FB1] =	sst s9;
	s0 =	simm.s32 @!p0 $0x0  }
0x12: {  	s1 =	sld [smem:$0x3F97];
	s0 =	simm.s32 @p0 $0x1  }
0x13: {  	[smem:$0x3FB2] =	sst s0;
	s0 =	simm.s32 @!p1 $0x0  }
0x14: {  	s2 =	sld [smem:$0x3F96];
	s0 =	simm.s32 @p1 $0x1  }
0x15: {  	[smem:$0x3FB3] =	sst s0;
	s0 =	simm.s32 @!p2 $0x0  }
0x16: {  	s3 =	sld [smem:$0x3FDB];
	s0 =	simm.s32 @p2 $0x1  }
0x17: {  	s4 =	simm.s32 $0x1BF5;
	[smem:$0x3FB5] =	sst s0  }
0x18: {  	s0 =	sld [smem:$0x3F98];
	_ =	swait.ge [sflag:s4], $0x0  }
0x19: {  	s7 =	sld [smem:$0x3F99]  }
0x1a: {  	s8 =	sadd.s32 $0xFFFFE003, lr  }
0x1b: {  	s9 =	sadd.s32 $0xFFFFFEF7, lr;
	s5 =	simm.s32 $0xFFFFFFFF;
	p2 =	slt.u32 s8, $0xFFFFF086  }
0x1c: {  	p1 =	slt.u32 s9, $0xF7A;
	s5 =	simm.s32 @!p2 $0x0  }
0x1d: {  	s5 =	simm.s32 @p1 $0x1;
	p0 =	seq.s32 s7, s2  }
0x1e: {  	s7 =	smul.u32 @!p0 $0xF7A, s2;
	p2 =	seq.s32 @!p0 s5, $0x0  }
0x1f: {  	s9 =	smul.u32 $0xF7A, s1;
	s8 =	simm.s32 @!p0 $0x1BF5;
	p2 =	por !p2, p0  }
0x20: {  	[sflag:s8] =	ssyncset.s32 @!p0 $0xFFFFF086;
	s6 =	sadd.s32 @!p0 s3, s7;
	s7 =	simm.s32 @!p0 $0x108  }
0x21: {  	s3 =	sadd.s32 s3, s9;
	s6 =	sadd.s32 @!p0 $0x88, s6;
	s7 =	simm.s32 @p2 $0x1082  }
0x22: {  	[simem:s7], [sflag:s8] =	dma.local @!p0 [hbm:s6], $0xF7A  }
0x23: {  	s9 =	sor.u32 $0xD0000000, s2;
	s6 =	simm.s32 $0x108;
	_ =	swait.ge @!p0 [sflag:s8], $0x0  }
0x24: {  	s3 =	sadd.s32 $0x88, s3;
	s6 =	simm.s32 @!p1 $0x1082;
	[sflag:s4] =	ssyncset.s32 $0xFFFFF086  }
0x25: {  	[simem:s6], [sflag:s4] =	dma.local [hbm:s3], $0xF7A  }
0x26: {  	[smem:$0x3F99] =	sst s1;
	(tag) =	ssettag s2;
	_ =	strace s9  }
0x27: {  	s1 =	sld [smem:$0x3FA9]  }
0x28: {  	s2 =	sld [smem:$0x3FAA]  }
0x29: {  	s4 =	sld [smem:$0x3FAC]  }
0x2a: {  	p0 =	seq.s32 s5, $0x0;
	s5 =	sld [smem:$0x3FAD]  }
0x2b: {  	s6 =	sld [smem:$0x3FAE]  }
0x2c: {  	s7 =	sld [smem:$0x3FAF]  }
0x2d: {  	s3 =	simm.s32 $0x108;
	s8 =	sld [smem:$0x3FB0]  }
0x2e: {  	s3 =	simm.s32 @!p0 $0x1082;
	s9 =	sld [smem:$0x3FB1]  }
0x2f: {  	lr =	sadd.s32 s0, s3;
	s0 =	sld [smem:$0x3FA8]  }
0x30: {  	s3 =	sld [smem:$0x3FAB]  }
0x31: {  	[smem:$0x3FB4] =	sst s10  }
0x32: {  	s10 =	sld [smem:$0x3FB2];
	_ =	sdelay $0x3  }
0x33: {  	p0 =	seq.s32 s10, $0x1;
	s10 =	sld [smem:$0x3FB4];
	_ =	sdelay $0x3  }
0x34: {  	[smem:$0x3FB4] =	sst s10  }
0x35: {  	s10 =	sld [smem:$0x3FB3];
	_ =	sdelay $0x3  }
0x36: {  	p1 =	seq.s32 s10, $0x1;
	s10 =	sld [smem:$0x3FB4];
	_ =	sdelay $0x3  }
0x37: {  	[smem:$0x3FB4] =	sst s10  }
0x38: {  	s10 =	sld [smem:$0x3FB5]  }
0x39: {  	_ = 	snop;
	(pc) =	sbr.ind lr, $3  }
0x3a: {  	_ = 	snop  }
0x3b: {  	_ = 	snop  }
0x3c: {  	p2 =	seq.s32 s10, $0x1;
	s10 =	sld [smem:$0x3FB4]  }
0x3d: {  	_ =	shalt  }
0x3e: {  	_ =	shalt  }
0x3f: {  	_ =	shalt  }
0x40: {  	_ =	shalt  }
0x41: {  	_ =	shalt  }
0x42: {  	_ =	shalt  }
0x43: {  	_ =	shalt  }
0x44: {  	_ =	shalt  }
0x45: {  	_ =	shalt  }
0x46: {  	_ =	shalt  }
0x47: {  	_ =	shalt  }
0x48: {  	_ =	shalt  }
0x49: {  	_ =	shalt  }
0x4a: {  	_ =	shalt  }
0x4b: {  	_ =	shalt  }
0x4c: {  	_ =	shalt  }
0x4d: {  	_ =	shalt  }
0x4e: {  	_ =	shalt  }
0x4f: {  	_ =	shalt  }
0x50: {  	_ =	shalt  }
0x51: {  	_ =	shalt  }
0x52: {  	_ =	shalt  }
0x53: {  	_ =	shalt  }
0x54: {  	_ =	shalt  }
0x55: {  	_ =	shalt  }
0x56: {  	_ =	shalt  }
0x57: {  	_ =	shalt  }
0x58: {  	_ =	shalt  }
0x59: {  	_ =	shalt  }
0x5a: {  	_ =	shalt  }
0x5b: {  	_ =	shalt  }
0x5c: {  	_ =	shalt  }
0x5d: {  	_ =	shalt  }
0x5e: {  	_ =	shalt  }
0x5f: {  	_ =	shalt  }
0x60: {  	_ =	shalt  }
0x61: {  	_ =	shalt  }
0x62: {  	_ =	shalt  }
0x63: {  	_ =	shalt  }
0x64: {  	_ =	shalt  }
0x65: {  	_ =	shalt  }
0x66: {  	_ =	shalt  }
0x67: {  	_ =	shalt  }
0x68: {  	_ =	shalt  }
0x69: {  	_ =	shalt  }
0x6a: {  	_ =	shalt  }
0x6b: {  	_ =	shalt  }
0x6c: {  	_ =	shalt  }
0x6d: {  	_ =	shalt  }
0x6e: {  	_ =	shalt  }
0x6f: {  	_ =	shalt  }
0x70: {  	_ =	shalt  }
0x71: {  	_ =	shalt  }
0x72: {  	_ =	shalt  }
0x73: {  	_ =	shalt  }
0x74: {  	_ =	shalt  }
0x75: {  	_ =	shalt  }
0x76: {  	_ =	shalt  }
0x77: {  	_ =	shalt  }
0x78: {  	_ =	shalt  }
0x79: {  	_ =	shalt  }
0x7a: {  	_ =	shalt  }
0x7b: {  	_ =	shalt  }
0x7c: {  	_ =	shalt  }
0x7d: {  	_ =	shalt  }
0x7e: {  	_ =	shalt  }
0x7f: {  	_ =	shalt  }
0x80: {  	_ =	shalt  }
0x81: {  	_ =	shalt  }
0x82: {  	_ =	shalt  }
0x83: {  	_ =	shalt  }
0x84: {  	_ =	shalt  }
0x85: {  	_ =	shalt  }
0x86: {  	_ =	shalt  }
0x87: {  	_ =	shalt  }
.Lfunc_end0:
.L_simem_size_0:
called_computation.3_lowered:
.L_overlay_start_0:
0x88: {  	s2 =	sld [smem:$0x3FD9]  }
0x89: {  	s3 =	sld [smem:$0x3FFE];
	_ =	sdelay $0x1  }
0x8a: {  	s1 =	srdreg.scid  }
0x8b: {  	s0 =	sand.u32 $0x1, s1  }
0x8c: {  	s16 =	sshll.u32 s0, $0xA;
	s2 =	sadd.s32 s3, s2  }
0x8d: {  	s2 =	sadd.s32 s2, s16  }
0x8e: {  	[smem:$0x3FC0] =	sst s2  }
0x8f: {  	_ = 	snop  }
0x90: {  	(tm) =	ssettm $0x1  }
0x91: {  	s17 =	sld [smem:$0x3FFB];
	_ =	sdelay $0x3  }
0x92: {  	_ =	strace s17  }
0x93: {  	s2 =	sld [smem:$0x3FFC];
	_ =	sdelay $0x3  }
0x94: {  	_ =	strace s2  }
0x95: {  	s2 =	sld [smem:$0x3FFD];
	_ =	sdelay $0x3  }
0x96: {  	_ =	strace s2  }
0x97: {  	_ =	strace $0x8FFFFFFF  }
0x98: {  	s18 =	sld [smem:$0x3FDB];
	_ =	sdelay $0x1  }
0x99: {  	s19 =	simm.s32 $_scs_section_size  }
0x9a: {  	s4 =	simm.s32 $_size__tile_overlayer_lowered;
	s5 =	simm.s32 $_tile_overlayer_lowered  }
0x9b: {  	s22 =	simm.s32 $0x1BFF;
	s21 =	sshll.u32 s5, $0x1;
	s2 =	sadd.s32 s19, s18  }
0x9c: {  	s6 =	simm.s32 $0x0;
	s20 =	sshll.u32 s4, $0x1;
	s4 =	sadd.s32 s21, s2  }
0x9d: {  	[timem:s6], [sflag:s22] =	dma.local [hbm:s4], s20  }
0x9e: {  	_ =	swait.ge [sflag:s22], s20  }
0x9f: {  	s3 =	ssub.s32 $0x0, s20;
	[sflag:s22] =	ssyncset.done $0x0  }
0xa0: {  	[sflag:s22] =	ssyncadd.s32 s3;
	_ =	sdelay $0x1  }
0xa1: {  	s23 =	simm.s32 $0x1B8B  }
0xa2: {  	_ =	swait.ge [sflag:s23], $0x1  }
0xa3: {  	[sflag:s23] =	ssyncset.done $0x0  }
0xa4: {  	s25 =	simm.s32 $0x1B8E;
	s24 =	sld [smem:$0x3FFE];
	[sflag:s23] =	ssyncadd.s32 $0xFFFFFFFF  }
0xa5: {  	s26 =	simm.s32 $execute0_lowered;
	[smem:$0x3FD2] =	sst s25  }
0xa6: {  	s4 =	sshll.u32 s26, $0x1;
	_ =	strace $0x8000004F;
	[dreg:$0x1] =	wrdreg $0xFFFFFFFF  }
0xa7: {  	s28 =	simm.s32 $_size_execute0_lowered;
	s2 =	sadd.s32 s2, s4;
	[dreg:$0x0] =	wrdreg $0x0  }
0xa8: {  	s4 =	sshll.u32 s28, $0x1;
	[dreg:$0x2] =	wrdreg s2  }
0xa9: {  	[dreg:$0x3] =	wrdreg s4  }
0xaa: {  	[dreg:$0x4] =	wrdreg $0xC0  }
0xab: {  	_ =	task [dreg:s6], $0x5FFFF  }
0xac: {  	[dreg:$0x1] =	wrdreg $0xFFFFFFFF  }
0xad: {  	[dreg:$0x0] =	wrdreg $0x60  }
0xae: {  	[dreg:$0x2] =	wrdreg s24  }
0xaf: {  	[dreg:$0x3] =	wrdreg $0x82000  }
0xb0: {  	[dreg:$0x4] =	wrdreg $0x9  }
0xb1: {  	_ =	task.clear_ibuf [dreg:s6], $0x5FFFF;
	_ =	strace $0x9000004F  }
0xb2: {  	s29 =	simm.s32 $0x9;
	_ =	strace $0x80000051  }
0xb3: {  	_ =	swait.ge [sflag:s29], $0x1  }
0xb4: {  	[sflag:s29] =	ssyncadd.s32 $0xFFFFFFFF  }
0xb5: {  	_ =	strace $0x90000051  }
0xb6: {  	_ =	sfence  }
0xb7: {  	s30 =	sld [smem:$0x0];
	_ =	sdelay $0x2  }
0xb8: {  	s31 =	sshll.u32 s1, $0xD;
	s1 =	sshrl.u32 s1, $0x2  }
0xb9: {  	s3 =	sand.u32 $0x4000, s31;
	s1 =	sadd.s32 s1, s30  }
0xba: {  	s0 =	sor.u32 s3, s0;
	s1 =	sshll.u32 s1, $0x11  }
0xbb: {  	s0 =	sor.u32 s1, s0  }
0xbc: {  	s0 =	sadd.s32 $0x8F2B, s0  }
0xbd: {  	[sflag:s0] =	ssyncadd.remote.s32 $0x1  }
0xbe: {  	_ =	sfence.sel $0xFFFF  }
0xbf: {  	[dreg:$0x0] =	wrdreg $0xFFFFFFFF;
	(pc) =	sbr.abs _section_cstart, $3  }
0xc0: {  	[dreg:$0x1] =	wrdreg $0xFFFFFFFF  }
0xc1: {  	_ =	task.clear_ibuf [dreg:s6], $0x2FFFF;
	_ =	strace $0x9FFFFFFF  }
0xc2: {  	(tm) =	ssettm $0x7FFFFFFF  }
0xc3: {  	_ =	shalt  }
tec
execute0_lowered:
.L_overlay_start_1:
0x0: {  	(tag) =	ssettag $0x1  }
0x1: {  	s0 =	rddreg [dreg:$0x0]  }
0x2: {  	s1 =	rddreg [dreg:$0x1];
	s3 =	simm.s32 $0x0;
	s2 =	srdreg.scid  }
0x3: {  	s15 =	stileid.u32;
	s4 =	simm.s32 $0x7A;
	s28 =	simm.s32 $0x180  }
0x4: {  	s29 =	simm.s32 $0x4200;
	s30 =	simm.s32 $0x0;
	s8 =	smul.u32 $0x14000, s15  }
0x5: {  	[smem:$0x7FF] =	sst s3;
	s2 =	sand.u32 $0x1, s2;
	s18 =	smul.u32 $0x50000, s15  }
0x6: {  	s5 =	sadd.s32 $0x3400, s0;
	s6 =	sadd.s32 $0x5D400, s0;
	s7 =	smul.u32 $0x140000, s2  }
0x7: {  	p0 =	seq.s32 s2, $0x0;
	s9 =	smul.u32 $0x7A0, s2;
	_ =	strace $0x80000050  }
0x8: {  	s10 =	ssub.s32 $0x2, s2;
	s23 =	smul.u32 $0x7A000, s2;
	s4 =	simm.s32 @!p0 $0x26  }
0x9: {  	s20 =	sshrl.u32 s10, $0x1;
	s16 =	smul.u32 s15, s4;
	s7 =	sadd.s32 s8, s7  }
0xa: {  	s15 =	ssub.s32 s10, s20;
	s24 =	sshll.u32 s4, $0x5;
	s7 =	sshrl.u32 s7, $0x3  }
0xb: {  	s15 =	smax.u32 s15, $0x1;
	s2 =	sadd.s32 $0xFFFFFFC0, s24;
	s24 =	simm.s32 $0x1  }
0xc: {  	s17 =	sadd.s32 s9, s16;
	s0 =	sadd.s32 s7, s0;
	s9 =	sshrl.u32 s18, $0x2  }
0xd: {  	[dreg:$0x4] =	wrdreg s2;
	s19 =	sshll.u32 s17, $0x5;
	s9 =	sadd.s32 s9, s1  }
0xe: {  	s14 =	sadd.s32 $0x71400, s0;
	s17 =	sshll.u32 s16, $0x8;
	s16 =	sadd.s32 $0xFFFFFFFE, s4  }
0xf: {  	s7 =	sadd.s32 s6, s19;
	s22 =	sadd.s32 $0x4000, s9;
	s11 =	sadd.s32 $0x8000, s9  }
0x10: {  	s12 =	sadd.s32 $0xC000, s9;
	s13 =	sadd.s32 $0x10000, s9;
	s0 =	sadd.s32 s23, s17  }
0x11: {  	s17 =	sadd.s32 $0xFFFFFFFD, s4;
	s23 =	simm.s32 $0x5;
	s21 =	sadd.s32 $0x20, s7  }
0x12: {  	[dreg:$0x6] =	wrdreg s22;
	s25 =	sadd.s32 $0x400, s0;
	s18 =	sadd.s32 $0x500, s0  }
0x13: {  	s19 =	sadd.s32 $0x300, s0;
	s22 =	simm.s32 $0x200;
	[dreg:$0x5] =	wrdreg s21  }
0x14: {  	s2 =	sshrl.u32 s25, $0x3;
	s20 =	sshrl.u32 s18, $0x3;
	s19 =	sshrl.u32 s19, $0x3  }
0x15: {  	s25 =	simm.s32 $0x80;
	s2 =	sadd.s32 s2, s6;
	s26 =	sadd.s32 s20, s6  }
0x16: {  	s31 =	sadd.s32 s19, s6;
	s18 =	sadd.s32 $0xFFFFFFC0, s2;
	s19 =	sadd.s32 $0xFFFFFFC0, s26  }
0x17: {  	v0 =	vimm.f32 $0.0e+00;
	[dreg:$0x3] =	wrdreg s31;
	s2 =	sadd.s32 $0x200, s0;
	s26 =	simm.s32 $0x3  }
.LBB2_1:
0x18: {  	s0 =	simm.s32 $0x0  }
0x19: {  	[tilespmem:s0], [sflag:$0x1] =	stream.linear.gather [hbm4b:s7+s0], $0x100, $0x38;
	[tilespmem:$0x1C200] =	vst v63  }
0x1a: {  	s3 =	rddreg [dreg:$0x5];
	s8 =	simm.s32 $0x100  }
0x1b: {  	[tilespmem:s8], [sflag:$0x2] =	stream.linear.gather [hbm4b:s3+s0], $0x100, $0x38;
	[tilespmem:$0x1C200] =	vst v63  }
0x1c: {  	s20 =	simm.s32 $0x200;
	s0 =	simm.s32 $0x0  }
.LBB2_2:
0x1d: {  	p0 =	sne.s32 s20, $0xFE00;
	[tilespmem:s0+$0x270] =	vst v0  }
0x1e: {  	[tilespmem:s0+$0x200] =	vst v0  }
0x1f: {  	[tilespmem:s0+$0x210] =	vst v0  }
.Ltmp0:
0x20: {  	[tilespmem:s0+$0x220] =	vst v0;
	(pc) =	sbr.rel @p0 .LBB2_2-.Ltmp0, $4  }
0x21: {  	[tilespmem:s0+$0x230] =	vst v0  }
0x22: {  	[tilespmem:s0+$0x240] =	vst v0  }
0x23: {  	[tilespmem:s0+$0x250] =	vst v0  }
0x24: {  	[tilespmem:s0+$0x260] =	vst v0;
	s0 =	sshra.s32 s20, $0x2;
	s20 =	sadd.s32 $0x200, s20  }
0x25: {  	[tilespmem:s0+$0x270] =	vst v0  }
0x26: {  	[tilespmem:s0+$0x200] =	vst v0  }
0x27: {  	[tilespmem:s0+$0x210] =	vst v0  }
0x28: {  	[tilespmem:s0+$0x220] =	vst v0  }
0x29: {  	[tilespmem:s0+$0x230] =	vst v0  }
0x2a: {  	[tilespmem:s0+$0x240] =	vst v0  }
0x2b: {  	[tilespmem:s0+$0x250] =	vst v0  }
0x2c: {  	[tilespmem:s0+$0x260] =	vst v0  }
0x2d: {  	[spmem:s9] =	stream.linear.scatter [tilespmem:s22], [sflag:$0x5], $0x4000, $0x38;
	[tilespmem:$0x1C200] =	vst v63  }
0x2e: {  	_ =	swait.ge [sflag:s23], $0x4000  }
0x2f: {  	[sflag:s23] =	ssyncset.done $0x0  }
0x30: {  	s21 =	rddreg [dreg:$0x6];
	[sflag:s23] =	ssyncadd.s32 $0xFFFFC000  }
0x31: {  	[spmem:s21] =	stream.linear.scatter [tilespmem:s22], [sflag:$0x5], $0x4000, $0x38;
	[tilespmem:$0x1C200] =	vst v63  }
0x32: {  	_ =	swait.ge [sflag:s23], $0x4000  }
0x33: {  	[sflag:s23] =	ssyncset.done $0x0  }
0x34: {  	[sflag:s23] =	ssyncadd.s32 $0xFFFFC000  }
0x35: {  	[spmem:s11] =	stream.linear.scatter [tilespmem:s22], [sflag:$0x5], $0x4000, $0x38;
	[tilespmem:$0x1C200] =	vst v63  }
0x36: {  	_ =	swait.ge [sflag:s23], $0x4000  }
0x37: {  	[sflag:s23] =	ssyncset.done $0x0  }
0x38: {  	[sflag:s23] =	ssyncadd.s32 $0xFFFFC000  }
0x39: {  	[spmem:s12] =	stream.linear.scatter [tilespmem:s22], [sflag:$0x5], $0x4000, $0x38;
	[tilespmem:$0x1C200] =	vst v63  }
0x3a: {  	_ =	swait.ge [sflag:s23], $0x4000  }
0x3b: {  	[sflag:s23] =	ssyncset.done $0x0  }
0x3c: {  	[sflag:s23] =	ssyncadd.s32 $0xFFFFC000  }
0x3d: {  	[spmem:s13] =	stream.linear.scatter [tilespmem:s22], [sflag:$0x5], $0x4000, $0x38;
	[tilespmem:$0x1C200] =	vst v63  }
0x3e: {  	_ =	swait.ge [sflag:s23], $0x4000  }
0x3f: {  	[sflag:s23] =	ssyncset.done $0x0  }
0x40: {  	[sflag:s23] =	ssyncadd.s32 $0xFFFFC000  }
0x41: {  	[bflag:$0x0] =	sbarrier.arrive $0xFFFF  }
0x42: {  	_ =	swait.ge [sflag:s24], $0x100  }
0x43: {  	s31 =	simm.s32 $0x0;
	[sflag:s24] =	ssyncset.done $0x0  }
0x44: {  	s20 =	smov.u32 s2;
	s0 =	simm.s32 $0x0;
	[sflag:s24] =	ssyncadd.s32 $0xFFFFFF00  }
0x45: {  	[tilespmem:s22], [sflag:$0x3] =	stream.indirect.gather [hbm4b:s5+s25], $0x80, s31, s25, $0xb8;
	[tilespmem:$0x1C200] =	vst v63  }
.LBB2_4:
0x46: {  	_ =	swait.ge [sflag:s26], $0x4000;
	s21 =	sadd.s32 $0x1, s31  }
0x47: {  	[sflag:s26] =	ssyncset.done $0x0;
	p0 =	sge.u32 s21, s4  }
0x48: {  	[sflag:s26] =	ssyncadd.s32 $0xFFFFC000;
	s21 =	simm.s32 @!p0 $0x2  }
0x49: {  	_ =	swait.ge @!p0 [sflag:s21], $0x100  }
0x4a: {  	s3 =	simm.s32 @!p0 $0x100;
	[sflag:s21] =	ssyncset.done @!p0 $0x0  }
0x4b: {  	s8 =	simm.s32 @!p0 $0x4200;
	[sflag:s21] =	ssyncadd.s32 @!p0 $0xFFFFFF00;
	s21 =	simm.s32 @!p0 $0x80  }
0x4c: {  	[tilespmem:s8], [sflag:$0x4] =	stream.indirect.gather @!p0 [hbm4b:s5+s21], $0x80, s3, s21, $0xb8;
	[tilespmem:$0x1C200] =	vst v63  }
0x4d: {  	_ = 	snop  }
0x4e: {  	[spmem:s1] =	stream.indirect.scatter.add.f32 [tilespmem:s22], [sflag:$0x5], $0x80, s25, s25, $0xb8;
	[tilespmem:$0x1C200] =	vst v63  }
0x4f: {  	_ =	swait.ge [sflag:s23], $0x4000  }
0x50: {  	p0 =	sge.u32 s31, s16;
	[sflag:s23] =	ssyncset.done $0x0  }
0x51: {  	s3 =	simm.s32 @p0 $0x4;
	[sflag:s23] =	ssyncadd.s32 $0xFFFFC000  }
0x52: {  	_ =	swait.ge @p0 [sflag:s3], $0x4000  }
0x53: {  	s8 =	sshrl.u32 @!p0 s20, $0x3;
	[sflag:s3] =	ssyncset.done @p0 $0x0  }
0x54: {  	[sflag:s3] =	ssyncadd.s32 @p0 $0xFFFFC000;
	s3 =	sadd.s32 @!p0 s6, s8;
	s8 =	simm.s32 @!p0 $0x0  }
0x55: {  	[tilespmem:s8], [sflag:$0x1] =	stream.linear.gather @!p0 [hbm4b:s3+s8], $0x100, $0x38;
	[tilespmem:$0x1C200] =	vst v63  }
0x56: {  	s3 =	simm.s32 @!p0 $0x4  }
0x57: {  	_ =	swait.ge @!p0 [sflag:s3], $0x4000  }
0x58: {  	[sflag:s3] =	ssyncset.done @!p0 $0x0  }
0x59: {  	[sflag:s3] =	ssyncadd.s32 @!p0 $0xFFFFC000;
	s3 =	simm.s32 @!p0 $0x1  }
0x5a: {  	_ =	swait.ge @!p0 [sflag:s3], $0x100  }
0x5b: {  	[sflag:s3] =	ssyncset.done @!p0 $0x0  }
0x5c: {  	s21 =	simm.s32 @!p0 $0x200;
	[sflag:s3] =	ssyncadd.s32 @!p0 $0xFFFFFF00;
	s3 =	simm.s32 @!p0 $0x80  }
0x5d: {  	[tilespmem:s21], [sflag:$0x3] =	stream.indirect.gather @!p0 [hbm4b:s5+s3], $0x80, s8, s3, $0xb8;
	[tilespmem:$0x1C200] =	vst v63  }
0x5e: {  	_ = 	snop  }
0x5f: {  	[spmem:s1] =	stream.indirect.scatter.add.f32 [tilespmem:s29], [sflag:$0x5], $0x80, s28, s25, $0xb8;
	[tilespmem:$0x1C200] =	vst v63  }
0x60: {  	p0 =	sge.u32 s31, s17;
	_ =	swait.ge [sflag:s23], $0x4000  }
0x61: {  	s8 =	simm.s32 @!p0 $0x0;
	s3 =	rddreg [dreg:$0x3]  }
0x62: {  	s21 =	simm.s32 @!p0 $0x100;
	[sflag:s23] =	ssyncset.done $0x0;
	s10 =	rddreg [dreg:$0x4]  }
0x63: {  	[sflag:s23] =	ssyncadd.s32 $0xFFFFC000;
	s3 =	sadd.s32 @!p0 s0, s3;
	s0 =	sadd.s32 $0x40, s0  }
0x64: {  	[tilespmem:s21], [sflag:$0x2] =	stream.linear.gather @!p0 [hbm4b:s3+s8], $0x100, $0x38;
	[tilespmem:$0x1C200] =	vst v63  }
0x65: {  	p0 =	sne.s32 s10, s0  }
.Ltmp1:
0x66: {  	_ = 	snop;
	(pc) =	sbr.rel @p0 .LBB2_4-.Ltmp1, $2  }
0x67: {  	_ =	sdelay $0x2  }
0x68: {  	s20 =	sadd.s32 $0x200, s20;
	s31 =	sadd.s32 $0x2, s31  }
0x69: {  	_ =	swait.ge [sflag:s26], $0x4000;
	s3 =	sadd.s32 $0x1, s31  }
0x6a: {  	[sflag:s26] =	ssyncset.done $0x0;
	p0 =	sge.u32 s3, s4  }
0x6b: {  	[sflag:s26] =	ssyncadd.s32 $0xFFFFC000;
	s3 =	simm.s32 @!p0 $0x2  }
0x6c: {  	_ =	swait.ge @!p0 [sflag:s3], $0x100  }
0x6d: {  	s8 =	simm.s32 @!p0 $0x100;
	[sflag:s3] =	ssyncset.done @!p0 $0x0  }
0x6e: {  	s10 =	simm.s32 @!p0 $0x4200;
	[sflag:s3] =	ssyncadd.s32 @!p0 $0xFFFFFF00;
	s3 =	simm.s32 @!p0 $0x80  }
0x6f: {  	[tilespmem:s10], [sflag:$0x4] =	stream.indirect.gather @!p0 [hbm4b:s5+s3], $0x80, s8, s3, $0xb8;
	[tilespmem:$0x1C200] =	vst v63  }
0x70: {  	_ = 	snop  }
0x71: {  	[spmem:s1] =	stream.indirect.scatter.add.f32 [tilespmem:s22], [sflag:$0x5], $0x80, s25, s25, $0xb8;
	[tilespmem:$0x1C200] =	vst v63  }
0x72: {  	_ =	swait.ge [sflag:s23], $0x4000  }
0x73: {  	p0 =	slt.u32 s31, s16;
	[sflag:s23] =	ssyncset.done $0x0  }
0x74: {  	s3 =	sadd.s32 @p0 s0, s18;
	s8 =	simm.s32 @p0 $0x0;
	[sflag:s23] =	ssyncadd.s32 $0xFFFFC000  }
0x75: {  	[tilespmem:s8], [sflag:$0x1] =	stream.linear.gather @p0 [hbm4b:s3+s8], $0x100, $0x38;
	[tilespmem:$0x1C200] =	vst v63  }
0x76: {  	s3 =	simm.s32 @p0 $0x4  }
0x77: {  	_ =	swait.ge @p0 [sflag:s3], $0x4000  }
0x78: {  	[sflag:s3] =	ssyncset.done @p0 $0x0  }
0x79: {  	[sflag:s3] =	ssyncadd.s32 @p0 $0xFFFFC000;
	s3 =	simm.s32 @p0 $0x1  }
0x7a: {  	_ =	swait.ge @p0 [sflag:s3], $0x100  }
0x7b: {  	[sflag:s3] =	ssyncset.done @p0 $0x0  }
0x7c: {  	s10 =	simm.s32 @p0 $0x200;
	[sflag:s3] =	ssyncadd.s32 @p0 $0xFFFFFF00;
	s3 =	simm.s32 @p0 $0x80  }
0x7d: {  	[tilespmem:s10], [sflag:$0x3] =	stream.indirect.gather @p0 [hbm4b:s5+s3], $0x80, s8, s3, $0xb8;
	[tilespmem:$0x1C200] =	vst v63  }
0x7e: {  	s3 =	simm.s32 @!p0 $0x4  }
0x7f: {  	_ =	swait.ge @!p0 [sflag:s3], $0x4000  }
0x80: {  	[sflag:s3] =	ssyncset.done @!p0 $0x0  }
0x81: {  	[sflag:s3] =	ssyncadd.s32 @!p0 $0xFFFFC000  }
0x82: {  	[spmem:s1] =	stream.indirect.scatter.add.f32 [tilespmem:s29], [sflag:$0x5], $0x80, s28, s25, $0xb8;
	[tilespmem:$0x1C200] =	vst v63  }
0x83: {  	s21 =	stileid.u32;
	p0 =	sge.u32 s31, s17;
	_ =	swait.ge [sflag:s23], $0x4000  }
0x84: {  	s30 =	sadd.s32 $0x1, s30;
	s0 =	sadd.s32 @!p0 s0, s19;
	[sflag:s23] =	ssyncset.done $0x0  }
0x85: {  	s3 =	simm.s32 @!p0 $0x0;
	s8 =	simm.s32 @!p0 $0x100;
	[sflag:s23] =	ssyncadd.s32 $0xFFFFC000  }
0x86: {  	[tilespmem:s8], [sflag:$0x2] =	stream.linear.gather @!p0 [hbm4b:s0+s3], $0x100, $0x38;
	[tilespmem:$0x1C200] =	vst v63  }
0x87: {  	s31 =	sshrl.u32 s9, $0x3;
	s0 =	sshll.u32 s21, $0x6;
	p0 =	sne.s32 s30, s15  }
.Ltmp2:
0x88: {  	[bflag:$0x0] =	sbarrier.arrive $0xFFFF;
	s0 =	sor.u32 $0x1C05, s0;
	(pc) =	sbr.rel @p0 .LBB2_1-.Ltmp2, $4  }
0x89: {  	[hbm:s14], [sflag:s0] =	dma.local [spmem:s31], $0x2800  }
0x8a: {  	_ =	swait.ge [sflag:s23], $0x2800  }
0x8b: {  	[sflag:s23] =	ssyncset.done $0x0  }
0x8c: {  	[sflag:s23] =	ssyncadd.s32 $0xFFFFD800  }
0x8d: {  	_ =	sfence.sel $0x180000  }
0x8e: {  	[bflag:$0x0] =	sbarrier.arrive $0xFFFF  }
0x8f: {  	_ =	strace $0x90000050  }
0x90: {  	s0 =	stileid.u32;
	[bflag:$0x2] =	sbarrier.arrive $0xFFFF  }
0x91: {  	p0 =	sne.s32 s0, $0x0;
	s0 =	rddreg [dreg:$0x2]  }
0x92: {  	s0 =	sadd.s32 @!p0 $0x100000, s0  }
0x93: {  	[sflag:s0] =	ssyncadd.tile.s32 @!p0 $0x1;
	_ =	shalt  }
.Lfunc_end2:
_tile_overlayer_lowered:
.L_overlay_start_2:
0x94: {  	(tag) =	ssettag $0x2  }
0x95: {  	s0 =	rddreg [dreg:$0x0];
	s2 =	stileid.u32  }
0x96: {  	s1 =	rddreg [dreg:$0x1];
	p0 =	sne.s32 s2, $0x0  }
0x97: {  	s3 =	rddreg [dreg:$0x2];
	[bflag:$0x3] =	sbarrier.arrive $0xFFFF;
	s2 =	simm.s32 @!p0 $0x1C05  }
0x98: {  	[timem:s3], [sflag:s2] =	dma.local @!p0 [hbm:s0], s1  }
0x99: {  	s0 =	simm.s32 @!p0 $0x5  }
0x9a: {  	_ =	swait.ge @!p0 [sflag:s0], s1  }
0x9b: {  	s1 =	ssub.s32 @!p0 $0x0, s1;
	[sflag:s0] =	ssyncset.done @!p0 $0x0  }
0x9c: {  	[sflag:s0] =	ssyncadd.s32 @!p0 s1  }
0x9d: {  	[bflag:$0x3] =	sbarrier.arrive $0xFFFF  }
0x9e: {  	_ =	shalt  }

</sc_bundles>
